<compile_context>
chip_gen: v7x
topology: tpu7x:2x2x1
jax: 0.10.2.dev20260603
libtpu: 0.0.44.dev20260713+nightly
codegen_flags: <defaults>
</compile_context>

<pallas_src>
import functools

import jax
import jax.numpy as jnp
from jax import lax
from jax.experimental import pallas as pl
from jax.experimental.pallas import tpu as pltpu
from jax.experimental.pallas import tpu_sc as plsc

_B = 8
_N0 = 50000
_NF = 100000
_N1 = 12500

_NT = 16
_NC = 2
_BPC = _B // _NC

_F_T = 6272
_D_T = 896
_U_T = 3200
_NF_P = _F_T * _NT
_N1_P = _D_T * _NT
_N0_P = _U_T * _NT


def _rsqrt(s):
    x = jnp.maximum(s, jnp.float32(1e-12))
    i = plsc.bitcast(x, jnp.int32)
    i = jnp.int32(0x5F3759DF) - lax.shift_right_logical(i, 1)
    y = plsc.bitcast(i, jnp.float32)
    for _ in range(3):
        y = y * (jnp.float32(1.5) - jnp.float32(0.5) * x * y * y)
    return y


def _ploop(n, fn, unroll=8):
    plsc.parallel_loop(0, n, 1, unroll=unroll)(lambda i: fn(i))


def _body(v_hbm, f_hbm, dc_hbm, dv_hbm, uc_hbm, uv_hbm, out_hbm,
          pvx, pvy, pvz, pnx, pny, pnz, pux, puy, puz,
          f0, f1, f2, dc0, dc1, dc2, uc0, uc1, uc2,
          g0, g1, g2, g3, g4, g5, l0, l1, l2,
          w0, w1, w2,
          semg, sems):
    c = lax.axis_index("c")
    s = lax.axis_index("s")
    pv = (pvx, pvy, pvz)
    pn = (pnx, pny, pnz)
    pu = (pux, puy, puz)
    fidx = (f0, f1, f2)
    dcols = (dc0, dc1, dc2)
    ucols = (uc0, uc1, uc2)
    dst9 = (g0, g1, g2, g3, g4, g5, l0, l1, l2)
    ld = (l0, l1, l2)
    res = (g0, g1, g2)
    w = (w0, w1, w2)

    def drain(sem, n):
        pltpu.make_async_copy(
            out_hbm.at[0, 0, 0, pl.ds(0, n)], g0.at[pl.ds(0, n)], sem).wait()

    def fire_gather(idxs, planes, n, ch):
        nch = n // ch

        def fire(j, _):
            o = pl.ds(j * ch, ch)
            for slot in range(3):
                for ci in range(3):
                    pltpu.async_copy(planes[ci].at[idxs[slot].at[o]],
                                     dst9[slot * 3 + ci].at[o], semg)
            return _
        lax.fori_loop(0, nch, fire, 0)
        for _k in range(9):
            drain(semg, n)

    def wsum_phase(n, normalize):
        def body(i):
            sl = pl.ds(i * 16, 16)
            a = w0[sl]; bw = w1[sl]; cw = w2[sl]
            s0x = g0[sl]; s0y = g1[sl]; s0z = g2[sl]
            s1x = g3[sl]; s1y = g4[sl]; s1z = g5[sl]
            s2x = l0[sl]; s2y = l1[sl]; s2z = l2[sl]
            if normalize:
                a = a * _rsqrt(s0x * s0x + s0y * s0y + s0z * s0z)
                bw = bw * _rsqrt(s1x * s1x + s1y * s1y + s1z * s1z)
                cw = cw * _rsqrt(s2x * s2x + s2y * s2y + s2z * s2z)
            vx = a * s0x + bw * s1x + cw * s2x
            vy = a * s0y + bw * s1y + cw * s2y
            vz = a * s0z + bw * s1z + cw * s2z
            if normalize:
                inv = _rsqrt(vx * vx + vy * vy + vz * vz)
                vx = vx * inv; vy = vy * inv; vz = vz * inv
            g0[sl] = vx
            g1[sl] = vy
            g2[sl] = vz
        _ploop(n // 16, body)

    def batch_body(bb, _):
        b = c * _BPC + bb

        def zero_body(i):
            l0[pl.ds(i * 16, 16)] = jnp.zeros((16,), jnp.float32)
        _ploop(_U_T // 16, zero_body)
        sh = pl.ds(s * _U_T, _U_T)
        for ci in range(3):
            pltpu.sync_copy(l0.at[pl.ds(0, _U_T)], pn[ci].at[sh])
            pltpu.sync_copy(v_hbm.at[b, ci, 0, sh], pv[ci].at[sh])
        plsc.subcore_barrier()

        for ci in range(3):
            pltpu.sync_copy(f_hbm.at[b, ci, 0, pl.ds(s * _F_T, _F_T)],
                            fidx[ci])
        fire_gather(fidx, pv, _F_T, _F_T // 14)

        def cross_body(i):
            sl = pl.ds(i * 16, 16)
            x0 = g0[sl]; y0 = g1[sl]; z0 = g2[sl]
            ax = g3[sl] - x0; ay = g4[sl] - y0; az = g5[sl] - z0
            bx = l0[sl] - x0; by = l1[sl] - y0; bz = l2[sl] - z0
            g0[sl] = ay * bz - az * by
            g1[sl] = az * bx - ax * bz
            g2[sl] = ax * by - ay * bx
        _ploop(_F_T // 16, cross_body)

        def fire_scat(j, _):
            o = pl.ds(j * (_F_T // 14), _F_T // 14)
            for slot in range(3):
                for ci in range(3):
                    pltpu.async_copy(res[ci].at[o], pn[ci].at[fidx[slot].at[o]],
                                     sems, add=True)
            return _
        lax.fori_loop(0, 14, fire_scat, 0)
        for _k in range(9):
            drain(sems, _F_T)
        plsc.subcore_barrier()

        for ci in range(3):
            pltpu.sync_copy(dc_hbm.at[ci, 0, pl.ds(s * _D_T, _D_T)],
                            dcols[ci])
            pltpu.sync_copy(dv_hbm.at[ci, 0, pl.ds(s * _D_T, _D_T)],
                            w[ci].at[pl.ds(0, _D_T)])

        fire_gather(dcols, pv, _D_T, _D_T // 4)
        wsum_phase(_D_T, False)
        for ci in range(3):
            pltpu.sync_copy(res[ci].at[pl.ds(0, _D_T)],
                            pu[ci].at[pl.ds(s * _D_T, _D_T)])

        fire_gather(dcols, pn, _D_T, _D_T // 4)
        wsum_phase(_D_T, True)
        for ci in range(3):
            pltpu.sync_copy(res[ci].at[pl.ds(0, _D_T)],
                            pu[ci].at[pl.ds(_N1_P + s * _D_T, _D_T)])
        plsc.subcore_barrier()

        for ci in range(3):
            pltpu.sync_copy(uc_hbm.at[ci, 0, pl.ds(s * _U_T, _U_T)],
                            ucols[ci])
            pltpu.sync_copy(uv_hbm.at[ci, 0, pl.ds(s * _U_T, _U_T)],
                            w[ci].at[pl.ds(0, _U_T)])

        fire_gather(ucols, pu, _U_T, _U_T // 8)
        wsum_phase(_U_T, False)
        for ci in range(3):
            pltpu.sync_copy(res[ci].at[pl.ds(0, _U_T)],
                            out_hbm.at[b, ci, 0, sh])
        plsc.subcore_barrier()
        return _

    lax.fori_loop(0, _BPC, batch_body, 0)


@jax.jit
def _run(vt, ft, dc, dv, uc, uv):
    mesh = plsc.VectorSubcoreMesh(core_axis_name="c", subcore_axis_name="s")
    kfn = pl.kernel(
        _body,
        out_type=jax.ShapeDtypeStruct((_B, 3, 1, _N0_P), jnp.float32),
        mesh=mesh,
        scratch_types=[
            pltpu.VMEM_SHARED((_N0_P,), jnp.float32),
            pltpu.VMEM_SHARED((_N0_P,), jnp.float32),
            pltpu.VMEM_SHARED((_N0_P,), jnp.float32),
            pltpu.VMEM_SHARED((_N0_P,), jnp.float32),
            pltpu.VMEM_SHARED((_N0_P,), jnp.float32),
            pltpu.VMEM_SHARED((_N0_P,), jnp.float32),
            pltpu.VMEM_SHARED((2 * _N1_P,), jnp.float32),
            pltpu.VMEM_SHARED((2 * _N1_P,), jnp.float32),
            pltpu.VMEM_SHARED((2 * _N1_P,), jnp.float32),
        ] + [pltpu.VMEM((_F_T,), jnp.int32) for _ in range(3)]
          + [pltpu.VMEM((_D_T,), jnp.int32) for _ in range(3)]
          + [pltpu.VMEM((_U_T,), jnp.int32) for _ in range(3)]
          + [pltpu.VMEM((_F_T,), jnp.float32) for _ in range(9)]
          + [pltpu.VMEM((_U_T,), jnp.float32) for _ in range(3)]
          + [pltpu.SemaphoreType.DMA, pltpu.SemaphoreType.DMA],
        compiler_params=pltpu.CompilerParams(needs_layout_passes=False),
    )
    return kfn(vt, ft, dc, dv, uc, uv)


def kernel(vertices, faces, d0_rows, d0_cols, d0_vals, u0_rows, u0_cols,
           u0_vals):
    del d0_rows, u0_rows
    f32 = jnp.float32
    vt = jnp.transpose(vertices, (0, 2, 1))
    vt = jnp.pad(vt, ((0, 0), (0, 0), (0, _N0_P - _N0)))
    vt = vt.reshape(_B, 3, 1, _N0_P)
    ft = jnp.transpose(faces, (0, 2, 1))
    ft = jnp.pad(ft, ((0, 0), (0, 0), (0, _NF_P - _NF)))
    ft = ft.reshape(_B, 3, 1, _NF_P)

    dc = jnp.transpose(d0_cols.reshape(_N1, 3), (1, 0))
    dc = jnp.pad(dc, ((0, 0), (0, _N1_P - _N1))).reshape(3, 1, _N1_P)
    dv = jnp.transpose(d0_vals.reshape(_N1, 3), (1, 0))
    dv = jnp.pad(dv, ((0, 0), (0, _N1_P - _N1))).reshape(3, 1, _N1_P)

    uc = jnp.transpose(u0_cols.reshape(_N0, 3), (1, 0))
    uc = jnp.where(uc < _N1, uc, uc + (_N1_P - _N1))
    uc = jnp.pad(uc, ((0, 0), (0, _N0_P - _N0))).reshape(3, 1, _N0_P)
    uv = jnp.transpose(u0_vals.reshape(_N0, 3), (1, 0))
    uv = jnp.pad(uv, ((0, 0), (0, _N0_P - _N0))).reshape(3, 1, _N0_P)

    out = _run(vt, ft, dc, dv, uc.astype(jnp.int32), uv.astype(f32))
    return jnp.transpose(out[:, :, 0, :_N0], (0, 2, 1))

# --- scband reference (transcript-rebuilt; emitter-appended) ---
"""Pipeline reference for scband-mesh-resampler-20298015441580 (READ-ONLY COPY).

The authoritative reference and input builder live on the scoring server;
editing this copy changes nothing except your own understanding.
"""

import jax, jax.numpy as jnp
import numpy as np

B = 8
N0 = 50000
NF = 100000
N1 = 12500
NNZ_D = 3
NNZ_U = 3
NORMAL_SCALE = 1.0


def vertex_normals(vertices, faces):
    bs, nv = vertices.shape[:2]
    faces_off = faces + (jnp.arange(bs, dtype=faces.dtype) * nv)[:, None, None]
    vflat = vertices.reshape(bs * nv, 3)
    vf = vflat[faces_off]  # [bs, nf, 3, 3]
    f = faces_off.reshape(-1, 3)
    vf = vf.reshape(-1, 3, 3)
    normals = jnp.zeros((bs * nv, 3), dtype=vertices.dtype)
    normals = normals.at[f[:, 1]].add(jnp.cross(vf[:, 2] - vf[:, 1], vf[:, 0] - vf[:, 1]))
    normals = normals.at[f[:, 2]].add(jnp.cross(vf[:, 0] - vf[:, 2], vf[:, 1] - vf[:, 2]))
    normals = normals.at[f[:, 0]].add(jnp.cross(vf[:, 1] - vf[:, 0], vf[:, 2] - vf[:, 0]))
    norm = jnp.maximum(jnp.linalg.norm(normals, axis=1, keepdims=True), 1e-6)
    normals = normals / norm
    return normals.reshape(bs, nv, 3)


def spmm_bmm(rows, cols, vals, x, n_out):
    # batched sparse (COO) @ dense: y[b] = S @ x[b]
    def one(xb):
        return jax.ops.segment_sum(vals[:, None] * xb[cols], rows, num_segments=n_out)
    return jax.vmap(one)(x)


def setup_inputs(seed: int = 0) -> dict:
    key = jax.random.key(seed)
    k1, k2, k3, k4, k5, k6 = jax.random.split(key, 6)
    vertices = jax.random.normal(k1, (B, N0, 3), dtype=jnp.float32)
    faces = jax.random.randint(k2, (B, NF, 3), 0, N0, dtype=jnp.int32)
    d0_rows = jnp.repeat(jnp.arange(N1, dtype=jnp.int32), NNZ_D)
    d0_cols = jax.random.randint(k3, (N1 * NNZ_D,), 0, N0, dtype=jnp.int32)
    d0_vals = jax.random.uniform(k4, (N1 * NNZ_D,), dtype=jnp.float32) / NNZ_D
    u0_rows = jnp.repeat(jnp.arange(N0, dtype=jnp.int32), NNZ_U)
    u0_cols = jax.random.randint(k5, (N0 * NNZ_U,), 0, 2 * N1, dtype=jnp.int32)
    u0_vals = jax.random.uniform(k6, (N0 * NNZ_U,), dtype=jnp.float32) / NNZ_U
    return {"vertices": vertices, "faces": faces,
            "d0_rows": d0_rows, "d0_cols": d0_cols, "d0_vals": d0_vals,
            "u0_rows": u0_rows, "u0_cols": u0_cols, "u0_vals": u0_vals}


def reference(vertices, faces, d0_rows, d0_cols, d0_vals, u0_rows, u0_cols, u0_vals):
    # downsample: vertices and vertex normals through sparse D (level 1 -> coarse)
    normals = vertex_normals(vertices, faces)
    v1 = spmm_bmm(d0_rows, d0_cols, d0_vals, vertices, N1)
    n1 = spmm_bmm(d0_rows, d0_cols, d0_vals, normals, N1)
    n1 = n1 / jnp.maximum(jnp.linalg.norm(n1, axis=2, keepdims=True), 1e-6)
    # upsample with normals (use_normals=True branch): U @ concat([v, normals])
    u_in = jnp.concatenate([v1, NORMAL_SCALE * n1], axis=1)  # [B, 2*N1, 3]
    v0_rec = spmm_bmm(u0_rows, u0_cols, u0_vals, u_in, N0)
    return v0_rec

if __name__ == "__main__":
    import jax
    _d = setup_inputs()
    print(jax.jit(kernel)(*tuple(_d.values())))

</pallas_src>

<mosaic_0001>
#map = affine_map<(d0, d1) -> (0, 0, 0, 0)>
#map1 = affine_map<(d0, d1) -> (0, 0, 0)>
module attributes {stable_mosaic.version = 14 : i64} {
  func.func @_body(%arg0: i32, %arg1: i32, %arg2: memref<8x3x1x51200xf32, #tpu.memory_space<hbm>>, %arg3: memref<8x3x1x100352xi32, #tpu.memory_space<hbm>>, %arg4: memref<3x1x14336xi32, #tpu.memory_space<hbm>>, %arg5: memref<3x1x14336xf32, #tpu.memory_space<hbm>>, %arg6: memref<3x1x51200xi32, #tpu.memory_space<hbm>>, %arg7: memref<3x1x51200xf32, #tpu.memory_space<hbm>>, %arg8: memref<8x3x1x51200xf32, #tpu.memory_space<hbm>>, %arg9: memref<51200xf32, #tpu.memory_space<vmem_shared>>, %arg10: memref<51200xf32, #tpu.memory_space<vmem_shared>>, %arg11: memref<51200xf32, #tpu.memory_space<vmem_shared>>, %arg12: memref<51200xf32, #tpu.memory_space<vmem_shared>>, %arg13: memref<51200xf32, #tpu.memory_space<vmem_shared>>, %arg14: memref<51200xf32, #tpu.memory_space<vmem_shared>>, %arg15: memref<28672xf32, #tpu.memory_space<vmem_shared>>, %arg16: memref<28672xf32, #tpu.memory_space<vmem_shared>>, %arg17: memref<28672xf32, #tpu.memory_space<vmem_shared>>, %arg18: memref<6272xi32, #tpu.memory_space<vmem>>, %arg19: memref<6272xi32, #tpu.memory_space<vmem>>, %arg20: memref<6272xi32, #tpu.memory_space<vmem>>, %arg21: memref<896xi32, #tpu.memory_space<vmem>>, %arg22: memref<896xi32, #tpu.memory_space<vmem>>, %arg23: memref<896xi32, #tpu.memory_space<vmem>>, %arg24: memref<3200xi32, #tpu.memory_space<vmem>>, %arg25: memref<3200xi32, #tpu.memory_space<vmem>>, %arg26: memref<3200xi32, #tpu.memory_space<vmem>>, %arg27: memref<6272xf32, #tpu.memory_space<vmem>>, %arg28: memref<6272xf32, #tpu.memory_space<vmem>>, %arg29: memref<6272xf32, #tpu.memory_space<vmem>>, %arg30: memref<6272xf32, #tpu.memory_space<vmem>>, %arg31: memref<6272xf32, #tpu.memory_space<vmem>>, %arg32: memref<6272xf32, #tpu.memory_space<vmem>>, %arg33: memref<6272xf32, #tpu.memory_space<vmem>>, %arg34: memref<6272xf32, #tpu.memory_space<vmem>>, %arg35: memref<6272xf32, #tpu.memory_space<vmem>>, %arg36: memref<3200xf32, #tpu.memory_space<vmem>>, %arg37: memref<3200xf32, #tpu.memory_space<vmem>>, %arg38: memref<3200xf32, #tpu.memory_space<vmem>>, %arg39: memref<!tpu.dma_semaphore, #tpu.memory_space<semaphore_mem>>, %arg40: memref<!tpu.dma_semaphore, #tpu.memory_space<semaphore_mem>>) attributes {dimension_semantics = [#tpu.dimension_semantics<core_parallel>, #tpu.dimension_semantics<subcore_parallel>], iteration_bounds = array<i64: 2, 16>, scalar_prefetch = 0 : i64, scratch_operands = 32 : i64, tpu.core_type = #tpu.core_type<sc_vector_subcore>, window_params = [{transform_indices = #map}, {transform_indices = #map}, {transform_indices = #map1}, {transform_indices = #map1}, {transform_indices = #map1}, {transform_indices = #map1}, {transform_indices = #map}]} {
    %scan3A = arith.constant 0 : i32
    %scan3A_0 = arith.constant 0 : i32
    %scan3A_1 = arith.constant 4 : i32
    %scan3A_2 = arith.addi %scan3A_0, %scan3A_1 : i32
    %scan3A_3 = arith.constant 1 : i32
    scf.for %scan3A_5 = %scan3A_0 to %scan3A_2 step %scan3A_3  : i32 {
      %mul3A = arith.constant 4 : i32
      %mul3A_6 = arith.muli %arg0, %mul3A : i32
      %add3A = arith.addi %mul3A_6, %scan3A_5 : i32
      %parallel_loop3A = arith.constant 0 : i32
      %parallel_loop3A_7 = arith.constant 200 : i32
      %parallel_loop3A_8 = arith.constant 1 : i32
      scf.for %parallel_loop3A_729 = %parallel_loop3A to %parallel_loop3A_7 step %parallel_loop3A_8  : i32 {
        %parallel_loop3A_730 = arith.constant 0.000000e+00 : f32
        %parallel_loop3A_731 = vector.broadcast %parallel_loop3A_730 : f32 to vector<16xf32>
        %parallel_loop3A_732 = arith.constant 16 : i32
        %parallel_loop3A_733 = arith.muli %parallel_loop3A_729, %parallel_loop3A_732 : i32
        %parallel_loop3A_734 = arith.index_cast %parallel_loop3A_733 : i32 to index
        %parallel_loop3A_735 = tpu.vector_load %arg33[%parallel_loop3A_734] {strides = array<i32>} : memref<6272xf32, #tpu.memory_space<vmem>>, vector<16xf32>,
        tpu.vector_store %arg33[%parallel_loop3A_734], %parallel_loop3A_731 {strides = array<i32>} : memref<6272xf32, #tpu.memory_space<vmem>>, vector<16xf32>,
      } {sc.loop_unroll_factor = 8 : i64, sc.parallel_access}
      %mul3A_9 = arith.constant 3200 : i32
      %mul3A_10 = arith.muli %arg1, %mul3A_9 : i32
      "tpu.region"() ({
        %run_scoped3A_729 = tpu.sem_alloc : memref<!tpu.dma_semaphore, #tpu.memory_space<semaphore_mem>>
        %dma_start3A = arith.constant 0 : i32
        %dma_start3A_730 = tpu.memref_slice %arg33[%dma_start3A] : memref<6272xf32, #tpu.memory_space<vmem>> -> memref<3200xf32, #tpu.memory_space<vmem>>
        %dma_start3A_731 = tpu.memref_slice %arg12[%mul3A_10] : memref<51200xf32, #tpu.memory_space<vmem_shared>> -> memref<3200xf32, #tpu.memory_space<vmem_shared>>
        %dma_start3A_732 = tpu.memref_slice %arg12[%mul3A_10] : memref<51200xf32, #tpu.memory_space<vmem_shared>> -> memref<3200xf32, #tpu.memory_space<vmem_shared>>
        %dma_start3A_733 = arith.constant 0 : i32
        %dma_start3A_734 = tpu.memref_slice %arg33[%dma_start3A_733] : memref<6272xf32, #tpu.memory_space<vmem>> -> memref<3200xf32, #tpu.memory_space<vmem>>
        tpu.enqueue_dma source(%dma_start3A_734 : memref<3200xf32, #tpu.memory_space<vmem>>) target(%dma_start3A_732 : memref<3200xf32, #tpu.memory_space<vmem_shared>>) target_semaphore(%run_scoped3A_729 : memref<!tpu.dma_semaphore, #tpu.memory_space<semaphore_mem>>)
        %dma_wait3A_735 = arith.constant 0 : i32
        %dma_wait3A_736 = tpu.memref_slice %arg33[%dma_wait3A_735] : memref<6272xf32, #tpu.memory_space<vmem>> -> memref<3200xf32, #tpu.memory_space<vmem>>
        %dma_wait3A_737 = tpu.memref_slice %arg12[%mul3A_10] : memref<51200xf32, #tpu.memory_space<vmem_shared>> -> memref<3200xf32, #tpu.memory_space<vmem_shared>>
        %dma_wait3A_738 = tpu.memref_slice %arg12[%mul3A_10] : memref<51200xf32, #tpu.memory_space<vmem_shared>> -> memref<3200xf32, #tpu.memory_space<vmem_shared>>
        %dma_wait3A_739 = arith.constant 0 : i32
        %dma_wait3A_740 = tpu.memref_slice %arg33[%dma_wait3A_739] : memref<6272xf32, #tpu.memory_space<vmem>> -> memref<3200xf32, #tpu.memory_space<vmem>>
        tpu.wait_dma2 semaphore(%run_scoped3A_729 : memref<!tpu.dma_semaphore, #tpu.memory_space<semaphore_mem>>) src(%dma_wait3A_740 : memref<3200xf32, #tpu.memory_space<vmem>>) dst(%dma_wait3A_738 : memref<3200xf32, #tpu.memory_space<vmem_shared>>)
        tpu.yield
      }) : () -> ()
      %run_scoped3A = arith.constant 0 : i32
      %run_scoped3A_11 = arith.constant 0 : i32
      "tpu.region"() ({
        %run_scoped3A_729 = tpu.sem_alloc : memref<!tpu.dma_semaphore, #tpu.memory_space<semaphore_mem>>
        %dma_start3A = tpu.memref_slice %arg9[%mul3A_10] : memref<51200xf32, #tpu.memory_space<vmem_shared>> -> memref<3200xf32, #tpu.memory_space<vmem_shared>>
        %dma_start3A_730 = tpu.memref_slice %arg2[%add3A, %run_scoped3A, %run_scoped3A_11, %mul3A_10] : memref<8x3x1x51200xf32, #tpu.memory_space<hbm>> -> memref<1x1x1x3200xf32, #tpu.memory_space<hbm>>
        %dma_start3A_731 = tpu.memref_squeeze %dma_start3A_730 : memref<1x1x1x3200xf32, #tpu.memory_space<hbm>> -> memref<3200xf32, #tpu.memory_space<hbm>>
        tpu.enqueue_dma source(%dma_start3A_731 : memref<3200xf32, #tpu.memory_space<hbm>>) target(%dma_start3A : memref<3200xf32, #tpu.memory_space<vmem_shared>>) target_semaphore(%run_scoped3A_729 : memref<!tpu.dma_semaphore, #tpu.memory_space<semaphore_mem>>)
        %dma_wait3A_732 = tpu.memref_slice %arg9[%mul3A_10] : memref<51200xf32, #tpu.memory_space<vmem_shared>> -> memref<3200xf32, #tpu.memory_space<vmem_shared>>
        %dma_wait3A_733 = tpu.memref_slice %arg2[%add3A, %run_scoped3A, %run_scoped3A_11, %mul3A_10] : memref<8x3x1x51200xf32, #tpu.memory_space<hbm>> -> memref<1x1x1x3200xf32, #tpu.memory_space<hbm>>
        %dma_wait3A_734 = tpu.memref_squeeze %dma_wait3A_733 : memref<1x1x1x3200xf32, #tpu.memory_space<hbm>> -> memref<3200xf32, #tpu.memory_space<hbm>>
        tpu.wait_dma2 semaphore(%run_scoped3A_729 : memref<!tpu.dma_semaphore, #tpu.memory_space<semaphore_mem>>) src(%dma_wait3A_734 : memref<3200xf32, #tpu.memory_space<hbm>>) dst(%dma_wait3A_732 : memref<3200xf32, #tpu.memory_space<vmem_shared>>)
        tpu.yield
      }) : () -> ()
      "tpu.region"() ({
        %run_scoped3A_729 = tpu.sem_alloc : memref<!tpu.dma_semaphore, #tpu.memory_space<semaphore_mem>>
        %dma_start3A = arith.constant 0 : i32
        %dma_start3A_730 = tpu.memref_slice %arg33[%dma_start3A] : memref<6272xf32, #tpu.memory_space<vmem>> -> memref<3200xf32, #tpu.memory_space<vmem>>
        %dma_start3A_731 = tpu.memref_slice %arg13[%mul3A_10] : memref<51200xf32, #tpu.memory_space<vmem_shared>> -> memref<3200xf32, #tpu.memory_space<vmem_shared>>
        %dma_start3A_732 = tpu.memref_slice %arg13[%mul3A_10] : memref<51200xf32, #tpu.memory_space<vmem_shared>> -> memref<3200xf32, #tpu.memory_space<vmem_shared>>
        %dma_start3A_733 = arith.constant 0 : i32
        %dma_start3A_734 = tpu.memref_slice %arg33[%dma_start3A_733] : memref<6272xf32, #tpu.memory_space<vmem>> -> memref<3200xf32, #tpu.memory_space<vmem>>
        tpu.enqueue_dma source(%dma_start3A_734 : memref<3200xf32, #tpu.memory_space<vmem>>) target(%dma_start3A_732 : memref<3200xf32, #tpu.memory_space<vmem_shared>>) target_semaphore(%run_scoped3A_729 : memref<!tpu.dma_semaphore, #tpu.memory_space<semaphore_mem>>)
        %dma_wait3A_735 = arith.constant 0 : i32
        %dma_wait3A_736 = tpu.memref_slice %arg33[%dma_wait3A_735] : memref<6272xf32, #tpu.memory_space<vmem>> -> memref<3200xf32, #tpu.memory_space<vmem>>
        %dma_wait3A_737 = tpu.memref_slice %arg13[%mul3A_10] : memref<51200xf32, #tpu.memory_space<vmem_shared>> -> memref<3200xf32, #tpu.memory_space<vmem_shared>>
        %dma_wait3A_738 = tpu.memref_slice %arg13[%mul3A_10] : memref<51200xf32, #tpu.memory_space<vmem_shared>> -> memref<3200xf32, #tpu.memory_space<vmem_shared>>
        %dma_wait3A_739 = arith.constant 0 : i32
        %dma_wait3A_740 = tpu.memref_slice %arg33[%dma_wait3A_739] : memref<6272xf32, #tpu.memory_space<vmem>> -> memref<3200xf32, #tpu.memory_space<vmem>>
        tpu.wait_dma2 semaphore(%run_scoped3A_729 : memref<!tpu.dma_semaphore, #tpu.memory_space<semaphore_mem>>) src(%dma_wait3A_740 : memref<3200xf32, #tpu.memory_space<vmem>>) dst(%dma_wait3A_738 : memref<3200xf32, #tpu.memory_space<vmem_shared>>)
        tpu.yield
      }) : () -> ()
      %run_scoped3A_12 = arith.constant 1 : i32
      %run_scoped3A_13 = arith.constant 0 : i32
      "tpu.region"() ({
        %run_scoped3A_729 = tpu.sem_alloc : memref<!tpu.dma_semaphore, #tpu.memory_space<semaphore_mem>>
        %dma_start3A = tpu.memref_slice %arg10[%mul3A_10] : memref<51200xf32, #tpu.memory_space<vmem_shared>> -> memref<3200xf32, #tpu.memory_space<vmem_shared>>
        %dma_start3A_730 = tpu.memref_slice %arg2[%add3A, %run_scoped3A_12, %run_scoped3A_13, %mul3A_10] : memref<8x3x1x51200xf32, #tpu.memory_space<hbm>> -> memref<1x1x1x3200xf32, #tpu.memory_space<hbm>>
        %dma_start3A_731 = tpu.memref_squeeze %dma_start3A_730 : memref<1x1x1x3200xf32, #tpu.memory_space<hbm>> -> memref<3200xf32, #tpu.memory_space<hbm>>
        tpu.enqueue_dma source(%dma_start3A_731 : memref<3200xf32, #tpu.memory_space<hbm>>) target(%dma_start3A : memref<3200xf32, #tpu.memory_space<vmem_shared>>) target_semaphore(%run_scoped3A_729 : memref<!tpu.dma_semaphore, #tpu.memory_space<semaphore_mem>>)
        %dma_wait3A_732 = tpu.memref_slice %arg10[%mul3A_10] : memref<51200xf32, #tpu.memory_space<vmem_shared>> -> memref<3200xf32, #tpu.memory_space<vmem_shared>>
        %dma_wait3A_733 = tpu.memref_slice %arg2[%add3A, %run_scoped3A_12, %run_scoped3A_13, %mul3A_10] : memref<8x3x1x51200xf32, #tpu.memory_space<hbm>> -> memref<1x1x1x3200xf32, #tpu.memory_space<hbm>>
        %dma_wait3A_734 = tpu.memref_squeeze %dma_wait3A_733 : memref<1x1x1x3200xf32, #tpu.memory_space<hbm>> -> memref<3200xf32, #tpu.memory_space<hbm>>
        tpu.wait_dma2 semaphore(%run_scoped3A_729 : memref<!tpu.dma_semaphore, #tpu.memory_space<semaphore_mem>>) src(%dma_wait3A_734 : memref<3200xf32, #tpu.memory_space<hbm>>) dst(%dma_wait3A_732 : memref<3200xf32, #tpu.memory_space<vmem_shared>>)
        tpu.yield
      }) : () -> ()
      "tpu.region"() ({
        %run_scoped3A_729 = tpu.sem_alloc : memref<!tpu.dma_semaphore, #tpu.memory_space<semaphore_mem>>
        %dma_start3A = arith.constant 0 : i32
        %dma_start3A_730 = tpu.memref_slice %arg33[%dma_start3A] : memref<6272xf32, #tpu.memory_space<vmem>> -> memref<3200xf32, #tpu.memory_space<vmem>>
        %dma_start3A_731 = tpu.memref_slice %arg14[%mul3A_10] : memref<51200xf32, #tpu.memory_space<vmem_shared>> -> memref<3200xf32, #tpu.memory_space<vmem_shared>>
        %dma_start3A_732 = tpu.memref_slice %arg14[%mul3A_10] : memref<51200xf32, #tpu.memory_space<vmem_shared>> -> memref<3200xf32, #tpu.memory_space<vmem_shared>>
        %dma_start3A_733 = arith.constant 0 : i32
        %dma_start3A_734 = tpu.memref_slice %arg33[%dma_start3A_733] : memref<6272xf32, #tpu.memory_space<vmem>> -> memref<3200xf32, #tpu.memory_space<vmem>>
        tpu.enqueue_dma source(%dma_start3A_734 : memref<3200xf32, #tpu.memory_space<vmem>>) target(%dma_start3A_732 : memref<3200xf32, #tpu.memory_space<vmem_shared>>) target_semaphore(%run_scoped3A_729 : memref<!tpu.dma_semaphore, #tpu.memory_space<semaphore_mem>>)
        %dma_wait3A_735 = arith.constant 0 : i32
        %dma_wait3A_736 = tpu.memref_slice %arg33[%dma_wait3A_735] : memref<6272xf32, #tpu.memory_space<vmem>> -> memref<3200xf32, #tpu.memory_space<vmem>>
        %dma_wait3A_737 = tpu.memref_slice %arg14[%mul3A_10] : memref<51200xf32, #tpu.memory_space<vmem_shared>> -> memref<3200xf32, #tpu.memory_space<vmem_shared>>
        %dma_wait3A_738 = tpu.memref_slice %arg14[%mul3A_10] : memref<51200xf32, #tpu.memory_space<vmem_shared>> -> memref<3200xf32, #tpu.memory_space<vmem_shared>>
        %dma_wait3A_739 = arith.constant 0 : i32
        %dma_wait3A_740 = tpu.memref_slice %arg33[%dma_wait3A_739] : memref<6272xf32, #tpu.memory_space<vmem>> -> memref<3200xf32, #tpu.memory_space<vmem>>
        tpu.wait_dma2 semaphore(%run_scoped3A_729 : memref<!tpu.dma_semaphore, #tpu.memory_space<semaphore_mem>>) src(%dma_wait3A_740 : memref<3200xf32, #tpu.memory_space<vmem>>) dst(%dma_wait3A_738 : memref<3200xf32, #tpu.memory_space<vmem_shared>>)
        tpu.yield
      }) : () -> ()
      %run_scoped3A_14 = arith.constant 2 : i32
      %run_scoped3A_15 = arith.constant 0 : i32
      "tpu.region"() ({
        %run_scoped3A_729 = tpu.sem_alloc : memref<!tpu.dma_semaphore, #tpu.memory_space<semaphore_mem>>
        %dma_start3A = tpu.memref_slice %arg11[%mul3A_10] : memref<51200xf32, #tpu.memory_space<vmem_shared>> -> memref<3200xf32, #tpu.memory_space<vmem_shared>>
        %dma_start3A_730 = tpu.memref_slice %arg2[%add3A, %run_scoped3A_14, %run_scoped3A_15, %mul3A_10] : memref<8x3x1x51200xf32, #tpu.memory_space<hbm>> -> memref<1x1x1x3200xf32, #tpu.memory_space<hbm>>
        %dma_start3A_731 = tpu.memref_squeeze %dma_start3A_730 : memref<1x1x1x3200xf32, #tpu.memory_space<hbm>> -> memref<3200xf32, #tpu.memory_space<hbm>>
        tpu.enqueue_dma source(%dma_start3A_731 : memref<3200xf32, #tpu.memory_space<hbm>>) target(%dma_start3A : memref<3200xf32, #tpu.memory_space<vmem_shared>>) target_semaphore(%run_scoped3A_729 : memref<!tpu.dma_semaphore, #tpu.memory_space<semaphore_mem>>)
        %dma_wait3A_732 = tpu.memref_slice %arg11[%mul3A_10] : memref<51200xf32, #tpu.memory_space<vmem_shared>> -> memref<3200xf32, #tpu.memory_space<vmem_shared>>
        %dma_wait3A_733 = tpu.memref_slice %arg2[%add3A, %run_scoped3A_14, %run_scoped3A_15, %mul3A_10] : memref<8x3x1x51200xf32, #tpu.memory_space<hbm>> -> memref<1x1x1x3200xf32, #tpu.memory_space<hbm>>
        %dma_wait3A_734 = tpu.memref_squeeze %dma_wait3A_733 : memref<1x1x1x3200xf32, #tpu.memory_space<hbm>> -> memref<3200xf32, #tpu.memory_space<hbm>>
        tpu.wait_dma2 semaphore(%run_scoped3A_729 : memref<!tpu.dma_semaphore, #tpu.memory_space<semaphore_mem>>) src(%dma_wait3A_734 : memref<3200xf32, #tpu.memory_space<hbm>>) dst(%dma_wait3A_732 : memref<3200xf32, #tpu.memory_space<vmem_shared>>)
        tpu.yield
      }) : () -> ()
      %barrier3A = arith.constant 0 : index
      tpu.barrier barrier_id(%barrier3A)
      %mul3A_16 = arith.constant 6272 : i32
      %mul3A_17 = arith.muli %arg1, %mul3A_16 : i32
      %run_scoped3A_18 = arith.constant 0 : i32
      %run_scoped3A_19 = arith.constant 0 : i32
      "tpu.region"() ({
        %run_scoped3A_729 = tpu.sem_alloc : memref<!tpu.dma_semaphore, #tpu.memory_space<semaphore_mem>>
        %dma_start3A = tpu.memref_slice %arg3[%add3A, %run_scoped3A_18, %run_scoped3A_19, %mul3A_17] : memref<8x3x1x100352xi32, #tpu.memory_space<hbm>> -> memref<1x1x1x6272xi32, #tpu.memory_space<hbm>>
        %dma_start3A_730 = tpu.memref_squeeze %dma_start3A : memref<1x1x1x6272xi32, #tpu.memory_space<hbm>> -> memref<6272xi32, #tpu.memory_space<hbm>>
        %dma_start3A_731 = tpu.memref_slice %arg3[%add3A, %run_scoped3A_18, %run_scoped3A_19, %mul3A_17] : memref<8x3x1x100352xi32, #tpu.memory_space<hbm>> -> memref<1x1x1x6272xi32, #tpu.memory_space<hbm>>
        %dma_start3A_732 = tpu.memref_squeeze %dma_start3A_731 : memref<1x1x1x6272xi32, #tpu.memory_space<hbm>> -> memref<6272xi32, #tpu.memory_space<hbm>>
        tpu.enqueue_dma source(%dma_start3A_732 : memref<6272xi32, #tpu.memory_space<hbm>>) target(%arg18 : memref<6272xi32, #tpu.memory_space<vmem>>) target_semaphore(%run_scoped3A_729 : memref<!tpu.dma_semaphore, #tpu.memory_space<semaphore_mem>>)
        %dma_wait3A_733 = tpu.memref_slice %arg3[%add3A, %run_scoped3A_18, %run_scoped3A_19, %mul3A_17] : memref<8x3x1x100352xi32, #tpu.memory_space<hbm>> -> memref<1x1x1x6272xi32, #tpu.memory_space<hbm>>
        %dma_wait3A_734 = tpu.memref_squeeze %dma_wait3A_733 : memref<1x1x1x6272xi32, #tpu.memory_space<hbm>> -> memref<6272xi32, #tpu.memory_space<hbm>>
        %dma_wait3A_735 = tpu.memref_slice %arg3[%add3A, %run_scoped3A_18, %run_scoped3A_19, %mul3A_17] : memref<8x3x1x100352xi32, #tpu.memory_space<hbm>> -> memref<1x1x1x6272xi32, #tpu.memory_space<hbm>>
        %dma_wait3A_736 = tpu.memref_squeeze %dma_wait3A_735 : memref<1x1x1x6272xi32, #tpu.memory_space<hbm>> -> memref<6272xi32, #tpu.memory_space<hbm>>
        tpu.wait_dma2 semaphore(%run_scoped3A_729 : memref<!tpu.dma_semaphore, #tpu.memory_space<semaphore_mem>>) src(%dma_wait3A_736 : memref<6272xi32, #tpu.memory_space<hbm>>) dst(%arg18 : memref<6272xi32, #tpu.memory_space<vmem>>)
        tpu.yield
      }) : () -> ()
      %mul3A_20 = arith.constant 6272 : i32
      %mul3A_21 = arith.muli %arg1, %mul3A_20 : i32
      %run_scoped3A_22 = arith.constant 1 : i32
      %run_scoped3A_23 = arith.constant 0 : i32
      "tpu.region"() ({
        %run_scoped3A_729 = tpu.sem_alloc : memref<!tpu.dma_semaphore, #tpu.memory_space<semaphore_mem>>
        %dma_start3A = tpu.memref_slice %arg3[%add3A, %run_scoped3A_22, %run_scoped3A_23, %mul3A_21] : memref<8x3x1x100352xi32, #tpu.memory_space<hbm>> -> memref<1x1x1x6272xi32, #tpu.memory_space<hbm>>
        %dma_start3A_730 = tpu.memref_squeeze %dma_start3A : memref<1x1x1x6272xi32, #tpu.memory_space<hbm>> -> memref<6272xi32, #tpu.memory_space<hbm>>
        %dma_start3A_731 = tpu.memref_slice %arg3[%add3A, %run_scoped3A_22, %run_scoped3A_23, %mul3A_21] : memref<8x3x1x100352xi32, #tpu.memory_space<hbm>> -> memref<1x1x1x6272xi32, #tpu.memory_space<hbm>>
        %dma_start3A_732 = tpu.memref_squeeze %dma_start3A_731 : memref<1x1x1x6272xi32, #tpu.memory_space<hbm>> -> memref<6272xi32, #tpu.memory_space<hbm>>
        tpu.enqueue_dma source(%dma_start3A_732 : memref<6272xi32, #tpu.memory_space<hbm>>) target(%arg19 : memref<6272xi32, #tpu.memory_space<vmem>>) target_semaphore(%run_scoped3A_729 : memref<!tpu.dma_semaphore, #tpu.memory_space<semaphore_mem>>)
        %dma_wait3A_733 = tpu.memref_slice %arg3[%add3A, %run_scoped3A_22, %run_scoped3A_23, %mul3A_21] : memref<8x3x1x100352xi32, #tpu.memory_space<hbm>> -> memref<1x1x1x6272xi32, #tpu.memory_space<hbm>>
        %dma_wait3A_734 = tpu.memref_squeeze %dma_wait3A_733 : memref<1x1x1x6272xi32, #tpu.memory_space<hbm>> -> memref<6272xi32, #tpu.memory_space<hbm>>
        %dma_wait3A_735 = tpu.memref_slice %arg3[%add3A, %run_scoped3A_22, %run_scoped3A_23, %mul3A_21] : memref<8x3x1x100352xi32, #tpu.memory_space<hbm>> -> memref<1x1x1x6272xi32, #tpu.memory_space<hbm>>
        %dma_wait3A_736 = tpu.memref_squeeze %dma_wait3A_735 : memref<1x1x1x6272xi32, #tpu.memory_space<hbm>> -> memref<6272xi32, #tpu.memory_space<hbm>>
        tpu.wait_dma2 semaphore(%run_scoped3A_729 : memref<!tpu.dma_semaphore, #tpu.memory_space<semaphore_mem>>) src(%dma_wait3A_736 : memref<6272xi32, #tpu.memory_space<hbm>>) dst(%arg19 : memref<6272xi32, #tpu.memory_space<vmem>>)
        tpu.yield
      }) : () -> ()
      %mul3A_24 = arith.constant 6272 : i32
      %mul3A_25 = arith.muli %arg1, %mul3A_24 : i32
      %run_scoped3A_26 = arith.constant 2 : i32
      %run_scoped3A_27 = arith.constant 0 : i32
      "tpu.region"() ({
        %run_scoped3A_729 = tpu.sem_alloc : memref<!tpu.dma_semaphore, #tpu.memory_space<semaphore_mem>>
        %dma_start3A = tpu.memref_slice %arg3[%add3A, %run_scoped3A_26, %run_scoped3A_27, %mul3A_25] : memref<8x3x1x100352xi32, #tpu.memory_space<hbm>> -> memref<1x1x1x6272xi32, #tpu.memory_space<hbm>>
        %dma_start3A_730 = tpu.memref_squeeze %dma_start3A : memref<1x1x1x6272xi32, #tpu.memory_space<hbm>> -> memref<6272xi32, #tpu.memory_space<hbm>>
        %dma_start3A_731 = tpu.memref_slice %arg3[%add3A, %run_scoped3A_26, %run_scoped3A_27, %mul3A_25] : memref<8x3x1x100352xi32, #tpu.memory_space<hbm>> -> memref<1x1x1x6272xi32, #tpu.memory_space<hbm>>
        %dma_start3A_732 = tpu.memref_squeeze %dma_start3A_731 : memref<1x1x1x6272xi32, #tpu.memory_space<hbm>> -> memref<6272xi32, #tpu.memory_space<hbm>>
        tpu.enqueue_dma source(%dma_start3A_732 : memref<6272xi32, #tpu.memory_space<hbm>>) target(%arg20 : memref<6272xi32, #tpu.memory_space<vmem>>) target_semaphore(%run_scoped3A_729 : memref<!tpu.dma_semaphore, #tpu.memory_space<semaphore_mem>>)
        %dma_wait3A_733 = tpu.memref_slice %arg3[%add3A, %run_scoped3A_26, %run_scoped3A_27, %mul3A_25] : memref<8x3x1x100352xi32, #tpu.memory_space<hbm>> -> memref<1x1x1x6272xi32, #tpu.memory_space<hbm>>
        %dma_wait3A_734 = tpu.memref_squeeze %dma_wait3A_733 : memref<1x1x1x6272xi32, #tpu.memory_space<hbm>> -> memref<6272xi32, #tpu.memory_space<hbm>>
        %dma_wait3A_735 = tpu.memref_slice %arg3[%add3A, %run_scoped3A_26, %run_scoped3A_27, %mul3A_25] : memref<8x3x1x100352xi32, #tpu.memory_space<hbm>> -> memref<1x1x1x6272xi32, #tpu.memory_space<hbm>>
        %dma_wait3A_736 = tpu.memref_squeeze %dma_wait3A_735 : memref<1x1x1x6272xi32, #tpu.memory_space<hbm>> -> memref<6272xi32, #tpu.memory_space<hbm>>
        tpu.wait_dma2 semaphore(%run_scoped3A_729 : memref<!tpu.dma_semaphore, #tpu.memory_space<semaphore_mem>>) src(%dma_wait3A_736 : memref<6272xi32, #tpu.memory_space<hbm>>) dst(%arg20 : memref<6272xi32, #tpu.memory_space<vmem>>)
        tpu.yield
      }) : () -> ()
      %scan3A_28 = arith.constant 0 : i32
      %scan3A_29 = arith.constant 0 : i32
      %scan3A_30 = arith.constant 14 : i32
      %scan3A_31 = arith.addi %scan3A_29, %scan3A_30 : i32
      %scan3A_32 = arith.constant 1 : i32
      scf.for %scan3A_729 = %scan3A_29 to %scan3A_31 step %scan3A_32  : i32 {
        %mul3A_730 = arith.constant 448 : i32
        %mul3A_731 = arith.muli %scan3A_729, %mul3A_730 : i32
        %dma_start3A = tpu.memref_slice %arg27[%mul3A_731] : memref<6272xf32, #tpu.memory_space<vmem>> -> memref<448xf32, #tpu.memory_space<vmem>>
        %dma_start3A_732 = tpu.memref_slice %arg18[%mul3A_731] : memref<6272xi32, #tpu.memory_space<vmem>> -> memref<448xi32, #tpu.memory_space<vmem>>
        %dma_start3A_733 = arith.constant 0 : i32
        %dma_start3A_734 = tpu.memref_slice %arg9[%dma_start3A_733] : memref<51200xf32, #tpu.memory_space<vmem_shared>> -> memref<51200xf32, #tpu.memory_space<vmem_shared>>
        tpu.enqueue_indirect_dma source(%dma_start3A_734 : memref<51200xf32, #tpu.memory_space<vmem_shared>>) target(%dma_start3A : memref<448xf32, #tpu.memory_space<vmem>>) offsets(%dma_start3A_732 : memref<448xi32, #tpu.memory_space<vmem>>) semaphore(%arg39 : memref<!tpu.dma_semaphore, #tpu.memory_space<semaphore_mem>>)
        %dma_start3A_735 = tpu.memref_slice %arg28[%mul3A_731] : memref<6272xf32, #tpu.memory_space<vmem>> -> memref<448xf32, #tpu.memory_space<vmem>>
        %dma_start3A_736 = tpu.memref_slice %arg18[%mul3A_731] : memref<6272xi32, #tpu.memory_space<vmem>> -> memref<448xi32, #tpu.memory_space<vmem>>
        %dma_start3A_737 = arith.constant 0 : i32
        %dma_start3A_738 = tpu.memref_slice %arg10[%dma_start3A_737] : memref<51200xf32, #tpu.memory_space<vmem_shared>> -> memref<51200xf32, #tpu.memory_space<vmem_shared>>
        tpu.enqueue_indirect_dma source(%dma_start3A_738 : memref<51200xf32, #tpu.memory_space<vmem_shared>>) target(%dma_start3A_735 : memref<448xf32, #tpu.memory_space<vmem>>) offsets(%dma_start3A_736 : memref<448xi32, #tpu.memory_space<vmem>>) semaphore(%arg39 : memref<!tpu.dma_semaphore, #tpu.memory_space<semaphore_mem>>)
        %dma_start3A_739 = tpu.memref_slice %arg29[%mul3A_731] : memref<6272xf32, #tpu.memory_space<vmem>> -> memref<448xf32, #tpu.memory_space<vmem>>
        %dma_start3A_740 = tpu.memref_slice %arg18[%mul3A_731] : memref<6272xi32, #tpu.memory_space<vmem>> -> memref<448xi32, #tpu.memory_space<vmem>>
        %dma_start3A_741 = arith.constant 0 : i32
        %dma_start3A_742 = tpu.memref_slice %arg11[%dma_start3A_741] : memref<51200xf32, #tpu.memory_space<vmem_shared>> -> memref<51200xf32, #tpu.memory_space<vmem_shared>>
        tpu.enqueue_indirect_dma source(%dma_start3A_742 : memref<51200xf32, #tpu.memory_space<vmem_shared>>) target(%dma_start3A_739 : memref<448xf32, #tpu.memory_space<vmem>>) offsets(%dma_start3A_740 : memref<448xi32, #tpu.memory_space<vmem>>) semaphore(%arg39 : memref<!tpu.dma_semaphore, #tpu.memory_space<semaphore_mem>>)
        %dma_start3A_743 = tpu.memref_slice %arg30[%mul3A_731] : memref<6272xf32, #tpu.memory_space<vmem>> -> memref<448xf32, #tpu.memory_space<vmem>>
        %dma_start3A_744 = tpu.memref_slice %arg19[%mul3A_731] : memref<6272xi32, #tpu.memory_space<vmem>> -> memref<448xi32, #tpu.memory_space<vmem>>
        %dma_start3A_745 = arith.constant 0 : i32
        %dma_start3A_746 = tpu.memref_slice %arg9[%dma_start3A_745] : memref<51200xf32, #tpu.memory_space<vmem_shared>> -> memref<51200xf32, #tpu.memory_space<vmem_shared>>
        tpu.enqueue_indirect_dma source(%dma_start3A_746 : memref<51200xf32, #tpu.memory_space<vmem_shared>>) target(%dma_start3A_743 : memref<448xf32, #tpu.memory_space<vmem>>) offsets(%dma_start3A_744 : memref<448xi32, #tpu.memory_space<vmem>>) semaphore(%arg39 : memref<!tpu.dma_semaphore, #tpu.memory_space<semaphore_mem>>)
        %dma_start3A_747 = tpu.memref_slice %arg31[%mul3A_731] : memref<6272xf32, #tpu.memory_space<vmem>> -> memref<448xf32, #tpu.memory_space<vmem>>
        %dma_start3A_748 = tpu.memref_slice %arg19[%mul3A_731] : memref<6272xi32, #tpu.memory_space<vmem>> -> memref<448xi32, #tpu.memory_space<vmem>>
        %dma_start3A_749 = arith.constant 0 : i32
        %dma_start3A_750 = tpu.memref_slice %arg10[%dma_start3A_749] : memref<51200xf32, #tpu.memory_space<vmem_shared>> -> memref<51200xf32, #tpu.memory_space<vmem_shared>>
        tpu.enqueue_indirect_dma source(%dma_start3A_750 : memref<51200xf32, #tpu.memory_space<vmem_shared>>) target(%dma_start3A_747 : memref<448xf32, #tpu.memory_space<vmem>>) offsets(%dma_start3A_748 : memref<448xi32, #tpu.memory_space<vmem>>) semaphore(%arg39 : memref<!tpu.dma_semaphore, #tpu.memory_space<semaphore_mem>>)
        %dma_start3A_751 = tpu.memref_slice %arg32[%mul3A_731] : memref<6272xf32, #tpu.memory_space<vmem>> -> memref<448xf32, #tpu.memory_space<vmem>>
        %dma_start3A_752 = tpu.memref_slice %arg19[%mul3A_731] : memref<6272xi32, #tpu.memory_space<vmem>> -> memref<448xi32, #tpu.memory_space<vmem>>
        %dma_start3A_753 = arith.constant 0 : i32
        %dma_start3A_754 = tpu.memref_slice %arg11[%dma_start3A_753] : memref<51200xf32, #tpu.memory_space<vmem_shared>> -> memref<51200xf32, #tpu.memory_space<vmem_shared>>
        tpu.enqueue_indirect_dma source(%dma_start3A_754 : memref<51200xf32, #tpu.memory_space<vmem_shared>>) target(%dma_start3A_751 : memref<448xf32, #tpu.memory_space<vmem>>) offsets(%dma_start3A_752 : memref<448xi32, #tpu.memory_space<vmem>>) semaphore(%arg39 : memref<!tpu.dma_semaphore, #tpu.memory_space<semaphore_mem>>)
        %dma_start3A_755 = tpu.memref_slice %arg33[%mul3A_731] : memref<6272xf32, #tpu.memory_space<vmem>> -> memref<448xf32, #tpu.memory_space<vmem>>
        %dma_start3A_756 = tpu.memref_slice %arg20[%mul3A_731] : memref<6272xi32, #tpu.memory_space<vmem>> -> memref<448xi32, #tpu.memory_space<vmem>>
        %dma_start3A_757 = arith.constant 0 : i32
        %dma_start3A_758 = tpu.memref_slice %arg9[%dma_start3A_757] : memref<51200xf32, #tpu.memory_space<vmem_shared>> -> memref<51200xf32, #tpu.memory_space<vmem_shared>>
        tpu.enqueue_indirect_dma source(%dma_start3A_758 : memref<51200xf32, #tpu.memory_space<vmem_shared>>) target(%dma_start3A_755 : memref<448xf32, #tpu.memory_space<vmem>>) offsets(%dma_start3A_756 : memref<448xi32, #tpu.memory_space<vmem>>) semaphore(%arg39 : memref<!tpu.dma_semaphore, #tpu.memory_space<semaphore_mem>>)
        %dma_start3A_759 = tpu.memref_slice %arg34[%mul3A_731] : memref<6272xf32, #tpu.memory_space<vmem>> -> memref<448xf32, #tpu.memory_space<vmem>>
        %dma_start3A_760 = tpu.memref_slice %arg20[%mul3A_731] : memref<6272xi32, #tpu.memory_space<vmem>> -> memref<448xi32, #tpu.memory_space<vmem>>
        %dma_start3A_761 = arith.constant 0 : i32
        %dma_start3A_762 = tpu.memref_slice %arg10[%dma_start3A_761] : memref<51200xf32, #tpu.memory_space<vmem_shared>> -> memref<51200xf32, #tpu.memory_space<vmem_shared>>
        tpu.enqueue_indirect_dma source(%dma_start3A_762 : memref<51200xf32, #tpu.memory_space<vmem_shared>>) target(%dma_start3A_759 : memref<448xf32, #tpu.memory_space<vmem>>) offsets(%dma_start3A_760 : memref<448xi32, #tpu.memory_space<vmem>>) semaphore(%arg39 : memref<!tpu.dma_semaphore, #tpu.memory_space<semaphore_mem>>)
        %dma_start3A_763 = tpu.memref_slice %arg35[%mul3A_731] : memref<6272xf32, #tpu.memory_space<vmem>> -> memref<448xf32, #tpu.memory_space<vmem>>
        %dma_start3A_764 = tpu.memref_slice %arg20[%mul3A_731] : memref<6272xi32, #tpu.memory_space<vmem>> -> memref<448xi32, #tpu.memory_space<vmem>>
        %dma_start3A_765 = arith.constant 0 : i32
        %dma_start3A_766 = tpu.memref_slice %arg11[%dma_start3A_765] : memref<51200xf32, #tpu.memory_space<vmem_shared>> -> memref<51200xf32, #tpu.memory_space<vmem_shared>>
        tpu.enqueue_indirect_dma source(%dma_start3A_766 : memref<51200xf32, #tpu.memory_space<vmem_shared>>) target(%dma_start3A_763 : memref<448xf32, #tpu.memory_space<vmem>>) offsets(%dma_start3A_764 : memref<448xi32, #tpu.memory_space<vmem>>) semaphore(%arg39 : memref<!tpu.dma_semaphore, #tpu.memory_space<semaphore_mem>>)
      }
      %scan3A_33 = arith.constant 14 : i32
      %dma_wait3A = arith.constant 0 : i32
      %dma_wait3A_34 = arith.constant 0 : i32
      %dma_wait3A_35 = arith.constant 0 : i32
      %dma_wait3A_36 = arith.constant 0 : i32
      %dma_wait3A_37 = tpu.memref_slice %arg27[%dma_wait3A_36] : memref<6272xf32, #tpu.memory_space<vmem>> -> memref<6272xf32, #tpu.memory_space<vmem>>
      %dma_wait3A_38 = arith.constant 0 : i32
      %dma_wait3A_39 = tpu.memref_slice %arg8[%dma_wait3A, %dma_wait3A_34, %dma_wait3A_35, %dma_wait3A_38] : memref<8x3x1x51200xf32, #tpu.memory_space<hbm>> -> memref<1x1x1x6272xf32, #tpu.memory_space<hbm>>
      %dma_wait3A_40 = tpu.memref_squeeze %dma_wait3A_39 : memref<1x1x1x6272xf32, #tpu.memory_space<hbm>> -> memref<6272xf32, #tpu.memory_space<hbm>>
      %dma_wait3A_41 = arith.constant 0 : i32
      %dma_wait3A_42 = tpu.memref_slice %arg27[%dma_wait3A_41] : memref<6272xf32, #tpu.memory_space<vmem>> -> memref<6272xf32, #tpu.memory_space<vmem>>
      %dma_wait3A_43 = arith.constant 0 : i32
      %dma_wait3A_44 = tpu.memref_slice %arg8[%dma_wait3A, %dma_wait3A_34, %dma_wait3A_35, %dma_wait3A_43] : memref<8x3x1x51200xf32, #tpu.memory_space<hbm>> -> memref<1x1x1x6272xf32, #tpu.memory_space<hbm>>
      %dma_wait3A_45 = tpu.memref_squeeze %dma_wait3A_44 : memref<1x1x1x6272xf32, #tpu.memory_space<hbm>> -> memref<6272xf32, #tpu.memory_space<hbm>>
      tpu.wait_dma2 semaphore(%arg39 : memref<!tpu.dma_semaphore, #tpu.memory_space<semaphore_mem>>) src(%dma_wait3A_45 : memref<6272xf32, #tpu.memory_space<hbm>>) dst(%dma_wait3A_42 : memref<6272xf32, #tpu.memory_space<vmem>>)
      %dma_wait3A_46 = arith.constant 0 : i32
      %dma_wait3A_47 = arith.constant 0 : i32
      %dma_wait3A_48 = arith.constant 0 : i32
      %dma_wait3A_49 = arith.constant 0 : i32
      %dma_wait3A_50 = tpu.memref_slice %arg27[%dma_wait3A_49] : memref<6272xf32, #tpu.memory_space<vmem>> -> memref<6272xf32, #tpu.memory_space<vmem>>
      %dma_wait3A_51 = arith.constant 0 : i32
      %dma_wait3A_52 = tpu.memref_slice %arg8[%dma_wait3A_46, %dma_wait3A_47, %dma_wait3A_48, %dma_wait3A_51] : memref<8x3x1x51200xf32, #tpu.memory_space<hbm>> -> memref<1x1x1x6272xf32, #tpu.memory_space<hbm>>
      %dma_wait3A_53 = tpu.memref_squeeze %dma_wait3A_52 : memref<1x1x1x6272xf32, #tpu.memory_space<hbm>> -> memref<6272xf32, #tpu.memory_space<hbm>>
      %dma_wait3A_54 = arith.constant 0 : i32
      %dma_wait3A_55 = tpu.memref_slice %arg27[%dma_wait3A_54] : memref<6272xf32, #tpu.memory_space<vmem>> -> memref<6272xf32, #tpu.memory_space<vmem>>
      %dma_wait3A_56 = arith.constant 0 : i32
      %dma_wait3A_57 = tpu.memref_slice %arg8[%dma_wait3A_46, %dma_wait3A_47, %dma_wait3A_48, %dma_wait3A_56] : memref<8x3x1x51200xf32, #tpu.memory_space<hbm>> -> memref<1x1x1x6272xf32, #tpu.memory_space<hbm>>
      %dma_wait3A_58 = tpu.memref_squeeze %dma_wait3A_57 : memref<1x1x1x6272xf32, #tpu.memory_space<hbm>> -> memref<6272xf32, #tpu.memory_space<hbm>>
      tpu.wait_dma2 semaphore(%arg39 : memref<!tpu.dma_semaphore, #tpu.memory_space<semaphore_mem>>) src(%dma_wait3A_58 : memref<6272xf32, #tpu.memory_space<hbm>>) dst(%dma_wait3A_55 : memref<6272xf32, #tpu.memory_space<vmem>>)
      %dma_wait3A_59 = arith.constant 0 : i32
      %dma_wait3A_60 = arith.constant 0 : i32
      %dma_wait3A_61 = arith.constant 0 : i32
      %dma_wait3A_62 = arith.constant 0 : i32
      %dma_wait3A_63 = tpu.memref_slice %arg27[%dma_wait3A_62] : memref<6272xf32, #tpu.memory_space<vmem>> -> memref<6272xf32, #tpu.memory_space<vmem>>
      %dma_wait3A_64 = arith.constant 0 : i32
      %dma_wait3A_65 = tpu.memref_slice %arg8[%dma_wait3A_59, %dma_wait3A_60, %dma_wait3A_61, %dma_wait3A_64] : memref<8x3x1x51200xf32, #tpu.memory_space<hbm>> -> memref<1x1x1x6272xf32, #tpu.memory_space<hbm>>
      %dma_wait3A_66 = tpu.memref_squeeze %dma_wait3A_65 : memref<1x1x1x6272xf32, #tpu.memory_space<hbm>> -> memref<6272xf32, #tpu.memory_space<hbm>>
      %dma_wait3A_67 = arith.constant 0 : i32
      %dma_wait3A_68 = tpu.memref_slice %arg27[%dma_wait3A_67] : memref<6272xf32, #tpu.memory_space<vmem>> -> memref<6272xf32, #tpu.memory_space<vmem>>
      %dma_wait3A_69 = arith.constant 0 : i32
      %dma_wait3A_70 = tpu.memref_slice %arg8[%dma_wait3A_59, %dma_wait3A_60, %dma_wait3A_61, %dma_wait3A_69] : memref<8x3x1x51200xf32, #tpu.memory_space<hbm>> -> memref<1x1x1x6272xf32, #tpu.memory_space<hbm>>
      %dma_wait3A_71 = tpu.memref_squeeze %dma_wait3A_70 : memref<1x1x1x6272xf32, #tpu.memory_space<hbm>> -> memref<6272xf32, #tpu.memory_space<hbm>>
      tpu.wait_dma2 semaphore(%arg39 : memref<!tpu.dma_semaphore, #tpu.memory_space<semaphore_mem>>) src(%dma_wait3A_71 : memref<6272xf32, #tpu.memory_space<hbm>>) dst(%dma_wait3A_68 : memref<6272xf32, #tpu.memory_space<vmem>>)
      %dma_wait3A_72 = arith.constant 0 : i32
      %dma_wait3A_73 = arith.constant 0 : i32
      %dma_wait3A_74 = arith.constant 0 : i32
      %dma_wait3A_75 = arith.constant 0 : i32
      %dma_wait3A_76 = tpu.memref_slice %arg27[%dma_wait3A_75] : memref<6272xf32, #tpu.memory_space<vmem>> -> memref<6272xf32, #tpu.memory_space<vmem>>
      %dma_wait3A_77 = arith.constant 0 : i32
      %dma_wait3A_78 = tpu.memref_slice %arg8[%dma_wait3A_72, %dma_wait3A_73, %dma_wait3A_74, %dma_wait3A_77] : memref<8x3x1x51200xf32, #tpu.memory_space<hbm>> -> memref<1x1x1x6272xf32, #tpu.memory_space<hbm>>
      %dma_wait3A_79 = tpu.memref_squeeze %dma_wait3A_78 : memref<1x1x1x6272xf32, #tpu.memory_space<hbm>> -> memref<6272xf32, #tpu.memory_space<hbm>>
      %dma_wait3A_80 = arith.constant 0 : i32
      %dma_wait3A_81 = tpu.memref_slice %arg27[%dma_wait3A_80] : memref<6272xf32, #tpu.memory_space<vmem>> -> memref<6272xf32, #tpu.memory_space<vmem>>
      %dma_wait3A_82 = arith.constant 0 : i32
      %dma_wait3A_83 = tpu.memref_slice %arg8[%dma_wait3A_72, %dma_wait3A_73, %dma_wait3A_74, %dma_wait3A_82] : memref<8x3x1x51200xf32, #tpu.memory_space<hbm>> -> memref<1x1x1x6272xf32, #tpu.memory_space<hbm>>
      %dma_wait3A_84 = tpu.memref_squeeze %dma_wait3A_83 : memref<1x1x1x6272xf32, #tpu.memory_space<hbm>> -> memref<6272xf32, #tpu.memory_space<hbm>>
      tpu.wait_dma2 semaphore(%arg39 : memref<!tpu.dma_semaphore, #tpu.memory_space<semaphore_mem>>) src(%dma_wait3A_84 : memref<6272xf32, #tpu.memory_space<hbm>>) dst(%dma_wait3A_81 : memref<6272xf32, #tpu.memory_space<vmem>>)
      %dma_wait3A_85 = arith.constant 0 : i32
      %dma_wait3A_86 = arith.constant 0 : i32
      %dma_wait3A_87 = arith.constant 0 : i32
      %dma_wait3A_88 = arith.constant 0 : i32
      %dma_wait3A_89 = tpu.memref_slice %arg27[%dma_wait3A_88] : memref<6272xf32, #tpu.memory_space<vmem>> -> memref<6272xf32, #tpu.memory_space<vmem>>
      %dma_wait3A_90 = arith.constant 0 : i32
      %dma_wait3A_91 = tpu.memref_slice %arg8[%dma_wait3A_85, %dma_wait3A_86, %dma_wait3A_87, %dma_wait3A_90] : memref<8x3x1x51200xf32, #tpu.memory_space<hbm>> -> memref<1x1x1x6272xf32, #tpu.memory_space<hbm>>
      %dma_wait3A_92 = tpu.memref_squeeze %dma_wait3A_91 : memref<1x1x1x6272xf32, #tpu.memory_space<hbm>> -> memref<6272xf32, #tpu.memory_space<hbm>>
      %dma_wait3A_93 = arith.constant 0 : i32
      %dma_wait3A_94 = tpu.memref_slice %arg27[%dma_wait3A_93] : memref<6272xf32, #tpu.memory_space<vmem>> -> memref<6272xf32, #tpu.memory_space<vmem>>
      %dma_wait3A_95 = arith.constant 0 : i32
      %dma_wait3A_96 = tpu.memref_slice %arg8[%dma_wait3A_85, %dma_wait3A_86, %dma_wait3A_87, %dma_wait3A_95] : memref<8x3x1x51200xf32, #tpu.memory_space<hbm>> -> memref<1x1x1x6272xf32, #tpu.memory_space<hbm>>
      %dma_wait3A_97 = tpu.memref_squeeze %dma_wait3A_96 : memref<1x1x1x6272xf32, #tpu.memory_space<hbm>> -> memref<6272xf32, #tpu.memory_space<hbm>>
      tpu.wait_dma2 semaphore(%arg39 : memref<!tpu.dma_semaphore, #tpu.memory_space<semaphore_mem>>) src(%dma_wait3A_97 : memref<6272xf32, #tpu.memory_space<hbm>>) dst(%dma_wait3A_94 : memref<6272xf32, #tpu.memory_space<vmem>>)
      %dma_wait3A_98 = arith.constant 0 : i32
      %dma_wait3A_99 = arith.constant 0 : i32
      %dma_wait3A_100 = arith.constant 0 : i32
      %dma_wait3A_101 = arith.constant 0 : i32
      %dma_wait3A_102 = tpu.memref_slice %arg27[%dma_wait3A_101] : memref<6272xf32, #tpu.memory_space<vmem>> -> memref<6272xf32, #tpu.memory_space<vmem>>
      %dma_wait3A_103 = arith.constant 0 : i32
      %dma_wait3A_104 = tpu.memref_slice %arg8[%dma_wait3A_98, %dma_wait3A_99, %dma_wait3A_100, %dma_wait3A_103] : memref<8x3x1x51200xf32, #tpu.memory_space<hbm>> -> memref<1x1x1x6272xf32, #tpu.memory_space<hbm>>
      %dma_wait3A_105 = tpu.memref_squeeze %dma_wait3A_104 : memref<1x1x1x6272xf32, #tpu.memory_space<hbm>> -> memref<6272xf32, #tpu.memory_space<hbm>>
      %dma_wait3A_106 = arith.constant 0 : i32
      %dma_wait3A_107 = tpu.memref_slice %arg27[%dma_wait3A_106] : memref<6272xf32, #tpu.memory_space<vmem>> -> memref<6272xf32, #tpu.memory_space<vmem>>
      %dma_wait3A_108 = arith.constant 0 : i32
      %dma_wait3A_109 = tpu.memref_slice %arg8[%dma_wait3A_98, %dma_wait3A_99, %dma_wait3A_100, %dma_wait3A_108] : memref<8x3x1x51200xf32, #tpu.memory_space<hbm>> -> memref<1x1x1x6272xf32, #tpu.memory_space<hbm>>
      %dma_wait3A_110 = tpu.memref_squeeze %dma_wait3A_109 : memref<1x1x1x6272xf32, #tpu.memory_space<hbm>> -> memref<6272xf32, #tpu.memory_space<hbm>>
      tpu.wait_dma2 semaphore(%arg39 : memref<!tpu.dma_semaphore, #tpu.memory_space<semaphore_mem>>) src(%dma_wait3A_110 : memref<6272xf32, #tpu.memory_space<hbm>>) dst(%dma_wait3A_107 : memref<6272xf32, #tpu.memory_space<vmem>>)
      %dma_wait3A_111 = arith.constant 0 : i32
      %dma_wait3A_112 = arith.constant 0 : i32
      %dma_wait3A_113 = arith.constant 0 : i32
      %dma_wait3A_114 = arith.constant 0 : i32
      %dma_wait3A_115 = tpu.memref_slice %arg27[%dma_wait3A_114] : memref<6272xf32, #tpu.memory_space<vmem>> -> memref<6272xf32, #tpu.memory_space<vmem>>
      %dma_wait3A_116 = arith.constant 0 : i32
      %dma_wait3A_117 = tpu.memref_slice %arg8[%dma_wait3A_111, %dma_wait3A_112, %dma_wait3A_113, %dma_wait3A_116] : memref<8x3x1x51200xf32, #tpu.memory_space<hbm>> -> memref<1x1x1x6272xf32, #tpu.memory_space<hbm>>
      %dma_wait3A_118 = tpu.memref_squeeze %dma_wait3A_117 : memref<1x1x1x6272xf32, #tpu.memory_space<hbm>> -> memref<6272xf32, #tpu.memory_space<hbm>>
      %dma_wait3A_119 = arith.constant 0 : i32
      %dma_wait3A_120 = tpu.memref_slice %arg27[%dma_wait3A_119] : memref<6272xf32, #tpu.memory_space<vmem>> -> memref<6272xf32, #tpu.memory_space<vmem>>
      %dma_wait3A_121 = arith.constant 0 : i32
      %dma_wait3A_122 = tpu.memref_slice %arg8[%dma_wait3A_111, %dma_wait3A_112, %dma_wait3A_113, %dma_wait3A_121] : memref<8x3x1x51200xf32, #tpu.memory_space<hbm>> -> memref<1x1x1x6272xf32, #tpu.memory_space<hbm>>
      %dma_wait3A_123 = tpu.memref_squeeze %dma_wait3A_122 : memref<1x1x1x6272xf32, #tpu.memory_space<hbm>> -> memref<6272xf32, #tpu.memory_space<hbm>>
      tpu.wait_dma2 semaphore(%arg39 : memref<!tpu.dma_semaphore, #tpu.memory_space<semaphore_mem>>) src(%dma_wait3A_123 : memref<6272xf32, #tpu.memory_space<hbm>>) dst(%dma_wait3A_120 : memref<6272xf32, #tpu.memory_space<vmem>>)
      %dma_wait3A_124 = arith.constant 0 : i32
      %dma_wait3A_125 = arith.constant 0 : i32
      %dma_wait3A_126 = arith.constant 0 : i32
      %dma_wait3A_127 = arith.constant 0 : i32
      %dma_wait3A_128 = tpu.memref_slice %arg27[%dma_wait3A_127] : memref<6272xf32, #tpu.memory_space<vmem>> -> memref<6272xf32, #tpu.memory_space<vmem>>
      %dma_wait3A_129 = arith.constant 0 : i32
      %dma_wait3A_130 = tpu.memref_slice %arg8[%dma_wait3A_124, %dma_wait3A_125, %dma_wait3A_126, %dma_wait3A_129] : memref<8x3x1x51200xf32, #tpu.memory_space<hbm>> -> memref<1x1x1x6272xf32, #tpu.memory_space<hbm>>
      %dma_wait3A_131 = tpu.memref_squeeze %dma_wait3A_130 : memref<1x1x1x6272xf32, #tpu.memory_space<hbm>> -> memref<6272xf32, #tpu.memory_space<hbm>>
      %dma_wait3A_132 = arith.constant 0 : i32
      %dma_wait3A_133 = tpu.memref_slice %arg27[%dma_wait3A_132] : memref<6272xf32, #tpu.memory_space<vmem>> -> memref<6272xf32, #tpu.memory_space<vmem>>
      %dma_wait3A_134 = arith.constant 0 : i32
      %dma_wait3A_135 = tpu.memref_slice %arg8[%dma_wait3A_124, %dma_wait3A_125, %dma_wait3A_126, %dma_wait3A_134] : memref<8x3x1x51200xf32, #tpu.memory_space<hbm>> -> memref<1x1x1x6272xf32, #tpu.memory_space<hbm>>
      %dma_wait3A_136 = tpu.memref_squeeze %dma_wait3A_135 : memref<1x1x1x6272xf32, #tpu.memory_space<hbm>> -> memref<6272xf32, #tpu.memory_space<hbm>>
      tpu.wait_dma2 semaphore(%arg39 : memref<!tpu.dma_semaphore, #tpu.memory_space<semaphore_mem>>) src(%dma_wait3A_136 : memref<6272xf32, #tpu.memory_space<hbm>>) dst(%dma_wait3A_133 : memref<6272xf32, #tpu.memory_space<vmem>>)
      %dma_wait3A_137 = arith.constant 0 : i32
      %dma_wait3A_138 = arith.constant 0 : i32
      %dma_wait3A_139 = arith.constant 0 : i32
      %dma_wait3A_140 = arith.constant 0 : i32
      %dma_wait3A_141 = tpu.memref_slice %arg27[%dma_wait3A_140] : memref<6272xf32, #tpu.memory_space<vmem>> -> memref<6272xf32, #tpu.memory_space<vmem>>
      %dma_wait3A_142 = arith.constant 0 : i32
      %dma_wait3A_143 = tpu.memref_slice %arg8[%dma_wait3A_137, %dma_wait3A_138, %dma_wait3A_139, %dma_wait3A_142] : memref<8x3x1x51200xf32, #tpu.memory_space<hbm>> -> memref<1x1x1x6272xf32, #tpu.memory_space<hbm>>
      %dma_wait3A_144 = tpu.memref_squeeze %dma_wait3A_143 : memref<1x1x1x6272xf32, #tpu.memory_space<hbm>> -> memref<6272xf32, #tpu.memory_space<hbm>>
      %dma_wait3A_145 = arith.constant 0 : i32
      %dma_wait3A_146 = tpu.memref_slice %arg27[%dma_wait3A_145] : memref<6272xf32, #tpu.memory_space<vmem>> -> memref<6272xf32, #tpu.memory_space<vmem>>
      %dma_wait3A_147 = arith.constant 0 : i32
      %dma_wait3A_148 = tpu.memref_slice %arg8[%dma_wait3A_137, %dma_wait3A_138, %dma_wait3A_139, %dma_wait3A_147] : memref<8x3x1x51200xf32, #tpu.memory_space<hbm>> -> memref<1x1x1x6272xf32, #tpu.memory_space<hbm>>
      %dma_wait3A_149 = tpu.memref_squeeze %dma_wait3A_148 : memref<1x1x1x6272xf32, #tpu.memory_space<hbm>> -> memref<6272xf32, #tpu.memory_space<hbm>>
      tpu.wait_dma2 semaphore(%arg39 : memref<!tpu.dma_semaphore, #tpu.memory_space<semaphore_mem>>) src(%dma_wait3A_149 : memref<6272xf32, #tpu.memory_space<hbm>>) dst(%dma_wait3A_146 : memref<6272xf32, #tpu.memory_space<vmem>>)
      %parallel_loop3A_150 = arith.constant 0 : i32
      %parallel_loop3A_151 = arith.constant 392 : i32
      %parallel_loop3A_152 = arith.constant 1 : i32
      scf.for %parallel_loop3A_729 = %parallel_loop3A_150 to %parallel_loop3A_151 step %parallel_loop3A_152  : i32 {
        %parallel_loop3A_730 = arith.constant 16 : i32
        %parallel_loop3A_731 = arith.muli %parallel_loop3A_729, %parallel_loop3A_730 : i32
        %parallel_loop3A_732 = arith.index_cast %parallel_loop3A_731 : i32 to index
        %parallel_loop3A_733 = tpu.vector_load %arg27[%parallel_loop3A_732] {strides = array<i32>} : memref<6272xf32, #tpu.memory_space<vmem>>, vector<16xf32>,
        %parallel_loop3A_734 = arith.index_cast %parallel_loop3A_731 : i32 to index
        %parallel_loop3A_735 = tpu.vector_load %arg28[%parallel_loop3A_734] {strides = array<i32>} : memref<6272xf32, #tpu.memory_space<vmem>>, vector<16xf32>,
        %parallel_loop3A_736 = arith.index_cast %parallel_loop3A_731 : i32 to index
        %parallel_loop3A_737 = tpu.vector_load %arg29[%parallel_loop3A_736] {strides = array<i32>} : memref<6272xf32, #tpu.memory_space<vmem>>, vector<16xf32>,
        %parallel_loop3A_738 = arith.index_cast %parallel_loop3A_731 : i32 to index
        %parallel_loop3A_739 = tpu.vector_load %arg30[%parallel_loop3A_738] {strides = array<i32>} : memref<6272xf32, #tpu.memory_space<vmem>>, vector<16xf32>,
        %parallel_loop3A_740 = arith.subf %parallel_loop3A_739, %parallel_loop3A_733 : vector<16xf32>
        %parallel_loop3A_741 = arith.index_cast %parallel_loop3A_731 : i32 to index
        %parallel_loop3A_742 = tpu.vector_load %arg31[%parallel_loop3A_741] {strides = array<i32>} : memref<6272xf32, #tpu.memory_space<vmem>>, vector<16xf32>,
        %parallel_loop3A_743 = arith.subf %parallel_loop3A_742, %parallel_loop3A_735 : vector<16xf32>
        %parallel_loop3A_744 = arith.index_cast %parallel_loop3A_731 : i32 to index
        %parallel_loop3A_745 = tpu.vector_load %arg32[%parallel_loop3A_744] {strides = array<i32>} : memref<6272xf32, #tpu.memory_space<vmem>>, vector<16xf32>,
        %parallel_loop3A_746 = arith.subf %parallel_loop3A_745, %parallel_loop3A_737 : vector<16xf32>
        %parallel_loop3A_747 = arith.index_cast %parallel_loop3A_731 : i32 to index
        %parallel_loop3A_748 = tpu.vector_load %arg33[%parallel_loop3A_747] {strides = array<i32>} : memref<6272xf32, #tpu.memory_space<vmem>>, vector<16xf32>,
        %parallel_loop3A_749 = arith.subf %parallel_loop3A_748, %parallel_loop3A_733 : vector<16xf32>
        %parallel_loop3A_750 = arith.index_cast %parallel_loop3A_731 : i32 to index
        %parallel_loop3A_751 = tpu.vector_load %arg34[%parallel_loop3A_750] {strides = array<i32>} : memref<6272xf32, #tpu.memory_space<vmem>>, vector<16xf32>,
        %parallel_loop3A_752 = arith.subf %parallel_loop3A_751, %parallel_loop3A_735 : vector<16xf32>
        %parallel_loop3A_753 = arith.index_cast %parallel_loop3A_731 : i32 to index
        %parallel_loop3A_754 = tpu.vector_load %arg35[%parallel_loop3A_753] {strides = array<i32>} : memref<6272xf32, #tpu.memory_space<vmem>>, vector<16xf32>,
        %parallel_loop3A_755 = arith.subf %parallel_loop3A_754, %parallel_loop3A_737 : vector<16xf32>
        %parallel_loop3A_756 = arith.mulf %parallel_loop3A_743, %parallel_loop3A_755 : vector<16xf32>
        %parallel_loop3A_757 = arith.mulf %parallel_loop3A_746, %parallel_loop3A_752 : vector<16xf32>
        %parallel_loop3A_758 = arith.subf %parallel_loop3A_756, %parallel_loop3A_757 : vector<16xf32>
        %parallel_loop3A_759 = arith.index_cast %parallel_loop3A_731 : i32 to index
        %parallel_loop3A_760 = tpu.vector_load %arg27[%parallel_loop3A_759] {strides = array<i32>} : memref<6272xf32, #tpu.memory_space<vmem>>, vector<16xf32>,
        tpu.vector_store %arg27[%parallel_loop3A_759], %parallel_loop3A_758 {strides = array<i32>} : memref<6272xf32, #tpu.memory_space<vmem>>, vector<16xf32>,
        %parallel_loop3A_761 = arith.mulf %parallel_loop3A_746, %parallel_loop3A_749 : vector<16xf32>
        %parallel_loop3A_762 = arith.mulf %parallel_loop3A_740, %parallel_loop3A_755 : vector<16xf32>
        %parallel_loop3A_763 = arith.subf %parallel_loop3A_761, %parallel_loop3A_762 : vector<16xf32>
        %parallel_loop3A_764 = arith.index_cast %parallel_loop3A_731 : i32 to index
        %parallel_loop3A_765 = tpu.vector_load %arg28[%parallel_loop3A_764] {strides = array<i32>} : memref<6272xf32, #tpu.memory_space<vmem>>, vector<16xf32>,
        tpu.vector_store %arg28[%parallel_loop3A_764], %parallel_loop3A_763 {strides = array<i32>} : memref<6272xf32, #tpu.memory_space<vmem>>, vector<16xf32>,
        %parallel_loop3A_766 = arith.mulf %parallel_loop3A_740, %parallel_loop3A_752 : vector<16xf32>
        %parallel_loop3A_767 = arith.mulf %parallel_loop3A_743, %parallel_loop3A_749 : vector<16xf32>
        %parallel_loop3A_768 = arith.subf %parallel_loop3A_766, %parallel_loop3A_767 : vector<16xf32>
        %parallel_loop3A_769 = arith.index_cast %parallel_loop3A_731 : i32 to index
        %parallel_loop3A_770 = tpu.vector_load %arg29[%parallel_loop3A_769] {strides = array<i32>} : memref<6272xf32, #tpu.memory_space<vmem>>, vector<16xf32>,
        tpu.vector_store %arg29[%parallel_loop3A_769], %parallel_loop3A_768 {strides = array<i32>} : memref<6272xf32, #tpu.memory_space<vmem>>, vector<16xf32>,
      } {sc.loop_unroll_factor = 8 : i64, sc.parallel_access}
      %scan3A_153 = arith.constant 0 : i32
      %scan3A_154 = arith.constant 0 : i32
      %scan3A_155 = arith.constant 14 : i32
      %scan3A_156 = arith.addi %scan3A_154, %scan3A_155 : i32
      %scan3A_157 = arith.constant 1 : i32
      scf.for %scan3A_729 = %scan3A_154 to %scan3A_156 step %scan3A_157  : i32 {
        %mul3A_730 = arith.constant 448 : i32
        %mul3A_731 = arith.muli %scan3A_729, %mul3A_730 : i32
        %dma_start3A = tpu.memref_slice %arg27[%mul3A_731] : memref<6272xf32, #tpu.memory_space<vmem>> -> memref<448xf32, #tpu.memory_space<vmem>>
        %dma_start3A_732 = tpu.memref_slice %arg18[%mul3A_731] : memref<6272xi32, #tpu.memory_space<vmem>> -> memref<448xi32, #tpu.memory_space<vmem>>
        %dma_start3A_733 = arith.constant 0 : i32
        %dma_start3A_734 = tpu.memref_slice %arg12[%dma_start3A_733] : memref<51200xf32, #tpu.memory_space<vmem_shared>> -> memref<51200xf32, #tpu.memory_space<vmem_shared>>
        tpu.enqueue_indirect_dma source(%dma_start3A : memref<448xf32, #tpu.memory_space<vmem>>) target(%dma_start3A_734 : memref<51200xf32, #tpu.memory_space<vmem_shared>>) offsets(%dma_start3A_732 : memref<448xi32, #tpu.memory_space<vmem>>) semaphore(%arg40 : memref<!tpu.dma_semaphore, #tpu.memory_space<semaphore_mem>>) {add = true}
        %dma_start3A_735 = tpu.memref_slice %arg28[%mul3A_731] : memref<6272xf32, #tpu.memory_space<vmem>> -> memref<448xf32, #tpu.memory_space<vmem>>
        %dma_start3A_736 = tpu.memref_slice %arg18[%mul3A_731] : memref<6272xi32, #tpu.memory_space<vmem>> -> memref<448xi32, #tpu.memory_space<vmem>>
        %dma_start3A_737 = arith.constant 0 : i32
        %dma_start3A_738 = tpu.memref_slice %arg13[%dma_start3A_737] : memref<51200xf32, #tpu.memory_space<vmem_shared>> -> memref<51200xf32, #tpu.memory_space<vmem_shared>>
        tpu.enqueue_indirect_dma source(%dma_start3A_735 : memref<448xf32, #tpu.memory_space<vmem>>) target(%dma_start3A_738 : memref<51200xf32, #tpu.memory_space<vmem_shared>>) offsets(%dma_start3A_736 : memref<448xi32, #tpu.memory_space<vmem>>) semaphore(%arg40 : memref<!tpu.dma_semaphore, #tpu.memory_space<semaphore_mem>>) {add = true}
        %dma_start3A_739 = tpu.memref_slice %arg29[%mul3A_731] : memref<6272xf32, #tpu.memory_space<vmem>> -> memref<448xf32, #tpu.memory_space<vmem>>
        %dma_start3A_740 = tpu.memref_slice %arg18[%mul3A_731] : memref<6272xi32, #tpu.memory_space<vmem>> -> memref<448xi32, #tpu.memory_space<vmem>>
        %dma_start3A_741 = arith.constant 0 : i32
        %dma_start3A_742 = tpu.memref_slice %arg14[%dma_start3A_741] : memref<51200xf32, #tpu.memory_space<vmem_shared>> -> memref<51200xf32, #tpu.memory_space<vmem_shared>>
        tpu.enqueue_indirect_dma source(%dma_start3A_739 : memref<448xf32, #tpu.memory_space<vmem>>) target(%dma_start3A_742 : memref<51200xf32, #tpu.memory_space<vmem_shared>>) offsets(%dma_start3A_740 : memref<448xi32, #tpu.memory_space<vmem>>) semaphore(%arg40 : memref<!tpu.dma_semaphore, #tpu.memory_space<semaphore_mem>>) {add = true}
        %dma_start3A_743 = tpu.memref_slice %arg27[%mul3A_731] : memref<6272xf32, #tpu.memory_space<vmem>> -> memref<448xf32, #tpu.memory_space<vmem>>
        %dma_start3A_744 = tpu.memref_slice %arg19[%mul3A_731] : memref<6272xi32, #tpu.memory_space<vmem>> -> memref<448xi32, #tpu.memory_space<vmem>>
        %dma_start3A_745 = arith.constant 0 : i32
        %dma_start3A_746 = tpu.memref_slice %arg12[%dma_start3A_745] : memref<51200xf32, #tpu.memory_space<vmem_shared>> -> memref<51200xf32, #tpu.memory_space<vmem_shared>>
        tpu.enqueue_indirect_dma source(%dma_start3A_743 : memref<448xf32, #tpu.memory_space<vmem>>) target(%dma_start3A_746 : memref<51200xf32, #tpu.memory_space<vmem_shared>>) offsets(%dma_start3A_744 : memref<448xi32, #tpu.memory_space<vmem>>) semaphore(%arg40 : memref<!tpu.dma_semaphore, #tpu.memory_space<semaphore_mem>>) {add = true}
        %dma_start3A_747 = tpu.memref_slice %arg28[%mul3A_731] : memref<6272xf32, #tpu.memory_space<vmem>> -> memref<448xf32, #tpu.memory_space<vmem>>
        %dma_start3A_748 = tpu.memref_slice %arg19[%mul3A_731] : memref<6272xi32, #tpu.memory_space<vmem>> -> memref<448xi32, #tpu.memory_space<vmem>>
        %dma_start3A_749 = arith.constant 0 : i32
        %dma_start3A_750 = tpu.memref_slice %arg13[%dma_start3A_749] : memref<51200xf32, #tpu.memory_space<vmem_shared>> -> memref<51200xf32, #tpu.memory_space<vmem_shared>>
        tpu.enqueue_indirect_dma source(%dma_start3A_747 : memref<448xf32, #tpu.memory_space<vmem>>) target(%dma_start3A_750 : memref<51200xf32, #tpu.memory_space<vmem_shared>>) offsets(%dma_start3A_748 : memref<448xi32, #tpu.memory_space<vmem>>) semaphore(%arg40 : memref<!tpu.dma_semaphore, #tpu.memory_space<semaphore_mem>>) {add = true}
        %dma_start3A_751 = tpu.memref_slice %arg29[%mul3A_731] : memref<6272xf32, #tpu.memory_space<vmem>> -> memref<448xf32, #tpu.memory_space<vmem>>
        %dma_start3A_752 = tpu.memref_slice %arg19[%mul3A_731] : memref<6272xi32, #tpu.memory_space<vmem>> -> memref<448xi32, #tpu.memory_space<vmem>>
        %dma_start3A_753 = arith.constant 0 : i32
        %dma_start3A_754 = tpu.memref_slice %arg14[%dma_start3A_753] : memref<51200xf32, #tpu.memory_space<vmem_shared>> -> memref<51200xf32, #tpu.memory_space<vmem_shared>>
        tpu.enqueue_indirect_dma source(%dma_start3A_751 : memref<448xf32, #tpu.memory_space<vmem>>) target(%dma_start3A_754 : memref<51200xf32, #tpu.memory_space<vmem_shared>>) offsets(%dma_start3A_752 : memref<448xi32, #tpu.memory_space<vmem>>) semaphore(%arg40 : memref<!tpu.dma_semaphore, #tpu.memory_space<semaphore_mem>>) {add = true}
        %dma_start3A_755 = tpu.memref_slice %arg27[%mul3A_731] : memref<6272xf32, #tpu.memory_space<vmem>> -> memref<448xf32, #tpu.memory_space<vmem>>
        %dma_start3A_756 = tpu.memref_slice %arg20[%mul3A_731] : memref<6272xi32, #tpu.memory_space<vmem>> -> memref<448xi32, #tpu.memory_space<vmem>>
        %dma_start3A_757 = arith.constant 0 : i32
        %dma_start3A_758 = tpu.memref_slice %arg12[%dma_start3A_757] : memref<51200xf32, #tpu.memory_space<vmem_shared>> -> memref<51200xf32, #tpu.memory_space<vmem_shared>>
        tpu.enqueue_indirect_dma source(%dma_start3A_755 : memref<448xf32, #tpu.memory_space<vmem>>) target(%dma_start3A_758 : memref<51200xf32, #tpu.memory_space<vmem_shared>>) offsets(%dma_start3A_756 : memref<448xi32, #tpu.memory_space<vmem>>) semaphore(%arg40 : memref<!tpu.dma_semaphore, #tpu.memory_space<semaphore_mem>>) {add = true}
        %dma_start3A_759 = tpu.memref_slice %arg28[%mul3A_731] : memref<6272xf32, #tpu.memory_space<vmem>> -> memref<448xf32, #tpu.memory_space<vmem>>
        %dma_start3A_760 = tpu.memref_slice %arg20[%mul3A_731] : memref<6272xi32, #tpu.memory_space<vmem>> -> memref<448xi32, #tpu.memory_space<vmem>>
        %dma_start3A_761 = arith.constant 0 : i32
        %dma_start3A_762 = tpu.memref_slice %arg13[%dma_start3A_761] : memref<51200xf32, #tpu.memory_space<vmem_shared>> -> memref<51200xf32, #tpu.memory_space<vmem_shared>>
        tpu.enqueue_indirect_dma source(%dma_start3A_759 : memref<448xf32, #tpu.memory_space<vmem>>) target(%dma_start3A_762 : memref<51200xf32, #tpu.memory_space<vmem_shared>>) offsets(%dma_start3A_760 : memref<448xi32, #tpu.memory_space<vmem>>) semaphore(%arg40 : memref<!tpu.dma_semaphore, #tpu.memory_space<semaphore_mem>>) {add = true}
        %dma_start3A_763 = tpu.memref_slice %arg29[%mul3A_731] : memref<6272xf32, #tpu.memory_space<vmem>> -> memref<448xf32, #tpu.memory_space<vmem>>
        %dma_start3A_764 = tpu.memref_slice %arg20[%mul3A_731] : memref<6272xi32, #tpu.memory_space<vmem>> -> memref<448xi32, #tpu.memory_space<vmem>>
        %dma_start3A_765 = arith.constant 0 : i32
        %dma_start3A_766 = tpu.memref_slice %arg14[%dma_start3A_765] : memref<51200xf32, #tpu.memory_space<vmem_shared>> -> memref<51200xf32, #tpu.memory_space<vmem_shared>>
        tpu.enqueue_indirect_dma source(%dma_start3A_763 : memref<448xf32, #tpu.memory_space<vmem>>) target(%dma_start3A_766 : memref<51200xf32, #tpu.memory_space<vmem_shared>>) offsets(%dma_start3A_764 : memref<448xi32, #tpu.memory_space<vmem>>) semaphore(%arg40 : memref<!tpu.dma_semaphore, #tpu.memory_space<semaphore_mem>>) {add = true}
      }
      %scan3A_158 = arith.constant 14 : i32
      %dma_wait3A_159 = arith.constant 0 : i32
      %dma_wait3A_160 = arith.constant 0 : i32
      %dma_wait3A_161 = arith.constant 0 : i32
      %dma_wait3A_162 = arith.constant 0 : i32
      %dma_wait3A_163 = tpu.memref_slice %arg27[%dma_wait3A_162] : memref<6272xf32, #tpu.memory_space<vmem>> -> memref<6272xf32, #tpu.memory_space<vmem>>
      %dma_wait3A_164 = arith.constant 0 : i32
      %dma_wait3A_165 = tpu.memref_slice %arg8[%dma_wait3A_159, %dma_wait3A_160, %dma_wait3A_161, %dma_wait3A_164] : memref<8x3x1x51200xf32, #tpu.memory_space<hbm>> -> memref<1x1x1x6272xf32, #tpu.memory_space<hbm>>
      %dma_wait3A_166 = tpu.memref_squeeze %dma_wait3A_165 : memref<1x1x1x6272xf32, #tpu.memory_space<hbm>> -> memref<6272xf32, #tpu.memory_space<hbm>>
      %dma_wait3A_167 = arith.constant 0 : i32
      %dma_wait3A_168 = tpu.memref_slice %arg27[%dma_wait3A_167] : memref<6272xf32, #tpu.memory_space<vmem>> -> memref<6272xf32, #tpu.memory_space<vmem>>
      %dma_wait3A_169 = arith.constant 0 : i32
      %dma_wait3A_170 = tpu.memref_slice %arg8[%dma_wait3A_159, %dma_wait3A_160, %dma_wait3A_161, %dma_wait3A_169] : memref<8x3x1x51200xf32, #tpu.memory_space<hbm>> -> memref<1x1x1x6272xf32, #tpu.memory_space<hbm>>
      %dma_wait3A_171 = tpu.memref_squeeze %dma_wait3A_170 : memref<1x1x1x6272xf32, #tpu.memory_space<hbm>> -> memref<6272xf32, #tpu.memory_space<hbm>>
      tpu.wait_dma2 semaphore(%arg40 : memref<!tpu.dma_semaphore, #tpu.memory_space<semaphore_mem>>) src(%dma_wait3A_171 : memref<6272xf32, #tpu.memory_space<hbm>>) dst(%dma_wait3A_168 : memref<6272xf32, #tpu.memory_space<vmem>>)
      %dma_wait3A_172 = arith.constant 0 : i32
      %dma_wait3A_173 = arith.constant 0 : i32
      %dma_wait3A_174 = arith.constant 0 : i32
      %dma_wait3A_175 = arith.constant 0 : i32
      %dma_wait3A_176 = tpu.memref_slice %arg27[%dma_wait3A_175] : memref<6272xf32, #tpu.memory_space<vmem>> -> memref<6272xf32, #tpu.memory_space<vmem>>
      %dma_wait3A_177 = arith.constant 0 : i32
      %dma_wait3A_178 = tpu.memref_slice %arg8[%dma_wait3A_172, %dma_wait3A_173, %dma_wait3A_174, %dma_wait3A_177] : memref<8x3x1x51200xf32, #tpu.memory_space<hbm>> -> memref<1x1x1x6272xf32, #tpu.memory_space<hbm>>
      %dma_wait3A_179 = tpu.memref_squeeze %dma_wait3A_178 : memref<1x1x1x6272xf32, #tpu.memory_space<hbm>> -> memref<6272xf32, #tpu.memory_space<hbm>>
      %dma_wait3A_180 = arith.constant 0 : i32
      %dma_wait3A_181 = tpu.memref_slice %arg27[%dma_wait3A_180] : memref<6272xf32, #tpu.memory_space<vmem>> -> memref<6272xf32, #tpu.memory_space<vmem>>
      %dma_wait3A_182 = arith.constant 0 : i32
      %dma_wait3A_183 = tpu.memref_slice %arg8[%dma_wait3A_172, %dma_wait3A_173, %dma_wait3A_174, %dma_wait3A_182] : memref<8x3x1x51200xf32, #tpu.memory_space<hbm>> -> memref<1x1x1x6272xf32, #tpu.memory_space<hbm>>
      %dma_wait3A_184 = tpu.memref_squeeze %dma_wait3A_183 : memref<1x1x1x6272xf32, #tpu.memory_space<hbm>> -> memref<6272xf32, #tpu.memory_space<hbm>>
      tpu.wait_dma2 semaphore(%arg40 : memref<!tpu.dma_semaphore, #tpu.memory_space<semaphore_mem>>) src(%dma_wait3A_184 : memref<6272xf32, #tpu.memory_space<hbm>>) dst(%dma_wait3A_181 : memref<6272xf32, #tpu.memory_space<vmem>>)
      %dma_wait3A_185 = arith.constant 0 : i32
      %dma_wait3A_186 = arith.constant 0 : i32
      %dma_wait3A_187 = arith.constant 0 : i32
      %dma_wait3A_188 = arith.constant 0 : i32
      %dma_wait3A_189 = tpu.memref_slice %arg27[%dma_wait3A_188] : memref<6272xf32, #tpu.memory_space<vmem>> -> memref<6272xf32, #tpu.memory_space<vmem>>
      %dma_wait3A_190 = arith.constant 0 : i32
      %dma_wait3A_191 = tpu.memref_slice %arg8[%dma_wait3A_185, %dma_wait3A_186, %dma_wait3A_187, %dma_wait3A_190] : memref<8x3x1x51200xf32, #tpu.memory_space<hbm>> -> memref<1x1x1x6272xf32, #tpu.memory_space<hbm>>
      %dma_wait3A_192 = tpu.memref_squeeze %dma_wait3A_191 : memref<1x1x1x6272xf32, #tpu.memory_space<hbm>> -> memref<6272xf32, #tpu.memory_space<hbm>>
      %dma_wait3A_193 = arith.constant 0 : i32
      %dma_wait3A_194 = tpu.memref_slice %arg27[%dma_wait3A_193] : memref<6272xf32, #tpu.memory_space<vmem>> -> memref<6272xf32, #tpu.memory_space<vmem>>
      %dma_wait3A_195 = arith.constant 0 : i32
      %dma_wait3A_196 = tpu.memref_slice %arg8[%dma_wait3A_185, %dma_wait3A_186, %dma_wait3A_187, %dma_wait3A_195] : memref<8x3x1x51200xf32, #tpu.memory_space<hbm>> -> memref<1x1x1x6272xf32, #tpu.memory_space<hbm>>
      %dma_wait3A_197 = tpu.memref_squeeze %dma_wait3A_196 : memref<1x1x1x6272xf32, #tpu.memory_space<hbm>> -> memref<6272xf32, #tpu.memory_space<hbm>>
      tpu.wait_dma2 semaphore(%arg40 : memref<!tpu.dma_semaphore, #tpu.memory_space<semaphore_mem>>) src(%dma_wait3A_197 : memref<6272xf32, #tpu.memory_space<hbm>>) dst(%dma_wait3A_194 : memref<6272xf32, #tpu.memory_space<vmem>>)
      %dma_wait3A_198 = arith.constant 0 : i32
      %dma_wait3A_199 = arith.constant 0 : i32
      %dma_wait3A_200 = arith.constant 0 : i32
      %dma_wait3A_201 = arith.constant 0 : i32
      %dma_wait3A_202 = tpu.memref_slice %arg27[%dma_wait3A_201] : memref<6272xf32, #tpu.memory_space<vmem>> -> memref<6272xf32, #tpu.memory_space<vmem>>
      %dma_wait3A_203 = arith.constant 0 : i32
      %dma_wait3A_204 = tpu.memref_slice %arg8[%dma_wait3A_198, %dma_wait3A_199, %dma_wait3A_200, %dma_wait3A_203] : memref<8x3x1x51200xf32, #tpu.memory_space<hbm>> -> memref<1x1x1x6272xf32, #tpu.memory_space<hbm>>
      %dma_wait3A_205 = tpu.memref_squeeze %dma_wait3A_204 : memref<1x1x1x6272xf32, #tpu.memory_space<hbm>> -> memref<6272xf32, #tpu.memory_space<hbm>>
      %dma_wait3A_206 = arith.constant 0 : i32
      %dma_wait3A_207 = tpu.memref_slice %arg27[%dma_wait3A_206] : memref<6272xf32, #tpu.memory_space<vmem>> -> memref<6272xf32, #tpu.memory_space<vmem>>
      %dma_wait3A_208 = arith.constant 0 : i32
      %dma_wait3A_209 = tpu.memref_slice %arg8[%dma_wait3A_198, %dma_wait3A_199, %dma_wait3A_200, %dma_wait3A_208] : memref<8x3x1x51200xf32, #tpu.memory_space<hbm>> -> memref<1x1x1x6272xf32, #tpu.memory_space<hbm>>
      %dma_wait3A_210 = tpu.memref_squeeze %dma_wait3A_209 : memref<1x1x1x6272xf32, #tpu.memory_space<hbm>> -> memref<6272xf32, #tpu.memory_space<hbm>>
      tpu.wait_dma2 semaphore(%arg40 : memref<!tpu.dma_semaphore, #tpu.memory_space<semaphore_mem>>) src(%dma_wait3A_210 : memref<6272xf32, #tpu.memory_space<hbm>>) dst(%dma_wait3A_207 : memref<6272xf32, #tpu.memory_space<vmem>>)
      %dma_wait3A_211 = arith.constant 0 : i32
      %dma_wait3A_212 = arith.constant 0 : i32
      %dma_wait3A_213 = arith.constant 0 : i32
      %dma_wait3A_214 = arith.constant 0 : i32
      %dma_wait3A_215 = tpu.memref_slice %arg27[%dma_wait3A_214] : memref<6272xf32, #tpu.memory_space<vmem>> -> memref<6272xf32, #tpu.memory_space<vmem>>
      %dma_wait3A_216 = arith.constant 0 : i32
      %dma_wait3A_217 = tpu.memref_slice %arg8[%dma_wait3A_211, %dma_wait3A_212, %dma_wait3A_213, %dma_wait3A_216] : memref<8x3x1x51200xf32, #tpu.memory_space<hbm>> -> memref<1x1x1x6272xf32, #tpu.memory_space<hbm>>
      %dma_wait3A_218 = tpu.memref_squeeze %dma_wait3A_217 : memref<1x1x1x6272xf32, #tpu.memory_space<hbm>> -> memref<6272xf32, #tpu.memory_space<hbm>>
      %dma_wait3A_219 = arith.constant 0 : i32
      %dma_wait3A_220 = tpu.memref_slice %arg27[%dma_wait3A_219] : memref<6272xf32, #tpu.memory_space<vmem>> -> memref<6272xf32, #tpu.memory_space<vmem>>
      %dma_wait3A_221 = arith.constant 0 : i32
      %dma_wait3A_222 = tpu.memref_slice %arg8[%dma_wait3A_211, %dma_wait3A_212, %dma_wait3A_213, %dma_wait3A_221] : memref<8x3x1x51200xf32, #tpu.memory_space<hbm>> -> memref<1x1x1x6272xf32, #tpu.memory_space<hbm>>
      %dma_wait3A_223 = tpu.memref_squeeze %dma_wait3A_222 : memref<1x1x1x6272xf32, #tpu.memory_space<hbm>> -> memref<6272xf32, #tpu.memory_space<hbm>>
      tpu.wait_dma2 semaphore(%arg40 : memref<!tpu.dma_semaphore, #tpu.memory_space<semaphore_mem>>) src(%dma_wait3A_223 : memref<6272xf32, #tpu.memory_space<hbm>>) dst(%dma_wait3A_220 : memref<6272xf32, #tpu.memory_space<vmem>>)
      %dma_wait3A_224 = arith.constant 0 : i32
      %dma_wait3A_225 = arith.constant 0 : i32
      %dma_wait3A_226 = arith.constant 0 : i32
      %dma_wait3A_227 = arith.constant 0 : i32
      %dma_wait3A_228 = tpu.memref_slice %arg27[%dma_wait3A_227] : memref<6272xf32, #tpu.memory_space<vmem>> -> memref<6272xf32, #tpu.memory_space<vmem>>
      %dma_wait3A_229 = arith.constant 0 : i32
      %dma_wait3A_230 = tpu.memref_slice %arg8[%dma_wait3A_224, %dma_wait3A_225, %dma_wait3A_226, %dma_wait3A_229] : memref<8x3x1x51200xf32, #tpu.memory_space<hbm>> -> memref<1x1x1x6272xf32, #tpu.memory_space<hbm>>
      %dma_wait3A_231 = tpu.memref_squeeze %dma_wait3A_230 : memref<1x1x1x6272xf32, #tpu.memory_space<hbm>> -> memref<6272xf32, #tpu.memory_space<hbm>>
      %dma_wait3A_232 = arith.constant 0 : i32
      %dma_wait3A_233 = tpu.memref_slice %arg27[%dma_wait3A_232] : memref<6272xf32, #tpu.memory_space<vmem>> -> memref<6272xf32, #tpu.memory_space<vmem>>
      %dma_wait3A_234 = arith.constant 0 : i32
      %dma_wait3A_235 = tpu.memref_slice %arg8[%dma_wait3A_224, %dma_wait3A_225, %dma_wait3A_226, %dma_wait3A_234] : memref<8x3x1x51200xf32, #tpu.memory_space<hbm>> -> memref<1x1x1x6272xf32, #tpu.memory_space<hbm>>
      %dma_wait3A_236 = tpu.memref_squeeze %dma_wait3A_235 : memref<1x1x1x6272xf32, #tpu.memory_space<hbm>> -> memref<6272xf32, #tpu.memory_space<hbm>>
      tpu.wait_dma2 semaphore(%arg40 : memref<!tpu.dma_semaphore, #tpu.memory_space<semaphore_mem>>) src(%dma_wait3A_236 : memref<6272xf32, #tpu.memory_space<hbm>>) dst(%dma_wait3A_233 : memref<6272xf32, #tpu.memory_space<vmem>>)
      %dma_wait3A_237 = arith.constant 0 : i32
      %dma_wait3A_238 = arith.constant 0 : i32
      %dma_wait3A_239 = arith.constant 0 : i32
      %dma_wait3A_240 = arith.constant 0 : i32
      %dma_wait3A_241 = tpu.memref_slice %arg27[%dma_wait3A_240] : memref<6272xf32, #tpu.memory_space<vmem>> -> memref<6272xf32, #tpu.memory_space<vmem>>
      %dma_wait3A_242 = arith.constant 0 : i32
      %dma_wait3A_243 = tpu.memref_slice %arg8[%dma_wait3A_237, %dma_wait3A_238, %dma_wait3A_239, %dma_wait3A_242] : memref<8x3x1x51200xf32, #tpu.memory_space<hbm>> -> memref<1x1x1x6272xf32, #tpu.memory_space<hbm>>
      %dma_wait3A_244 = tpu.memref_squeeze %dma_wait3A_243 : memref<1x1x1x6272xf32, #tpu.memory_space<hbm>> -> memref<6272xf32, #tpu.memory_space<hbm>>
      %dma_wait3A_245 = arith.constant 0 : i32
      %dma_wait3A_246 = tpu.memref_slice %arg27[%dma_wait3A_245] : memref<6272xf32, #tpu.memory_space<vmem>> -> memref<6272xf32, #tpu.memory_space<vmem>>
      %dma_wait3A_247 = arith.constant 0 : i32
      %dma_wait3A_248 = tpu.memref_slice %arg8[%dma_wait3A_237, %dma_wait3A_238, %dma_wait3A_239, %dma_wait3A_247] : memref<8x3x1x51200xf32, #tpu.memory_space<hbm>> -> memref<1x1x1x6272xf32, #tpu.memory_space<hbm>>
      %dma_wait3A_249 = tpu.memref_squeeze %dma_wait3A_248 : memref<1x1x1x6272xf32, #tpu.memory_space<hbm>> -> memref<6272xf32, #tpu.memory_space<hbm>>
      tpu.wait_dma2 semaphore(%arg40 : memref<!tpu.dma_semaphore, #tpu.memory_space<semaphore_mem>>) src(%dma_wait3A_249 : memref<6272xf32, #tpu.memory_space<hbm>>) dst(%dma_wait3A_246 : memref<6272xf32, #tpu.memory_space<vmem>>)
      %dma_wait3A_250 = arith.constant 0 : i32
      %dma_wait3A_251 = arith.constant 0 : i32
      %dma_wait3A_252 = arith.constant 0 : i32
      %dma_wait3A_253 = arith.constant 0 : i32
      %dma_wait3A_254 = tpu.memref_slice %arg27[%dma_wait3A_253] : memref<6272xf32, #tpu.memory_space<vmem>> -> memref<6272xf32, #tpu.memory_space<vmem>>
      %dma_wait3A_255 = arith.constant 0 : i32
      %dma_wait3A_256 = tpu.memref_slice %arg8[%dma_wait3A_250, %dma_wait3A_251, %dma_wait3A_252, %dma_wait3A_255] : memref<8x3x1x51200xf32, #tpu.memory_space<hbm>> -> memref<1x1x1x6272xf32, #tpu.memory_space<hbm>>
      %dma_wait3A_257 = tpu.memref_squeeze %dma_wait3A_256 : memref<1x1x1x6272xf32, #tpu.memory_space<hbm>> -> memref<6272xf32, #tpu.memory_space<hbm>>
      %dma_wait3A_258 = arith.constant 0 : i32
      %dma_wait3A_259 = tpu.memref_slice %arg27[%dma_wait3A_258] : memref<6272xf32, #tpu.memory_space<vmem>> -> memref<6272xf32, #tpu.memory_space<vmem>>
      %dma_wait3A_260 = arith.constant 0 : i32
      %dma_wait3A_261 = tpu.memref_slice %arg8[%dma_wait3A_250, %dma_wait3A_251, %dma_wait3A_252, %dma_wait3A_260] : memref<8x3x1x51200xf32, #tpu.memory_space<hbm>> -> memref<1x1x1x6272xf32, #tpu.memory_space<hbm>>
      %dma_wait3A_262 = tpu.memref_squeeze %dma_wait3A_261 : memref<1x1x1x6272xf32, #tpu.memory_space<hbm>> -> memref<6272xf32, #tpu.memory_space<hbm>>
      tpu.wait_dma2 semaphore(%arg40 : memref<!tpu.dma_semaphore, #tpu.memory_space<semaphore_mem>>) src(%dma_wait3A_262 : memref<6272xf32, #tpu.memory_space<hbm>>) dst(%dma_wait3A_259 : memref<6272xf32, #tpu.memory_space<vmem>>)
      %dma_wait3A_263 = arith.constant 0 : i32
      %dma_wait3A_264 = arith.constant 0 : i32
      %dma_wait3A_265 = arith.constant 0 : i32
      %dma_wait3A_266 = arith.constant 0 : i32
      %dma_wait3A_267 = tpu.memref_slice %arg27[%dma_wait3A_266] : memref<6272xf32, #tpu.memory_space<vmem>> -> memref<6272xf32, #tpu.memory_space<vmem>>
      %dma_wait3A_268 = arith.constant 0 : i32
      %dma_wait3A_269 = tpu.memref_slice %arg8[%dma_wait3A_263, %dma_wait3A_264, %dma_wait3A_265, %dma_wait3A_268] : memref<8x3x1x51200xf32, #tpu.memory_space<hbm>> -> memref<1x1x1x6272xf32, #tpu.memory_space<hbm>>
      %dma_wait3A_270 = tpu.memref_squeeze %dma_wait3A_269 : memref<1x1x1x6272xf32, #tpu.memory_space<hbm>> -> memref<6272xf32, #tpu.memory_space<hbm>>
      %dma_wait3A_271 = arith.constant 0 : i32
      %dma_wait3A_272 = tpu.memref_slice %arg27[%dma_wait3A_271] : memref<6272xf32, #tpu.memory_space<vmem>> -> memref<6272xf32, #tpu.memory_space<vmem>>
      %dma_wait3A_273 = arith.constant 0 : i32
      %dma_wait3A_274 = tpu.memref_slice %arg8[%dma_wait3A_263, %dma_wait3A_264, %dma_wait3A_265, %dma_wait3A_273] : memref<8x3x1x51200xf32, #tpu.memory_space<hbm>> -> memref<1x1x1x6272xf32, #tpu.memory_space<hbm>>
      %dma_wait3A_275 = tpu.memref_squeeze %dma_wait3A_274 : memref<1x1x1x6272xf32, #tpu.memory_space<hbm>> -> memref<6272xf32, #tpu.memory_space<hbm>>
      tpu.wait_dma2 semaphore(%arg40 : memref<!tpu.dma_semaphore, #tpu.memory_space<semaphore_mem>>) src(%dma_wait3A_275 : memref<6272xf32, #tpu.memory_space<hbm>>) dst(%dma_wait3A_272 : memref<6272xf32, #tpu.memory_space<vmem>>)
      %barrier3A_276 = arith.constant 0 : index
      tpu.barrier barrier_id(%barrier3A_276)
      %mul3A_277 = arith.constant 896 : i32
      %mul3A_278 = arith.muli %arg1, %mul3A_277 : i32
      %run_scoped3A_279 = arith.constant 0 : i32
      %run_scoped3A_280 = arith.constant 0 : i32
      "tpu.region"() ({
        %run_scoped3A_729 = tpu.sem_alloc : memref<!tpu.dma_semaphore, #tpu.memory_space<semaphore_mem>>
        %dma_start3A = tpu.memref_slice %arg4[%run_scoped3A_279, %run_scoped3A_280, %mul3A_278] : memref<3x1x14336xi32, #tpu.memory_space<hbm>> -> memref<1x1x896xi32, #tpu.memory_space<hbm>>
        %dma_start3A_730 = tpu.memref_squeeze %dma_start3A : memref<1x1x896xi32, #tpu.memory_space<hbm>> -> memref<896xi32, #tpu.memory_space<hbm>>
        %dma_start3A_731 = tpu.memref_slice %arg4[%run_scoped3A_279, %run_scoped3A_280, %mul3A_278] : memref<3x1x14336xi32, #tpu.memory_space<hbm>> -> memref<1x1x896xi32, #tpu.memory_space<hbm>>
        %dma_start3A_732 = tpu.memref_squeeze %dma_start3A_731 : memref<1x1x896xi32, #tpu.memory_space<hbm>> -> memref<896xi32, #tpu.memory_space<hbm>>
        tpu.enqueue_dma source(%dma_start3A_732 : memref<896xi32, #tpu.memory_space<hbm>>) target(%arg21 : memref<896xi32, #tpu.memory_space<vmem>>) target_semaphore(%run_scoped3A_729 : memref<!tpu.dma_semaphore, #tpu.memory_space<semaphore_mem>>)
        %dma_wait3A_733 = tpu.memref_slice %arg4[%run_scoped3A_279, %run_scoped3A_280, %mul3A_278] : memref<3x1x14336xi32, #tpu.memory_space<hbm>> -> memref<1x1x896xi32, #tpu.memory_space<hbm>>
        %dma_wait3A_734 = tpu.memref_squeeze %dma_wait3A_733 : memref<1x1x896xi32, #tpu.memory_space<hbm>> -> memref<896xi32, #tpu.memory_space<hbm>>
        %dma_wait3A_735 = tpu.memref_slice %arg4[%run_scoped3A_279, %run_scoped3A_280, %mul3A_278] : memref<3x1x14336xi32, #tpu.memory_space<hbm>> -> memref<1x1x896xi32, #tpu.memory_space<hbm>>
        %dma_wait3A_736 = tpu.memref_squeeze %dma_wait3A_735 : memref<1x1x896xi32, #tpu.memory_space<hbm>> -> memref<896xi32, #tpu.memory_space<hbm>>
        tpu.wait_dma2 semaphore(%run_scoped3A_729 : memref<!tpu.dma_semaphore, #tpu.memory_space<semaphore_mem>>) src(%dma_wait3A_736 : memref<896xi32, #tpu.memory_space<hbm>>) dst(%arg21 : memref<896xi32, #tpu.memory_space<vmem>>)
        tpu.yield
      }) : () -> ()
      %mul3A_281 = arith.constant 896 : i32
      %mul3A_282 = arith.muli %arg1, %mul3A_281 : i32
      %run_scoped3A_283 = arith.constant 0 : i32
      %run_scoped3A_284 = arith.constant 0 : i32
      "tpu.region"() ({
        %run_scoped3A_729 = tpu.sem_alloc : memref<!tpu.dma_semaphore, #tpu.memory_space<semaphore_mem>>
        %dma_start3A = arith.constant 0 : i32
        %dma_start3A_730 = tpu.memref_slice %arg36[%dma_start3A] : memref<3200xf32, #tpu.memory_space<vmem>> -> memref<896xf32, #tpu.memory_space<vmem>>
        %dma_start3A_731 = tpu.memref_slice %arg5[%run_scoped3A_283, %run_scoped3A_284, %mul3A_282] : memref<3x1x14336xf32, #tpu.memory_space<hbm>> -> memref<1x1x896xf32, #tpu.memory_space<hbm>>
        %dma_start3A_732 = tpu.memref_squeeze %dma_start3A_731 : memref<1x1x896xf32, #tpu.memory_space<hbm>> -> memref<896xf32, #tpu.memory_space<hbm>>
        %dma_start3A_733 = arith.constant 0 : i32
        %dma_start3A_734 = tpu.memref_slice %arg36[%dma_start3A_733] : memref<3200xf32, #tpu.memory_space<vmem>> -> memref<896xf32, #tpu.memory_space<vmem>>
        %dma_start3A_735 = tpu.memref_slice %arg5[%run_scoped3A_283, %run_scoped3A_284, %mul3A_282] : memref<3x1x14336xf32, #tpu.memory_space<hbm>> -> memref<1x1x896xf32, #tpu.memory_space<hbm>>
        %dma_start3A_736 = tpu.memref_squeeze %dma_start3A_735 : memref<1x1x896xf32, #tpu.memory_space<hbm>> -> memref<896xf32, #tpu.memory_space<hbm>>
        tpu.enqueue_dma source(%dma_start3A_736 : memref<896xf32, #tpu.memory_space<hbm>>) target(%dma_start3A_734 : memref<896xf32, #tpu.memory_space<vmem>>) target_semaphore(%run_scoped3A_729 : memref<!tpu.dma_semaphore, #tpu.memory_space<semaphore_mem>>)
        %dma_wait3A_737 = arith.constant 0 : i32
        %dma_wait3A_738 = tpu.memref_slice %arg36[%dma_wait3A_737] : memref<3200xf32, #tpu.memory_space<vmem>> -> memref<896xf32, #tpu.memory_space<vmem>>
        %dma_wait3A_739 = tpu.memref_slice %arg5[%run_scoped3A_283, %run_scoped3A_284, %mul3A_282] : memref<3x1x14336xf32, #tpu.memory_space<hbm>> -> memref<1x1x896xf32, #tpu.memory_space<hbm>>
        %dma_wait3A_740 = tpu.memref_squeeze %dma_wait3A_739 : memref<1x1x896xf32, #tpu.memory_space<hbm>> -> memref<896xf32, #tpu.memory_space<hbm>>
        %dma_wait3A_741 = arith.constant 0 : i32
        %dma_wait3A_742 = tpu.memref_slice %arg36[%dma_wait3A_741] : memref<3200xf32, #tpu.memory_space<vmem>> -> memref<896xf32, #tpu.memory_space<vmem>>
        %dma_wait3A_743 = tpu.memref_slice %arg5[%run_scoped3A_283, %run_scoped3A_284, %mul3A_282] : memref<3x1x14336xf32, #tpu.memory_space<hbm>> -> memref<1x1x896xf32, #tpu.memory_space<hbm>>
        %dma_wait3A_744 = tpu.memref_squeeze %dma_wait3A_743 : memref<1x1x896xf32, #tpu.memory_space<hbm>> -> memref<896xf32, #tpu.memory_space<hbm>>
        tpu.wait_dma2 semaphore(%run_scoped3A_729 : memref<!tpu.dma_semaphore, #tpu.memory_space<semaphore_mem>>) src(%dma_wait3A_744 : memref<896xf32, #tpu.memory_space<hbm>>) dst(%dma_wait3A_742 : memref<896xf32, #tpu.memory_space<vmem>>)
        tpu.yield
      }) : () -> ()
      %mul3A_285 = arith.constant 896 : i32
      %mul3A_286 = arith.muli %arg1, %mul3A_285 : i32
      %run_scoped3A_287 = arith.constant 1 : i32
      %run_scoped3A_288 = arith.constant 0 : i32
      "tpu.region"() ({
        %run_scoped3A_729 = tpu.sem_alloc : memref<!tpu.dma_semaphore, #tpu.memory_space<semaphore_mem>>
        %dma_start3A = tpu.memref_slice %arg4[%run_scoped3A_287, %run_scoped3A_288, %mul3A_286] : memref<3x1x14336xi32, #tpu.memory_space<hbm>> -> memref<1x1x896xi32, #tpu.memory_space<hbm>>
        %dma_start3A_730 = tpu.memref_squeeze %dma_start3A : memref<1x1x896xi32, #tpu.memory_space<hbm>> -> memref<896xi32, #tpu.memory_space<hbm>>
        %dma_start3A_731 = tpu.memref_slice %arg4[%run_scoped3A_287, %run_scoped3A_288, %mul3A_286] : memref<3x1x14336xi32, #tpu.memory_space<hbm>> -> memref<1x1x896xi32, #tpu.memory_space<hbm>>
        %dma_start3A_732 = tpu.memref_squeeze %dma_start3A_731 : memref<1x1x896xi32, #tpu.memory_space<hbm>> -> memref<896xi32, #tpu.memory_space<hbm>>
        tpu.enqueue_dma source(%dma_start3A_732 : memref<896xi32, #tpu.memory_space<hbm>>) target(%arg22 : memref<896xi32, #tpu.memory_space<vmem>>) target_semaphore(%run_scoped3A_729 : memref<!tpu.dma_semaphore, #tpu.memory_space<semaphore_mem>>)
        %dma_wait3A_733 = tpu.memref_slice %arg4[%run_scoped3A_287, %run_scoped3A_288, %mul3A_286] : memref<3x1x14336xi32, #tpu.memory_space<hbm>> -> memref<1x1x896xi32, #tpu.memory_space<hbm>>
        %dma_wait3A_734 = tpu.memref_squeeze %dma_wait3A_733 : memref<1x1x896xi32, #tpu.memory_space<hbm>> -> memref<896xi32, #tpu.memory_space<hbm>>
        %dma_wait3A_735 = tpu.memref_slice %arg4[%run_scoped3A_287, %run_scoped3A_288, %mul3A_286] : memref<3x1x14336xi32, #tpu.memory_space<hbm>> -> memref<1x1x896xi32, #tpu.memory_space<hbm>>
        %dma_wait3A_736 = tpu.memref_squeeze %dma_wait3A_735 : memref<1x1x896xi32, #tpu.memory_space<hbm>> -> memref<896xi32, #tpu.memory_space<hbm>>
        tpu.wait_dma2 semaphore(%run_scoped3A_729 : memref<!tpu.dma_semaphore, #tpu.memory_space<semaphore_mem>>) src(%dma_wait3A_736 : memref<896xi32, #tpu.memory_space<hbm>>) dst(%arg22 : memref<896xi32, #tpu.memory_space<vmem>>)
        tpu.yield
      }) : () -> ()
      %mul3A_289 = arith.constant 896 : i32
      %mul3A_290 = arith.muli %arg1, %mul3A_289 : i32
      %run_scoped3A_291 = arith.constant 1 : i32
      %run_scoped3A_292 = arith.constant 0 : i32
      "tpu.region"() ({
        %run_scoped3A_729 = tpu.sem_alloc : memref<!tpu.dma_semaphore, #tpu.memory_space<semaphore_mem>>
        %dma_start3A = arith.constant 0 : i32
        %dma_start3A_730 = tpu.memref_slice %arg37[%dma_start3A] : memref<3200xf32, #tpu.memory_space<vmem>> -> memref<896xf32, #tpu.memory_space<vmem>>
        %dma_start3A_731 = tpu.memref_slice %arg5[%run_scoped3A_291, %run_scoped3A_292, %mul3A_290] : memref<3x1x14336xf32, #tpu.memory_space<hbm>> -> memref<1x1x896xf32, #tpu.memory_space<hbm>>
        %dma_start3A_732 = tpu.memref_squeeze %dma_start3A_731 : memref<1x1x896xf32, #tpu.memory_space<hbm>> -> memref<896xf32, #tpu.memory_space<hbm>>
        %dma_start3A_733 = arith.constant 0 : i32
        %dma_start3A_734 = tpu.memref_slice %arg37[%dma_start3A_733] : memref<3200xf32, #tpu.memory_space<vmem>> -> memref<896xf32, #tpu.memory_space<vmem>>
        %dma_start3A_735 = tpu.memref_slice %arg5[%run_scoped3A_291, %run_scoped3A_292, %mul3A_290] : memref<3x1x14336xf32, #tpu.memory_space<hbm>> -> memref<1x1x896xf32, #tpu.memory_space<hbm>>
        %dma_start3A_736 = tpu.memref_squeeze %dma_start3A_735 : memref<1x1x896xf32, #tpu.memory_space<hbm>> -> memref<896xf32, #tpu.memory_space<hbm>>
        tpu.enqueue_dma source(%dma_start3A_736 : memref<896xf32, #tpu.memory_space<hbm>>) target(%dma_start3A_734 : memref<896xf32, #tpu.memory_space<vmem>>) target_semaphore(%run_scoped3A_729 : memref<!tpu.dma_semaphore, #tpu.memory_space<semaphore_mem>>)
        %dma_wait3A_737 = arith.constant 0 : i32
        %dma_wait3A_738 = tpu.memref_slice %arg37[%dma_wait3A_737] : memref<3200xf32, #tpu.memory_space<vmem>> -> memref<896xf32, #tpu.memory_space<vmem>>
        %dma_wait3A_739 = tpu.memref_slice %arg5[%run_scoped3A_291, %run_scoped3A_292, %mul3A_290] : memref<3x1x14336xf32, #tpu.memory_space<hbm>> -> memref<1x1x896xf32, #tpu.memory_space<hbm>>
        %dma_wait3A_740 = tpu.memref_squeeze %dma_wait3A_739 : memref<1x1x896xf32, #tpu.memory_space<hbm>> -> memref<896xf32, #tpu.memory_space<hbm>>
        %dma_wait3A_741 = arith.constant 0 : i32
        %dma_wait3A_742 = tpu.memref_slice %arg37[%dma_wait3A_741] : memref<3200xf32, #tpu.memory_space<vmem>> -> memref<896xf32, #tpu.memory_space<vmem>>
        %dma_wait3A_743 = tpu.memref_slice %arg5[%run_scoped3A_291, %run_scoped3A_292, %mul3A_290] : memref<3x1x14336xf32, #tpu.memory_space<hbm>> -> memref<1x1x896xf32, #tpu.memory_space<hbm>>
        %dma_wait3A_744 = tpu.memref_squeeze %dma_wait3A_743 : memref<1x1x896xf32, #tpu.memory_space<hbm>> -> memref<896xf32, #tpu.memory_space<hbm>>
        tpu.wait_dma2 semaphore(%run_scoped3A_729 : memref<!tpu.dma_semaphore, #tpu.memory_space<semaphore_mem>>) src(%dma_wait3A_744 : memref<896xf32, #tpu.memory_space<hbm>>) dst(%dma_wait3A_742 : memref<896xf32, #tpu.memory_space<vmem>>)
        tpu.yield
      }) : () -> ()
      %mul3A_293 = arith.constant 896 : i32
      %mul3A_294 = arith.muli %arg1, %mul3A_293 : i32
      %run_scoped3A_295 = arith.constant 2 : i32
      %run_scoped3A_296 = arith.constant 0 : i32
      "tpu.region"() ({
        %run_scoped3A_729 = tpu.sem_alloc : memref<!tpu.dma_semaphore, #tpu.memory_space<semaphore_mem>>
        %dma_start3A = tpu.memref_slice %arg4[%run_scoped3A_295, %run_scoped3A_296, %mul3A_294] : memref<3x1x14336xi32, #tpu.memory_space<hbm>> -> memref<1x1x896xi32, #tpu.memory_space<hbm>>
        %dma_start3A_730 = tpu.memref_squeeze %dma_start3A : memref<1x1x896xi32, #tpu.memory_space<hbm>> -> memref<896xi32, #tpu.memory_space<hbm>>
        %dma_start3A_731 = tpu.memref_slice %arg4[%run_scoped3A_295, %run_scoped3A_296, %mul3A_294] : memref<3x1x14336xi32, #tpu.memory_space<hbm>> -> memref<1x1x896xi32, #tpu.memory_space<hbm>>
        %dma_start3A_732 = tpu.memref_squeeze %dma_start3A_731 : memref<1x1x896xi32, #tpu.memory_space<hbm>> -> memref<896xi32, #tpu.memory_space<hbm>>
        tpu.enqueue_dma source(%dma_start3A_732 : memref<896xi32, #tpu.memory_space<hbm>>) target(%arg23 : memref<896xi32, #tpu.memory_space<vmem>>) target_semaphore(%run_scoped3A_729 : memref<!tpu.dma_semaphore, #tpu.memory_space<semaphore_mem>>)
        %dma_wait3A_733 = tpu.memref_slice %arg4[%run_scoped3A_295, %run_scoped3A_296, %mul3A_294] : memref<3x1x14336xi32, #tpu.memory_space<hbm>> -> memref<1x1x896xi32, #tpu.memory_space<hbm>>
        %dma_wait3A_734 = tpu.memref_squeeze %dma_wait3A_733 : memref<1x1x896xi32, #tpu.memory_space<hbm>> -> memref<896xi32, #tpu.memory_space<hbm>>
        %dma_wait3A_735 = tpu.memref_slice %arg4[%run_scoped3A_295, %run_scoped3A_296, %mul3A_294] : memref<3x1x14336xi32, #tpu.memory_space<hbm>> -> memref<1x1x896xi32, #tpu.memory_space<hbm>>
        %dma_wait3A_736 = tpu.memref_squeeze %dma_wait3A_735 : memref<1x1x896xi32, #tpu.memory_space<hbm>> -> memref<896xi32, #tpu.memory_space<hbm>>
        tpu.wait_dma2 semaphore(%run_scoped3A_729 : memref<!tpu.dma_semaphore, #tpu.memory_space<semaphore_mem>>) src(%dma_wait3A_736 : memref<896xi32, #tpu.memory_space<hbm>>) dst(%arg23 : memref<896xi32, #tpu.memory_space<vmem>>)
        tpu.yield
      }) : () -> ()
      %mul3A_297 = arith.constant 896 : i32
      %mul3A_298 = arith.muli %arg1, %mul3A_297 : i32
      %run_scoped3A_299 = arith.constant 2 : i32
      %run_scoped3A_300 = arith.constant 0 : i32
      "tpu.region"() ({
        %run_scoped3A_729 = tpu.sem_alloc : memref<!tpu.dma_semaphore, #tpu.memory_space<semaphore_mem>>
        %dma_start3A = arith.constant 0 : i32
        %dma_start3A_730 = tpu.memref_slice %arg38[%dma_start3A] : memref<3200xf32, #tpu.memory_space<vmem>> -> memref<896xf32, #tpu.memory_space<vmem>>
        %dma_start3A_731 = tpu.memref_slice %arg5[%run_scoped3A_299, %run_scoped3A_300, %mul3A_298] : memref<3x1x14336xf32, #tpu.memory_space<hbm>> -> memref<1x1x896xf32, #tpu.memory_space<hbm>>
        %dma_start3A_732 = tpu.memref_squeeze %dma_start3A_731 : memref<1x1x896xf32, #tpu.memory_space<hbm>> -> memref<896xf32, #tpu.memory_space<hbm>>
        %dma_start3A_733 = arith.constant 0 : i32
        %dma_start3A_734 = tpu.memref_slice %arg38[%dma_start3A_733] : memref<3200xf32, #tpu.memory_space<vmem>> -> memref<896xf32, #tpu.memory_space<vmem>>
        %dma_start3A_735 = tpu.memref_slice %arg5[%run_scoped3A_299, %run_scoped3A_300, %mul3A_298] : memref<3x1x14336xf32, #tpu.memory_space<hbm>> -> memref<1x1x896xf32, #tpu.memory_space<hbm>>
        %dma_start3A_736 = tpu.memref_squeeze %dma_start3A_735 : memref<1x1x896xf32, #tpu.memory_space<hbm>> -> memref<896xf32, #tpu.memory_space<hbm>>
        tpu.enqueue_dma source(%dma_start3A_736 : memref<896xf32, #tpu.memory_space<hbm>>) target(%dma_start3A_734 : memref<896xf32, #tpu.memory_space<vmem>>) target_semaphore(%run_scoped3A_729 : memref<!tpu.dma_semaphore, #tpu.memory_space<semaphore_mem>>)
        %dma_wait3A_737 = arith.constant 0 : i32
        %dma_wait3A_738 = tpu.memref_slice %arg38[%dma_wait3A_737] : memref<3200xf32, #tpu.memory_space<vmem>> -> memref<896xf32, #tpu.memory_space<vmem>>
        %dma_wait3A_739 = tpu.memref_slice %arg5[%run_scoped3A_299, %run_scoped3A_300, %mul3A_298] : memref<3x1x14336xf32, #tpu.memory_space<hbm>> -> memref<1x1x896xf32, #tpu.memory_space<hbm>>
        %dma_wait3A_740 = tpu.memref_squeeze %dma_wait3A_739 : memref<1x1x896xf32, #tpu.memory_space<hbm>> -> memref<896xf32, #tpu.memory_space<hbm>>
        %dma_wait3A_741 = arith.constant 0 : i32
        %dma_wait3A_742 = tpu.memref_slice %arg38[%dma_wait3A_741] : memref<3200xf32, #tpu.memory_space<vmem>> -> memref<896xf32, #tpu.memory_space<vmem>>
        %dma_wait3A_743 = tpu.memref_slice %arg5[%run_scoped3A_299, %run_scoped3A_300, %mul3A_298] : memref<3x1x14336xf32, #tpu.memory_space<hbm>> -> memref<1x1x896xf32, #tpu.memory_space<hbm>>
        %dma_wait3A_744 = tpu.memref_squeeze %dma_wait3A_743 : memref<1x1x896xf32, #tpu.memory_space<hbm>> -> memref<896xf32, #tpu.memory_space<hbm>>
        tpu.wait_dma2 semaphore(%run_scoped3A_729 : memref<!tpu.dma_semaphore, #tpu.memory_space<semaphore_mem>>) src(%dma_wait3A_744 : memref<896xf32, #tpu.memory_space<hbm>>) dst(%dma_wait3A_742 : memref<896xf32, #tpu.memory_space<vmem>>)
        tpu.yield
      }) : () -> ()
      %scan3A_301 = arith.constant 0 : i32
      %scan3A_302 = arith.constant 0 : i32
      %scan3A_303 = arith.constant 4 : i32
      %scan3A_304 = arith.addi %scan3A_302, %scan3A_303 : i32
      %scan3A_305 = arith.constant 1 : i32
      scf.for %scan3A_729 = %scan3A_302 to %scan3A_304 step %scan3A_305  : i32 {
        %mul3A_730 = arith.constant 224 : i32
        %mul3A_731 = arith.muli %scan3A_729, %mul3A_730 : i32
        %dma_start3A = tpu.memref_slice %arg27[%mul3A_731] : memref<6272xf32, #tpu.memory_space<vmem>> -> memref<224xf32, #tpu.memory_space<vmem>>
        %dma_start3A_732 = tpu.memref_slice %arg21[%mul3A_731] : memref<896xi32, #tpu.memory_space<vmem>> -> memref<224xi32, #tpu.memory_space<vmem>>
        %dma_start3A_733 = arith.constant 0 : i32
        %dma_start3A_734 = tpu.memref_slice %arg9[%dma_start3A_733] : memref<51200xf32, #tpu.memory_space<vmem_shared>> -> memref<51200xf32, #tpu.memory_space<vmem_shared>>
        tpu.enqueue_indirect_dma source(%dma_start3A_734 : memref<51200xf32, #tpu.memory_space<vmem_shared>>) target(%dma_start3A : memref<224xf32, #tpu.memory_space<vmem>>) offsets(%dma_start3A_732 : memref<224xi32, #tpu.memory_space<vmem>>) semaphore(%arg39 : memref<!tpu.dma_semaphore, #tpu.memory_space<semaphore_mem>>)
        %dma_start3A_735 = tpu.memref_slice %arg28[%mul3A_731] : memref<6272xf32, #tpu.memory_space<vmem>> -> memref<224xf32, #tpu.memory_space<vmem>>
        %dma_start3A_736 = tpu.memref_slice %arg21[%mul3A_731] : memref<896xi32, #tpu.memory_space<vmem>> -> memref<224xi32, #tpu.memory_space<vmem>>
        %dma_start3A_737 = arith.constant 0 : i32
        %dma_start3A_738 = tpu.memref_slice %arg10[%dma_start3A_737] : memref<51200xf32, #tpu.memory_space<vmem_shared>> -> memref<51200xf32, #tpu.memory_space<vmem_shared>>
        tpu.enqueue_indirect_dma source(%dma_start3A_738 : memref<51200xf32, #tpu.memory_space<vmem_shared>>) target(%dma_start3A_735 : memref<224xf32, #tpu.memory_space<vmem>>) offsets(%dma_start3A_736 : memref<224xi32, #tpu.memory_space<vmem>>) semaphore(%arg39 : memref<!tpu.dma_semaphore, #tpu.memory_space<semaphore_mem>>)
        %dma_start3A_739 = tpu.memref_slice %arg29[%mul3A_731] : memref<6272xf32, #tpu.memory_space<vmem>> -> memref<224xf32, #tpu.memory_space<vmem>>
        %dma_start3A_740 = tpu.memref_slice %arg21[%mul3A_731] : memref<896xi32, #tpu.memory_space<vmem>> -> memref<224xi32, #tpu.memory_space<vmem>>
        %dma_start3A_741 = arith.constant 0 : i32
        %dma_start3A_742 = tpu.memref_slice %arg11[%dma_start3A_741] : memref<51200xf32, #tpu.memory_space<vmem_shared>> -> memref<51200xf32, #tpu.memory_space<vmem_shared>>
        tpu.enqueue_indirect_dma source(%dma_start3A_742 : memref<51200xf32, #tpu.memory_space<vmem_shared>>) target(%dma_start3A_739 : memref<224xf32, #tpu.memory_space<vmem>>) offsets(%dma_start3A_740 : memref<224xi32, #tpu.memory_space<vmem>>) semaphore(%arg39 : memref<!tpu.dma_semaphore, #tpu.memory_space<semaphore_mem>>)
        %dma_start3A_743 = tpu.memref_slice %arg30[%mul3A_731] : memref<6272xf32, #tpu.memory_space<vmem>> -> memref<224xf32, #tpu.memory_space<vmem>>
        %dma_start3A_744 = tpu.memref_slice %arg22[%mul3A_731] : memref<896xi32, #tpu.memory_space<vmem>> -> memref<224xi32, #tpu.memory_space<vmem>>
        %dma_start3A_745 = arith.constant 0 : i32
        %dma_start3A_746 = tpu.memref_slice %arg9[%dma_start3A_745] : memref<51200xf32, #tpu.memory_space<vmem_shared>> -> memref<51200xf32, #tpu.memory_space<vmem_shared>>
        tpu.enqueue_indirect_dma source(%dma_start3A_746 : memref<51200xf32, #tpu.memory_space<vmem_shared>>) target(%dma_start3A_743 : memref<224xf32, #tpu.memory_space<vmem>>) offsets(%dma_start3A_744 : memref<224xi32, #tpu.memory_space<vmem>>) semaphore(%arg39 : memref<!tpu.dma_semaphore, #tpu.memory_space<semaphore_mem>>)
        %dma_start3A_747 = tpu.memref_slice %arg31[%mul3A_731] : memref<6272xf32, #tpu.memory_space<vmem>> -> memref<224xf32, #tpu.memory_space<vmem>>
        %dma_start3A_748 = tpu.memref_slice %arg22[%mul3A_731] : memref<896xi32, #tpu.memory_space<vmem>> -> memref<224xi32, #tpu.memory_space<vmem>>
        %dma_start3A_749 = arith.constant 0 : i32
        %dma_start3A_750 = tpu.memref_slice %arg10[%dma_start3A_749] : memref<51200xf32, #tpu.memory_space<vmem_shared>> -> memref<51200xf32, #tpu.memory_space<vmem_shared>>
        tpu.enqueue_indirect_dma source(%dma_start3A_750 : memref<51200xf32, #tpu.memory_space<vmem_shared>>) target(%dma_start3A_747 : memref<224xf32, #tpu.memory_space<vmem>>) offsets(%dma_start3A_748 : memref<224xi32, #tpu.memory_space<vmem>>) semaphore(%arg39 : memref<!tpu.dma_semaphore, #tpu.memory_space<semaphore_mem>>)
        %dma_start3A_751 = tpu.memref_slice %arg32[%mul3A_731] : memref<6272xf32, #tpu.memory_space<vmem>> -> memref<224xf32, #tpu.memory_space<vmem>>
        %dma_start3A_752 = tpu.memref_slice %arg22[%mul3A_731] : memref<896xi32, #tpu.memory_space<vmem>> -> memref<224xi32, #tpu.memory_space<vmem>>
        %dma_start3A_753 = arith.constant 0 : i32
        %dma_start3A_754 = tpu.memref_slice %arg11[%dma_start3A_753] : memref<51200xf32, #tpu.memory_space<vmem_shared>> -> memref<51200xf32, #tpu.memory_space<vmem_shared>>
        tpu.enqueue_indirect_dma source(%dma_start3A_754 : memref<51200xf32, #tpu.memory_space<vmem_shared>>) target(%dma_start3A_751 : memref<224xf32, #tpu.memory_space<vmem>>) offsets(%dma_start3A_752 : memref<224xi32, #tpu.memory_space<vmem>>) semaphore(%arg39 : memref<!tpu.dma_semaphore, #tpu.memory_space<semaphore_mem>>)
        %dma_start3A_755 = tpu.memref_slice %arg33[%mul3A_731] : memref<6272xf32, #tpu.memory_space<vmem>> -> memref<224xf32, #tpu.memory_space<vmem>>
        %dma_start3A_756 = tpu.memref_slice %arg23[%mul3A_731] : memref<896xi32, #tpu.memory_space<vmem>> -> memref<224xi32, #tpu.memory_space<vmem>>
        %dma_start3A_757 = arith.constant 0 : i32
        %dma_start3A_758 = tpu.memref_slice %arg9[%dma_start3A_757] : memref<51200xf32, #tpu.memory_space<vmem_shared>> -> memref<51200xf32, #tpu.memory_space<vmem_shared>>
        tpu.enqueue_indirect_dma source(%dma_start3A_758 : memref<51200xf32, #tpu.memory_space<vmem_shared>>) target(%dma_start3A_755 : memref<224xf32, #tpu.memory_space<vmem>>) offsets(%dma_start3A_756 : memref<224xi32, #tpu.memory_space<vmem>>) semaphore(%arg39 : memref<!tpu.dma_semaphore, #tpu.memory_space<semaphore_mem>>)
        %dma_start3A_759 = tpu.memref_slice %arg34[%mul3A_731] : memref<6272xf32, #tpu.memory_space<vmem>> -> memref<224xf32, #tpu.memory_space<vmem>>
        %dma_start3A_760 = tpu.memref_slice %arg23[%mul3A_731] : memref<896xi32, #tpu.memory_space<vmem>> -> memref<224xi32, #tpu.memory_space<vmem>>
        %dma_start3A_761 = arith.constant 0 : i32
        %dma_start3A_762 = tpu.memref_slice %arg10[%dma_start3A_761] : memref<51200xf32, #tpu.memory_space<vmem_shared>> -> memref<51200xf32, #tpu.memory_space<vmem_shared>>
        tpu.enqueue_indirect_dma source(%dma_start3A_762 : memref<51200xf32, #tpu.memory_space<vmem_shared>>) target(%dma_start3A_759 : memref<224xf32, #tpu.memory_space<vmem>>) offsets(%dma_start3A_760 : memref<224xi32, #tpu.memory_space<vmem>>) semaphore(%arg39 : memref<!tpu.dma_semaphore, #tpu.memory_space<semaphore_mem>>)
        %dma_start3A_763 = tpu.memref_slice %arg35[%mul3A_731] : memref<6272xf32, #tpu.memory_space<vmem>> -> memref<224xf32, #tpu.memory_space<vmem>>
        %dma_start3A_764 = tpu.memref_slice %arg23[%mul3A_731] : memref<896xi32, #tpu.memory_space<vmem>> -> memref<224xi32, #tpu.memory_space<vmem>>
        %dma_start3A_765 = arith.constant 0 : i32
        %dma_start3A_766 = tpu.memref_slice %arg11[%dma_start3A_765] : memref<51200xf32, #tpu.memory_space<vmem_shared>> -> memref<51200xf32, #tpu.memory_space<vmem_shared>>
        tpu.enqueue_indirect_dma source(%dma_start3A_766 : memref<51200xf32, #tpu.memory_space<vmem_shared>>) target(%dma_start3A_763 : memref<224xf32, #tpu.memory_space<vmem>>) offsets(%dma_start3A_764 : memref<224xi32, #tpu.memory_space<vmem>>) semaphore(%arg39 : memref<!tpu.dma_semaphore, #tpu.memory_space<semaphore_mem>>)
      }
      %scan3A_306 = arith.constant 4 : i32
      %dma_wait3A_307 = arith.constant 0 : i32
      %dma_wait3A_308 = arith.constant 0 : i32
      %dma_wait3A_309 = arith.constant 0 : i32
      %dma_wait3A_310 = arith.constant 0 : i32
      %dma_wait3A_311 = tpu.memref_slice %arg27[%dma_wait3A_310] : memref<6272xf32, #tpu.memory_space<vmem>> -> memref<896xf32, #tpu.memory_space<vmem>>
      %dma_wait3A_312 = arith.constant 0 : i32
      %dma_wait3A_313 = tpu.memref_slice %arg8[%dma_wait3A_307, %dma_wait3A_308, %dma_wait3A_309, %dma_wait3A_312] : memref<8x3x1x51200xf32, #tpu.memory_space<hbm>> -> memref<1x1x1x896xf32, #tpu.memory_space<hbm>>
      %dma_wait3A_314 = tpu.memref_squeeze %dma_wait3A_313 : memref<1x1x1x896xf32, #tpu.memory_space<hbm>> -> memref<896xf32, #tpu.memory_space<hbm>>
      %dma_wait3A_315 = arith.constant 0 : i32
      %dma_wait3A_316 = tpu.memref_slice %arg27[%dma_wait3A_315] : memref<6272xf32, #tpu.memory_space<vmem>> -> memref<896xf32, #tpu.memory_space<vmem>>
      %dma_wait3A_317 = arith.constant 0 : i32
      %dma_wait3A_318 = tpu.memref_slice %arg8[%dma_wait3A_307, %dma_wait3A_308, %dma_wait3A_309, %dma_wait3A_317] : memref<8x3x1x51200xf32, #tpu.memory_space<hbm>> -> memref<1x1x1x896xf32, #tpu.memory_space<hbm>>
      %dma_wait3A_319 = tpu.memref_squeeze %dma_wait3A_318 : memref<1x1x1x896xf32, #tpu.memory_space<hbm>> -> memref<896xf32, #tpu.memory_space<hbm>>
      tpu.wait_dma2 semaphore(%arg39 : memref<!tpu.dma_semaphore, #tpu.memory_space<semaphore_mem>>) src(%dma_wait3A_319 : memref<896xf32, #tpu.memory_space<hbm>>) dst(%dma_wait3A_316 : memref<896xf32, #tpu.memory_space<vmem>>)
      %dma_wait3A_320 = arith.constant 0 : i32
      %dma_wait3A_321 = arith.constant 0 : i32
      %dma_wait3A_322 = arith.constant 0 : i32
      %dma_wait3A_323 = arith.constant 0 : i32
      %dma_wait3A_324 = tpu.memref_slice %arg27[%dma_wait3A_323] : memref<6272xf32, #tpu.memory_space<vmem>> -> memref<896xf32, #tpu.memory_space<vmem>>
      %dma_wait3A_325 = arith.constant 0 : i32
      %dma_wait3A_326 = tpu.memref_slice %arg8[%dma_wait3A_320, %dma_wait3A_321, %dma_wait3A_322, %dma_wait3A_325] : memref<8x3x1x51200xf32, #tpu.memory_space<hbm>> -> memref<1x1x1x896xf32, #tpu.memory_space<hbm>>
      %dma_wait3A_327 = tpu.memref_squeeze %dma_wait3A_326 : memref<1x1x1x896xf32, #tpu.memory_space<hbm>> -> memref<896xf32, #tpu.memory_space<hbm>>
      %dma_wait3A_328 = arith.constant 0 : i32
      %dma_wait3A_329 = tpu.memref_slice %arg27[%dma_wait3A_328] : memref<6272xf32, #tpu.memory_space<vmem>> -> memref<896xf32, #tpu.memory_space<vmem>>
      %dma_wait3A_330 = arith.constant 0 : i32
      %dma_wait3A_331 = tpu.memref_slice %arg8[%dma_wait3A_320, %dma_wait3A_321, %dma_wait3A_322, %dma_wait3A_330] : memref<8x3x1x51200xf32, #tpu.memory_space<hbm>> -> memref<1x1x1x896xf32, #tpu.memory_space<hbm>>
      %dma_wait3A_332 = tpu.memref_squeeze %dma_wait3A_331 : memref<1x1x1x896xf32, #tpu.memory_space<hbm>> -> memref<896xf32, #tpu.memory_space<hbm>>
      tpu.wait_dma2 semaphore(%arg39 : memref<!tpu.dma_semaphore, #tpu.memory_space<semaphore_mem>>) src(%dma_wait3A_332 : memref<896xf32, #tpu.memory_space<hbm>>) dst(%dma_wait3A_329 : memref<896xf32, #tpu.memory_space<vmem>>)
      %dma_wait3A_333 = arith.constant 0 : i32
      %dma_wait3A_334 = arith.constant 0 : i32
      %dma_wait3A_335 = arith.constant 0 : i32
      %dma_wait3A_336 = arith.constant 0 : i32
      %dma_wait3A_337 = tpu.memref_slice %arg27[%dma_wait3A_336] : memref<6272xf32, #tpu.memory_space<vmem>> -> memref<896xf32, #tpu.memory_space<vmem>>
      %dma_wait3A_338 = arith.constant 0 : i32
      %dma_wait3A_339 = tpu.memref_slice %arg8[%dma_wait3A_333, %dma_wait3A_334, %dma_wait3A_335, %dma_wait3A_338] : memref<8x3x1x51200xf32, #tpu.memory_space<hbm>> -> memref<1x1x1x896xf32, #tpu.memory_space<hbm>>
      %dma_wait3A_340 = tpu.memref_squeeze %dma_wait3A_339 : memref<1x1x1x896xf32, #tpu.memory_space<hbm>> -> memref<896xf32, #tpu.memory_space<hbm>>
      %dma_wait3A_341 = arith.constant 0 : i32
      %dma_wait3A_342 = tpu.memref_slice %arg27[%dma_wait3A_341] : memref<6272xf32, #tpu.memory_space<vmem>> -> memref<896xf32, #tpu.memory_space<vmem>>
      %dma_wait3A_343 = arith.constant 0 : i32
      %dma_wait3A_344 = tpu.memref_slice %arg8[%dma_wait3A_333, %dma_wait3A_334, %dma_wait3A_335, %dma_wait3A_343] : memref<8x3x1x51200xf32, #tpu.memory_space<hbm>> -> memref<1x1x1x896xf32, #tpu.memory_space<hbm>>
      %dma_wait3A_345 = tpu.memref_squeeze %dma_wait3A_344 : memref<1x1x1x896xf32, #tpu.memory_space<hbm>> -> memref<896xf32, #tpu.memory_space<hbm>>
      tpu.wait_dma2 semaphore(%arg39 : memref<!tpu.dma_semaphore, #tpu.memory_space<semaphore_mem>>) src(%dma_wait3A_345 : memref<896xf32, #tpu.memory_space<hbm>>) dst(%dma_wait3A_342 : memref<896xf32, #tpu.memory_space<vmem>>)
      %dma_wait3A_346 = arith.constant 0 : i32
      %dma_wait3A_347 = arith.constant 0 : i32
      %dma_wait3A_348 = arith.constant 0 : i32
      %dma_wait3A_349 = arith.constant 0 : i32
      %dma_wait3A_350 = tpu.memref_slice %arg27[%dma_wait3A_349] : memref<6272xf32, #tpu.memory_space<vmem>> -> memref<896xf32, #tpu.memory_space<vmem>>
      %dma_wait3A_351 = arith.constant 0 : i32
      %dma_wait3A_352 = tpu.memref_slice %arg8[%dma_wait3A_346, %dma_wait3A_347, %dma_wait3A_348, %dma_wait3A_351] : memref<8x3x1x51200xf32, #tpu.memory_space<hbm>> -> memref<1x1x1x896xf32, #tpu.memory_space<hbm>>
      %dma_wait3A_353 = tpu.memref_squeeze %dma_wait3A_352 : memref<1x1x1x896xf32, #tpu.memory_space<hbm>> -> memref<896xf32, #tpu.memory_space<hbm>>
      %dma_wait3A_354 = arith.constant 0 : i32
      %dma_wait3A_355 = tpu.memref_slice %arg27[%dma_wait3A_354] : memref<6272xf32, #tpu.memory_space<vmem>> -> memref<896xf32, #tpu.memory_space<vmem>>
      %dma_wait3A_356 = arith.constant 0 : i32
      %dma_wait3A_357 = tpu.memref_slice %arg8[%dma_wait3A_346, %dma_wait3A_347, %dma_wait3A_348, %dma_wait3A_356] : memref<8x3x1x51200xf32, #tpu.memory_space<hbm>> -> memref<1x1x1x896xf32, #tpu.memory_space<hbm>>
      %dma_wait3A_358 = tpu.memref_squeeze %dma_wait3A_357 : memref<1x1x1x896xf32, #tpu.memory_space<hbm>> -> memref<896xf32, #tpu.memory_space<hbm>>
      tpu.wait_dma2 semaphore(%arg39 : memref<!tpu.dma_semaphore, #tpu.memory_space<semaphore_mem>>) src(%dma_wait3A_358 : memref<896xf32, #tpu.memory_space<hbm>>) dst(%dma_wait3A_355 : memref<896xf32, #tpu.memory_space<vmem>>)
      %dma_wait3A_359 = arith.constant 0 : i32
      %dma_wait3A_360 = arith.constant 0 : i32
      %dma_wait3A_361 = arith.constant 0 : i32
      %dma_wait3A_362 = arith.constant 0 : i32
      %dma_wait3A_363 = tpu.memref_slice %arg27[%dma_wait3A_362] : memref<6272xf32, #tpu.memory_space<vmem>> -> memref<896xf32, #tpu.memory_space<vmem>>
      %dma_wait3A_364 = arith.constant 0 : i32
      %dma_wait3A_365 = tpu.memref_slice %arg8[%dma_wait3A_359, %dma_wait3A_360, %dma_wait3A_361, %dma_wait3A_364] : memref<8x3x1x51200xf32, #tpu.memory_space<hbm>> -> memref<1x1x1x896xf32, #tpu.memory_space<hbm>>
      %dma_wait3A_366 = tpu.memref_squeeze %dma_wait3A_365 : memref<1x1x1x896xf32, #tpu.memory_space<hbm>> -> memref<896xf32, #tpu.memory_space<hbm>>
      %dma_wait3A_367 = arith.constant 0 : i32
      %dma_wait3A_368 = tpu.memref_slice %arg27[%dma_wait3A_367] : memref<6272xf32, #tpu.memory_space<vmem>> -> memref<896xf32, #tpu.memory_space<vmem>>
      %dma_wait3A_369 = arith.constant 0 : i32
      %dma_wait3A_370 = tpu.memref_slice %arg8[%dma_wait3A_359, %dma_wait3A_360, %dma_wait3A_361, %dma_wait3A_369] : memref<8x3x1x51200xf32, #tpu.memory_space<hbm>> -> memref<1x1x1x896xf32, #tpu.memory_space<hbm>>
      %dma_wait3A_371 = tpu.memref_squeeze %dma_wait3A_370 : memref<1x1x1x896xf32, #tpu.memory_space<hbm>> -> memref<896xf32, #tpu.memory_space<hbm>>
      tpu.wait_dma2 semaphore(%arg39 : memref<!tpu.dma_semaphore, #tpu.memory_space<semaphore_mem>>) src(%dma_wait3A_371 : memref<896xf32, #tpu.memory_space<hbm>>) dst(%dma_wait3A_368 : memref<896xf32, #tpu.memory_space<vmem>>)
      %dma_wait3A_372 = arith.constant 0 : i32
      %dma_wait3A_373 = arith.constant 0 : i32
      %dma_wait3A_374 = arith.constant 0 : i32
      %dma_wait3A_375 = arith.constant 0 : i32
      %dma_wait3A_376 = tpu.memref_slice %arg27[%dma_wait3A_375] : memref<6272xf32, #tpu.memory_space<vmem>> -> memref<896xf32, #tpu.memory_space<vmem>>
      %dma_wait3A_377 = arith.constant 0 : i32
      %dma_wait3A_378 = tpu.memref_slice %arg8[%dma_wait3A_372, %dma_wait3A_373, %dma_wait3A_374, %dma_wait3A_377] : memref<8x3x1x51200xf32, #tpu.memory_space<hbm>> -> memref<1x1x1x896xf32, #tpu.memory_space<hbm>>
      %dma_wait3A_379 = tpu.memref_squeeze %dma_wait3A_378 : memref<1x1x1x896xf32, #tpu.memory_space<hbm>> -> memref<896xf32, #tpu.memory_space<hbm>>
      %dma_wait3A_380 = arith.constant 0 : i32
      %dma_wait3A_381 = tpu.memref_slice %arg27[%dma_wait3A_380] : memref<6272xf32, #tpu.memory_space<vmem>> -> memref<896xf32, #tpu.memory_space<vmem>>
      %dma_wait3A_382 = arith.constant 0 : i32
      %dma_wait3A_383 = tpu.memref_slice %arg8[%dma_wait3A_372, %dma_wait3A_373, %dma_wait3A_374, %dma_wait3A_382] : memref<8x3x1x51200xf32, #tpu.memory_space<hbm>> -> memref<1x1x1x896xf32, #tpu.memory_space<hbm>>
      %dma_wait3A_384 = tpu.memref_squeeze %dma_wait3A_383 : memref<1x1x1x896xf32, #tpu.memory_space<hbm>> -> memref<896xf32, #tpu.memory_space<hbm>>
      tpu.wait_dma2 semaphore(%arg39 : memref<!tpu.dma_semaphore, #tpu.memory_space<semaphore_mem>>) src(%dma_wait3A_384 : memref<896xf32, #tpu.memory_space<hbm>>) dst(%dma_wait3A_381 : memref<896xf32, #tpu.memory_space<vmem>>)
      %dma_wait3A_385 = arith.constant 0 : i32
      %dma_wait3A_386 = arith.constant 0 : i32
      %dma_wait3A_387 = arith.constant 0 : i32
      %dma_wait3A_388 = arith.constant 0 : i32
      %dma_wait3A_389 = tpu.memref_slice %arg27[%dma_wait3A_388] : memref<6272xf32, #tpu.memory_space<vmem>> -> memref<896xf32, #tpu.memory_space<vmem>>
      %dma_wait3A_390 = arith.constant 0 : i32
      %dma_wait3A_391 = tpu.memref_slice %arg8[%dma_wait3A_385, %dma_wait3A_386, %dma_wait3A_387, %dma_wait3A_390] : memref<8x3x1x51200xf32, #tpu.memory_space<hbm>> -> memref<1x1x1x896xf32, #tpu.memory_space<hbm>>
      %dma_wait3A_392 = tpu.memref_squeeze %dma_wait3A_391 : memref<1x1x1x896xf32, #tpu.memory_space<hbm>> -> memref<896xf32, #tpu.memory_space<hbm>>
      %dma_wait3A_393 = arith.constant 0 : i32
      %dma_wait3A_394 = tpu.memref_slice %arg27[%dma_wait3A_393] : memref<6272xf32, #tpu.memory_space<vmem>> -> memref<896xf32, #tpu.memory_space<vmem>>
      %dma_wait3A_395 = arith.constant 0 : i32
      %dma_wait3A_396 = tpu.memref_slice %arg8[%dma_wait3A_385, %dma_wait3A_386, %dma_wait3A_387, %dma_wait3A_395] : memref<8x3x1x51200xf32, #tpu.memory_space<hbm>> -> memref<1x1x1x896xf32, #tpu.memory_space<hbm>>
      %dma_wait3A_397 = tpu.memref_squeeze %dma_wait3A_396 : memref<1x1x1x896xf32, #tpu.memory_space<hbm>> -> memref<896xf32, #tpu.memory_space<hbm>>
      tpu.wait_dma2 semaphore(%arg39 : memref<!tpu.dma_semaphore, #tpu.memory_space<semaphore_mem>>) src(%dma_wait3A_397 : memref<896xf32, #tpu.memory_space<hbm>>) dst(%dma_wait3A_394 : memref<896xf32, #tpu.memory_space<vmem>>)
      %dma_wait3A_398 = arith.constant 0 : i32
      %dma_wait3A_399 = arith.constant 0 : i32
      %dma_wait3A_400 = arith.constant 0 : i32
      %dma_wait3A_401 = arith.constant 0 : i32
      %dma_wait3A_402 = tpu.memref_slice %arg27[%dma_wait3A_401] : memref<6272xf32, #tpu.memory_space<vmem>> -> memref<896xf32, #tpu.memory_space<vmem>>
      %dma_wait3A_403 = arith.constant 0 : i32
      %dma_wait3A_404 = tpu.memref_slice %arg8[%dma_wait3A_398, %dma_wait3A_399, %dma_wait3A_400, %dma_wait3A_403] : memref<8x3x1x51200xf32, #tpu.memory_space<hbm>> -> memref<1x1x1x896xf32, #tpu.memory_space<hbm>>
      %dma_wait3A_405 = tpu.memref_squeeze %dma_wait3A_404 : memref<1x1x1x896xf32, #tpu.memory_space<hbm>> -> memref<896xf32, #tpu.memory_space<hbm>>
      %dma_wait3A_406 = arith.constant 0 : i32
      %dma_wait3A_407 = tpu.memref_slice %arg27[%dma_wait3A_406] : memref<6272xf32, #tpu.memory_space<vmem>> -> memref<896xf32, #tpu.memory_space<vmem>>
      %dma_wait3A_408 = arith.constant 0 : i32
      %dma_wait3A_409 = tpu.memref_slice %arg8[%dma_wait3A_398, %dma_wait3A_399, %dma_wait3A_400, %dma_wait3A_408] : memref<8x3x1x51200xf32, #tpu.memory_space<hbm>> -> memref<1x1x1x896xf32, #tpu.memory_space<hbm>>
      %dma_wait3A_410 = tpu.memref_squeeze %dma_wait3A_409 : memref<1x1x1x896xf32, #tpu.memory_space<hbm>> -> memref<896xf32, #tpu.memory_space<hbm>>
      tpu.wait_dma2 semaphore(%arg39 : memref<!tpu.dma_semaphore, #tpu.memory_space<semaphore_mem>>) src(%dma_wait3A_410 : memref<896xf32, #tpu.memory_space<hbm>>) dst(%dma_wait3A_407 : memref<896xf32, #tpu.memory_space<vmem>>)
      %dma_wait3A_411 = arith.constant 0 : i32
      %dma_wait3A_412 = arith.constant 0 : i32
      %dma_wait3A_413 = arith.constant 0 : i32
      %dma_wait3A_414 = arith.constant 0 : i32
      %dma_wait3A_415 = tpu.memref_slice %arg27[%dma_wait3A_414] : memref<6272xf32, #tpu.memory_space<vmem>> -> memref<896xf32, #tpu.memory_space<vmem>>
      %dma_wait3A_416 = arith.constant 0 : i32
      %dma_wait3A_417 = tpu.memref_slice %arg8[%dma_wait3A_411, %dma_wait3A_412, %dma_wait3A_413, %dma_wait3A_416] : memref<8x3x1x51200xf32, #tpu.memory_space<hbm>> -> memref<1x1x1x896xf32, #tpu.memory_space<hbm>>
      %dma_wait3A_418 = tpu.memref_squeeze %dma_wait3A_417 : memref<1x1x1x896xf32, #tpu.memory_space<hbm>> -> memref<896xf32, #tpu.memory_space<hbm>>
      %dma_wait3A_419 = arith.constant 0 : i32
      %dma_wait3A_420 = tpu.memref_slice %arg27[%dma_wait3A_419] : memref<6272xf32, #tpu.memory_space<vmem>> -> memref<896xf32, #tpu.memory_space<vmem>>
      %dma_wait3A_421 = arith.constant 0 : i32
      %dma_wait3A_422 = tpu.memref_slice %arg8[%dma_wait3A_411, %dma_wait3A_412, %dma_wait3A_413, %dma_wait3A_421] : memref<8x3x1x51200xf32, #tpu.memory_space<hbm>> -> memref<1x1x1x896xf32, #tpu.memory_space<hbm>>
      %dma_wait3A_423 = tpu.memref_squeeze %dma_wait3A_422 : memref<1x1x1x896xf32, #tpu.memory_space<hbm>> -> memref<896xf32, #tpu.memory_space<hbm>>
      tpu.wait_dma2 semaphore(%arg39 : memref<!tpu.dma_semaphore, #tpu.memory_space<semaphore_mem>>) src(%dma_wait3A_423 : memref<896xf32, #tpu.memory_space<hbm>>) dst(%dma_wait3A_420 : memref<896xf32, #tpu.memory_space<vmem>>)
      %parallel_loop3A_424 = arith.constant 0 : i32
      %parallel_loop3A_425 = arith.constant 56 : i32
      %parallel_loop3A_426 = arith.constant 1 : i32
      scf.for %parallel_loop3A_729 = %parallel_loop3A_424 to %parallel_loop3A_425 step %parallel_loop3A_426  : i32 {
        %parallel_loop3A_730 = arith.constant 16 : i32
        %parallel_loop3A_731 = arith.muli %parallel_loop3A_729, %parallel_loop3A_730 : i32
        %parallel_loop3A_732 = arith.index_cast %parallel_loop3A_731 : i32 to index
        %parallel_loop3A_733 = tpu.vector_load %arg36[%parallel_loop3A_732] {strides = array<i32>} : memref<3200xf32, #tpu.memory_space<vmem>>, vector<16xf32>,
        %parallel_loop3A_734 = arith.index_cast %parallel_loop3A_731 : i32 to index
        %parallel_loop3A_735 = tpu.vector_load %arg37[%parallel_loop3A_734] {strides = array<i32>} : memref<3200xf32, #tpu.memory_space<vmem>>, vector<16xf32>,
        %parallel_loop3A_736 = arith.index_cast %parallel_loop3A_731 : i32 to index
        %parallel_loop3A_737 = tpu.vector_load %arg38[%parallel_loop3A_736] {strides = array<i32>} : memref<3200xf32, #tpu.memory_space<vmem>>, vector<16xf32>,
        %parallel_loop3A_738 = arith.index_cast %parallel_loop3A_731 : i32 to index
        %parallel_loop3A_739 = tpu.vector_load %arg27[%parallel_loop3A_738] {strides = array<i32>} : memref<6272xf32, #tpu.memory_space<vmem>>, vector<16xf32>,
        %parallel_loop3A_740 = arith.index_cast %parallel_loop3A_731 : i32 to index
        %parallel_loop3A_741 = tpu.vector_load %arg28[%parallel_loop3A_740] {strides = array<i32>} : memref<6272xf32, #tpu.memory_space<vmem>>, vector<16xf32>,
        %parallel_loop3A_742 = arith.index_cast %parallel_loop3A_731 : i32 to index
        %parallel_loop3A_743 = tpu.vector_load %arg29[%parallel_loop3A_742] {strides = array<i32>} : memref<6272xf32, #tpu.memory_space<vmem>>, vector<16xf32>,
        %parallel_loop3A_744 = arith.index_cast %parallel_loop3A_731 : i32 to index
        %parallel_loop3A_745 = tpu.vector_load %arg30[%parallel_loop3A_744] {strides = array<i32>} : memref<6272xf32, #tpu.memory_space<vmem>>, vector<16xf32>,
        %parallel_loop3A_746 = arith.index_cast %parallel_loop3A_731 : i32 to index
        %parallel_loop3A_747 = tpu.vector_load %arg31[%parallel_loop3A_746] {strides = array<i32>} : memref<6272xf32, #tpu.memory_space<vmem>>, vector<16xf32>,
        %parallel_loop3A_748 = arith.index_cast %parallel_loop3A_731 : i32 to index
        %parallel_loop3A_749 = tpu.vector_load %arg32[%parallel_loop3A_748] {strides = array<i32>} : memref<6272xf32, #tpu.memory_space<vmem>>, vector<16xf32>,
        %parallel_loop3A_750 = arith.index_cast %parallel_loop3A_731 : i32 to index
        %parallel_loop3A_751 = tpu.vector_load %arg33[%parallel_loop3A_750] {strides = array<i32>} : memref<6272xf32, #tpu.memory_space<vmem>>, vector<16xf32>,
        %parallel_loop3A_752 = arith.index_cast %parallel_loop3A_731 : i32 to index
        %parallel_loop3A_753 = tpu.vector_load %arg34[%parallel_loop3A_752] {strides = array<i32>} : memref<6272xf32, #tpu.memory_space<vmem>>, vector<16xf32>,
        %parallel_loop3A_754 = arith.index_cast %parallel_loop3A_731 : i32 to index
        %parallel_loop3A_755 = tpu.vector_load %arg35[%parallel_loop3A_754] {strides = array<i32>} : memref<6272xf32, #tpu.memory_space<vmem>>, vector<16xf32>,
        %parallel_loop3A_756 = arith.mulf %parallel_loop3A_733, %parallel_loop3A_739 : vector<16xf32>
        %parallel_loop3A_757 = arith.mulf %parallel_loop3A_735, %parallel_loop3A_745 : vector<16xf32>
        %parallel_loop3A_758 = arith.addf %parallel_loop3A_756, %parallel_loop3A_757 : vector<16xf32>
        %parallel_loop3A_759 = arith.mulf %parallel_loop3A_737, %parallel_loop3A_751 : vector<16xf32>
        %parallel_loop3A_760 = arith.addf %parallel_loop3A_758, %parallel_loop3A_759 : vector<16xf32>
        %parallel_loop3A_761 = arith.mulf %parallel_loop3A_733, %parallel_loop3A_741 : vector<16xf32>
        %parallel_loop3A_762 = arith.mulf %parallel_loop3A_735, %parallel_loop3A_747 : vector<16xf32>
        %parallel_loop3A_763 = arith.addf %parallel_loop3A_761, %parallel_loop3A_762 : vector<16xf32>
        %parallel_loop3A_764 = arith.mulf %parallel_loop3A_737, %parallel_loop3A_753 : vector<16xf32>
        %parallel_loop3A_765 = arith.addf %parallel_loop3A_763, %parallel_loop3A_764 : vector<16xf32>
        %parallel_loop3A_766 = arith.mulf %parallel_loop3A_733, %parallel_loop3A_743 : vector<16xf32>
        %parallel_loop3A_767 = arith.mulf %parallel_loop3A_735, %parallel_loop3A_749 : vector<16xf32>
        %parallel_loop3A_768 = arith.addf %parallel_loop3A_766, %parallel_loop3A_767 : vector<16xf32>
        %parallel_loop3A_769 = arith.mulf %parallel_loop3A_737, %parallel_loop3A_755 : vector<16xf32>
        %parallel_loop3A_770 = arith.addf %parallel_loop3A_768, %parallel_loop3A_769 : vector<16xf32>
        %parallel_loop3A_771 = arith.index_cast %parallel_loop3A_731 : i32 to index
        %parallel_loop3A_772 = tpu.vector_load %arg27[%parallel_loop3A_771] {strides = array<i32>} : memref<6272xf32, #tpu.memory_space<vmem>>, vector<16xf32>,
        tpu.vector_store %arg27[%parallel_loop3A_771], %parallel_loop3A_760 {strides = array<i32>} : memref<6272xf32, #tpu.memory_space<vmem>>, vector<16xf32>,
        %parallel_loop3A_773 = arith.index_cast %parallel_loop3A_731 : i32 to index
        %parallel_loop3A_774 = tpu.vector_load %arg28[%parallel_loop3A_773] {strides = array<i32>} : memref<6272xf32, #tpu.memory_space<vmem>>, vector<16xf32>,
        tpu.vector_store %arg28[%parallel_loop3A_773], %parallel_loop3A_765 {strides = array<i32>} : memref<6272xf32, #tpu.memory_space<vmem>>, vector<16xf32>,
        %parallel_loop3A_775 = arith.index_cast %parallel_loop3A_731 : i32 to index
        %parallel_loop3A_776 = tpu.vector_load %arg29[%parallel_loop3A_775] {strides = array<i32>} : memref<6272xf32, #tpu.memory_space<vmem>>, vector<16xf32>,
        tpu.vector_store %arg29[%parallel_loop3A_775], %parallel_loop3A_770 {strides = array<i32>} : memref<6272xf32, #tpu.memory_space<vmem>>, vector<16xf32>,
      } {sc.loop_unroll_factor = 8 : i64, sc.parallel_access}
      %mul3A_427 = arith.constant 896 : i32
      %mul3A_428 = arith.muli %arg1, %mul3A_427 : i32
      "tpu.region"() ({
        %run_scoped3A_729 = tpu.sem_alloc : memref<!tpu.dma_semaphore, #tpu.memory_space<semaphore_mem>>
        %dma_start3A = arith.constant 0 : i32
        %dma_start3A_730 = tpu.memref_slice %arg27[%dma_start3A] : memref<6272xf32, #tpu.memory_space<vmem>> -> memref<896xf32, #tpu.memory_space<vmem>>
        %dma_start3A_731 = tpu.memref_slice %arg15[%mul3A_428] : memref<28672xf32, #tpu.memory_space<vmem_shared>> -> memref<896xf32, #tpu.memory_space<vmem_shared>>
        %dma_start3A_732 = tpu.memref_slice %arg15[%mul3A_428] : memref<28672xf32, #tpu.memory_space<vmem_shared>> -> memref<896xf32, #tpu.memory_space<vmem_shared>>
        %dma_start3A_733 = arith.constant 0 : i32
        %dma_start3A_734 = tpu.memref_slice %arg27[%dma_start3A_733] : memref<6272xf32, #tpu.memory_space<vmem>> -> memref<896xf32, #tpu.memory_space<vmem>>
        tpu.enqueue_dma source(%dma_start3A_734 : memref<896xf32, #tpu.memory_space<vmem>>) target(%dma_start3A_732 : memref<896xf32, #tpu.memory_space<vmem_shared>>) target_semaphore(%run_scoped3A_729 : memref<!tpu.dma_semaphore, #tpu.memory_space<semaphore_mem>>)
        %dma_wait3A_735 = arith.constant 0 : i32
        %dma_wait3A_736 = tpu.memref_slice %arg27[%dma_wait3A_735] : memref<6272xf32, #tpu.memory_space<vmem>> -> memref<896xf32, #tpu.memory_space<vmem>>
        %dma_wait3A_737 = tpu.memref_slice %arg15[%mul3A_428] : memref<28672xf32, #tpu.memory_space<vmem_shared>> -> memref<896xf32, #tpu.memory_space<vmem_shared>>
        %dma_wait3A_738 = tpu.memref_slice %arg15[%mul3A_428] : memref<28672xf32, #tpu.memory_space<vmem_shared>> -> memref<896xf32, #tpu.memory_space<vmem_shared>>
        %dma_wait3A_739 = arith.constant 0 : i32
        %dma_wait3A_740 = tpu.memref_slice %arg27[%dma_wait3A_739] : memref<6272xf32, #tpu.memory_space<vmem>> -> memref<896xf32, #tpu.memory_space<vmem>>
        tpu.wait_dma2 semaphore(%run_scoped3A_729 : memref<!tpu.dma_semaphore, #tpu.memory_space<semaphore_mem>>) src(%dma_wait3A_740 : memref<896xf32, #tpu.memory_space<vmem>>) dst(%dma_wait3A_738 : memref<896xf32, #tpu.memory_space<vmem_shared>>)
        tpu.yield
      }) : () -> ()
      %mul3A_429 = arith.constant 896 : i32
      %mul3A_430 = arith.muli %arg1, %mul3A_429 : i32
      "tpu.region"() ({
        %run_scoped3A_729 = tpu.sem_alloc : memref<!tpu.dma_semaphore, #tpu.memory_space<semaphore_mem>>
        %dma_start3A = arith.constant 0 : i32
        %dma_start3A_730 = tpu.memref_slice %arg28[%dma_start3A] : memref<6272xf32, #tpu.memory_space<vmem>> -> memref<896xf32, #tpu.memory_space<vmem>>
        %dma_start3A_731 = tpu.memref_slice %arg16[%mul3A_430] : memref<28672xf32, #tpu.memory_space<vmem_shared>> -> memref<896xf32, #tpu.memory_space<vmem_shared>>
        %dma_start3A_732 = tpu.memref_slice %arg16[%mul3A_430] : memref<28672xf32, #tpu.memory_space<vmem_shared>> -> memref<896xf32, #tpu.memory_space<vmem_shared>>
        %dma_start3A_733 = arith.constant 0 : i32
        %dma_start3A_734 = tpu.memref_slice %arg28[%dma_start3A_733] : memref<6272xf32, #tpu.memory_space<vmem>> -> memref<896xf32, #tpu.memory_space<vmem>>
        tpu.enqueue_dma source(%dma_start3A_734 : memref<896xf32, #tpu.memory_space<vmem>>) target(%dma_start3A_732 : memref<896xf32, #tpu.memory_space<vmem_shared>>) target_semaphore(%run_scoped3A_729 : memref<!tpu.dma_semaphore, #tpu.memory_space<semaphore_mem>>)
        %dma_wait3A_735 = arith.constant 0 : i32
        %dma_wait3A_736 = tpu.memref_slice %arg28[%dma_wait3A_735] : memref<6272xf32, #tpu.memory_space<vmem>> -> memref<896xf32, #tpu.memory_space<vmem>>
        %dma_wait3A_737 = tpu.memref_slice %arg16[%mul3A_430] : memref<28672xf32, #tpu.memory_space<vmem_shared>> -> memref<896xf32, #tpu.memory_space<vmem_shared>>
        %dma_wait3A_738 = tpu.memref_slice %arg16[%mul3A_430] : memref<28672xf32, #tpu.memory_space<vmem_shared>> -> memref<896xf32, #tpu.memory_space<vmem_shared>>
        %dma_wait3A_739 = arith.constant 0 : i32
        %dma_wait3A_740 = tpu.memref_slice %arg28[%dma_wait3A_739] : memref<6272xf32, #tpu.memory_space<vmem>> -> memref<896xf32, #tpu.memory_space<vmem>>
        tpu.wait_dma2 semaphore(%run_scoped3A_729 : memref<!tpu.dma_semaphore, #tpu.memory_space<semaphore_mem>>) src(%dma_wait3A_740 : memref<896xf32, #tpu.memory_space<vmem>>) dst(%dma_wait3A_738 : memref<896xf32, #tpu.memory_space<vmem_shared>>)
        tpu.yield
      }) : () -> ()
      %mul3A_431 = arith.constant 896 : i32
      %mul3A_432 = arith.muli %arg1, %mul3A_431 : i32
      "tpu.region"() ({
        %run_scoped3A_729 = tpu.sem_alloc : memref<!tpu.dma_semaphore, #tpu.memory_space<semaphore_mem>>
        %dma_start3A = arith.constant 0 : i32
        %dma_start3A_730 = tpu.memref_slice %arg29[%dma_start3A] : memref<6272xf32, #tpu.memory_space<vmem>> -> memref<896xf32, #tpu.memory_space<vmem>>
        %dma_start3A_731 = tpu.memref_slice %arg17[%mul3A_432] : memref<28672xf32, #tpu.memory_space<vmem_shared>> -> memref<896xf32, #tpu.memory_space<vmem_shared>>
        %dma_start3A_732 = tpu.memref_slice %arg17[%mul3A_432] : memref<28672xf32, #tpu.memory_space<vmem_shared>> -> memref<896xf32, #tpu.memory_space<vmem_shared>>
        %dma_start3A_733 = arith.constant 0 : i32
        %dma_start3A_734 = tpu.memref_slice %arg29[%dma_start3A_733] : memref<6272xf32, #tpu.memory_space<vmem>> -> memref<896xf32, #tpu.memory_space<vmem>>
        tpu.enqueue_dma source(%dma_start3A_734 : memref<896xf32, #tpu.memory_space<vmem>>) target(%dma_start3A_732 : memref<896xf32, #tpu.memory_space<vmem_shared>>) target_semaphore(%run_scoped3A_729 : memref<!tpu.dma_semaphore, #tpu.memory_space<semaphore_mem>>)
        %dma_wait3A_735 = arith.constant 0 : i32
        %dma_wait3A_736 = tpu.memref_slice %arg29[%dma_wait3A_735] : memref<6272xf32, #tpu.memory_space<vmem>> -> memref<896xf32, #tpu.memory_space<vmem>>
        %dma_wait3A_737 = tpu.memref_slice %arg17[%mul3A_432] : memref<28672xf32, #tpu.memory_space<vmem_shared>> -> memref<896xf32, #tpu.memory_space<vmem_shared>>
        %dma_wait3A_738 = tpu.memref_slice %arg17[%mul3A_432] : memref<28672xf32, #tpu.memory_space<vmem_shared>> -> memref<896xf32, #tpu.memory_space<vmem_shared>>
        %dma_wait3A_739 = arith.constant 0 : i32
        %dma_wait3A_740 = tpu.memref_slice %arg29[%dma_wait3A_739] : memref<6272xf32, #tpu.memory_space<vmem>> -> memref<896xf32, #tpu.memory_space<vmem>>
        tpu.wait_dma2 semaphore(%run_scoped3A_729 : memref<!tpu.dma_semaphore, #tpu.memory_space<semaphore_mem>>) src(%dma_wait3A_740 : memref<896xf32, #tpu.memory_space<vmem>>) dst(%dma_wait3A_738 : memref<896xf32, #tpu.memory_space<vmem_shared>>)
        tpu.yield
      }) : () -> ()
      %scan3A_433 = arith.constant 0 : i32
      %scan3A_434 = arith.constant 0 : i32
      %scan3A_435 = arith.constant 4 : i32
      %scan3A_436 = arith.addi %scan3A_434, %scan3A_435 : i32
      %scan3A_437 = arith.constant 1 : i32
      scf.for %scan3A_729 = %scan3A_434 to %scan3A_436 step %scan3A_437  : i32 {
        %mul3A_730 = arith.constant 224 : i32
        %mul3A_731 = arith.muli %scan3A_729, %mul3A_730 : i32
        %dma_start3A = tpu.memref_slice %arg27[%mul3A_731] : memref<6272xf32, #tpu.memory_space<vmem>> -> memref<224xf32, #tpu.memory_space<vmem>>
        %dma_start3A_732 = tpu.memref_slice %arg21[%mul3A_731] : memref<896xi32, #tpu.memory_space<vmem>> -> memref<224xi32, #tpu.memory_space<vmem>>
        %dma_start3A_733 = arith.constant 0 : i32
        %dma_start3A_734 = tpu.memref_slice %arg12[%dma_start3A_733] : memref<51200xf32, #tpu.memory_space<vmem_shared>> -> memref<51200xf32, #tpu.memory_space<vmem_shared>>
        tpu.enqueue_indirect_dma source(%dma_start3A_734 : memref<51200xf32, #tpu.memory_space<vmem_shared>>) target(%dma_start3A : memref<224xf32, #tpu.memory_space<vmem>>) offsets(%dma_start3A_732 : memref<224xi32, #tpu.memory_space<vmem>>) semaphore(%arg39 : memref<!tpu.dma_semaphore, #tpu.memory_space<semaphore_mem>>)
        %dma_start3A_735 = tpu.memref_slice %arg28[%mul3A_731] : memref<6272xf32, #tpu.memory_space<vmem>> -> memref<224xf32, #tpu.memory_space<vmem>>
        %dma_start3A_736 = tpu.memref_slice %arg21[%mul3A_731] : memref<896xi32, #tpu.memory_space<vmem>> -> memref<224xi32, #tpu.memory_space<vmem>>
        %dma_start3A_737 = arith.constant 0 : i32
        %dma_start3A_738 = tpu.memref_slice %arg13[%dma_start3A_737] : memref<51200xf32, #tpu.memory_space<vmem_shared>> -> memref<51200xf32, #tpu.memory_space<vmem_shared>>
        tpu.enqueue_indirect_dma source(%dma_start3A_738 : memref<51200xf32, #tpu.memory_space<vmem_shared>>) target(%dma_start3A_735 : memref<224xf32, #tpu.memory_space<vmem>>) offsets(%dma_start3A_736 : memref<224xi32, #tpu.memory_space<vmem>>) semaphore(%arg39 : memref<!tpu.dma_semaphore, #tpu.memory_space<semaphore_mem>>)
        %dma_start3A_739 = tpu.memref_slice %arg29[%mul3A_731] : memref<6272xf32, #tpu.memory_space<vmem>> -> memref<224xf32, #tpu.memory_space<vmem>>
        %dma_start3A_740 = tpu.memref_slice %arg21[%mul3A_731] : memref<896xi32, #tpu.memory_space<vmem>> -> memref<224xi32, #tpu.memory_space<vmem>>
        %dma_start3A_741 = arith.constant 0 : i32
        %dma_start3A_742 = tpu.memref_slice %arg14[%dma_start3A_741] : memref<51200xf32, #tpu.memory_space<vmem_shared>> -> memref<51200xf32, #tpu.memory_space<vmem_shared>>
        tpu.enqueue_indirect_dma source(%dma_start3A_742 : memref<51200xf32, #tpu.memory_space<vmem_shared>>) target(%dma_start3A_739 : memref<224xf32, #tpu.memory_space<vmem>>) offsets(%dma_start3A_740 : memref<224xi32, #tpu.memory_space<vmem>>) semaphore(%arg39 : memref<!tpu.dma_semaphore, #tpu.memory_space<semaphore_mem>>)
        %dma_start3A_743 = tpu.memref_slice %arg30[%mul3A_731] : memref<6272xf32, #tpu.memory_space<vmem>> -> memref<224xf32, #tpu.memory_space<vmem>>
        %dma_start3A_744 = tpu.memref_slice %arg22[%mul3A_731] : memref<896xi32, #tpu.memory_space<vmem>> -> memref<224xi32, #tpu.memory_space<vmem>>
        %dma_start3A_745 = arith.constant 0 : i32
        %dma_start3A_746 = tpu.memref_slice %arg12[%dma_start3A_745] : memref<51200xf32, #tpu.memory_space<vmem_shared>> -> memref<51200xf32, #tpu.memory_space<vmem_shared>>
        tpu.enqueue_indirect_dma source(%dma_start3A_746 : memref<51200xf32, #tpu.memory_space<vmem_shared>>) target(%dma_start3A_743 : memref<224xf32, #tpu.memory_space<vmem>>) offsets(%dma_start3A_744 : memref<224xi32, #tpu.memory_space<vmem>>) semaphore(%arg39 : memref<!tpu.dma_semaphore, #tpu.memory_space<semaphore_mem>>)
        %dma_start3A_747 = tpu.memref_slice %arg31[%mul3A_731] : memref<6272xf32, #tpu.memory_space<vmem>> -> memref<224xf32, #tpu.memory_space<vmem>>
        %dma_start3A_748 = tpu.memref_slice %arg22[%mul3A_731] : memref<896xi32, #tpu.memory_space<vmem>> -> memref<224xi32, #tpu.memory_space<vmem>>
        %dma_start3A_749 = arith.constant 0 : i32
        %dma_start3A_750 = tpu.memref_slice %arg13[%dma_start3A_749] : memref<51200xf32, #tpu.memory_space<vmem_shared>> -> memref<51200xf32, #tpu.memory_space<vmem_shared>>
        tpu.enqueue_indirect_dma source(%dma_start3A_750 : memref<51200xf32, #tpu.memory_space<vmem_shared>>) target(%dma_start3A_747 : memref<224xf32, #tpu.memory_space<vmem>>) offsets(%dma_start3A_748 : memref<224xi32, #tpu.memory_space<vmem>>) semaphore(%arg39 : memref<!tpu.dma_semaphore, #tpu.memory_space<semaphore_mem>>)
        %dma_start3A_751 = tpu.memref_slice %arg32[%mul3A_731] : memref<6272xf32, #tpu.memory_space<vmem>> -> memref<224xf32, #tpu.memory_space<vmem>>
        %dma_start3A_752 = tpu.memref_slice %arg22[%mul3A_731] : memref<896xi32, #tpu.memory_space<vmem>> -> memref<224xi32, #tpu.memory_space<vmem>>
        %dma_start3A_753 = arith.constant 0 : i32
        %dma_start3A_754 = tpu.memref_slice %arg14[%dma_start3A_753] : memref<51200xf32, #tpu.memory_space<vmem_shared>> -> memref<51200xf32, #tpu.memory_space<vmem_shared>>
        tpu.enqueue_indirect_dma source(%dma_start3A_754 : memref<51200xf32, #tpu.memory_space<vmem_shared>>) target(%dma_start3A_751 : memref<224xf32, #tpu.memory_space<vmem>>) offsets(%dma_start3A_752 : memref<224xi32, #tpu.memory_space<vmem>>) semaphore(%arg39 : memref<!tpu.dma_semaphore, #tpu.memory_space<semaphore_mem>>)
        %dma_start3A_755 = tpu.memref_slice %arg33[%mul3A_731] : memref<6272xf32, #tpu.memory_space<vmem>> -> memref<224xf32, #tpu.memory_space<vmem>>
        %dma_start3A_756 = tpu.memref_slice %arg23[%mul3A_731] : memref<896xi32, #tpu.memory_space<vmem>> -> memref<224xi32, #tpu.memory_space<vmem>>
        %dma_start3A_757 = arith.constant 0 : i32
        %dma_start3A_758 = tpu.memref_slice %arg12[%dma_start3A_757] : memref<51200xf32, #tpu.memory_space<vmem_shared>> -> memref<51200xf32, #tpu.memory_space<vmem_shared>>
        tpu.enqueue_indirect_dma source(%dma_start3A_758 : memref<51200xf32, #tpu.memory_space<vmem_shared>>) target(%dma_start3A_755 : memref<224xf32, #tpu.memory_space<vmem>>) offsets(%dma_start3A_756 : memref<224xi32, #tpu.memory_space<vmem>>) semaphore(%arg39 : memref<!tpu.dma_semaphore, #tpu.memory_space<semaphore_mem>>)
        %dma_start3A_759 = tpu.memref_slice %arg34[%mul3A_731] : memref<6272xf32, #tpu.memory_space<vmem>> -> memref<224xf32, #tpu.memory_space<vmem>>
        %dma_start3A_760 = tpu.memref_slice %arg23[%mul3A_731] : memref<896xi32, #tpu.memory_space<vmem>> -> memref<224xi32, #tpu.memory_space<vmem>>
        %dma_start3A_761 = arith.constant 0 : i32
        %dma_start3A_762 = tpu.memref_slice %arg13[%dma_start3A_761] : memref<51200xf32, #tpu.memory_space<vmem_shared>> -> memref<51200xf32, #tpu.memory_space<vmem_shared>>
        tpu.enqueue_indirect_dma source(%dma_start3A_762 : memref<51200xf32, #tpu.memory_space<vmem_shared>>) target(%dma_start3A_759 : memref<224xf32, #tpu.memory_space<vmem>>) offsets(%dma_start3A_760 : memref<224xi32, #tpu.memory_space<vmem>>) semaphore(%arg39 : memref<!tpu.dma_semaphore, #tpu.memory_space<semaphore_mem>>)
        %dma_start3A_763 = tpu.memref_slice %arg35[%mul3A_731] : memref<6272xf32, #tpu.memory_space<vmem>> -> memref<224xf32, #tpu.memory_space<vmem>>
        %dma_start3A_764 = tpu.memref_slice %arg23[%mul3A_731] : memref<896xi32, #tpu.memory_space<vmem>> -> memref<224xi32, #tpu.memory_space<vmem>>
        %dma_start3A_765 = arith.constant 0 : i32
        %dma_start3A_766 = tpu.memref_slice %arg14[%dma_start3A_765] : memref<51200xf32, #tpu.memory_space<vmem_shared>> -> memref<51200xf32, #tpu.memory_space<vmem_shared>>
        tpu.enqueue_indirect_dma source(%dma_start3A_766 : memref<51200xf32, #tpu.memory_space<vmem_shared>>) target(%dma_start3A_763 : memref<224xf32, #tpu.memory_space<vmem>>) offsets(%dma_start3A_764 : memref<224xi32, #tpu.memory_space<vmem>>) semaphore(%arg39 : memref<!tpu.dma_semaphore, #tpu.memory_space<semaphore_mem>>)
      }
      %scan3A_438 = arith.constant 4 : i32
      %dma_wait3A_439 = arith.constant 0 : i32
      %dma_wait3A_440 = arith.constant 0 : i32
      %dma_wait3A_441 = arith.constant 0 : i32
      %dma_wait3A_442 = arith.constant 0 : i32
      %dma_wait3A_443 = tpu.memref_slice %arg27[%dma_wait3A_442] : memref<6272xf32, #tpu.memory_space<vmem>> -> memref<896xf32, #tpu.memory_space<vmem>>
      %dma_wait3A_444 = arith.constant 0 : i32
      %dma_wait3A_445 = tpu.memref_slice %arg8[%dma_wait3A_439, %dma_wait3A_440, %dma_wait3A_441, %dma_wait3A_444] : memref<8x3x1x51200xf32, #tpu.memory_space<hbm>> -> memref<1x1x1x896xf32, #tpu.memory_space<hbm>>
      %dma_wait3A_446 = tpu.memref_squeeze %dma_wait3A_445 : memref<1x1x1x896xf32, #tpu.memory_space<hbm>> -> memref<896xf32, #tpu.memory_space<hbm>>
      %dma_wait3A_447 = arith.constant 0 : i32
      %dma_wait3A_448 = tpu.memref_slice %arg27[%dma_wait3A_447] : memref<6272xf32, #tpu.memory_space<vmem>> -> memref<896xf32, #tpu.memory_space<vmem>>
      %dma_wait3A_449 = arith.constant 0 : i32
      %dma_wait3A_450 = tpu.memref_slice %arg8[%dma_wait3A_439, %dma_wait3A_440, %dma_wait3A_441, %dma_wait3A_449] : memref<8x3x1x51200xf32, #tpu.memory_space<hbm>> -> memref<1x1x1x896xf32, #tpu.memory_space<hbm>>
      %dma_wait3A_451 = tpu.memref_squeeze %dma_wait3A_450 : memref<1x1x1x896xf32, #tpu.memory_space<hbm>> -> memref<896xf32, #tpu.memory_space<hbm>>
      tpu.wait_dma2 semaphore(%arg39 : memref<!tpu.dma_semaphore, #tpu.memory_space<semaphore_mem>>) src(%dma_wait3A_451 : memref<896xf32, #tpu.memory_space<hbm>>) dst(%dma_wait3A_448 : memref<896xf32, #tpu.memory_space<vmem>>)
      %dma_wait3A_452 = arith.constant 0 : i32
      %dma_wait3A_453 = arith.constant 0 : i32
      %dma_wait3A_454 = arith.constant 0 : i32
      %dma_wait3A_455 = arith.constant 0 : i32
      %dma_wait3A_456 = tpu.memref_slice %arg27[%dma_wait3A_455] : memref<6272xf32, #tpu.memory_space<vmem>> -> memref<896xf32, #tpu.memory_space<vmem>>
      %dma_wait3A_457 = arith.constant 0 : i32
      %dma_wait3A_458 = tpu.memref_slice %arg8[%dma_wait3A_452, %dma_wait3A_453, %dma_wait3A_454, %dma_wait3A_457] : memref<8x3x1x51200xf32, #tpu.memory_space<hbm>> -> memref<1x1x1x896xf32, #tpu.memory_space<hbm>>
      %dma_wait3A_459 = tpu.memref_squeeze %dma_wait3A_458 : memref<1x1x1x896xf32, #tpu.memory_space<hbm>> -> memref<896xf32, #tpu.memory_space<hbm>>
      %dma_wait3A_460 = arith.constant 0 : i32
      %dma_wait3A_461 = tpu.memref_slice %arg27[%dma_wait3A_460] : memref<6272xf32, #tpu.memory_space<vmem>> -> memref<896xf32, #tpu.memory_space<vmem>>
      %dma_wait3A_462 = arith.constant 0 : i32
      %dma_wait3A_463 = tpu.memref_slice %arg8[%dma_wait3A_452, %dma_wait3A_453, %dma_wait3A_454, %dma_wait3A_462] : memref<8x3x1x51200xf32, #tpu.memory_space<hbm>> -> memref<1x1x1x896xf32, #tpu.memory_space<hbm>>
      %dma_wait3A_464 = tpu.memref_squeeze %dma_wait3A_463 : memref<1x1x1x896xf32, #tpu.memory_space<hbm>> -> memref<896xf32, #tpu.memory_space<hbm>>
      tpu.wait_dma2 semaphore(%arg39 : memref<!tpu.dma_semaphore, #tpu.memory_space<semaphore_mem>>) src(%dma_wait3A_464 : memref<896xf32, #tpu.memory_space<hbm>>) dst(%dma_wait3A_461 : memref<896xf32, #tpu.memory_space<vmem>>)
      %dma_wait3A_465 = arith.constant 0 : i32
      %dma_wait3A_466 = arith.constant 0 : i32
      %dma_wait3A_467 = arith.constant 0 : i32
      %dma_wait3A_468 = arith.constant 0 : i32
      %dma_wait3A_469 = tpu.memref_slice %arg27[%dma_wait3A_468] : memref<6272xf32, #tpu.memory_space<vmem>> -> memref<896xf32, #tpu.memory_space<vmem>>
      %dma_wait3A_470 = arith.constant 0 : i32
      %dma_wait3A_471 = tpu.memref_slice %arg8[%dma_wait3A_465, %dma_wait3A_466, %dma_wait3A_467, %dma_wait3A_470] : memref<8x3x1x51200xf32, #tpu.memory_space<hbm>> -> memref<1x1x1x896xf32, #tpu.memory_space<hbm>>
      %dma_wait3A_472 = tpu.memref_squeeze %dma_wait3A_471 : memref<1x1x1x896xf32, #tpu.memory_space<hbm>> -> memref<896xf32, #tpu.memory_space<hbm>>
      %dma_wait3A_473 = arith.constant 0 : i32
      %dma_wait3A_474 = tpu.memref_slice %arg27[%dma_wait3A_473] : memref<6272xf32, #tpu.memory_space<vmem>> -> memref<896xf32, #tpu.memory_space<vmem>>
      %dma_wait3A_475 = arith.constant 0 : i32
      %dma_wait3A_476 = tpu.memref_slice %arg8[%dma_wait3A_465, %dma_wait3A_466, %dma_wait3A_467, %dma_wait3A_475] : memref<8x3x1x51200xf32, #tpu.memory_space<hbm>> -> memref<1x1x1x896xf32, #tpu.memory_space<hbm>>
      %dma_wait3A_477 = tpu.memref_squeeze %dma_wait3A_476 : memref<1x1x1x896xf32, #tpu.memory_space<hbm>> -> memref<896xf32, #tpu.memory_space<hbm>>
      tpu.wait_dma2 semaphore(%arg39 : memref<!tpu.dma_semaphore, #tpu.memory_space<semaphore_mem>>) src(%dma_wait3A_477 : memref<896xf32, #tpu.memory_space<hbm>>) dst(%dma_wait3A_474 : memref<896xf32, #tpu.memory_space<vmem>>)
      %dma_wait3A_478 = arith.constant 0 : i32
      %dma_wait3A_479 = arith.constant 0 : i32
      %dma_wait3A_480 = arith.constant 0 : i32
      %dma_wait3A_481 = arith.constant 0 : i32
      %dma_wait3A_482 = tpu.memref_slice %arg27[%dma_wait3A_481] : memref<6272xf32, #tpu.memory_space<vmem>> -> memref<896xf32, #tpu.memory_space<vmem>>
      %dma_wait3A_483 = arith.constant 0 : i32
      %dma_wait3A_484 = tpu.memref_slice %arg8[%dma_wait3A_478, %dma_wait3A_479, %dma_wait3A_480, %dma_wait3A_483] : memref<8x3x1x51200xf32, #tpu.memory_space<hbm>> -> memref<1x1x1x896xf32, #tpu.memory_space<hbm>>
      %dma_wait3A_485 = tpu.memref_squeeze %dma_wait3A_484 : memref<1x1x1x896xf32, #tpu.memory_space<hbm>> -> memref<896xf32, #tpu.memory_space<hbm>>
      %dma_wait3A_486 = arith.constant 0 : i32
      %dma_wait3A_487 = tpu.memref_slice %arg27[%dma_wait3A_486] : memref<6272xf32, #tpu.memory_space<vmem>> -> memref<896xf32, #tpu.memory_space<vmem>>
      %dma_wait3A_488 = arith.constant 0 : i32
      %dma_wait3A_489 = tpu.memref_slice %arg8[%dma_wait3A_478, %dma_wait3A_479, %dma_wait3A_480, %dma_wait3A_488] : memref<8x3x1x51200xf32, #tpu.memory_space<hbm>> -> memref<1x1x1x896xf32, #tpu.memory_space<hbm>>
      %dma_wait3A_490 = tpu.memref_squeeze %dma_wait3A_489 : memref<1x1x1x896xf32, #tpu.memory_space<hbm>> -> memref<896xf32, #tpu.memory_space<hbm>>
      tpu.wait_dma2 semaphore(%arg39 : memref<!tpu.dma_semaphore, #tpu.memory_space<semaphore_mem>>) src(%dma_wait3A_490 : memref<896xf32, #tpu.memory_space<hbm>>) dst(%dma_wait3A_487 : memref<896xf32, #tpu.memory_space<vmem>>)
      %dma_wait3A_491 = arith.constant 0 : i32
      %dma_wait3A_492 = arith.constant 0 : i32
      %dma_wait3A_493 = arith.constant 0 : i32
      %dma_wait3A_494 = arith.constant 0 : i32
      %dma_wait3A_495 = tpu.memref_slice %arg27[%dma_wait3A_494] : memref<6272xf32, #tpu.memory_space<vmem>> -> memref<896xf32, #tpu.memory_space<vmem>>
      %dma_wait3A_496 = arith.constant 0 : i32
      %dma_wait3A_497 = tpu.memref_slice %arg8[%dma_wait3A_491, %dma_wait3A_492, %dma_wait3A_493, %dma_wait3A_496] : memref<8x3x1x51200xf32, #tpu.memory_space<hbm>> -> memref<1x1x1x896xf32, #tpu.memory_space<hbm>>
      %dma_wait3A_498 = tpu.memref_squeeze %dma_wait3A_497 : memref<1x1x1x896xf32, #tpu.memory_space<hbm>> -> memref<896xf32, #tpu.memory_space<hbm>>
      %dma_wait3A_499 = arith.constant 0 : i32
      %dma_wait3A_500 = tpu.memref_slice %arg27[%dma_wait3A_499] : memref<6272xf32, #tpu.memory_space<vmem>> -> memref<896xf32, #tpu.memory_space<vmem>>
      %dma_wait3A_501 = arith.constant 0 : i32
      %dma_wait3A_502 = tpu.memref_slice %arg8[%dma_wait3A_491, %dma_wait3A_492, %dma_wait3A_493, %dma_wait3A_501] : memref<8x3x1x51200xf32, #tpu.memory_space<hbm>> -> memref<1x1x1x896xf32, #tpu.memory_space<hbm>>
      %dma_wait3A_503 = tpu.memref_squeeze %dma_wait3A_502 : memref<1x1x1x896xf32, #tpu.memory_space<hbm>> -> memref<896xf32, #tpu.memory_space<hbm>>
      tpu.wait_dma2 semaphore(%arg39 : memref<!tpu.dma_semaphore, #tpu.memory_space<semaphore_mem>>) src(%dma_wait3A_503 : memref<896xf32, #tpu.memory_space<hbm>>) dst(%dma_wait3A_500 : memref<896xf32, #tpu.memory_space<vmem>>)
      %dma_wait3A_504 = arith.constant 0 : i32
      %dma_wait3A_505 = arith.constant 0 : i32
      %dma_wait3A_506 = arith.constant 0 : i32
      %dma_wait3A_507 = arith.constant 0 : i32
      %dma_wait3A_508 = tpu.memref_slice %arg27[%dma_wait3A_507] : memref<6272xf32, #tpu.memory_space<vmem>> -> memref<896xf32, #tpu.memory_space<vmem>>
      %dma_wait3A_509 = arith.constant 0 : i32
      %dma_wait3A_510 = tpu.memref_slice %arg8[%dma_wait3A_504, %dma_wait3A_505, %dma_wait3A_506, %dma_wait3A_509] : memref<8x3x1x51200xf32, #tpu.memory_space<hbm>> -> memref<1x1x1x896xf32, #tpu.memory_space<hbm>>
      %dma_wait3A_511 = tpu.memref_squeeze %dma_wait3A_510 : memref<1x1x1x896xf32, #tpu.memory_space<hbm>> -> memref<896xf32, #tpu.memory_space<hbm>>
      %dma_wait3A_512 = arith.constant 0 : i32
      %dma_wait3A_513 = tpu.memref_slice %arg27[%dma_wait3A_512] : memref<6272xf32, #tpu.memory_space<vmem>> -> memref<896xf32, #tpu.memory_space<vmem>>
      %dma_wait3A_514 = arith.constant 0 : i32
      %dma_wait3A_515 = tpu.memref_slice %arg8[%dma_wait3A_504, %dma_wait3A_505, %dma_wait3A_506, %dma_wait3A_514] : memref<8x3x1x51200xf32, #tpu.memory_space<hbm>> -> memref<1x1x1x896xf32, #tpu.memory_space<hbm>>
      %dma_wait3A_516 = tpu.memref_squeeze %dma_wait3A_515 : memref<1x1x1x896xf32, #tpu.memory_space<hbm>> -> memref<896xf32, #tpu.memory_space<hbm>>
      tpu.wait_dma2 semaphore(%arg39 : memref<!tpu.dma_semaphore, #tpu.memory_space<semaphore_mem>>) src(%dma_wait3A_516 : memref<896xf32, #tpu.memory_space<hbm>>) dst(%dma_wait3A_513 : memref<896xf32, #tpu.memory_space<vmem>>)
      %dma_wait3A_517 = arith.constant 0 : i32
      %dma_wait3A_518 = arith.constant 0 : i32
      %dma_wait3A_519 = arith.constant 0 : i32
      %dma_wait3A_520 = arith.constant 0 : i32
      %dma_wait3A_521 = tpu.memref_slice %arg27[%dma_wait3A_520] : memref<6272xf32, #tpu.memory_space<vmem>> -> memref<896xf32, #tpu.memory_space<vmem>>
      %dma_wait3A_522 = arith.constant 0 : i32
      %dma_wait3A_523 = tpu.memref_slice %arg8[%dma_wait3A_517, %dma_wait3A_518, %dma_wait3A_519, %dma_wait3A_522] : memref<8x3x1x51200xf32, #tpu.memory_space<hbm>> -> memref<1x1x1x896xf32, #tpu.memory_space<hbm>>
      %dma_wait3A_524 = tpu.memref_squeeze %dma_wait3A_523 : memref<1x1x1x896xf32, #tpu.memory_space<hbm>> -> memref<896xf32, #tpu.memory_space<hbm>>
      %dma_wait3A_525 = arith.constant 0 : i32
      %dma_wait3A_526 = tpu.memref_slice %arg27[%dma_wait3A_525] : memref<6272xf32, #tpu.memory_space<vmem>> -> memref<896xf32, #tpu.memory_space<vmem>>
      %dma_wait3A_527 = arith.constant 0 : i32
      %dma_wait3A_528 = tpu.memref_slice %arg8[%dma_wait3A_517, %dma_wait3A_518, %dma_wait3A_519, %dma_wait3A_527] : memref<8x3x1x51200xf32, #tpu.memory_space<hbm>> -> memref<1x1x1x896xf32, #tpu.memory_space<hbm>>
      %dma_wait3A_529 = tpu.memref_squeeze %dma_wait3A_528 : memref<1x1x1x896xf32, #tpu.memory_space<hbm>> -> memref<896xf32, #tpu.memory_space<hbm>>
      tpu.wait_dma2 semaphore(%arg39 : memref<!tpu.dma_semaphore, #tpu.memory_space<semaphore_mem>>) src(%dma_wait3A_529 : memref<896xf32, #tpu.memory_space<hbm>>) dst(%dma_wait3A_526 : memref<896xf32, #tpu.memory_space<vmem>>)
      %dma_wait3A_530 = arith.constant 0 : i32
      %dma_wait3A_531 = arith.constant 0 : i32
      %dma_wait3A_532 = arith.constant 0 : i32
      %dma_wait3A_533 = arith.constant 0 : i32
      %dma_wait3A_534 = tpu.memref_slice %arg27[%dma_wait3A_533] : memref<6272xf32, #tpu.memory_space<vmem>> -> memref<896xf32, #tpu.memory_space<vmem>>
      %dma_wait3A_535 = arith.constant 0 : i32
      %dma_wait3A_536 = tpu.memref_slice %arg8[%dma_wait3A_530, %dma_wait3A_531, %dma_wait3A_532, %dma_wait3A_535] : memref<8x3x1x51200xf32, #tpu.memory_space<hbm>> -> memref<1x1x1x896xf32, #tpu.memory_space<hbm>>
      %dma_wait3A_537 = tpu.memref_squeeze %dma_wait3A_536 : memref<1x1x1x896xf32, #tpu.memory_space<hbm>> -> memref<896xf32, #tpu.memory_space<hbm>>
      %dma_wait3A_538 = arith.constant 0 : i32
      %dma_wait3A_539 = tpu.memref_slice %arg27[%dma_wait3A_538] : memref<6272xf32, #tpu.memory_space<vmem>> -> memref<896xf32, #tpu.memory_space<vmem>>
      %dma_wait3A_540 = arith.constant 0 : i32
      %dma_wait3A_541 = tpu.memref_slice %arg8[%dma_wait3A_530, %dma_wait3A_531, %dma_wait3A_532, %dma_wait3A_540] : memref<8x3x1x51200xf32, #tpu.memory_space<hbm>> -> memref<1x1x1x896xf32, #tpu.memory_space<hbm>>
      %dma_wait3A_542 = tpu.memref_squeeze %dma_wait3A_541 : memref<1x1x1x896xf32, #tpu.memory_space<hbm>> -> memref<896xf32, #tpu.memory_space<hbm>>
      tpu.wait_dma2 semaphore(%arg39 : memref<!tpu.dma_semaphore, #tpu.memory_space<semaphore_mem>>) src(%dma_wait3A_542 : memref<896xf32, #tpu.memory_space<hbm>>) dst(%dma_wait3A_539 : memref<896xf32, #tpu.memory_space<vmem>>)
      %dma_wait3A_543 = arith.constant 0 : i32
      %dma_wait3A_544 = arith.constant 0 : i32
      %dma_wait3A_545 = arith.constant 0 : i32
      %dma_wait3A_546 = arith.constant 0 : i32
      %dma_wait3A_547 = tpu.memref_slice %arg27[%dma_wait3A_546] : memref<6272xf32, #tpu.memory_space<vmem>> -> memref<896xf32, #tpu.memory_space<vmem>>
      %dma_wait3A_548 = arith.constant 0 : i32
      %dma_wait3A_549 = tpu.memref_slice %arg8[%dma_wait3A_543, %dma_wait3A_544, %dma_wait3A_545, %dma_wait3A_548] : memref<8x3x1x51200xf32, #tpu.memory_space<hbm>> -> memref<1x1x1x896xf32, #tpu.memory_space<hbm>>
      %dma_wait3A_550 = tpu.memref_squeeze %dma_wait3A_549 : memref<1x1x1x896xf32, #tpu.memory_space<hbm>> -> memref<896xf32, #tpu.memory_space<hbm>>
      %dma_wait3A_551 = arith.constant 0 : i32
      %dma_wait3A_552 = tpu.memref_slice %arg27[%dma_wait3A_551] : memref<6272xf32, #tpu.memory_space<vmem>> -> memref<896xf32, #tpu.memory_space<vmem>>
      %dma_wait3A_553 = arith.constant 0 : i32
      %dma_wait3A_554 = tpu.memref_slice %arg8[%dma_wait3A_543, %dma_wait3A_544, %dma_wait3A_545, %dma_wait3A_553] : memref<8x3x1x51200xf32, #tpu.memory_space<hbm>> -> memref<1x1x1x896xf32, #tpu.memory_space<hbm>>
      %dma_wait3A_555 = tpu.memref_squeeze %dma_wait3A_554 : memref<1x1x1x896xf32, #tpu.memory_space<hbm>> -> memref<896xf32, #tpu.memory_space<hbm>>
      tpu.wait_dma2 semaphore(%arg39 : memref<!tpu.dma_semaphore, #tpu.memory_space<semaphore_mem>>) src(%dma_wait3A_555 : memref<896xf32, #tpu.memory_space<hbm>>) dst(%dma_wait3A_552 : memref<896xf32, #tpu.memory_space<vmem>>)
      %parallel_loop3A_556 = arith.constant 0 : i32
      %parallel_loop3A_557 = arith.constant 56 : i32
      %parallel_loop3A_558 = arith.constant 1 : i32
      scf.for %parallel_loop3A_729 = %parallel_loop3A_556 to %parallel_loop3A_557 step %parallel_loop3A_558  : i32 {
        %parallel_loop3A_730 = arith.constant 16 : i32
        %parallel_loop3A_731 = arith.muli %parallel_loop3A_729, %parallel_loop3A_730 : i32
        %parallel_loop3A_732 = arith.index_cast %parallel_loop3A_731 : i32 to index
        %parallel_loop3A_733 = tpu.vector_load %arg36[%parallel_loop3A_732] {strides = array<i32>} : memref<3200xf32, #tpu.memory_space<vmem>>, vector<16xf32>,
        %parallel_loop3A_734 = arith.index_cast %parallel_loop3A_731 : i32 to index
        %parallel_loop3A_735 = tpu.vector_load %arg37[%parallel_loop3A_734] {strides = array<i32>} : memref<3200xf32, #tpu.memory_space<vmem>>, vector<16xf32>,
        %parallel_loop3A_736 = arith.index_cast %parallel_loop3A_731 : i32 to index
        %parallel_loop3A_737 = tpu.vector_load %arg38[%parallel_loop3A_736] {strides = array<i32>} : memref<3200xf32, #tpu.memory_space<vmem>>, vector<16xf32>,
        %parallel_loop3A_738 = arith.index_cast %parallel_loop3A_731 : i32 to index
        %parallel_loop3A_739 = tpu.vector_load %arg27[%parallel_loop3A_738] {strides = array<i32>} : memref<6272xf32, #tpu.memory_space<vmem>>, vector<16xf32>,
        %parallel_loop3A_740 = arith.index_cast %parallel_loop3A_731 : i32 to index
        %parallel_loop3A_741 = tpu.vector_load %arg28[%parallel_loop3A_740] {strides = array<i32>} : memref<6272xf32, #tpu.memory_space<vmem>>, vector<16xf32>,
        %parallel_loop3A_742 = arith.index_cast %parallel_loop3A_731 : i32 to index
        %parallel_loop3A_743 = tpu.vector_load %arg29[%parallel_loop3A_742] {strides = array<i32>} : memref<6272xf32, #tpu.memory_space<vmem>>, vector<16xf32>,
        %parallel_loop3A_744 = arith.index_cast %parallel_loop3A_731 : i32 to index
        %parallel_loop3A_745 = tpu.vector_load %arg30[%parallel_loop3A_744] {strides = array<i32>} : memref<6272xf32, #tpu.memory_space<vmem>>, vector<16xf32>,
        %parallel_loop3A_746 = arith.index_cast %parallel_loop3A_731 : i32 to index
        %parallel_loop3A_747 = tpu.vector_load %arg31[%parallel_loop3A_746] {strides = array<i32>} : memref<6272xf32, #tpu.memory_space<vmem>>, vector<16xf32>,
        %parallel_loop3A_748 = arith.index_cast %parallel_loop3A_731 : i32 to index
        %parallel_loop3A_749 = tpu.vector_load %arg32[%parallel_loop3A_748] {strides = array<i32>} : memref<6272xf32, #tpu.memory_space<vmem>>, vector<16xf32>,
        %parallel_loop3A_750 = arith.index_cast %parallel_loop3A_731 : i32 to index
        %parallel_loop3A_751 = tpu.vector_load %arg33[%parallel_loop3A_750] {strides = array<i32>} : memref<6272xf32, #tpu.memory_space<vmem>>, vector<16xf32>,
        %parallel_loop3A_752 = arith.index_cast %parallel_loop3A_731 : i32 to index
        %parallel_loop3A_753 = tpu.vector_load %arg34[%parallel_loop3A_752] {strides = array<i32>} : memref<6272xf32, #tpu.memory_space<vmem>>, vector<16xf32>,
        %parallel_loop3A_754 = arith.index_cast %parallel_loop3A_731 : i32 to index
        %parallel_loop3A_755 = tpu.vector_load %arg35[%parallel_loop3A_754] {strides = array<i32>} : memref<6272xf32, #tpu.memory_space<vmem>>, vector<16xf32>,
        %parallel_loop3A_756 = arith.mulf %parallel_loop3A_739, %parallel_loop3A_739 : vector<16xf32>
        %parallel_loop3A_757 = arith.mulf %parallel_loop3A_741, %parallel_loop3A_741 : vector<16xf32>
        %parallel_loop3A_758 = arith.addf %parallel_loop3A_756, %parallel_loop3A_757 : vector<16xf32>
        %parallel_loop3A_759 = arith.mulf %parallel_loop3A_743, %parallel_loop3A_743 : vector<16xf32>
        %parallel_loop3A_760 = arith.addf %parallel_loop3A_758, %parallel_loop3A_759 : vector<16xf32>
        %parallel_loop3A_761 = arith.constant 9.99999996E-13 : f32
        %parallel_loop3A_762 = vector.broadcast %parallel_loop3A_761 : f32 to vector<16xf32>
        %parallel_loop3A_763 = arith.maximumf %parallel_loop3A_760, %parallel_loop3A_762 : vector<16xf32>
        %parallel_loop3A_764 = vector.bitcast %parallel_loop3A_763 : vector<16xf32> to vector<16xi32>
        %parallel_loop3A_765 = arith.constant 1 : i32
        %parallel_loop3A_766 = vector.broadcast %parallel_loop3A_765 : i32 to vector<16xi32>
        %parallel_loop3A_767 = arith.shrui %parallel_loop3A_764, %parallel_loop3A_766 : vector<16xi32>
        %parallel_loop3A_768 = arith.constant 1597463007 : i32
        %parallel_loop3A_769 = vector.broadcast %parallel_loop3A_768 : i32 to vector<16xi32>
        %parallel_loop3A_770 = arith.subi %parallel_loop3A_769, %parallel_loop3A_767 : vector<16xi32>
        %parallel_loop3A_771 = vector.bitcast %parallel_loop3A_770 : vector<16xi32> to vector<16xf32>
        %parallel_loop3A_772 = arith.constant 5.000000e-01 : f32
        %parallel_loop3A_773 = vector.broadcast %parallel_loop3A_772 : f32 to vector<16xf32>
        %parallel_loop3A_774 = arith.mulf %parallel_loop3A_773, %parallel_loop3A_763 : vector<16xf32>
        %parallel_loop3A_775 = arith.mulf %parallel_loop3A_774, %parallel_loop3A_771 : vector<16xf32>
        %parallel_loop3A_776 = arith.mulf %parallel_loop3A_775, %parallel_loop3A_771 : vector<16xf32>
        %parallel_loop3A_777 = arith.constant 1.500000e+00 : f32
        %parallel_loop3A_778 = vector.broadcast %parallel_loop3A_777 : f32 to vector<16xf32>
        %parallel_loop3A_779 = arith.subf %parallel_loop3A_778, %parallel_loop3A_776 : vector<16xf32>
        %parallel_loop3A_780 = arith.mulf %parallel_loop3A_771, %parallel_loop3A_779 : vector<16xf32>
        %parallel_loop3A_781 = arith.constant 5.000000e-01 : f32
        %parallel_loop3A_782 = vector.broadcast %parallel_loop3A_781 : f32 to vector<16xf32>
        %parallel_loop3A_783 = arith.mulf %parallel_loop3A_782, %parallel_loop3A_763 : vector<16xf32>
        %parallel_loop3A_784 = arith.mulf %parallel_loop3A_783, %parallel_loop3A_780 : vector<16xf32>
        %parallel_loop3A_785 = arith.mulf %parallel_loop3A_784, %parallel_loop3A_780 : vector<16xf32>
        %parallel_loop3A_786 = arith.constant 1.500000e+00 : f32
        %parallel_loop3A_787 = vector.broadcast %parallel_loop3A_786 : f32 to vector<16xf32>
        %parallel_loop3A_788 = arith.subf %parallel_loop3A_787, %parallel_loop3A_785 : vector<16xf32>
        %parallel_loop3A_789 = arith.mulf %parallel_loop3A_780, %parallel_loop3A_788 : vector<16xf32>
        %parallel_loop3A_790 = arith.constant 5.000000e-01 : f32
        %parallel_loop3A_791 = vector.broadcast %parallel_loop3A_790 : f32 to vector<16xf32>
        %parallel_loop3A_792 = arith.mulf %parallel_loop3A_791, %parallel_loop3A_763 : vector<16xf32>
        %parallel_loop3A_793 = arith.mulf %parallel_loop3A_792, %parallel_loop3A_789 : vector<16xf32>
        %parallel_loop3A_794 = arith.mulf %parallel_loop3A_793, %parallel_loop3A_789 : vector<16xf32>
        %parallel_loop3A_795 = arith.constant 1.500000e+00 : f32
        %parallel_loop3A_796 = vector.broadcast %parallel_loop3A_795 : f32 to vector<16xf32>
        %parallel_loop3A_797 = arith.subf %parallel_loop3A_796, %parallel_loop3A_794 : vector<16xf32>
        %parallel_loop3A_798 = arith.mulf %parallel_loop3A_789, %parallel_loop3A_797 : vector<16xf32>
        %parallel_loop3A_799 = arith.mulf %parallel_loop3A_733, %parallel_loop3A_798 : vector<16xf32>
        %parallel_loop3A_800 = arith.mulf %parallel_loop3A_745, %parallel_loop3A_745 : vector<16xf32>
        %parallel_loop3A_801 = arith.mulf %parallel_loop3A_747, %parallel_loop3A_747 : vector<16xf32>
        %parallel_loop3A_802 = arith.addf %parallel_loop3A_800, %parallel_loop3A_801 : vector<16xf32>
        %parallel_loop3A_803 = arith.mulf %parallel_loop3A_749, %parallel_loop3A_749 : vector<16xf32>
        %parallel_loop3A_804 = arith.addf %parallel_loop3A_802, %parallel_loop3A_803 : vector<16xf32>
        %parallel_loop3A_805 = arith.constant 9.99999996E-13 : f32
        %parallel_loop3A_806 = vector.broadcast %parallel_loop3A_805 : f32 to vector<16xf32>
        %parallel_loop3A_807 = arith.maximumf %parallel_loop3A_804, %parallel_loop3A_806 : vector<16xf32>
        %parallel_loop3A_808 = vector.bitcast %parallel_loop3A_807 : vector<16xf32> to vector<16xi32>
        %parallel_loop3A_809 = arith.constant 1 : i32
        %parallel_loop3A_810 = vector.broadcast %parallel_loop3A_809 : i32 to vector<16xi32>
        %parallel_loop3A_811 = arith.shrui %parallel_loop3A_808, %parallel_loop3A_810 : vector<16xi32>
        %parallel_loop3A_812 = arith.constant 1597463007 : i32
        %parallel_loop3A_813 = vector.broadcast %parallel_loop3A_812 : i32 to vector<16xi32>
        %parallel_loop3A_814 = arith.subi %parallel_loop3A_813, %parallel_loop3A_811 : vector<16xi32>
        %parallel_loop3A_815 = vector.bitcast %parallel_loop3A_814 : vector<16xi32> to vector<16xf32>
        %parallel_loop3A_816 = arith.constant 5.000000e-01 : f32
        %parallel_loop3A_817 = vector.broadcast %parallel_loop3A_816 : f32 to vector<16xf32>
        %parallel_loop3A_818 = arith.mulf %parallel_loop3A_817, %parallel_loop3A_807 : vector<16xf32>
        %parallel_loop3A_819 = arith.mulf %parallel_loop3A_818, %parallel_loop3A_815 : vector<16xf32>
        %parallel_loop3A_820 = arith.mulf %parallel_loop3A_819, %parallel_loop3A_815 : vector<16xf32>
        %parallel_loop3A_821 = arith.constant 1.500000e+00 : f32
        %parallel_loop3A_822 = vector.broadcast %parallel_loop3A_821 : f32 to vector<16xf32>
        %parallel_loop3A_823 = arith.subf %parallel_loop3A_822, %parallel_loop3A_820 : vector<16xf32>
        %parallel_loop3A_824 = arith.mulf %parallel_loop3A_815, %parallel_loop3A_823 : vector<16xf32>
        %parallel_loop3A_825 = arith.constant 5.000000e-01 : f32
        %parallel_loop3A_826 = vector.broadcast %parallel_loop3A_825 : f32 to vector<16xf32>
        %parallel_loop3A_827 = arith.mulf %parallel_loop3A_826, %parallel_loop3A_807 : vector<16xf32>
        %parallel_loop3A_828 = arith.mulf %parallel_loop3A_827, %parallel_loop3A_824 : vector<16xf32>
        %parallel_loop3A_829 = arith.mulf %parallel_loop3A_828, %parallel_loop3A_824 : vector<16xf32>
        %parallel_loop3A_830 = arith.constant 1.500000e+00 : f32
        %parallel_loop3A_831 = vector.broadcast %parallel_loop3A_830 : f32 to vector<16xf32>
        %parallel_loop3A_832 = arith.subf %parallel_loop3A_831, %parallel_loop3A_829 : vector<16xf32>
        %parallel_loop3A_833 = arith.mulf %parallel_loop3A_824, %parallel_loop3A_832 : vector<16xf32>
        %parallel_loop3A_834 = arith.constant 5.000000e-01 : f32
        %parallel_loop3A_835 = vector.broadcast %parallel_loop3A_834 : f32 to vector<16xf32>
        %parallel_loop3A_836 = arith.mulf %parallel_loop3A_835, %parallel_loop3A_807 : vector<16xf32>
        %parallel_loop3A_837 = arith.mulf %parallel_loop3A_836, %parallel_loop3A_833 : vector<16xf32>
        %parallel_loop3A_838 = arith.mulf %parallel_loop3A_837, %parallel_loop3A_833 : vector<16xf32>
        %parallel_loop3A_839 = arith.constant 1.500000e+00 : f32
        %parallel_loop3A_840 = vector.broadcast %parallel_loop3A_839 : f32 to vector<16xf32>
        %parallel_loop3A_841 = arith.subf %parallel_loop3A_840, %parallel_loop3A_838 : vector<16xf32>
        %parallel_loop3A_842 = arith.mulf %parallel_loop3A_833, %parallel_loop3A_841 : vector<16xf32>
        %parallel_loop3A_843 = arith.mulf %parallel_loop3A_735, %parallel_loop3A_842 : vector<16xf32>
        %parallel_loop3A_844 = arith.mulf %parallel_loop3A_751, %parallel_loop3A_751 : vector<16xf32>
        %parallel_loop3A_845 = arith.mulf %parallel_loop3A_753, %parallel_loop3A_753 : vector<16xf32>
        %parallel_loop3A_846 = arith.addf %parallel_loop3A_844, %parallel_loop3A_845 : vector<16xf32>
        %parallel_loop3A_847 = arith.mulf %parallel_loop3A_755, %parallel_loop3A_755 : vector<16xf32>
        %parallel_loop3A_848 = arith.addf %parallel_loop3A_846, %parallel_loop3A_847 : vector<16xf32>
        %parallel_loop3A_849 = arith.constant 9.99999996E-13 : f32
        %parallel_loop3A_850 = vector.broadcast %parallel_loop3A_849 : f32 to vector<16xf32>
        %parallel_loop3A_851 = arith.maximumf %parallel_loop3A_848, %parallel_loop3A_850 : vector<16xf32>
        %parallel_loop3A_852 = vector.bitcast %parallel_loop3A_851 : vector<16xf32> to vector<16xi32>
        %parallel_loop3A_853 = arith.constant 1 : i32
        %parallel_loop3A_854 = vector.broadcast %parallel_loop3A_853 : i32 to vector<16xi32>
        %parallel_loop3A_855 = arith.shrui %parallel_loop3A_852, %parallel_loop3A_854 : vector<16xi32>
        %parallel_loop3A_856 = arith.constant 1597463007 : i32
        %parallel_loop3A_857 = vector.broadcast %parallel_loop3A_856 : i32 to vector<16xi32>
        %parallel_loop3A_858 = arith.subi %parallel_loop3A_857, %parallel_loop3A_855 : vector<16xi32>
        %parallel_loop3A_859 = vector.bitcast %parallel_loop3A_858 : vector<16xi32> to vector<16xf32>
        %parallel_loop3A_860 = arith.constant 5.000000e-01 : f32
        %parallel_loop3A_861 = vector.broadcast %parallel_loop3A_860 : f32 to vector<16xf32>
        %parallel_loop3A_862 = arith.mulf %parallel_loop3A_861, %parallel_loop3A_851 : vector<16xf32>
        %parallel_loop3A_863 = arith.mulf %parallel_loop3A_862, %parallel_loop3A_859 : vector<16xf32>
        %parallel_loop3A_864 = arith.mulf %parallel_loop3A_863, %parallel_loop3A_859 : vector<16xf32>
        %parallel_loop3A_865 = arith.constant 1.500000e+00 : f32
        %parallel_loop3A_866 = vector.broadcast %parallel_loop3A_865 : f32 to vector<16xf32>
        %parallel_loop3A_867 = arith.subf %parallel_loop3A_866, %parallel_loop3A_864 : vector<16xf32>
        %parallel_loop3A_868 = arith.mulf %parallel_loop3A_859, %parallel_loop3A_867 : vector<16xf32>
        %parallel_loop3A_869 = arith.constant 5.000000e-01 : f32
        %parallel_loop3A_870 = vector.broadcast %parallel_loop3A_869 : f32 to vector<16xf32>
        %parallel_loop3A_871 = arith.mulf %parallel_loop3A_870, %parallel_loop3A_851 : vector<16xf32>
        %parallel_loop3A_872 = arith.mulf %parallel_loop3A_871, %parallel_loop3A_868 : vector<16xf32>
        %parallel_loop3A_873 = arith.mulf %parallel_loop3A_872, %parallel_loop3A_868 : vector<16xf32>
        %parallel_loop3A_874 = arith.constant 1.500000e+00 : f32
        %parallel_loop3A_875 = vector.broadcast %parallel_loop3A_874 : f32 to vector<16xf32>
        %parallel_loop3A_876 = arith.subf %parallel_loop3A_875, %parallel_loop3A_873 : vector<16xf32>
        %parallel_loop3A_877 = arith.mulf %parallel_loop3A_868, %parallel_loop3A_876 : vector<16xf32>
        %parallel_loop3A_878 = arith.constant 5.000000e-01 : f32
        %parallel_loop3A_879 = vector.broadcast %parallel_loop3A_878 : f32 to vector<16xf32>
        %parallel_loop3A_880 = arith.mulf %parallel_loop3A_879, %parallel_loop3A_851 : vector<16xf32>
        %parallel_loop3A_881 = arith.mulf %parallel_loop3A_880, %parallel_loop3A_877 : vector<16xf32>
        %parallel_loop3A_882 = arith.mulf %parallel_loop3A_881, %parallel_loop3A_877 : vector<16xf32>
        %parallel_loop3A_883 = arith.constant 1.500000e+00 : f32
        %parallel_loop3A_884 = vector.broadcast %parallel_loop3A_883 : f32 to vector<16xf32>
        %parallel_loop3A_885 = arith.subf %parallel_loop3A_884, %parallel_loop3A_882 : vector<16xf32>
        %parallel_loop3A_886 = arith.mulf %parallel_loop3A_877, %parallel_loop3A_885 : vector<16xf32>
        %parallel_loop3A_887 = arith.mulf %parallel_loop3A_737, %parallel_loop3A_886 : vector<16xf32>
        %parallel_loop3A_888 = arith.mulf %parallel_loop3A_799, %parallel_loop3A_739 : vector<16xf32>
        %parallel_loop3A_889 = arith.mulf %parallel_loop3A_843, %parallel_loop3A_745 : vector<16xf32>
        %parallel_loop3A_890 = arith.addf %parallel_loop3A_888, %parallel_loop3A_889 : vector<16xf32>
        %parallel_loop3A_891 = arith.mulf %parallel_loop3A_887, %parallel_loop3A_751 : vector<16xf32>
        %parallel_loop3A_892 = arith.addf %parallel_loop3A_890, %parallel_loop3A_891 : vector<16xf32>
        %parallel_loop3A_893 = arith.mulf %parallel_loop3A_799, %parallel_loop3A_741 : vector<16xf32>
        %parallel_loop3A_894 = arith.mulf %parallel_loop3A_843, %parallel_loop3A_747 : vector<16xf32>
        %parallel_loop3A_895 = arith.addf %parallel_loop3A_893, %parallel_loop3A_894 : vector<16xf32>
        %parallel_loop3A_896 = arith.mulf %parallel_loop3A_887, %parallel_loop3A_753 : vector<16xf32>
        %parallel_loop3A_897 = arith.addf %parallel_loop3A_895, %parallel_loop3A_896 : vector<16xf32>
        %parallel_loop3A_898 = arith.mulf %parallel_loop3A_799, %parallel_loop3A_743 : vector<16xf32>
        %parallel_loop3A_899 = arith.mulf %parallel_loop3A_843, %parallel_loop3A_749 : vector<16xf32>
        %parallel_loop3A_900 = arith.addf %parallel_loop3A_898, %parallel_loop3A_899 : vector<16xf32>
        %parallel_loop3A_901 = arith.mulf %parallel_loop3A_887, %parallel_loop3A_755 : vector<16xf32>
        %parallel_loop3A_902 = arith.addf %parallel_loop3A_900, %parallel_loop3A_901 : vector<16xf32>
        %parallel_loop3A_903 = arith.mulf %parallel_loop3A_892, %parallel_loop3A_892 : vector<16xf32>
        %parallel_loop3A_904 = arith.mulf %parallel_loop3A_897, %parallel_loop3A_897 : vector<16xf32>
        %parallel_loop3A_905 = arith.addf %parallel_loop3A_903, %parallel_loop3A_904 : vector<16xf32>
        %parallel_loop3A_906 = arith.mulf %parallel_loop3A_902, %parallel_loop3A_902 : vector<16xf32>
        %parallel_loop3A_907 = arith.addf %parallel_loop3A_905, %parallel_loop3A_906 : vector<16xf32>
        %parallel_loop3A_908 = arith.constant 9.99999996E-13 : f32
        %parallel_loop3A_909 = vector.broadcast %parallel_loop3A_908 : f32 to vector<16xf32>
        %parallel_loop3A_910 = arith.maximumf %parallel_loop3A_907, %parallel_loop3A_909 : vector<16xf32>
        %parallel_loop3A_911 = vector.bitcast %parallel_loop3A_910 : vector<16xf32> to vector<16xi32>
        %parallel_loop3A_912 = arith.constant 1 : i32
        %parallel_loop3A_913 = vector.broadcast %parallel_loop3A_912 : i32 to vector<16xi32>
        %parallel_loop3A_914 = arith.shrui %parallel_loop3A_911, %parallel_loop3A_913 : vector<16xi32>
        %parallel_loop3A_915 = arith.constant 1597463007 : i32
        %parallel_loop3A_916 = vector.broadcast %parallel_loop3A_915 : i32 to vector<16xi32>
        %parallel_loop3A_917 = arith.subi %parallel_loop3A_916, %parallel_loop3A_914 : vector<16xi32>
        %parallel_loop3A_918 = vector.bitcast %parallel_loop3A_917 : vector<16xi32> to vector<16xf32>
        %parallel_loop3A_919 = arith.constant 5.000000e-01 : f32
        %parallel_loop3A_920 = vector.broadcast %parallel_loop3A_919 : f32 to vector<16xf32>
        %parallel_loop3A_921 = arith.mulf %parallel_loop3A_920, %parallel_loop3A_910 : vector<16xf32>
        %parallel_loop3A_922 = arith.mulf %parallel_loop3A_921, %parallel_loop3A_918 : vector<16xf32>
        %parallel_loop3A_923 = arith.mulf %parallel_loop3A_922, %parallel_loop3A_918 : vector<16xf32>
        %parallel_loop3A_924 = arith.constant 1.500000e+00 : f32
        %parallel_loop3A_925 = vector.broadcast %parallel_loop3A_924 : f32 to vector<16xf32>
        %parallel_loop3A_926 = arith.subf %parallel_loop3A_925, %parallel_loop3A_923 : vector<16xf32>
        %parallel_loop3A_927 = arith.mulf %parallel_loop3A_918, %parallel_loop3A_926 : vector<16xf32>
        %parallel_loop3A_928 = arith.constant 5.000000e-01 : f32
        %parallel_loop3A_929 = vector.broadcast %parallel_loop3A_928 : f32 to vector<16xf32>
        %parallel_loop3A_930 = arith.mulf %parallel_loop3A_929, %parallel_loop3A_910 : vector<16xf32>
        %parallel_loop3A_931 = arith.mulf %parallel_loop3A_930, %parallel_loop3A_927 : vector<16xf32>
        %parallel_loop3A_932 = arith.mulf %parallel_loop3A_931, %parallel_loop3A_927 : vector<16xf32>
        %parallel_loop3A_933 = arith.constant 1.500000e+00 : f32
        %parallel_loop3A_934 = vector.broadcast %parallel_loop3A_933 : f32 to vector<16xf32>
        %parallel_loop3A_935 = arith.subf %parallel_loop3A_934, %parallel_loop3A_932 : vector<16xf32>
        %parallel_loop3A_936 = arith.mulf %parallel_loop3A_927, %parallel_loop3A_935 : vector<16xf32>
        %parallel_loop3A_937 = arith.constant 5.000000e-01 : f32
        %parallel_loop3A_938 = vector.broadcast %parallel_loop3A_937 : f32 to vector<16xf32>
        %parallel_loop3A_939 = arith.mulf %parallel_loop3A_938, %parallel_loop3A_910 : vector<16xf32>
        %parallel_loop3A_940 = arith.mulf %parallel_loop3A_939, %parallel_loop3A_936 : vector<16xf32>
        %parallel_loop3A_941 = arith.mulf %parallel_loop3A_940, %parallel_loop3A_936 : vector<16xf32>
        %parallel_loop3A_942 = arith.constant 1.500000e+00 : f32
        %parallel_loop3A_943 = vector.broadcast %parallel_loop3A_942 : f32 to vector<16xf32>
        %parallel_loop3A_944 = arith.subf %parallel_loop3A_943, %parallel_loop3A_941 : vector<16xf32>
        %parallel_loop3A_945 = arith.mulf %parallel_loop3A_936, %parallel_loop3A_944 : vector<16xf32>
        %parallel_loop3A_946 = arith.mulf %parallel_loop3A_892, %parallel_loop3A_945 : vector<16xf32>
        %parallel_loop3A_947 = arith.mulf %parallel_loop3A_897, %parallel_loop3A_945 : vector<16xf32>
        %parallel_loop3A_948 = arith.mulf %parallel_loop3A_902, %parallel_loop3A_945 : vector<16xf32>
        %parallel_loop3A_949 = arith.index_cast %parallel_loop3A_731 : i32 to index
        %parallel_loop3A_950 = tpu.vector_load %arg27[%parallel_loop3A_949] {strides = array<i32>} : memref<6272xf32, #tpu.memory_space<vmem>>, vector<16xf32>,
        tpu.vector_store %arg27[%parallel_loop3A_949], %parallel_loop3A_946 {strides = array<i32>} : memref<6272xf32, #tpu.memory_space<vmem>>, vector<16xf32>,
        %parallel_loop3A_951 = arith.index_cast %parallel_loop3A_731 : i32 to index
        %parallel_loop3A_952 = tpu.vector_load %arg28[%parallel_loop3A_951] {strides = array<i32>} : memref<6272xf32, #tpu.memory_space<vmem>>, vector<16xf32>,
        tpu.vector_store %arg28[%parallel_loop3A_951], %parallel_loop3A_947 {strides = array<i32>} : memref<6272xf32, #tpu.memory_space<vmem>>, vector<16xf32>,
        %parallel_loop3A_953 = arith.index_cast %parallel_loop3A_731 : i32 to index
        %parallel_loop3A_954 = tpu.vector_load %arg29[%parallel_loop3A_953] {strides = array<i32>} : memref<6272xf32, #tpu.memory_space<vmem>>, vector<16xf32>,
        tpu.vector_store %arg29[%parallel_loop3A_953], %parallel_loop3A_948 {strides = array<i32>} : memref<6272xf32, #tpu.memory_space<vmem>>, vector<16xf32>,
      } {sc.loop_unroll_factor = 8 : i64, sc.parallel_access}
      %mul3A_559 = arith.constant 896 : i32
      %mul3A_560 = arith.muli %arg1, %mul3A_559 : i32
      %add3A_561 = arith.constant 14336 : i32
      %add3A_562 = arith.addi %add3A_561, %mul3A_560 : i32
      "tpu.region"() ({
        %run_scoped3A_729 = tpu.sem_alloc : memref<!tpu.dma_semaphore, #tpu.memory_space<semaphore_mem>>
        %dma_start3A = arith.constant 0 : i32
        %dma_start3A_730 = tpu.memref_slice %arg27[%dma_start3A] : memref<6272xf32, #tpu.memory_space<vmem>> -> memref<896xf32, #tpu.memory_space<vmem>>
        %dma_start3A_731 = tpu.memref_slice %arg15[%add3A_562] : memref<28672xf32, #tpu.memory_space<vmem_shared>> -> memref<896xf32, #tpu.memory_space<vmem_shared>>
        %dma_start3A_732 = tpu.memref_slice %arg15[%add3A_562] : memref<28672xf32, #tpu.memory_space<vmem_shared>> -> memref<896xf32, #tpu.memory_space<vmem_shared>>
        %dma_start3A_733 = arith.constant 0 : i32
        %dma_start3A_734 = tpu.memref_slice %arg27[%dma_start3A_733] : memref<6272xf32, #tpu.memory_space<vmem>> -> memref<896xf32, #tpu.memory_space<vmem>>
        tpu.enqueue_dma source(%dma_start3A_734 : memref<896xf32, #tpu.memory_space<vmem>>) target(%dma_start3A_732 : memref<896xf32, #tpu.memory_space<vmem_shared>>) target_semaphore(%run_scoped3A_729 : memref<!tpu.dma_semaphore, #tpu.memory_space<semaphore_mem>>)
        %dma_wait3A_735 = arith.constant 0 : i32
        %dma_wait3A_736 = tpu.memref_slice %arg27[%dma_wait3A_735] : memref<6272xf32, #tpu.memory_space<vmem>> -> memref<896xf32, #tpu.memory_space<vmem>>
        %dma_wait3A_737 = tpu.memref_slice %arg15[%add3A_562] : memref<28672xf32, #tpu.memory_space<vmem_shared>> -> memref<896xf32, #tpu.memory_space<vmem_shared>>
        %dma_wait3A_738 = tpu.memref_slice %arg15[%add3A_562] : memref<28672xf32, #tpu.memory_space<vmem_shared>> -> memref<896xf32, #tpu.memory_space<vmem_shared>>
        %dma_wait3A_739 = arith.constant 0 : i32
        %dma_wait3A_740 = tpu.memref_slice %arg27[%dma_wait3A_739] : memref<6272xf32, #tpu.memory_space<vmem>> -> memref<896xf32, #tpu.memory_space<vmem>>
        tpu.wait_dma2 semaphore(%run_scoped3A_729 : memref<!tpu.dma_semaphore, #tpu.memory_space<semaphore_mem>>) src(%dma_wait3A_740 : memref<896xf32, #tpu.memory_space<vmem>>) dst(%dma_wait3A_738 : memref<896xf32, #tpu.memory_space<vmem_shared>>)
        tpu.yield
      }) : () -> ()
      %mul3A_563 = arith.constant 896 : i32
      %mul3A_564 = arith.muli %arg1, %mul3A_563 : i32
      %add3A_565 = arith.constant 14336 : i32
      %add3A_566 = arith.addi %add3A_565, %mul3A_564 : i32
      "tpu.region"() ({
        %run_scoped3A_729 = tpu.sem_alloc : memref<!tpu.dma_semaphore, #tpu.memory_space<semaphore_mem>>
        %dma_start3A = arith.constant 0 : i32
        %dma_start3A_730 = tpu.memref_slice %arg28[%dma_start3A] : memref<6272xf32, #tpu.memory_space<vmem>> -> memref<896xf32, #tpu.memory_space<vmem>>
        %dma_start3A_731 = tpu.memref_slice %arg16[%add3A_566] : memref<28672xf32, #tpu.memory_space<vmem_shared>> -> memref<896xf32, #tpu.memory_space<vmem_shared>>
        %dma_start3A_732 = tpu.memref_slice %arg16[%add3A_566] : memref<28672xf32, #tpu.memory_space<vmem_shared>> -> memref<896xf32, #tpu.memory_space<vmem_shared>>
        %dma_start3A_733 = arith.constant 0 : i32
        %dma_start3A_734 = tpu.memref_slice %arg28[%dma_start3A_733] : memref<6272xf32, #tpu.memory_space<vmem>> -> memref<896xf32, #tpu.memory_space<vmem>>
        tpu.enqueue_dma source(%dma_start3A_734 : memref<896xf32, #tpu.memory_space<vmem>>) target(%dma_start3A_732 : memref<896xf32, #tpu.memory_space<vmem_shared>>) target_semaphore(%run_scoped3A_729 : memref<!tpu.dma_semaphore, #tpu.memory_space<semaphore_mem>>)
        %dma_wait3A_735 = arith.constant 0 : i32
        %dma_wait3A_736 = tpu.memref_slice %arg28[%dma_wait3A_735] : memref<6272xf32, #tpu.memory_space<vmem>> -> memref<896xf32, #tpu.memory_space<vmem>>
        %dma_wait3A_737 = tpu.memref_slice %arg16[%add3A_566] : memref<28672xf32, #tpu.memory_space<vmem_shared>> -> memref<896xf32, #tpu.memory_space<vmem_shared>>
        %dma_wait3A_738 = tpu.memref_slice %arg16[%add3A_566] : memref<28672xf32, #tpu.memory_space<vmem_shared>> -> memref<896xf32, #tpu.memory_space<vmem_shared>>
        %dma_wait3A_739 = arith.constant 0 : i32
        %dma_wait3A_740 = tpu.memref_slice %arg28[%dma_wait3A_739] : memref<6272xf32, #tpu.memory_space<vmem>> -> memref<896xf32, #tpu.memory_space<vmem>>
        tpu.wait_dma2 semaphore(%run_scoped3A_729 : memref<!tpu.dma_semaphore, #tpu.memory_space<semaphore_mem>>) src(%dma_wait3A_740 : memref<896xf32, #tpu.memory_space<vmem>>) dst(%dma_wait3A_738 : memref<896xf32, #tpu.memory_space<vmem_shared>>)
        tpu.yield
      }) : () -> ()
      %mul3A_567 = arith.constant 896 : i32
      %mul3A_568 = arith.muli %arg1, %mul3A_567 : i32
      %add3A_569 = arith.constant 14336 : i32
      %add3A_570 = arith.addi %add3A_569, %mul3A_568 : i32
      "tpu.region"() ({
        %run_scoped3A_729 = tpu.sem_alloc : memref<!tpu.dma_semaphore, #tpu.memory_space<semaphore_mem>>
        %dma_start3A = arith.constant 0 : i32
        %dma_start3A_730 = tpu.memref_slice %arg29[%dma_start3A] : memref<6272xf32, #tpu.memory_space<vmem>> -> memref<896xf32, #tpu.memory_space<vmem>>
        %dma_start3A_731 = tpu.memref_slice %arg17[%add3A_570] : memref<28672xf32, #tpu.memory_space<vmem_shared>> -> memref<896xf32, #tpu.memory_space<vmem_shared>>
        %dma_start3A_732 = tpu.memref_slice %arg17[%add3A_570] : memref<28672xf32, #tpu.memory_space<vmem_shared>> -> memref<896xf32, #tpu.memory_space<vmem_shared>>
        %dma_start3A_733 = arith.constant 0 : i32
        %dma_start3A_734 = tpu.memref_slice %arg29[%dma_start3A_733] : memref<6272xf32, #tpu.memory_space<vmem>> -> memref<896xf32, #tpu.memory_space<vmem>>
        tpu.enqueue_dma source(%dma_start3A_734 : memref<896xf32, #tpu.memory_space<vmem>>) target(%dma_start3A_732 : memref<896xf32, #tpu.memory_space<vmem_shared>>) target_semaphore(%run_scoped3A_729 : memref<!tpu.dma_semaphore, #tpu.memory_space<semaphore_mem>>)
        %dma_wait3A_735 = arith.constant 0 : i32
        %dma_wait3A_736 = tpu.memref_slice %arg29[%dma_wait3A_735] : memref<6272xf32, #tpu.memory_space<vmem>> -> memref<896xf32, #tpu.memory_space<vmem>>
        %dma_wait3A_737 = tpu.memref_slice %arg17[%add3A_570] : memref<28672xf32, #tpu.memory_space<vmem_shared>> -> memref<896xf32, #tpu.memory_space<vmem_shared>>
        %dma_wait3A_738 = tpu.memref_slice %arg17[%add3A_570] : memref<28672xf32, #tpu.memory_space<vmem_shared>> -> memref<896xf32, #tpu.memory_space<vmem_shared>>
        %dma_wait3A_739 = arith.constant 0 : i32
        %dma_wait3A_740 = tpu.memref_slice %arg29[%dma_wait3A_739] : memref<6272xf32, #tpu.memory_space<vmem>> -> memref<896xf32, #tpu.memory_space<vmem>>
        tpu.wait_dma2 semaphore(%run_scoped3A_729 : memref<!tpu.dma_semaphore, #tpu.memory_space<semaphore_mem>>) src(%dma_wait3A_740 : memref<896xf32, #tpu.memory_space<vmem>>) dst(%dma_wait3A_738 : memref<896xf32, #tpu.memory_space<vmem_shared>>)
        tpu.yield
      }) : () -> ()
      %barrier3A_571 = arith.constant 0 : index
      tpu.barrier barrier_id(%barrier3A_571)
      %mul3A_572 = arith.constant 3200 : i32
      %mul3A_573 = arith.muli %arg1, %mul3A_572 : i32
      %run_scoped3A_574 = arith.constant 0 : i32
      %run_scoped3A_575 = arith.constant 0 : i32
      "tpu.region"() ({
        %run_scoped3A_729 = tpu.sem_alloc : memref<!tpu.dma_semaphore, #tpu.memory_space<semaphore_mem>>
        %dma_start3A = tpu.memref_slice %arg6[%run_scoped3A_574, %run_scoped3A_575, %mul3A_573] : memref<3x1x51200xi32, #tpu.memory_space<hbm>> -> memref<1x1x3200xi32, #tpu.memory_space<hbm>>
        %dma_start3A_730 = tpu.memref_squeeze %dma_start3A : memref<1x1x3200xi32, #tpu.memory_space<hbm>> -> memref<3200xi32, #tpu.memory_space<hbm>>
        %dma_start3A_731 = tpu.memref_slice %arg6[%run_scoped3A_574, %run_scoped3A_575, %mul3A_573] : memref<3x1x51200xi32, #tpu.memory_space<hbm>> -> memref<1x1x3200xi32, #tpu.memory_space<hbm>>
        %dma_start3A_732 = tpu.memref_squeeze %dma_start3A_731 : memref<1x1x3200xi32, #tpu.memory_space<hbm>> -> memref<3200xi32, #tpu.memory_space<hbm>>
        tpu.enqueue_dma source(%dma_start3A_732 : memref<3200xi32, #tpu.memory_space<hbm>>) target(%arg24 : memref<3200xi32, #tpu.memory_space<vmem>>) target_semaphore(%run_scoped3A_729 : memref<!tpu.dma_semaphore, #tpu.memory_space<semaphore_mem>>)
        %dma_wait3A_733 = tpu.memref_slice %arg6[%run_scoped3A_574, %run_scoped3A_575, %mul3A_573] : memref<3x1x51200xi32, #tpu.memory_space<hbm>> -> memref<1x1x3200xi32, #tpu.memory_space<hbm>>
        %dma_wait3A_734 = tpu.memref_squeeze %dma_wait3A_733 : memref<1x1x3200xi32, #tpu.memory_space<hbm>> -> memref<3200xi32, #tpu.memory_space<hbm>>
        %dma_wait3A_735 = tpu.memref_slice %arg6[%run_scoped3A_574, %run_scoped3A_575, %mul3A_573] : memref<3x1x51200xi32, #tpu.memory_space<hbm>> -> memref<1x1x3200xi32, #tpu.memory_space<hbm>>
        %dma_wait3A_736 = tpu.memref_squeeze %dma_wait3A_735 : memref<1x1x3200xi32, #tpu.memory_space<hbm>> -> memref<3200xi32, #tpu.memory_space<hbm>>
        tpu.wait_dma2 semaphore(%run_scoped3A_729 : memref<!tpu.dma_semaphore, #tpu.memory_space<semaphore_mem>>) src(%dma_wait3A_736 : memref<3200xi32, #tpu.memory_space<hbm>>) dst(%arg24 : memref<3200xi32, #tpu.memory_space<vmem>>)
        tpu.yield
      }) : () -> ()
      %mul3A_576 = arith.constant 3200 : i32
      %mul3A_577 = arith.muli %arg1, %mul3A_576 : i32
      %run_scoped3A_578 = arith.constant 0 : i32
      %run_scoped3A_579 = arith.constant 0 : i32
      "tpu.region"() ({
        %run_scoped3A_729 = tpu.sem_alloc : memref<!tpu.dma_semaphore, #tpu.memory_space<semaphore_mem>>
        %dma_start3A = arith.constant 0 : i32
        %dma_start3A_730 = tpu.memref_slice %arg36[%dma_start3A] : memref<3200xf32, #tpu.memory_space<vmem>> -> memref<3200xf32, #tpu.memory_space<vmem>>
        %dma_start3A_731 = tpu.memref_slice %arg7[%run_scoped3A_578, %run_scoped3A_579, %mul3A_577] : memref<3x1x51200xf32, #tpu.memory_space<hbm>> -> memref<1x1x3200xf32, #tpu.memory_space<hbm>>
        %dma_start3A_732 = tpu.memref_squeeze %dma_start3A_731 : memref<1x1x3200xf32, #tpu.memory_space<hbm>> -> memref<3200xf32, #tpu.memory_space<hbm>>
        %dma_start3A_733 = arith.constant 0 : i32
        %dma_start3A_734 = tpu.memref_slice %arg36[%dma_start3A_733] : memref<3200xf32, #tpu.memory_space<vmem>> -> memref<3200xf32, #tpu.memory_space<vmem>>
        %dma_start3A_735 = tpu.memref_slice %arg7[%run_scoped3A_578, %run_scoped3A_579, %mul3A_577] : memref<3x1x51200xf32, #tpu.memory_space<hbm>> -> memref<1x1x3200xf32, #tpu.memory_space<hbm>>
        %dma_start3A_736 = tpu.memref_squeeze %dma_start3A_735 : memref<1x1x3200xf32, #tpu.memory_space<hbm>> -> memref<3200xf32, #tpu.memory_space<hbm>>
        tpu.enqueue_dma source(%dma_start3A_736 : memref<3200xf32, #tpu.memory_space<hbm>>) target(%dma_start3A_734 : memref<3200xf32, #tpu.memory_space<vmem>>) target_semaphore(%run_scoped3A_729 : memref<!tpu.dma_semaphore, #tpu.memory_space<semaphore_mem>>)
        %dma_wait3A_737 = arith.constant 0 : i32
        %dma_wait3A_738 = tpu.memref_slice %arg36[%dma_wait3A_737] : memref<3200xf32, #tpu.memory_space<vmem>> -> memref<3200xf32, #tpu.memory_space<vmem>>
        %dma_wait3A_739 = tpu.memref_slice %arg7[%run_scoped3A_578, %run_scoped3A_579, %mul3A_577] : memref<3x1x51200xf32, #tpu.memory_space<hbm>> -> memref<1x1x3200xf32, #tpu.memory_space<hbm>>
        %dma_wait3A_740 = tpu.memref_squeeze %dma_wait3A_739 : memref<1x1x3200xf32, #tpu.memory_space<hbm>> -> memref<3200xf32, #tpu.memory_space<hbm>>
        %dma_wait3A_741 = arith.constant 0 : i32
        %dma_wait3A_742 = tpu.memref_slice %arg36[%dma_wait3A_741] : memref<3200xf32, #tpu.memory_space<vmem>> -> memref<3200xf32, #tpu.memory_space<vmem>>
        %dma_wait3A_743 = tpu.memref_slice %arg7[%run_scoped3A_578, %run_scoped3A_579, %mul3A_577] : memref<3x1x51200xf32, #tpu.memory_space<hbm>> -> memref<1x1x3200xf32, #tpu.memory_space<hbm>>
        %dma_wait3A_744 = tpu.memref_squeeze %dma_wait3A_743 : memref<1x1x3200xf32, #tpu.memory_space<hbm>> -> memref<3200xf32, #tpu.memory_space<hbm>>
        tpu.wait_dma2 semaphore(%run_scoped3A_729 : memref<!tpu.dma_semaphore, #tpu.memory_space<semaphore_mem>>) src(%dma_wait3A_744 : memref<3200xf32, #tpu.memory_space<hbm>>) dst(%dma_wait3A_742 : memref<3200xf32, #tpu.memory_space<vmem>>)
        tpu.yield
      }) : () -> ()
      %mul3A_580 = arith.constant 3200 : i32
      %mul3A_581 = arith.muli %arg1, %mul3A_580 : i32
      %run_scoped3A_582 = arith.constant 1 : i32
      %run_scoped3A_583 = arith.constant 0 : i32
      "tpu.region"() ({
        %run_scoped3A_729 = tpu.sem_alloc : memref<!tpu.dma_semaphore, #tpu.memory_space<semaphore_mem>>
        %dma_start3A = tpu.memref_slice %arg6[%run_scoped3A_582, %run_scoped3A_583, %mul3A_581] : memref<3x1x51200xi32, #tpu.memory_space<hbm>> -> memref<1x1x3200xi32, #tpu.memory_space<hbm>>
        %dma_start3A_730 = tpu.memref_squeeze %dma_start3A : memref<1x1x3200xi32, #tpu.memory_space<hbm>> -> memref<3200xi32, #tpu.memory_space<hbm>>
        %dma_start3A_731 = tpu.memref_slice %arg6[%run_scoped3A_582, %run_scoped3A_583, %mul3A_581] : memref<3x1x51200xi32, #tpu.memory_space<hbm>> -> memref<1x1x3200xi32, #tpu.memory_space<hbm>>
        %dma_start3A_732 = tpu.memref_squeeze %dma_start3A_731 : memref<1x1x3200xi32, #tpu.memory_space<hbm>> -> memref<3200xi32, #tpu.memory_space<hbm>>
        tpu.enqueue_dma source(%dma_start3A_732 : memref<3200xi32, #tpu.memory_space<hbm>>) target(%arg25 : memref<3200xi32, #tpu.memory_space<vmem>>) target_semaphore(%run_scoped3A_729 : memref<!tpu.dma_semaphore, #tpu.memory_space<semaphore_mem>>)
        %dma_wait3A_733 = tpu.memref_slice %arg6[%run_scoped3A_582, %run_scoped3A_583, %mul3A_581] : memref<3x1x51200xi32, #tpu.memory_space<hbm>> -> memref<1x1x3200xi32, #tpu.memory_space<hbm>>
        %dma_wait3A_734 = tpu.memref_squeeze %dma_wait3A_733 : memref<1x1x3200xi32, #tpu.memory_space<hbm>> -> memref<3200xi32, #tpu.memory_space<hbm>>
        %dma_wait3A_735 = tpu.memref_slice %arg6[%run_scoped3A_582, %run_scoped3A_583, %mul3A_581] : memref<3x1x51200xi32, #tpu.memory_space<hbm>> -> memref<1x1x3200xi32, #tpu.memory_space<hbm>>
        %dma_wait3A_736 = tpu.memref_squeeze %dma_wait3A_735 : memref<1x1x3200xi32, #tpu.memory_space<hbm>> -> memref<3200xi32, #tpu.memory_space<hbm>>
        tpu.wait_dma2 semaphore(%run_scoped3A_729 : memref<!tpu.dma_semaphore, #tpu.memory_space<semaphore_mem>>) src(%dma_wait3A_736 : memref<3200xi32, #tpu.memory_space<hbm>>) dst(%arg25 : memref<3200xi32, #tpu.memory_space<vmem>>)
        tpu.yield
      }) : () -> ()
      %mul3A_584 = arith.constant 3200 : i32
      %mul3A_585 = arith.muli %arg1, %mul3A_584 : i32
      %run_scoped3A_586 = arith.constant 1 : i32
      %run_scoped3A_587 = arith.constant 0 : i32
      "tpu.region"() ({
        %run_scoped3A_729 = tpu.sem_alloc : memref<!tpu.dma_semaphore, #tpu.memory_space<semaphore_mem>>
        %dma_start3A = arith.constant 0 : i32
        %dma_start3A_730 = tpu.memref_slice %arg37[%dma_start3A] : memref<3200xf32, #tpu.memory_space<vmem>> -> memref<3200xf32, #tpu.memory_space<vmem>>
        %dma_start3A_731 = tpu.memref_slice %arg7[%run_scoped3A_586, %run_scoped3A_587, %mul3A_585] : memref<3x1x51200xf32, #tpu.memory_space<hbm>> -> memref<1x1x3200xf32, #tpu.memory_space<hbm>>
        %dma_start3A_732 = tpu.memref_squeeze %dma_start3A_731 : memref<1x1x3200xf32, #tpu.memory_space<hbm>> -> memref<3200xf32, #tpu.memory_space<hbm>>
        %dma_start3A_733 = arith.constant 0 : i32
        %dma_start3A_734 = tpu.memref_slice %arg37[%dma_start3A_733] : memref<3200xf32, #tpu.memory_space<vmem>> -> memref<3200xf32, #tpu.memory_space<vmem>>
        %dma_start3A_735 = tpu.memref_slice %arg7[%run_scoped3A_586, %run_scoped3A_587, %mul3A_585] : memref<3x1x51200xf32, #tpu.memory_space<hbm>> -> memref<1x1x3200xf32, #tpu.memory_space<hbm>>
        %dma_start3A_736 = tpu.memref_squeeze %dma_start3A_735 : memref<1x1x3200xf32, #tpu.memory_space<hbm>> -> memref<3200xf32, #tpu.memory_space<hbm>>
        tpu.enqueue_dma source(%dma_start3A_736 : memref<3200xf32, #tpu.memory_space<hbm>>) target(%dma_start3A_734 : memref<3200xf32, #tpu.memory_space<vmem>>) target_semaphore(%run_scoped3A_729 : memref<!tpu.dma_semaphore, #tpu.memory_space<semaphore_mem>>)
        %dma_wait3A_737 = arith.constant 0 : i32
        %dma_wait3A_738 = tpu.memref_slice %arg37[%dma_wait3A_737] : memref<3200xf32, #tpu.memory_space<vmem>> -> memref<3200xf32, #tpu.memory_space<vmem>>
        %dma_wait3A_739 = tpu.memref_slice %arg7[%run_scoped3A_586, %run_scoped3A_587, %mul3A_585] : memref<3x1x51200xf32, #tpu.memory_space<hbm>> -> memref<1x1x3200xf32, #tpu.memory_space<hbm>>
        %dma_wait3A_740 = tpu.memref_squeeze %dma_wait3A_739 : memref<1x1x3200xf32, #tpu.memory_space<hbm>> -> memref<3200xf32, #tpu.memory_space<hbm>>
        %dma_wait3A_741 = arith.constant 0 : i32
        %dma_wait3A_742 = tpu.memref_slice %arg37[%dma_wait3A_741] : memref<3200xf32, #tpu.memory_space<vmem>> -> memref<3200xf32, #tpu.memory_space<vmem>>
        %dma_wait3A_743 = tpu.memref_slice %arg7[%run_scoped3A_586, %run_scoped3A_587, %mul3A_585] : memref<3x1x51200xf32, #tpu.memory_space<hbm>> -> memref<1x1x3200xf32, #tpu.memory_space<hbm>>
        %dma_wait3A_744 = tpu.memref_squeeze %dma_wait3A_743 : memref<1x1x3200xf32, #tpu.memory_space<hbm>> -> memref<3200xf32, #tpu.memory_space<hbm>>
        tpu.wait_dma2 semaphore(%run_scoped3A_729 : memref<!tpu.dma_semaphore, #tpu.memory_space<semaphore_mem>>) src(%dma_wait3A_744 : memref<3200xf32, #tpu.memory_space<hbm>>) dst(%dma_wait3A_742 : memref<3200xf32, #tpu.memory_space<vmem>>)
        tpu.yield
      }) : () -> ()
      %mul3A_588 = arith.constant 3200 : i32
      %mul3A_589 = arith.muli %arg1, %mul3A_588 : i32
      %run_scoped3A_590 = arith.constant 2 : i32
      %run_scoped3A_591 = arith.constant 0 : i32
      "tpu.region"() ({
        %run_scoped3A_729 = tpu.sem_alloc : memref<!tpu.dma_semaphore, #tpu.memory_space<semaphore_mem>>
        %dma_start3A = tpu.memref_slice %arg6[%run_scoped3A_590, %run_scoped3A_591, %mul3A_589] : memref<3x1x51200xi32, #tpu.memory_space<hbm>> -> memref<1x1x3200xi32, #tpu.memory_space<hbm>>
        %dma_start3A_730 = tpu.memref_squeeze %dma_start3A : memref<1x1x3200xi32, #tpu.memory_space<hbm>> -> memref<3200xi32, #tpu.memory_space<hbm>>
        %dma_start3A_731 = tpu.memref_slice %arg6[%run_scoped3A_590, %run_scoped3A_591, %mul3A_589] : memref<3x1x51200xi32, #tpu.memory_space<hbm>> -> memref<1x1x3200xi32, #tpu.memory_space<hbm>>
        %dma_start3A_732 = tpu.memref_squeeze %dma_start3A_731 : memref<1x1x3200xi32, #tpu.memory_space<hbm>> -> memref<3200xi32, #tpu.memory_space<hbm>>
        tpu.enqueue_dma source(%dma_start3A_732 : memref<3200xi32, #tpu.memory_space<hbm>>) target(%arg26 : memref<3200xi32, #tpu.memory_space<vmem>>) target_semaphore(%run_scoped3A_729 : memref<!tpu.dma_semaphore, #tpu.memory_space<semaphore_mem>>)
        %dma_wait3A_733 = tpu.memref_slice %arg6[%run_scoped3A_590, %run_scoped3A_591, %mul3A_589] : memref<3x1x51200xi32, #tpu.memory_space<hbm>> -> memref<1x1x3200xi32, #tpu.memory_space<hbm>>
        %dma_wait3A_734 = tpu.memref_squeeze %dma_wait3A_733 : memref<1x1x3200xi32, #tpu.memory_space<hbm>> -> memref<3200xi32, #tpu.memory_space<hbm>>
        %dma_wait3A_735 = tpu.memref_slice %arg6[%run_scoped3A_590, %run_scoped3A_591, %mul3A_589] : memref<3x1x51200xi32, #tpu.memory_space<hbm>> -> memref<1x1x3200xi32, #tpu.memory_space<hbm>>
        %dma_wait3A_736 = tpu.memref_squeeze %dma_wait3A_735 : memref<1x1x3200xi32, #tpu.memory_space<hbm>> -> memref<3200xi32, #tpu.memory_space<hbm>>
        tpu.wait_dma2 semaphore(%run_scoped3A_729 : memref<!tpu.dma_semaphore, #tpu.memory_space<semaphore_mem>>) src(%dma_wait3A_736 : memref<3200xi32, #tpu.memory_space<hbm>>) dst(%arg26 : memref<3200xi32, #tpu.memory_space<vmem>>)
        tpu.yield
      }) : () -> ()
      %mul3A_592 = arith.constant 3200 : i32
      %mul3A_593 = arith.muli %arg1, %mul3A_592 : i32
      %run_scoped3A_594 = arith.constant 2 : i32
      %run_scoped3A_595 = arith.constant 0 : i32
      "tpu.region"() ({
        %run_scoped3A_729 = tpu.sem_alloc : memref<!tpu.dma_semaphore, #tpu.memory_space<semaphore_mem>>
        %dma_start3A = arith.constant 0 : i32
        %dma_start3A_730 = tpu.memref_slice %arg38[%dma_start3A] : memref<3200xf32, #tpu.memory_space<vmem>> -> memref<3200xf32, #tpu.memory_space<vmem>>
        %dma_start3A_731 = tpu.memref_slice %arg7[%run_scoped3A_594, %run_scoped3A_595, %mul3A_593] : memref<3x1x51200xf32, #tpu.memory_space<hbm>> -> memref<1x1x3200xf32, #tpu.memory_space<hbm>>
        %dma_start3A_732 = tpu.memref_squeeze %dma_start3A_731 : memref<1x1x3200xf32, #tpu.memory_space<hbm>> -> memref<3200xf32, #tpu.memory_space<hbm>>
        %dma_start3A_733 = arith.constant 0 : i32
        %dma_start3A_734 = tpu.memref_slice %arg38[%dma_start3A_733] : memref<3200xf32, #tpu.memory_space<vmem>> -> memref<3200xf32, #tpu.memory_space<vmem>>
        %dma_start3A_735 = tpu.memref_slice %arg7[%run_scoped3A_594, %run_scoped3A_595, %mul3A_593] : memref<3x1x51200xf32, #tpu.memory_space<hbm>> -> memref<1x1x3200xf32, #tpu.memory_space<hbm>>
        %dma_start3A_736 = tpu.memref_squeeze %dma_start3A_735 : memref<1x1x3200xf32, #tpu.memory_space<hbm>> -> memref<3200xf32, #tpu.memory_space<hbm>>
        tpu.enqueue_dma source(%dma_start3A_736 : memref<3200xf32, #tpu.memory_space<hbm>>) target(%dma_start3A_734 : memref<3200xf32, #tpu.memory_space<vmem>>) target_semaphore(%run_scoped3A_729 : memref<!tpu.dma_semaphore, #tpu.memory_space<semaphore_mem>>)
        %dma_wait3A_737 = arith.constant 0 : i32
        %dma_wait3A_738 = tpu.memref_slice %arg38[%dma_wait3A_737] : memref<3200xf32, #tpu.memory_space<vmem>> -> memref<3200xf32, #tpu.memory_space<vmem>>
        %dma_wait3A_739 = tpu.memref_slice %arg7[%run_scoped3A_594, %run_scoped3A_595, %mul3A_593] : memref<3x1x51200xf32, #tpu.memory_space<hbm>> -> memref<1x1x3200xf32, #tpu.memory_space<hbm>>
        %dma_wait3A_740 = tpu.memref_squeeze %dma_wait3A_739 : memref<1x1x3200xf32, #tpu.memory_space<hbm>> -> memref<3200xf32, #tpu.memory_space<hbm>>
        %dma_wait3A_741 = arith.constant 0 : i32
        %dma_wait3A_742 = tpu.memref_slice %arg38[%dma_wait3A_741] : memref<3200xf32, #tpu.memory_space<vmem>> -> memref<3200xf32, #tpu.memory_space<vmem>>
        %dma_wait3A_743 = tpu.memref_slice %arg7[%run_scoped3A_594, %run_scoped3A_595, %mul3A_593] : memref<3x1x51200xf32, #tpu.memory_space<hbm>> -> memref<1x1x3200xf32, #tpu.memory_space<hbm>>
        %dma_wait3A_744 = tpu.memref_squeeze %dma_wait3A_743 : memref<1x1x3200xf32, #tpu.memory_space<hbm>> -> memref<3200xf32, #tpu.memory_space<hbm>>
        tpu.wait_dma2 semaphore(%run_scoped3A_729 : memref<!tpu.dma_semaphore, #tpu.memory_space<semaphore_mem>>) src(%dma_wait3A_744 : memref<3200xf32, #tpu.memory_space<hbm>>) dst(%dma_wait3A_742 : memref<3200xf32, #tpu.memory_space<vmem>>)
        tpu.yield
      }) : () -> ()
      %scan3A_596 = arith.constant 0 : i32
      %scan3A_597 = arith.constant 0 : i32
      %scan3A_598 = arith.constant 8 : i32
      %scan3A_599 = arith.addi %scan3A_597, %scan3A_598 : i32
      %scan3A_600 = arith.constant 1 : i32
      scf.for %scan3A_729 = %scan3A_597 to %scan3A_599 step %scan3A_600  : i32 {
        %mul3A_730 = arith.constant 400 : i32
        %mul3A_731 = arith.muli %scan3A_729, %mul3A_730 : i32
        %dma_start3A = tpu.memref_slice %arg27[%mul3A_731] : memref<6272xf32, #tpu.memory_space<vmem>> -> memref<400xf32, #tpu.memory_space<vmem>>
        %dma_start3A_732 = tpu.memref_slice %arg24[%mul3A_731] : memref<3200xi32, #tpu.memory_space<vmem>> -> memref<400xi32, #tpu.memory_space<vmem>>
        %dma_start3A_733 = arith.constant 0 : i32
        %dma_start3A_734 = tpu.memref_slice %arg15[%dma_start3A_733] : memref<28672xf32, #tpu.memory_space<vmem_shared>> -> memref<28672xf32, #tpu.memory_space<vmem_shared>>
        tpu.enqueue_indirect_dma source(%dma_start3A_734 : memref<28672xf32, #tpu.memory_space<vmem_shared>>) target(%dma_start3A : memref<400xf32, #tpu.memory_space<vmem>>) offsets(%dma_start3A_732 : memref<400xi32, #tpu.memory_space<vmem>>) semaphore(%arg39 : memref<!tpu.dma_semaphore, #tpu.memory_space<semaphore_mem>>)
        %dma_start3A_735 = tpu.memref_slice %arg28[%mul3A_731] : memref<6272xf32, #tpu.memory_space<vmem>> -> memref<400xf32, #tpu.memory_space<vmem>>
        %dma_start3A_736 = tpu.memref_slice %arg24[%mul3A_731] : memref<3200xi32, #tpu.memory_space<vmem>> -> memref<400xi32, #tpu.memory_space<vmem>>
        %dma_start3A_737 = arith.constant 0 : i32
        %dma_start3A_738 = tpu.memref_slice %arg16[%dma_start3A_737] : memref<28672xf32, #tpu.memory_space<vmem_shared>> -> memref<28672xf32, #tpu.memory_space<vmem_shared>>
        tpu.enqueue_indirect_dma source(%dma_start3A_738 : memref<28672xf32, #tpu.memory_space<vmem_shared>>) target(%dma_start3A_735 : memref<400xf32, #tpu.memory_space<vmem>>) offsets(%dma_start3A_736 : memref<400xi32, #tpu.memory_space<vmem>>) semaphore(%arg39 : memref<!tpu.dma_semaphore, #tpu.memory_space<semaphore_mem>>)
        %dma_start3A_739 = tpu.memref_slice %arg29[%mul3A_731] : memref<6272xf32, #tpu.memory_space<vmem>> -> memref<400xf32, #tpu.memory_space<vmem>>
        %dma_start3A_740 = tpu.memref_slice %arg24[%mul3A_731] : memref<3200xi32, #tpu.memory_space<vmem>> -> memref<400xi32, #tpu.memory_space<vmem>>
        %dma_start3A_741 = arith.constant 0 : i32
        %dma_start3A_742 = tpu.memref_slice %arg17[%dma_start3A_741] : memref<28672xf32, #tpu.memory_space<vmem_shared>> -> memref<28672xf32, #tpu.memory_space<vmem_shared>>
        tpu.enqueue_indirect_dma source(%dma_start3A_742 : memref<28672xf32, #tpu.memory_space<vmem_shared>>) target(%dma_start3A_739 : memref<400xf32, #tpu.memory_space<vmem>>) offsets(%dma_start3A_740 : memref<400xi32, #tpu.memory_space<vmem>>) semaphore(%arg39 : memref<!tpu.dma_semaphore, #tpu.memory_space<semaphore_mem>>)
        %dma_start3A_743 = tpu.memref_slice %arg30[%mul3A_731] : memref<6272xf32, #tpu.memory_space<vmem>> -> memref<400xf32, #tpu.memory_space<vmem>>
        %dma_start3A_744 = tpu.memref_slice %arg25[%mul3A_731] : memref<3200xi32, #tpu.memory_space<vmem>> -> memref<400xi32, #tpu.memory_space<vmem>>
        %dma_start3A_745 = arith.constant 0 : i32
        %dma_start3A_746 = tpu.memref_slice %arg15[%dma_start3A_745] : memref<28672xf32, #tpu.memory_space<vmem_shared>> -> memref<28672xf32, #tpu.memory_space<vmem_shared>>
        tpu.enqueue_indirect_dma source(%dma_start3A_746 : memref<28672xf32, #tpu.memory_space<vmem_shared>>) target(%dma_start3A_743 : memref<400xf32, #tpu.memory_space<vmem>>) offsets(%dma_start3A_744 : memref<400xi32, #tpu.memory_space<vmem>>) semaphore(%arg39 : memref<!tpu.dma_semaphore, #tpu.memory_space<semaphore_mem>>)
        %dma_start3A_747 = tpu.memref_slice %arg31[%mul3A_731] : memref<6272xf32, #tpu.memory_space<vmem>> -> memref<400xf32, #tpu.memory_space<vmem>>
        %dma_start3A_748 = tpu.memref_slice %arg25[%mul3A_731] : memref<3200xi32, #tpu.memory_space<vmem>> -> memref<400xi32, #tpu.memory_space<vmem>>
        %dma_start3A_749 = arith.constant 0 : i32
        %dma_start3A_750 = tpu.memref_slice %arg16[%dma_start3A_749] : memref<28672xf32, #tpu.memory_space<vmem_shared>> -> memref<28672xf32, #tpu.memory_space<vmem_shared>>
        tpu.enqueue_indirect_dma source(%dma_start3A_750 : memref<28672xf32, #tpu.memory_space<vmem_shared>>) target(%dma_start3A_747 : memref<400xf32, #tpu.memory_space<vmem>>) offsets(%dma_start3A_748 : memref<400xi32, #tpu.memory_space<vmem>>) semaphore(%arg39 : memref<!tpu.dma_semaphore, #tpu.memory_space<semaphore_mem>>)
        %dma_start3A_751 = tpu.memref_slice %arg32[%mul3A_731] : memref<6272xf32, #tpu.memory_space<vmem>> -> memref<400xf32, #tpu.memory_space<vmem>>
        %dma_start3A_752 = tpu.memref_slice %arg25[%mul3A_731] : memref<3200xi32, #tpu.memory_space<vmem>> -> memref<400xi32, #tpu.memory_space<vmem>>
        %dma_start3A_753 = arith.constant 0 : i32
        %dma_start3A_754 = tpu.memref_slice %arg17[%dma_start3A_753] : memref<28672xf32, #tpu.memory_space<vmem_shared>> -> memref<28672xf32, #tpu.memory_space<vmem_shared>>
        tpu.enqueue_indirect_dma source(%dma_start3A_754 : memref<28672xf32, #tpu.memory_space<vmem_shared>>) target(%dma_start3A_751 : memref<400xf32, #tpu.memory_space<vmem>>) offsets(%dma_start3A_752 : memref<400xi32, #tpu.memory_space<vmem>>) semaphore(%arg39 : memref<!tpu.dma_semaphore, #tpu.memory_space<semaphore_mem>>)
        %dma_start3A_755 = tpu.memref_slice %arg33[%mul3A_731] : memref<6272xf32, #tpu.memory_space<vmem>> -> memref<400xf32, #tpu.memory_space<vmem>>
        %dma_start3A_756 = tpu.memref_slice %arg26[%mul3A_731] : memref<3200xi32, #tpu.memory_space<vmem>> -> memref<400xi32, #tpu.memory_space<vmem>>
        %dma_start3A_757 = arith.constant 0 : i32
        %dma_start3A_758 = tpu.memref_slice %arg15[%dma_start3A_757] : memref<28672xf32, #tpu.memory_space<vmem_shared>> -> memref<28672xf32, #tpu.memory_space<vmem_shared>>
        tpu.enqueue_indirect_dma source(%dma_start3A_758 : memref<28672xf32, #tpu.memory_space<vmem_shared>>) target(%dma_start3A_755 : memref<400xf32, #tpu.memory_space<vmem>>) offsets(%dma_start3A_756 : memref<400xi32, #tpu.memory_space<vmem>>) semaphore(%arg39 : memref<!tpu.dma_semaphore, #tpu.memory_space<semaphore_mem>>)
        %dma_start3A_759 = tpu.memref_slice %arg34[%mul3A_731] : memref<6272xf32, #tpu.memory_space<vmem>> -> memref<400xf32, #tpu.memory_space<vmem>>
        %dma_start3A_760 = tpu.memref_slice %arg26[%mul3A_731] : memref<3200xi32, #tpu.memory_space<vmem>> -> memref<400xi32, #tpu.memory_space<vmem>>
        %dma_start3A_761 = arith.constant 0 : i32
        %dma_start3A_762 = tpu.memref_slice %arg16[%dma_start3A_761] : memref<28672xf32, #tpu.memory_space<vmem_shared>> -> memref<28672xf32, #tpu.memory_space<vmem_shared>>
        tpu.enqueue_indirect_dma source(%dma_start3A_762 : memref<28672xf32, #tpu.memory_space<vmem_shared>>) target(%dma_start3A_759 : memref<400xf32, #tpu.memory_space<vmem>>) offsets(%dma_start3A_760 : memref<400xi32, #tpu.memory_space<vmem>>) semaphore(%arg39 : memref<!tpu.dma_semaphore, #tpu.memory_space<semaphore_mem>>)
        %dma_start3A_763 = tpu.memref_slice %arg35[%mul3A_731] : memref<6272xf32, #tpu.memory_space<vmem>> -> memref<400xf32, #tpu.memory_space<vmem>>
        %dma_start3A_764 = tpu.memref_slice %arg26[%mul3A_731] : memref<3200xi32, #tpu.memory_space<vmem>> -> memref<400xi32, #tpu.memory_space<vmem>>
        %dma_start3A_765 = arith.constant 0 : i32
        %dma_start3A_766 = tpu.memref_slice %arg17[%dma_start3A_765] : memref<28672xf32, #tpu.memory_space<vmem_shared>> -> memref<28672xf32, #tpu.memory_space<vmem_shared>>
        tpu.enqueue_indirect_dma source(%dma_start3A_766 : memref<28672xf32, #tpu.memory_space<vmem_shared>>) target(%dma_start3A_763 : memref<400xf32, #tpu.memory_space<vmem>>) offsets(%dma_start3A_764 : memref<400xi32, #tpu.memory_space<vmem>>) semaphore(%arg39 : memref<!tpu.dma_semaphore, #tpu.memory_space<semaphore_mem>>)
      }
      %scan3A_601 = arith.constant 8 : i32
      %dma_wait3A_602 = arith.constant 0 : i32
      %dma_wait3A_603 = arith.constant 0 : i32
      %dma_wait3A_604 = arith.constant 0 : i32
      %dma_wait3A_605 = arith.constant 0 : i32
      %dma_wait3A_606 = tpu.memref_slice %arg27[%dma_wait3A_605] : memref<6272xf32, #tpu.memory_space<vmem>> -> memref<3200xf32, #tpu.memory_space<vmem>>
      %dma_wait3A_607 = arith.constant 0 : i32
      %dma_wait3A_608 = tpu.memref_slice %arg8[%dma_wait3A_602, %dma_wait3A_603, %dma_wait3A_604, %dma_wait3A_607] : memref<8x3x1x51200xf32, #tpu.memory_space<hbm>> -> memref<1x1x1x3200xf32, #tpu.memory_space<hbm>>
      %dma_wait3A_609 = tpu.memref_squeeze %dma_wait3A_608 : memref<1x1x1x3200xf32, #tpu.memory_space<hbm>> -> memref<3200xf32, #tpu.memory_space<hbm>>
      %dma_wait3A_610 = arith.constant 0 : i32
      %dma_wait3A_611 = tpu.memref_slice %arg27[%dma_wait3A_610] : memref<6272xf32, #tpu.memory_space<vmem>> -> memref<3200xf32, #tpu.memory_space<vmem>>
      %dma_wait3A_612 = arith.constant 0 : i32
      %dma_wait3A_613 = tpu.memref_slice %arg8[%dma_wait3A_602, %dma_wait3A_603, %dma_wait3A_604, %dma_wait3A_612] : memref<8x3x1x51200xf32, #tpu.memory_space<hbm>> -> memref<1x1x1x3200xf32, #tpu.memory_space<hbm>>
      %dma_wait3A_614 = tpu.memref_squeeze %dma_wait3A_613 : memref<1x1x1x3200xf32, #tpu.memory_space<hbm>> -> memref<3200xf32, #tpu.memory_space<hbm>>
      tpu.wait_dma2 semaphore(%arg39 : memref<!tpu.dma_semaphore, #tpu.memory_space<semaphore_mem>>) src(%dma_wait3A_614 : memref<3200xf32, #tpu.memory_space<hbm>>) dst(%dma_wait3A_611 : memref<3200xf32, #tpu.memory_space<vmem>>)
      %dma_wait3A_615 = arith.constant 0 : i32
      %dma_wait3A_616 = arith.constant 0 : i32
      %dma_wait3A_617 = arith.constant 0 : i32
      %dma_wait3A_618 = arith.constant 0 : i32
      %dma_wait3A_619 = tpu.memref_slice %arg27[%dma_wait3A_618] : memref<6272xf32, #tpu.memory_space<vmem>> -> memref<3200xf32, #tpu.memory_space<vmem>>
      %dma_wait3A_620 = arith.constant 0 : i32
      %dma_wait3A_621 = tpu.memref_slice %arg8[%dma_wait3A_615, %dma_wait3A_616, %dma_wait3A_617, %dma_wait3A_620] : memref<8x3x1x51200xf32, #tpu.memory_space<hbm>> -> memref<1x1x1x3200xf32, #tpu.memory_space<hbm>>
      %dma_wait3A_622 = tpu.memref_squeeze %dma_wait3A_621 : memref<1x1x1x3200xf32, #tpu.memory_space<hbm>> -> memref<3200xf32, #tpu.memory_space<hbm>>
      %dma_wait3A_623 = arith.constant 0 : i32
      %dma_wait3A_624 = tpu.memref_slice %arg27[%dma_wait3A_623] : memref<6272xf32, #tpu.memory_space<vmem>> -> memref<3200xf32, #tpu.memory_space<vmem>>
      %dma_wait3A_625 = arith.constant 0 : i32
      %dma_wait3A_626 = tpu.memref_slice %arg8[%dma_wait3A_615, %dma_wait3A_616, %dma_wait3A_617, %dma_wait3A_625] : memref<8x3x1x51200xf32, #tpu.memory_space<hbm>> -> memref<1x1x1x3200xf32, #tpu.memory_space<hbm>>
      %dma_wait3A_627 = tpu.memref_squeeze %dma_wait3A_626 : memref<1x1x1x3200xf32, #tpu.memory_space<hbm>> -> memref<3200xf32, #tpu.memory_space<hbm>>
      tpu.wait_dma2 semaphore(%arg39 : memref<!tpu.dma_semaphore, #tpu.memory_space<semaphore_mem>>) src(%dma_wait3A_627 : memref<3200xf32, #tpu.memory_space<hbm>>) dst(%dma_wait3A_624 : memref<3200xf32, #tpu.memory_space<vmem>>)
      %dma_wait3A_628 = arith.constant 0 : i32
      %dma_wait3A_629 = arith.constant 0 : i32
      %dma_wait3A_630 = arith.constant 0 : i32
      %dma_wait3A_631 = arith.constant 0 : i32
      %dma_wait3A_632 = tpu.memref_slice %arg27[%dma_wait3A_631] : memref<6272xf32, #tpu.memory_space<vmem>> -> memref<3200xf32, #tpu.memory_space<vmem>>
      %dma_wait3A_633 = arith.constant 0 : i32
      %dma_wait3A_634 = tpu.memref_slice %arg8[%dma_wait3A_628, %dma_wait3A_629, %dma_wait3A_630, %dma_wait3A_633] : memref<8x3x1x51200xf32, #tpu.memory_space<hbm>> -> memref<1x1x1x3200xf32, #tpu.memory_space<hbm>>
      %dma_wait3A_635 = tpu.memref_squeeze %dma_wait3A_634 : memref<1x1x1x3200xf32, #tpu.memory_space<hbm>> -> memref<3200xf32, #tpu.memory_space<hbm>>
      %dma_wait3A_636 = arith.constant 0 : i32
      %dma_wait3A_637 = tpu.memref_slice %arg27[%dma_wait3A_636] : memref<6272xf32, #tpu.memory_space<vmem>> -> memref<3200xf32, #tpu.memory_space<vmem>>
      %dma_wait3A_638 = arith.constant 0 : i32
      %dma_wait3A_639 = tpu.memref_slice %arg8[%dma_wait3A_628, %dma_wait3A_629, %dma_wait3A_630, %dma_wait3A_638] : memref<8x3x1x51200xf32, #tpu.memory_space<hbm>> -> memref<1x1x1x3200xf32, #tpu.memory_space<hbm>>
      %dma_wait3A_640 = tpu.memref_squeeze %dma_wait3A_639 : memref<1x1x1x3200xf32, #tpu.memory_space<hbm>> -> memref<3200xf32, #tpu.memory_space<hbm>>
      tpu.wait_dma2 semaphore(%arg39 : memref<!tpu.dma_semaphore, #tpu.memory_space<semaphore_mem>>) src(%dma_wait3A_640 : memref<3200xf32, #tpu.memory_space<hbm>>) dst(%dma_wait3A_637 : memref<3200xf32, #tpu.memory_space<vmem>>)
      %dma_wait3A_641 = arith.constant 0 : i32
      %dma_wait3A_642 = arith.constant 0 : i32
      %dma_wait3A_643 = arith.constant 0 : i32
      %dma_wait3A_644 = arith.constant 0 : i32
      %dma_wait3A_645 = tpu.memref_slice %arg27[%dma_wait3A_644] : memref<6272xf32, #tpu.memory_space<vmem>> -> memref<3200xf32, #tpu.memory_space<vmem>>
      %dma_wait3A_646 = arith.constant 0 : i32
      %dma_wait3A_647 = tpu.memref_slice %arg8[%dma_wait3A_641, %dma_wait3A_642, %dma_wait3A_643, %dma_wait3A_646] : memref<8x3x1x51200xf32, #tpu.memory_space<hbm>> -> memref<1x1x1x3200xf32, #tpu.memory_space<hbm>>
      %dma_wait3A_648 = tpu.memref_squeeze %dma_wait3A_647 : memref<1x1x1x3200xf32, #tpu.memory_space<hbm>> -> memref<3200xf32, #tpu.memory_space<hbm>>
      %dma_wait3A_649 = arith.constant 0 : i32
      %dma_wait3A_650 = tpu.memref_slice %arg27[%dma_wait3A_649] : memref<6272xf32, #tpu.memory_space<vmem>> -> memref<3200xf32, #tpu.memory_space<vmem>>
      %dma_wait3A_651 = arith.constant 0 : i32
      %dma_wait3A_652 = tpu.memref_slice %arg8[%dma_wait3A_641, %dma_wait3A_642, %dma_wait3A_643, %dma_wait3A_651] : memref<8x3x1x51200xf32, #tpu.memory_space<hbm>> -> memref<1x1x1x3200xf32, #tpu.memory_space<hbm>>
      %dma_wait3A_653 = tpu.memref_squeeze %dma_wait3A_652 : memref<1x1x1x3200xf32, #tpu.memory_space<hbm>> -> memref<3200xf32, #tpu.memory_space<hbm>>
      tpu.wait_dma2 semaphore(%arg39 : memref<!tpu.dma_semaphore, #tpu.memory_space<semaphore_mem>>) src(%dma_wait3A_653 : memref<3200xf32, #tpu.memory_space<hbm>>) dst(%dma_wait3A_650 : memref<3200xf32, #tpu.memory_space<vmem>>)
      %dma_wait3A_654 = arith.constant 0 : i32
      %dma_wait3A_655 = arith.constant 0 : i32
      %dma_wait3A_656 = arith.constant 0 : i32
      %dma_wait3A_657 = arith.constant 0 : i32
      %dma_wait3A_658 = tpu.memref_slice %arg27[%dma_wait3A_657] : memref<6272xf32, #tpu.memory_space<vmem>> -> memref<3200xf32, #tpu.memory_space<vmem>>
      %dma_wait3A_659 = arith.constant 0 : i32
      %dma_wait3A_660 = tpu.memref_slice %arg8[%dma_wait3A_654, %dma_wait3A_655, %dma_wait3A_656, %dma_wait3A_659] : memref<8x3x1x51200xf32, #tpu.memory_space<hbm>> -> memref<1x1x1x3200xf32, #tpu.memory_space<hbm>>
      %dma_wait3A_661 = tpu.memref_squeeze %dma_wait3A_660 : memref<1x1x1x3200xf32, #tpu.memory_space<hbm>> -> memref<3200xf32, #tpu.memory_space<hbm>>
      %dma_wait3A_662 = arith.constant 0 : i32
      %dma_wait3A_663 = tpu.memref_slice %arg27[%dma_wait3A_662] : memref<6272xf32, #tpu.memory_space<vmem>> -> memref<3200xf32, #tpu.memory_space<vmem>>
      %dma_wait3A_664 = arith.constant 0 : i32
      %dma_wait3A_665 = tpu.memref_slice %arg8[%dma_wait3A_654, %dma_wait3A_655, %dma_wait3A_656, %dma_wait3A_664] : memref<8x3x1x51200xf32, #tpu.memory_space<hbm>> -> memref<1x1x1x3200xf32, #tpu.memory_space<hbm>>
      %dma_wait3A_666 = tpu.memref_squeeze %dma_wait3A_665 : memref<1x1x1x3200xf32, #tpu.memory_space<hbm>> -> memref<3200xf32, #tpu.memory_space<hbm>>
      tpu.wait_dma2 semaphore(%arg39 : memref<!tpu.dma_semaphore, #tpu.memory_space<semaphore_mem>>) src(%dma_wait3A_666 : memref<3200xf32, #tpu.memory_space<hbm>>) dst(%dma_wait3A_663 : memref<3200xf32, #tpu.memory_space<vmem>>)
      %dma_wait3A_667 = arith.constant 0 : i32
      %dma_wait3A_668 = arith.constant 0 : i32
      %dma_wait3A_669 = arith.constant 0 : i32
      %dma_wait3A_670 = arith.constant 0 : i32
      %dma_wait3A_671 = tpu.memref_slice %arg27[%dma_wait3A_670] : memref<6272xf32, #tpu.memory_space<vmem>> -> memref<3200xf32, #tpu.memory_space<vmem>>
      %dma_wait3A_672 = arith.constant 0 : i32
      %dma_wait3A_673 = tpu.memref_slice %arg8[%dma_wait3A_667, %dma_wait3A_668, %dma_wait3A_669, %dma_wait3A_672] : memref<8x3x1x51200xf32, #tpu.memory_space<hbm>> -> memref<1x1x1x3200xf32, #tpu.memory_space<hbm>>
      %dma_wait3A_674 = tpu.memref_squeeze %dma_wait3A_673 : memref<1x1x1x3200xf32, #tpu.memory_space<hbm>> -> memref<3200xf32, #tpu.memory_space<hbm>>
      %dma_wait3A_675 = arith.constant 0 : i32
      %dma_wait3A_676 = tpu.memref_slice %arg27[%dma_wait3A_675] : memref<6272xf32, #tpu.memory_space<vmem>> -> memref<3200xf32, #tpu.memory_space<vmem>>
      %dma_wait3A_677 = arith.constant 0 : i32
      %dma_wait3A_678 = tpu.memref_slice %arg8[%dma_wait3A_667, %dma_wait3A_668, %dma_wait3A_669, %dma_wait3A_677] : memref<8x3x1x51200xf32, #tpu.memory_space<hbm>> -> memref<1x1x1x3200xf32, #tpu.memory_space<hbm>>
      %dma_wait3A_679 = tpu.memref_squeeze %dma_wait3A_678 : memref<1x1x1x3200xf32, #tpu.memory_space<hbm>> -> memref<3200xf32, #tpu.memory_space<hbm>>
      tpu.wait_dma2 semaphore(%arg39 : memref<!tpu.dma_semaphore, #tpu.memory_space<semaphore_mem>>) src(%dma_wait3A_679 : memref<3200xf32, #tpu.memory_space<hbm>>) dst(%dma_wait3A_676 : memref<3200xf32, #tpu.memory_space<vmem>>)
      %dma_wait3A_680 = arith.constant 0 : i32
      %dma_wait3A_681 = arith.constant 0 : i32
      %dma_wait3A_682 = arith.constant 0 : i32
      %dma_wait3A_683 = arith.constant 0 : i32
      %dma_wait3A_684 = tpu.memref_slice %arg27[%dma_wait3A_683] : memref<6272xf32, #tpu.memory_space<vmem>> -> memref<3200xf32, #tpu.memory_space<vmem>>
      %dma_wait3A_685 = arith.constant 0 : i32
      %dma_wait3A_686 = tpu.memref_slice %arg8[%dma_wait3A_680, %dma_wait3A_681, %dma_wait3A_682, %dma_wait3A_685] : memref<8x3x1x51200xf32, #tpu.memory_space<hbm>> -> memref<1x1x1x3200xf32, #tpu.memory_space<hbm>>
      %dma_wait3A_687 = tpu.memref_squeeze %dma_wait3A_686 : memref<1x1x1x3200xf32, #tpu.memory_space<hbm>> -> memref<3200xf32, #tpu.memory_space<hbm>>
      %dma_wait3A_688 = arith.constant 0 : i32
      %dma_wait3A_689 = tpu.memref_slice %arg27[%dma_wait3A_688] : memref<6272xf32, #tpu.memory_space<vmem>> -> memref<3200xf32, #tpu.memory_space<vmem>>
      %dma_wait3A_690 = arith.constant 0 : i32
      %dma_wait3A_691 = tpu.memref_slice %arg8[%dma_wait3A_680, %dma_wait3A_681, %dma_wait3A_682, %dma_wait3A_690] : memref<8x3x1x51200xf32, #tpu.memory_space<hbm>> -> memref<1x1x1x3200xf32, #tpu.memory_space<hbm>>
      %dma_wait3A_692 = tpu.memref_squeeze %dma_wait3A_691 : memref<1x1x1x3200xf32, #tpu.memory_space<hbm>> -> memref<3200xf32, #tpu.memory_space<hbm>>
      tpu.wait_dma2 semaphore(%arg39 : memref<!tpu.dma_semaphore, #tpu.memory_space<semaphore_mem>>) src(%dma_wait3A_692 : memref<3200xf32, #tpu.memory_space<hbm>>) dst(%dma_wait3A_689 : memref<3200xf32, #tpu.memory_space<vmem>>)
      %dma_wait3A_693 = arith.constant 0 : i32
      %dma_wait3A_694 = arith.constant 0 : i32
      %dma_wait3A_695 = arith.constant 0 : i32
      %dma_wait3A_696 = arith.constant 0 : i32
      %dma_wait3A_697 = tpu.memref_slice %arg27[%dma_wait3A_696] : memref<6272xf32, #tpu.memory_space<vmem>> -> memref<3200xf32, #tpu.memory_space<vmem>>
      %dma_wait3A_698 = arith.constant 0 : i32
      %dma_wait3A_699 = tpu.memref_slice %arg8[%dma_wait3A_693, %dma_wait3A_694, %dma_wait3A_695, %dma_wait3A_698] : memref<8x3x1x51200xf32, #tpu.memory_space<hbm>> -> memref<1x1x1x3200xf32, #tpu.memory_space<hbm>>
      %dma_wait3A_700 = tpu.memref_squeeze %dma_wait3A_699 : memref<1x1x1x3200xf32, #tpu.memory_space<hbm>> -> memref<3200xf32, #tpu.memory_space<hbm>>
      %dma_wait3A_701 = arith.constant 0 : i32
      %dma_wait3A_702 = tpu.memref_slice %arg27[%dma_wait3A_701] : memref<6272xf32, #tpu.memory_space<vmem>> -> memref<3200xf32, #tpu.memory_space<vmem>>
      %dma_wait3A_703 = arith.constant 0 : i32
      %dma_wait3A_704 = tpu.memref_slice %arg8[%dma_wait3A_693, %dma_wait3A_694, %dma_wait3A_695, %dma_wait3A_703] : memref<8x3x1x51200xf32, #tpu.memory_space<hbm>> -> memref<1x1x1x3200xf32, #tpu.memory_space<hbm>>
      %dma_wait3A_705 = tpu.memref_squeeze %dma_wait3A_704 : memref<1x1x1x3200xf32, #tpu.memory_space<hbm>> -> memref<3200xf32, #tpu.memory_space<hbm>>
      tpu.wait_dma2 semaphore(%arg39 : memref<!tpu.dma_semaphore, #tpu.memory_space<semaphore_mem>>) src(%dma_wait3A_705 : memref<3200xf32, #tpu.memory_space<hbm>>) dst(%dma_wait3A_702 : memref<3200xf32, #tpu.memory_space<vmem>>)
      %dma_wait3A_706 = arith.constant 0 : i32
      %dma_wait3A_707 = arith.constant 0 : i32
      %dma_wait3A_708 = arith.constant 0 : i32
      %dma_wait3A_709 = arith.constant 0 : i32
      %dma_wait3A_710 = tpu.memref_slice %arg27[%dma_wait3A_709] : memref<6272xf32, #tpu.memory_space<vmem>> -> memref<3200xf32, #tpu.memory_space<vmem>>
      %dma_wait3A_711 = arith.constant 0 : i32
      %dma_wait3A_712 = tpu.memref_slice %arg8[%dma_wait3A_706, %dma_wait3A_707, %dma_wait3A_708, %dma_wait3A_711] : memref<8x3x1x51200xf32, #tpu.memory_space<hbm>> -> memref<1x1x1x3200xf32, #tpu.memory_space<hbm>>
      %dma_wait3A_713 = tpu.memref_squeeze %dma_wait3A_712 : memref<1x1x1x3200xf32, #tpu.memory_space<hbm>> -> memref<3200xf32, #tpu.memory_space<hbm>>
      %dma_wait3A_714 = arith.constant 0 : i32
      %dma_wait3A_715 = tpu.memref_slice %arg27[%dma_wait3A_714] : memref<6272xf32, #tpu.memory_space<vmem>> -> memref<3200xf32, #tpu.memory_space<vmem>>
      %dma_wait3A_716 = arith.constant 0 : i32
      %dma_wait3A_717 = tpu.memref_slice %arg8[%dma_wait3A_706, %dma_wait3A_707, %dma_wait3A_708, %dma_wait3A_716] : memref<8x3x1x51200xf32, #tpu.memory_space<hbm>> -> memref<1x1x1x3200xf32, #tpu.memory_space<hbm>>
      %dma_wait3A_718 = tpu.memref_squeeze %dma_wait3A_717 : memref<1x1x1x3200xf32, #tpu.memory_space<hbm>> -> memref<3200xf32, #tpu.memory_space<hbm>>
      tpu.wait_dma2 semaphore(%arg39 : memref<!tpu.dma_semaphore, #tpu.memory_space<semaphore_mem>>) src(%dma_wait3A_718 : memref<3200xf32, #tpu.memory_space<hbm>>) dst(%dma_wait3A_715 : memref<3200xf32, #tpu.memory_space<vmem>>)
      %parallel_loop3A_719 = arith.constant 0 : i32
      %parallel_loop3A_720 = arith.constant 200 : i32
      %parallel_loop3A_721 = arith.constant 1 : i32
      scf.for %parallel_loop3A_729 = %parallel_loop3A_719 to %parallel_loop3A_720 step %parallel_loop3A_721  : i32 {
        %parallel_loop3A_730 = arith.constant 16 : i32
        %parallel_loop3A_731 = arith.muli %parallel_loop3A_729, %parallel_loop3A_730 : i32
        %parallel_loop3A_732 = arith.index_cast %parallel_loop3A_731 : i32 to index
        %parallel_loop3A_733 = tpu.vector_load %arg36[%parallel_loop3A_732] {strides = array<i32>} : memref<3200xf32, #tpu.memory_space<vmem>>, vector<16xf32>,
        %parallel_loop3A_734 = arith.index_cast %parallel_loop3A_731 : i32 to index
        %parallel_loop3A_735 = tpu.vector_load %arg37[%parallel_loop3A_734] {strides = array<i32>} : memref<3200xf32, #tpu.memory_space<vmem>>, vector<16xf32>,
        %parallel_loop3A_736 = arith.index_cast %parallel_loop3A_731 : i32 to index
        %parallel_loop3A_737 = tpu.vector_load %arg38[%parallel_loop3A_736] {strides = array<i32>} : memref<3200xf32, #tpu.memory_space<vmem>>, vector<16xf32>,
        %parallel_loop3A_738 = arith.index_cast %parallel_loop3A_731 : i32 to index
        %parallel_loop3A_739 = tpu.vector_load %arg27[%parallel_loop3A_738] {strides = array<i32>} : memref<6272xf32, #tpu.memory_space<vmem>>, vector<16xf32>,
        %parallel_loop3A_740 = arith.index_cast %parallel_loop3A_731 : i32 to index
        %parallel_loop3A_741 = tpu.vector_load %arg28[%parallel_loop3A_740] {strides = array<i32>} : memref<6272xf32, #tpu.memory_space<vmem>>, vector<16xf32>,
        %parallel_loop3A_742 = arith.index_cast %parallel_loop3A_731 : i32 to index
        %parallel_loop3A_743 = tpu.vector_load %arg29[%parallel_loop3A_742] {strides = array<i32>} : memref<6272xf32, #tpu.memory_space<vmem>>, vector<16xf32>,
        %parallel_loop3A_744 = arith.index_cast %parallel_loop3A_731 : i32 to index
        %parallel_loop3A_745 = tpu.vector_load %arg30[%parallel_loop3A_744] {strides = array<i32>} : memref<6272xf32, #tpu.memory_space<vmem>>, vector<16xf32>,
        %parallel_loop3A_746 = arith.index_cast %parallel_loop3A_731 : i32 to index
        %parallel_loop3A_747 = tpu.vector_load %arg31[%parallel_loop3A_746] {strides = array<i32>} : memref<6272xf32, #tpu.memory_space<vmem>>, vector<16xf32>,
        %parallel_loop3A_748 = arith.index_cast %parallel_loop3A_731 : i32 to index
        %parallel_loop3A_749 = tpu.vector_load %arg32[%parallel_loop3A_748] {strides = array<i32>} : memref<6272xf32, #tpu.memory_space<vmem>>, vector<16xf32>,
        %parallel_loop3A_750 = arith.index_cast %parallel_loop3A_731 : i32 to index
        %parallel_loop3A_751 = tpu.vector_load %arg33[%parallel_loop3A_750] {strides = array<i32>} : memref<6272xf32, #tpu.memory_space<vmem>>, vector<16xf32>,
        %parallel_loop3A_752 = arith.index_cast %parallel_loop3A_731 : i32 to index
        %parallel_loop3A_753 = tpu.vector_load %arg34[%parallel_loop3A_752] {strides = array<i32>} : memref<6272xf32, #tpu.memory_space<vmem>>, vector<16xf32>,
        %parallel_loop3A_754 = arith.index_cast %parallel_loop3A_731 : i32 to index
        %parallel_loop3A_755 = tpu.vector_load %arg35[%parallel_loop3A_754] {strides = array<i32>} : memref<6272xf32, #tpu.memory_space<vmem>>, vector<16xf32>,
        %parallel_loop3A_756 = arith.mulf %parallel_loop3A_733, %parallel_loop3A_739 : vector<16xf32>
        %parallel_loop3A_757 = arith.mulf %parallel_loop3A_735, %parallel_loop3A_745 : vector<16xf32>
        %parallel_loop3A_758 = arith.addf %parallel_loop3A_756, %parallel_loop3A_757 : vector<16xf32>
        %parallel_loop3A_759 = arith.mulf %parallel_loop3A_737, %parallel_loop3A_751 : vector<16xf32>
        %parallel_loop3A_760 = arith.addf %parallel_loop3A_758, %parallel_loop3A_759 : vector<16xf32>
        %parallel_loop3A_761 = arith.mulf %parallel_loop3A_733, %parallel_loop3A_741 : vector<16xf32>
        %parallel_loop3A_762 = arith.mulf %parallel_loop3A_735, %parallel_loop3A_747 : vector<16xf32>
        %parallel_loop3A_763 = arith.addf %parallel_loop3A_761, %parallel_loop3A_762 : vector<16xf32>
        %parallel_loop3A_764 = arith.mulf %parallel_loop3A_737, %parallel_loop3A_753 : vector<16xf32>
        %parallel_loop3A_765 = arith.addf %parallel_loop3A_763, %parallel_loop3A_764 : vector<16xf32>
        %parallel_loop3A_766 = arith.mulf %parallel_loop3A_733, %parallel_loop3A_743 : vector<16xf32>
        %parallel_loop3A_767 = arith.mulf %parallel_loop3A_735, %parallel_loop3A_749 : vector<16xf32>
        %parallel_loop3A_768 = arith.addf %parallel_loop3A_766, %parallel_loop3A_767 : vector<16xf32>
        %parallel_loop3A_769 = arith.mulf %parallel_loop3A_737, %parallel_loop3A_755 : vector<16xf32>
        %parallel_loop3A_770 = arith.addf %parallel_loop3A_768, %parallel_loop3A_769 : vector<16xf32>
        %parallel_loop3A_771 = arith.index_cast %parallel_loop3A_731 : i32 to index
        %parallel_loop3A_772 = tpu.vector_load %arg27[%parallel_loop3A_771] {strides = array<i32>} : memref<6272xf32, #tpu.memory_space<vmem>>, vector<16xf32>,
        tpu.vector_store %arg27[%parallel_loop3A_771], %parallel_loop3A_760 {strides = array<i32>} : memref<6272xf32, #tpu.memory_space<vmem>>, vector<16xf32>,
        %parallel_loop3A_773 = arith.index_cast %parallel_loop3A_731 : i32 to index
        %parallel_loop3A_774 = tpu.vector_load %arg28[%parallel_loop3A_773] {strides = array<i32>} : memref<6272xf32, #tpu.memory_space<vmem>>, vector<16xf32>,
        tpu.vector_store %arg28[%parallel_loop3A_773], %parallel_loop3A_765 {strides = array<i32>} : memref<6272xf32, #tpu.memory_space<vmem>>, vector<16xf32>,
        %parallel_loop3A_775 = arith.index_cast %parallel_loop3A_731 : i32 to index
        %parallel_loop3A_776 = tpu.vector_load %arg29[%parallel_loop3A_775] {strides = array<i32>} : memref<6272xf32, #tpu.memory_space<vmem>>, vector<16xf32>,
        tpu.vector_store %arg29[%parallel_loop3A_775], %parallel_loop3A_770 {strides = array<i32>} : memref<6272xf32, #tpu.memory_space<vmem>>, vector<16xf32>,
      } {sc.loop_unroll_factor = 8 : i64, sc.parallel_access}
      %run_scoped3A_722 = arith.constant 0 : i32
      %run_scoped3A_723 = arith.constant 0 : i32
      "tpu.region"() ({
        %run_scoped3A_729 = tpu.sem_alloc : memref<!tpu.dma_semaphore, #tpu.memory_space<semaphore_mem>>
        %dma_start3A = arith.constant 0 : i32
        %dma_start3A_730 = tpu.memref_slice %arg27[%dma_start3A] : memref<6272xf32, #tpu.memory_space<vmem>> -> memref<3200xf32, #tpu.memory_space<vmem>>
        %dma_start3A_731 = tpu.memref_slice %arg8[%add3A, %run_scoped3A_722, %run_scoped3A_723, %mul3A_10] : memref<8x3x1x51200xf32, #tpu.memory_space<hbm>> -> memref<1x1x1x3200xf32, #tpu.memory_space<hbm>>
        %dma_start3A_732 = tpu.memref_squeeze %dma_start3A_731 : memref<1x1x1x3200xf32, #tpu.memory_space<hbm>> -> memref<3200xf32, #tpu.memory_space<hbm>>
        %dma_start3A_733 = tpu.memref_slice %arg8[%add3A, %run_scoped3A_722, %run_scoped3A_723, %mul3A_10] : memref<8x3x1x51200xf32, #tpu.memory_space<hbm>> -> memref<1x1x1x3200xf32, #tpu.memory_space<hbm>>
        %dma_start3A_734 = tpu.memref_squeeze %dma_start3A_733 : memref<1x1x1x3200xf32, #tpu.memory_space<hbm>> -> memref<3200xf32, #tpu.memory_space<hbm>>
        %dma_start3A_735 = arith.constant 0 : i32
        %dma_start3A_736 = tpu.memref_slice %arg27[%dma_start3A_735] : memref<6272xf32, #tpu.memory_space<vmem>> -> memref<3200xf32, #tpu.memory_space<vmem>>
        tpu.enqueue_dma source(%dma_start3A_736 : memref<3200xf32, #tpu.memory_space<vmem>>) target(%dma_start3A_734 : memref<3200xf32, #tpu.memory_space<hbm>>) target_semaphore(%run_scoped3A_729 : memref<!tpu.dma_semaphore, #tpu.memory_space<semaphore_mem>>)
        %dma_wait3A_737 = arith.constant 0 : i32
        %dma_wait3A_738 = tpu.memref_slice %arg27[%dma_wait3A_737] : memref<6272xf32, #tpu.memory_space<vmem>> -> memref<3200xf32, #tpu.memory_space<vmem>>
        %dma_wait3A_739 = tpu.memref_slice %arg8[%add3A, %run_scoped3A_722, %run_scoped3A_723, %mul3A_10] : memref<8x3x1x51200xf32, #tpu.memory_space<hbm>> -> memref<1x1x1x3200xf32, #tpu.memory_space<hbm>>
        %dma_wait3A_740 = tpu.memref_squeeze %dma_wait3A_739 : memref<1x1x1x3200xf32, #tpu.memory_space<hbm>> -> memref<3200xf32, #tpu.memory_space<hbm>>
        %dma_wait3A_741 = tpu.memref_slice %arg8[%add3A, %run_scoped3A_722, %run_scoped3A_723, %mul3A_10] : memref<8x3x1x51200xf32, #tpu.memory_space<hbm>> -> memref<1x1x1x3200xf32, #tpu.memory_space<hbm>>
        %dma_wait3A_742 = tpu.memref_squeeze %dma_wait3A_741 : memref<1x1x1x3200xf32, #tpu.memory_space<hbm>> -> memref<3200xf32, #tpu.memory_space<hbm>>
        %dma_wait3A_743 = arith.constant 0 : i32
        %dma_wait3A_744 = tpu.memref_slice %arg27[%dma_wait3A_743] : memref<6272xf32, #tpu.memory_space<vmem>> -> memref<3200xf32, #tpu.memory_space<vmem>>
        tpu.wait_dma2 semaphore(%run_scoped3A_729 : memref<!tpu.dma_semaphore, #tpu.memory_space<semaphore_mem>>) src(%dma_wait3A_744 : memref<3200xf32, #tpu.memory_space<vmem>>) dst(%dma_wait3A_742 : memref<3200xf32, #tpu.memory_space<hbm>>)
        tpu.yield
      }) : () -> ()
      %run_scoped3A_724 = arith.constant 1 : i32
      %run_scoped3A_725 = arith.constant 0 : i32
      "tpu.region"() ({
        %run_scoped3A_729 = tpu.sem_alloc : memref<!tpu.dma_semaphore, #tpu.memory_space<semaphore_mem>>
        %dma_start3A = arith.constant 0 : i32
        %dma_start3A_730 = tpu.memref_slice %arg28[%dma_start3A] : memref<6272xf32, #tpu.memory_space<vmem>> -> memref<3200xf32, #tpu.memory_space<vmem>>
        %dma_start3A_731 = tpu.memref_slice %arg8[%add3A, %run_scoped3A_724, %run_scoped3A_725, %mul3A_10] : memref<8x3x1x51200xf32, #tpu.memory_space<hbm>> -> memref<1x1x1x3200xf32, #tpu.memory_space<hbm>>
        %dma_start3A_732 = tpu.memref_squeeze %dma_start3A_731 : memref<1x1x1x3200xf32, #tpu.memory_space<hbm>> -> memref<3200xf32, #tpu.memory_space<hbm>>
        %dma_start3A_733 = tpu.memref_slice %arg8[%add3A, %run_scoped3A_724, %run_scoped3A_725, %mul3A_10] : memref<8x3x1x51200xf32, #tpu.memory_space<hbm>> -> memref<1x1x1x3200xf32, #tpu.memory_space<hbm>>
        %dma_start3A_734 = tpu.memref_squeeze %dma_start3A_733 : memref<1x1x1x3200xf32, #tpu.memory_space<hbm>> -> memref<3200xf32, #tpu.memory_space<hbm>>
        %dma_start3A_735 = arith.constant 0 : i32
        %dma_start3A_736 = tpu.memref_slice %arg28[%dma_start3A_735] : memref<6272xf32, #tpu.memory_space<vmem>> -> memref<3200xf32, #tpu.memory_space<vmem>>
        tpu.enqueue_dma source(%dma_start3A_736 : memref<3200xf32, #tpu.memory_space<vmem>>) target(%dma_start3A_734 : memref<3200xf32, #tpu.memory_space<hbm>>) target_semaphore(%run_scoped3A_729 : memref<!tpu.dma_semaphore, #tpu.memory_space<semaphore_mem>>)
        %dma_wait3A_737 = arith.constant 0 : i32
        %dma_wait3A_738 = tpu.memref_slice %arg28[%dma_wait3A_737] : memref<6272xf32, #tpu.memory_space<vmem>> -> memref<3200xf32, #tpu.memory_space<vmem>>
        %dma_wait3A_739 = tpu.memref_slice %arg8[%add3A, %run_scoped3A_724, %run_scoped3A_725, %mul3A_10] : memref<8x3x1x51200xf32, #tpu.memory_space<hbm>> -> memref<1x1x1x3200xf32, #tpu.memory_space<hbm>>
        %dma_wait3A_740 = tpu.memref_squeeze %dma_wait3A_739 : memref<1x1x1x3200xf32, #tpu.memory_space<hbm>> -> memref<3200xf32, #tpu.memory_space<hbm>>
        %dma_wait3A_741 = tpu.memref_slice %arg8[%add3A, %run_scoped3A_724, %run_scoped3A_725, %mul3A_10] : memref<8x3x1x51200xf32, #tpu.memory_space<hbm>> -> memref<1x1x1x3200xf32, #tpu.memory_space<hbm>>
        %dma_wait3A_742 = tpu.memref_squeeze %dma_wait3A_741 : memref<1x1x1x3200xf32, #tpu.memory_space<hbm>> -> memref<3200xf32, #tpu.memory_space<hbm>>
        %dma_wait3A_743 = arith.constant 0 : i32
        %dma_wait3A_744 = tpu.memref_slice %arg28[%dma_wait3A_743] : memref<6272xf32, #tpu.memory_space<vmem>> -> memref<3200xf32, #tpu.memory_space<vmem>>
        tpu.wait_dma2 semaphore(%run_scoped3A_729 : memref<!tpu.dma_semaphore, #tpu.memory_space<semaphore_mem>>) src(%dma_wait3A_744 : memref<3200xf32, #tpu.memory_space<vmem>>) dst(%dma_wait3A_742 : memref<3200xf32, #tpu.memory_space<hbm>>)
        tpu.yield
      }) : () -> ()
      %run_scoped3A_726 = arith.constant 2 : i32
      %run_scoped3A_727 = arith.constant 0 : i32
      "tpu.region"() ({
        %run_scoped3A_729 = tpu.sem_alloc : memref<!tpu.dma_semaphore, #tpu.memory_space<semaphore_mem>>
        %dma_start3A = arith.constant 0 : i32
        %dma_start3A_730 = tpu.memref_slice %arg29[%dma_start3A] : memref<6272xf32, #tpu.memory_space<vmem>> -> memref<3200xf32, #tpu.memory_space<vmem>>
        %dma_start3A_731 = tpu.memref_slice %arg8[%add3A, %run_scoped3A_726, %run_scoped3A_727, %mul3A_10] : memref<8x3x1x51200xf32, #tpu.memory_space<hbm>> -> memref<1x1x1x3200xf32, #tpu.memory_space<hbm>>
        %dma_start3A_732 = tpu.memref_squeeze %dma_start3A_731 : memref<1x1x1x3200xf32, #tpu.memory_space<hbm>> -> memref<3200xf32, #tpu.memory_space<hbm>>
        %dma_start3A_733 = tpu.memref_slice %arg8[%add3A, %run_scoped3A_726, %run_scoped3A_727, %mul3A_10] : memref<8x3x1x51200xf32, #tpu.memory_space<hbm>> -> memref<1x1x1x3200xf32, #tpu.memory_space<hbm>>
        %dma_start3A_734 = tpu.memref_squeeze %dma_start3A_733 : memref<1x1x1x3200xf32, #tpu.memory_space<hbm>> -> memref<3200xf32, #tpu.memory_space<hbm>>
        %dma_start3A_735 = arith.constant 0 : i32
        %dma_start3A_736 = tpu.memref_slice %arg29[%dma_start3A_735] : memref<6272xf32, #tpu.memory_space<vmem>> -> memref<3200xf32, #tpu.memory_space<vmem>>
        tpu.enqueue_dma source(%dma_start3A_736 : memref<3200xf32, #tpu.memory_space<vmem>>) target(%dma_start3A_734 : memref<3200xf32, #tpu.memory_space<hbm>>) target_semaphore(%run_scoped3A_729 : memref<!tpu.dma_semaphore, #tpu.memory_space<semaphore_mem>>)
        %dma_wait3A_737 = arith.constant 0 : i32
        %dma_wait3A_738 = tpu.memref_slice %arg29[%dma_wait3A_737] : memref<6272xf32, #tpu.memory_space<vmem>> -> memref<3200xf32, #tpu.memory_space<vmem>>
        %dma_wait3A_739 = tpu.memref_slice %arg8[%add3A, %run_scoped3A_726, %run_scoped3A_727, %mul3A_10] : memref<8x3x1x51200xf32, #tpu.memory_space<hbm>> -> memref<1x1x1x3200xf32, #tpu.memory_space<hbm>>
        %dma_wait3A_740 = tpu.memref_squeeze %dma_wait3A_739 : memref<1x1x1x3200xf32, #tpu.memory_space<hbm>> -> memref<3200xf32, #tpu.memory_space<hbm>>
        %dma_wait3A_741 = tpu.memref_slice %arg8[%add3A, %run_scoped3A_726, %run_scoped3A_727, %mul3A_10] : memref<8x3x1x51200xf32, #tpu.memory_space<hbm>> -> memref<1x1x1x3200xf32, #tpu.memory_space<hbm>>
        %dma_wait3A_742 = tpu.memref_squeeze %dma_wait3A_741 : memref<1x1x1x3200xf32, #tpu.memory_space<hbm>> -> memref<3200xf32, #tpu.memory_space<hbm>>
        %dma_wait3A_743 = arith.constant 0 : i32
        %dma_wait3A_744 = tpu.memref_slice %arg29[%dma_wait3A_743] : memref<6272xf32, #tpu.memory_space<vmem>> -> memref<3200xf32, #tpu.memory_space<vmem>>
        tpu.wait_dma2 semaphore(%run_scoped3A_729 : memref<!tpu.dma_semaphore, #tpu.memory_space<semaphore_mem>>) src(%dma_wait3A_744 : memref<3200xf32, #tpu.memory_space<vmem>>) dst(%dma_wait3A_742 : memref<3200xf32, #tpu.memory_space<hbm>>)
        tpu.yield
      }) : () -> ()
      %barrier3A_728 = arith.constant 0 : index
      tpu.barrier barrier_id(%barrier3A_728)
    }
    %scan3A_4 = arith.constant 4 : i32
    return
  }
}

</mosaic_0001>

<sc_bundles>
// kernel: _run.3.cloned.1.call-start
scs
__scs_entry_jumppad:
0x0: {  	(pc) =	sbr.rel $0x88, $3  }
0x1: {  	(tag) =	ssettag $0x0;
	lr =	simm.s32 $0x1  }
0x2: {  	[smem:$0x3F9B] =	sst lr;
	_ =	strace $0xD0000000  }
0x3: {  	_ = 	snop  }
0x4: {  	_ = 	snop  }
0x5: {  	_ = 	snop  }
0x6: {  	_ = 	snop  }
0x7: {  	_ = 	snop  }
__scs_overlays_trampoline_lowered:
0x8: {  	[smem:$0x3FAA] =	sst s0  }
0x9: {  	[smem:$0x3FAB] =	sst s1  }
0xa: {  	[smem:$0x3FAC] =	sst s2  }
0xb: {  	[smem:$0x3FAD] =	sst s3  }
0xc: {  	[smem:$0x3FAE] =	sst s4  }
0xd: {  	[smem:$0x3FAF] =	sst s5  }
0xe: {  	[smem:$0x3FB0] =	sst s6  }
0xf: {  	[smem:$0x3FB1] =	sst s7  }
0x10: {  	[smem:$0x3FB2] =	sst s8  }
0x11: {  	[smem:$0x3FB3] =	sst s9;
	s0 =	simm.s32 @!p0 $0x0  }
0x12: {  	s1 =	sld [smem:$0x3F99];
	s0 =	simm.s32 @p0 $0x1  }
0x13: {  	[smem:$0x3FB4] =	sst s0;
	s0 =	simm.s32 @!p1 $0x0  }
0x14: {  	s2 =	sld [smem:$0x3F98];
	s0 =	simm.s32 @p1 $0x1  }
0x15: {  	[smem:$0x3FB5] =	sst s0;
	s0 =	simm.s32 @!p2 $0x0  }
0x16: {  	s3 =	sld [smem:$0x3FDB];
	s0 =	simm.s32 @p2 $0x1  }
0x17: {  	s4 =	simm.s32 $0x1BF5;
	[smem:$0x3FB7] =	sst s0  }
0x18: {  	s0 =	sld [smem:$0x3F9A];
	_ =	swait.ge [sflag:s4], $0x0  }
0x19: {  	s7 =	sld [smem:$0x3F9B]  }
0x1a: {  	s8 =	sadd.s32 $0xFFFFE003, lr  }
0x1b: {  	s9 =	sadd.s32 $0xFFFFFEF7, lr;
	s5 =	simm.s32 $0xFFFFFFFF;
	p2 =	slt.u32 s8, $0xFFFFF086  }
0x1c: {  	p1 =	slt.u32 s9, $0xF7A;
	s5 =	simm.s32 @!p2 $0x0  }
0x1d: {  	s5 =	simm.s32 @p1 $0x1;
	p0 =	seq.s32 s7, s2  }
0x1e: {  	s7 =	smul.u32 @!p0 $0xF7A, s2;
	p2 =	seq.s32 @!p0 s5, $0x0  }
0x1f: {  	s9 =	smul.u32 $0xF7A, s1;
	s8 =	simm.s32 @!p0 $0x1BF5;
	p2 =	por !p2, p0  }
0x20: {  	[sflag:s8] =	ssyncset.s32 @!p0 $0xFFFFF086;
	s6 =	sadd.s32 @!p0 s3, s7;
	s7 =	simm.s32 @!p0 $0x108  }
0x21: {  	s3 =	sadd.s32 s3, s9;
	s6 =	sadd.s32 @!p0 $0x88, s6;
	s7 =	simm.s32 @p2 $0x1082  }
0x22: {  	[simem:s7], [sflag:s8] =	dma.local @!p0 [hbm:s6], $0xF7A  }
0x23: {  	s9 =	sor.u32 $0xD0000000, s2;
	s6 =	simm.s32 $0x108;
	_ =	swait.ge @!p0 [sflag:s8], $0x0  }
0x24: {  	s3 =	sadd.s32 $0x88, s3;
	s6 =	simm.s32 @!p1 $0x1082;
	[sflag:s4] =	ssyncset.s32 $0xFFFFF086  }
0x25: {  	[simem:s6], [sflag:s4] =	dma.local [hbm:s3], $0xF7A  }
0x26: {  	[smem:$0x3F9B] =	sst s1;
	(tag) =	ssettag s2;
	_ =	strace s9  }
0x27: {  	s1 =	sld [smem:$0x3FAB]  }
0x28: {  	s2 =	sld [smem:$0x3FAC]  }
0x29: {  	s4 =	sld [smem:$0x3FAE]  }
0x2a: {  	p0 =	seq.s32 s5, $0x0;
	s5 =	sld [smem:$0x3FAF]  }
0x2b: {  	s6 =	sld [smem:$0x3FB0]  }
0x2c: {  	s7 =	sld [smem:$0x3FB1]  }
0x2d: {  	s3 =	simm.s32 $0x108;
	s8 =	sld [smem:$0x3FB2]  }
0x2e: {  	s3 =	simm.s32 @!p0 $0x1082;
	s9 =	sld [smem:$0x3FB3]  }
0x2f: {  	lr =	sadd.s32 s0, s3;
	s0 =	sld [smem:$0x3FAA]  }
0x30: {  	s3 =	sld [smem:$0x3FAD]  }
0x31: {  	[smem:$0x3FB6] =	sst s10  }
0x32: {  	s10 =	sld [smem:$0x3FB4];
	_ =	sdelay $0x3  }
0x33: {  	p0 =	seq.s32 s10, $0x1;
	s10 =	sld [smem:$0x3FB6];
	_ =	sdelay $0x3  }
0x34: {  	[smem:$0x3FB6] =	sst s10  }
0x35: {  	s10 =	sld [smem:$0x3FB5];
	_ =	sdelay $0x3  }
0x36: {  	p1 =	seq.s32 s10, $0x1;
	s10 =	sld [smem:$0x3FB6];
	_ =	sdelay $0x3  }
0x37: {  	[smem:$0x3FB6] =	sst s10  }
0x38: {  	s10 =	sld [smem:$0x3FB7]  }
0x39: {  	_ = 	snop;
	(pc) =	sbr.ind lr, $3  }
0x3a: {  	_ = 	snop  }
0x3b: {  	_ = 	snop  }
0x3c: {  	p2 =	seq.s32 s10, $0x1;
	s10 =	sld [smem:$0x3FB6]  }
0x3d: {  	_ =	shalt  }
0x3e: {  	_ =	shalt  }
0x3f: {  	_ =	shalt  }
0x40: {  	_ =	shalt  }
0x41: {  	_ =	shalt  }
0x42: {  	_ =	shalt  }
0x43: {  	_ =	shalt  }
0x44: {  	_ =	shalt  }
0x45: {  	_ =	shalt  }
0x46: {  	_ =	shalt  }
0x47: {  	_ =	shalt  }
0x48: {  	_ =	shalt  }
0x49: {  	_ =	shalt  }
0x4a: {  	_ =	shalt  }
0x4b: {  	_ =	shalt  }
0x4c: {  	_ =	shalt  }
0x4d: {  	_ =	shalt  }
0x4e: {  	_ =	shalt  }
0x4f: {  	_ =	shalt  }
0x50: {  	_ =	shalt  }
0x51: {  	_ =	shalt  }
0x52: {  	_ =	shalt  }
0x53: {  	_ =	shalt  }
0x54: {  	_ =	shalt  }
0x55: {  	_ =	shalt  }
0x56: {  	_ =	shalt  }
0x57: {  	_ =	shalt  }
0x58: {  	_ =	shalt  }
0x59: {  	_ =	shalt  }
0x5a: {  	_ =	shalt  }
0x5b: {  	_ =	shalt  }
0x5c: {  	_ =	shalt  }
0x5d: {  	_ =	shalt  }
0x5e: {  	_ =	shalt  }
0x5f: {  	_ =	shalt  }
0x60: {  	_ =	shalt  }
0x61: {  	_ =	shalt  }
0x62: {  	_ =	shalt  }
0x63: {  	_ =	shalt  }
0x64: {  	_ =	shalt  }
0x65: {  	_ =	shalt  }
0x66: {  	_ =	shalt  }
0x67: {  	_ =	shalt  }
0x68: {  	_ =	shalt  }
0x69: {  	_ =	shalt  }
0x6a: {  	_ =	shalt  }
0x6b: {  	_ =	shalt  }
0x6c: {  	_ =	shalt  }
0x6d: {  	_ =	shalt  }
0x6e: {  	_ =	shalt  }
0x6f: {  	_ =	shalt  }
0x70: {  	_ =	shalt  }
0x71: {  	_ =	shalt  }
0x72: {  	_ =	shalt  }
0x73: {  	_ =	shalt  }
0x74: {  	_ =	shalt  }
0x75: {  	_ =	shalt  }
0x76: {  	_ =	shalt  }
0x77: {  	_ =	shalt  }
0x78: {  	_ =	shalt  }
0x79: {  	_ =	shalt  }
0x7a: {  	_ =	shalt  }
0x7b: {  	_ =	shalt  }
0x7c: {  	_ =	shalt  }
0x7d: {  	_ =	shalt  }
0x7e: {  	_ =	shalt  }
0x7f: {  	_ =	shalt  }
0x80: {  	_ =	shalt  }
0x81: {  	_ =	shalt  }
0x82: {  	_ =	shalt  }
0x83: {  	_ =	shalt  }
0x84: {  	_ =	shalt  }
0x85: {  	_ =	shalt  }
0x86: {  	_ =	shalt  }
0x87: {  	_ =	shalt  }
.Lfunc_end0:
.L_simem_size_0:
called_computation_lowered:
.L_overlay_start_0:
0x88: {  	s2 =	sld [smem:$0x3FD9]  }
0x89: {  	s3 =	sld [smem:$0x3FFE];
	_ =	sdelay $0x1  }
0x8a: {  	s1 =	srdreg.scid  }
0x8b: {  	s0 =	sand.u32 $0x1, s1  }
0x8c: {  	s13 =	sshll.u32 s0, $0xA;
	s2 =	sadd.s32 s3, s2  }
0x8d: {  	s2 =	sadd.s32 s2, s13  }
0x8e: {  	[smem:$0x3FC2] =	sst s2  }
0x8f: {  	_ = 	snop  }
0x90: {  	s2 =	sld [smem:$0x3FC9]  }
0x91: {  	s14 =	sld [smem:$0x3FC8]  }
0x92: {  	s4 =	sld [smem:$0x3FC7]  }
0x93: {  	s5 =	sld [smem:$0x3FC6]  }
0x94: {  	s6 =	sld [smem:$0x3FC5]  }
0x95: {  	s7 =	sld [smem:$0x3FC4]  }
0x96: {  	s8 =	sld [smem:$0x3FD0];
	(tm) =	ssettm $0x1  }
0x97: {  	s9 =	sld [smem:$0x3FFB];
	_ =	sdelay $0x3  }
0x98: {  	_ =	strace s9  }
0x99: {  	s9 =	sld [smem:$0x3FFC];
	_ =	sdelay $0x3  }
0x9a: {  	_ =	strace s9  }
0x9b: {  	s9 =	sld [smem:$0x3FFD];
	_ =	sdelay $0x3  }
0x9c: {  	_ =	strace s9  }
0x9d: {  	_ =	strace $0x8FFFFFFF  }
0x9e: {  	s15 =	sld [smem:$0x3FDB];
	_ =	sdelay $0x1  }
0x9f: {  	s10 =	simm.s32 $_scs_section_size  }
0xa0: {  	s11 =	simm.s32 $_size__tile_task_arg_handler_lowered;
	s12 =	simm.s32 $_tile_task_arg_handler_lowered  }
0xa1: {  	s18 =	simm.s32 $0x1BFF;
	s17 =	sshll.u32 s12, $0x1;
	s10 =	sadd.s32 s10, s15  }
0xa2: {  	s16 =	sshll.u32 s11, $0x1;
	s13 =	simm.s32 $0x60;
	s11 =	sadd.s32 s17, s10  }
0xa3: {  	[timem:s13], [sflag:s18] =	dma.local [hbm:s11], s16  }
0xa4: {  	_ =	swait.ge [sflag:s18], s16  }
0xa5: {  	s19 =	simm.s32 $_tile_overlayer_lowered;
	s9 =	ssub.s32 $0x0, s16;
	[sflag:s18] =	ssyncset.done $0x0  }
0xa6: {  	s20 =	simm.s32 $_size__tile_overlayer_lowered;
	s11 =	sshll.u32 s19, $0x1;
	[sflag:s18] =	ssyncadd.s32 s9  }
0xa7: {  	s22 =	simm.s32 $0x0;
	s21 =	sshll.u32 s20, $0x1;
	s11 =	sadd.s32 s11, s10  }
0xa8: {  	[timem:s22], [sflag:s18] =	dma.local [hbm:s11], s21  }
0xa9: {  	_ =	swait.ge [sflag:s18], s21  }
0xaa: {  	s23 =	ssub.s32 $0x0, s21;
	[sflag:s18] =	ssyncset.done $0x0  }
0xab: {  	[sflag:s18] =	ssyncadd.s32 s23;
	_ =	sdelay $0x1  }
0xac: {  	s24 =	simm.s32 $0x1B8B  }
0xad: {  	_ =	swait.ge [sflag:s24], $0x1  }
0xae: {  	[sflag:s24] =	ssyncset.done $0x0  }
0xaf: {  	s25 =	simm.s32 $0x1B8E;
	[sflag:s24] =	ssyncadd.s32 $0xFFFFFFFF  }
0xb0: {  	s26 =	simm.s32 $execute0_lowered;
	[smem:$0x3FD2] =	sst s25  }
0xb1: {  	s11 =	sshll.u32 s26, $0x1;
	_ =	strace $0x80000046;
	[dreg:$0x1] =	wrdreg $0xFFFFFFFF  }
0xb2: {  	s28 =	simm.s32 $_size_execute0_lowered;
	s10 =	sadd.s32 s10, s11;
	[dreg:$0x0] =	wrdreg $0x0  }
0xb3: {  	s11 =	sshll.u32 s28, $0x1;
	[dreg:$0x2] =	wrdreg s10  }
0xb4: {  	[dreg:$0x3] =	wrdreg s11  }
0xb5: {  	[dreg:$0x4] =	wrdreg $0xC0  }
0xb6: {  	_ =	task [dreg:s22], $0x5FFFF  }
0xb7: {  	[dreg:$0x1] =	wrdreg $0xFFFFFFFF  }
0xb8: {  	[dreg:$0x0] =	wrdreg $0x30  }
0xb9: {  	[dreg:$0x2] =	wrdreg $0x0  }
0xba: {  	[dreg:$0x3] =	wrdreg $0x52000  }
0xbb: {  	[dreg:$0x4] =	wrdreg $0x59000  }
0xbc: {  	[dreg:$0x5] =	wrdreg $0x9  }
0xbd: {  	_ =	task [dreg:s22], $0x6FFFF  }
0xbe: {  	[dreg:$0x1] =	wrdreg $0xFFFFFFFF  }
0xbf: {  	[dreg:$0x0] =	wrdreg $0x60  }
0xc0: {  	[dreg:$0x2] =	wrdreg s2  }
0xc1: {  	[dreg:$0x3] =	wrdreg s14  }
0xc2: {  	[dreg:$0x4] =	wrdreg s4  }
0xc3: {  	[dreg:$0x5] =	wrdreg s5  }
0xc4: {  	[dreg:$0x6] =	wrdreg s6  }
0xc5: {  	[dreg:$0x7] =	wrdreg s7  }
0xc6: {  	[dreg:$0x8] =	wrdreg s8  }
0xc7: {  	[dreg:$0x9] =	wrdreg $0x25800  }
0xc8: {  	[dreg:$0xa] =	wrdreg $0x0  }
0xc9: {  	[dreg:$0xb] =	wrdreg $0x32000  }
0xca: {  	[dreg:$0xc] =	wrdreg $0xC800  }
0xcb: {  	[dreg:$0xd] =	wrdreg $0x3E800  }
0xcc: {  	[dreg:$0xe] =	wrdreg $0x19000  }
0xcd: {  	[dreg:$0xf] =	wrdreg $0x4B000  }
0xce: {  	_ =	task.clear_ibuf [dreg:s22], $0x10FFFF;
	_ =	strace $0x90000046  }
0xcf: {  	s29 =	simm.s32 $0x9;
	_ =	strace $0x80000048  }
0xd0: {  	_ =	swait.ge [sflag:s29], $0x1  }
0xd1: {  	[sflag:s29] =	ssyncadd.s32 $0xFFFFFFFF  }
0xd2: {  	_ =	strace $0x90000048  }
0xd3: {  	_ =	sfence  }
0xd4: {  	s30 =	sld [smem:$0x0];
	_ =	sdelay $0x2  }
0xd5: {  	s31 =	sshll.u32 s1, $0xD;
	s1 =	sshrl.u32 s1, $0x2  }
0xd6: {  	s3 =	sand.u32 $0x4000, s31;
	s1 =	sadd.s32 s1, s30  }
0xd7: {  	s0 =	sor.u32 s3, s0;
	s1 =	sshll.u32 s1, $0x11  }
0xd8: {  	s0 =	sor.u32 s1, s0  }
0xd9: {  	s0 =	sadd.s32 $0x8F2B, s0  }
0xda: {  	[sflag:s0] =	ssyncadd.remote.s32 $0x1  }
0xdb: {  	_ =	sfence.sel $0xFFFF  }
0xdc: {  	[dreg:$0x0] =	wrdreg $0xFFFFFFFF;
	(pc) =	sbr.abs _section_cstart, $3  }
0xdd: {  	[dreg:$0x1] =	wrdreg $0xFFFFFFFF  }
0xde: {  	_ =	task.clear_ibuf [dreg:s22], $0x2FFFF;
	_ =	strace $0x9FFFFFFF  }
0xdf: {  	(tm) =	ssettm $0x7FFFFFFF  }
tec
_tile_task_arg_handler_lowered:
.L_overlay_start_1:
0x0: {  	(tag) =	ssettag $0x1  }
0x1: {  	s0 =	rddreg [dreg:$0x0]  }
0x2: {  	s1 =	rddreg [dreg:$0x1]  }
0x3: {  	s2 =	rddreg [dreg:$0x2]  }
0x4: {  	s3 =	rddreg [dreg:$0x3]  }
0x5: {  	s4 =	rddreg [dreg:$0x4]  }
0x6: {  	s5 =	rddreg [dreg:$0x5]  }
0x7: {  	s6 =	rddreg [dreg:$0x6]  }
0x8: {  	s7 =	rddreg [dreg:$0x7]  }
0x9: {  	s8 =	rddreg [dreg:$0x8]  }
0xa: {  	s9 =	rddreg [dreg:$0x9]  }
0xb: {  	s10 =	rddreg [dreg:$0xa]  }
0xc: {  	s11 =	rddreg [dreg:$0xb]  }
0xd: {  	s12 =	rddreg [dreg:$0xc]  }
0xe: {  	s13 =	rddreg [dreg:$0xd]  }
0xf: {  	[smem:s0] =	sst s1  }
0x10: {  	[smem:s0+$0x1] =	sst s2  }
0x11: {  	[smem:s0+$0x2] =	sst s3  }
0x12: {  	[smem:s0+$0x3] =	sst s4  }
0x13: {  	[smem:s0+$0x4] =	sst s5  }
0x14: {  	[smem:s0+$0x5] =	sst s6  }
0x15: {  	[smem:s0+$0x6] =	sst s7  }
0x16: {  	[smem:s0+$0x7] =	sst s8  }
0x17: {  	[smem:s0+$0x8] =	sst s9  }
0x18: {  	[smem:s0+$0x9] =	sst s10  }
0x19: {  	[smem:s0+$0xA] =	sst s11  }
0x1a: {  	[smem:s0+$0xB] =	sst s12  }
0x1b: {  	[smem:s0+$0xC] =	sst s13;
	_ =	shalt  }
.Lfunc_end2:
execute0_lowered:
.L_overlay_start_2:
0x1c: {  	(tag) =	ssettag $0x2  }
0x1d: {  	s0 =	rddreg [dreg:$0x2]  }
0x1e: {  	s1 =	rddreg [dreg:$0x3]  }
0x1f: {  	s2 =	rddreg [dreg:$0x4]  }
0x20: {  	s5 =	rddreg [dreg:$0x5]  }
0x21: {  	s3 =	rddreg [dreg:$0x7]  }
0x22: {  	s4 =	rddreg [dreg:$0x8]  }
0x23: {  	s6 =	rddreg [dreg:$0x9]  }
0x24: {  	s7 =	rddreg [dreg:$0xa];
	s9 =	srdreg.scid  }
0x25: {  	s8 =	rddreg [dreg:$0xb];
	s17 =	stileid.u32  }
0x26: {  	s10 =	rddreg [dreg:$0xd];
	s13 =	smul.u32 $0x380, s17  }
0x27: {  	s15 =	simm.s32 $0x0;
	s11 =	sand.u32 $0x1, s9;
	s9 =	rddreg [dreg:$0xc]  }
0x28: {  	[smem:$0x7FF] =	sst s15;
	s25 =	sshrl.u32 s13, $0x3  }
0x29: {  	s12 =	ssub.s32 $0x2, s11;
	s23 =	sld [smem:$0x1];
	s26 =	sadd.s32 s0, s25  }
0x2a: {  	s15 =	sadd.s32 $0x3800, s13;
	s16 =	sadd.s32 s1, s25;
	[dreg:$0xf] =	wrdreg s26  }
0x2b: {  	s14 =	sshrl.u32 s12, $0x1;
	s30 =	sshrl.u32 s15, $0x3;
	[dreg:$0x10] =	wrdreg s16  }
0x2c: {  	s12 =	ssub.s32 s12, s14;
	s19 =	sadd.s32 s0, s30;
	s26 =	sld [smem:$0x2]  }
0x2d: {  	s14 =	sadd.s32 $0xE00, s25;
	s16 =	sadd.s32 s1, s30;
	[dreg:$0x11] =	wrdreg s19  }
0x2e: {  	s18 =	smul.u32 $0xC80, s17;
	s0 =	sadd.s32 s0, s14;
	[dreg:$0x12] =	wrdreg s16  }
0x2f: {  	s14 =	sadd.s32 s1, s14;
	[dreg:$0x13] =	wrdreg s0  }
0x30: {  	[dreg:$0x14] =	wrdreg s14;
	s16 =	sshrl.u32 s18, $0x3  }
0x31: {  	s19 =	sld [smem:$0x0];
	s20 =	sadd.s32 s2, s16  }
0x32: {  	s21 =	sadd.s32 s5, s16;
	[dreg:$0x15] =	wrdreg s20  }
0x33: {  	s22 =	sadd.s32 $0x1900, s16;
	[dreg:$0x16] =	wrdreg s21  }
0x34: {  	s24 =	sadd.s32 s2, s22;
	[dreg:$0x17] =	wrdreg s26  }
0x35: {  	s0 =	sadd.s32 $0x3200, s16;
	s1 =	sadd.s32 s5, s22;
	[dreg:$0x18] =	wrdreg s24  }
0x36: {  	s25 =	sadd.s32 s2, s0;
	[dreg:$0x19] =	wrdreg s1  }
0x37: {  	s0 =	sadd.s32 s5, s0;
	[dreg:$0x1a] =	wrdreg s25  }
0x38: {  	s30 =	sshll.u32 s11, $0x2;
	[dreg:$0x1b] =	wrdreg s0  }
0x39: {  	s1 =	sadd.s32 s13, s10;
	_ =	strace $0x80000047;
	[dreg:$0x1c] =	wrdreg s30  }
0x3a: {  	s2 =	sadd.s32 s13, s19;
	[dreg:$0x1d] =	wrdreg s1  }
0x3b: {  	s5 =	sadd.s32 s13, s23;
	[dreg:$0x1e] =	wrdreg s2  }
0x3c: {  	s11 =	sadd.s32 s15, s10;
	[dreg:$0x1f] =	wrdreg s5  }
0x3d: {  	s13 =	sadd.s32 s15, s19;
	[smem:$0x7F3] =	sst s11  }
0x3e: {  	s14 =	sadd.s32 s15, s23;
	[smem:$0x7F4] =	sst s13  }
0x3f: {  	s16 =	sadd.s32 s18, s4;
	s15 =	smax.u32 s12, $0x1;
	[smem:$0x7F5] =	sst s14  }
0x40: {  	s20 =	sadd.s32 s18, s7;
	s0 =	sshrl.u32 s16, $0x3;
	[smem:$0x7F6] =	sst s15  }
0x41: {  	s28 =	simm.s32 $0x1;
	s21 =	sshrl.u32 s20, $0x3;
	[smem:$0x7F7] =	sst s0  }
0x42: {  	s29 =	simm.s32 $0x2;
	s24 =	sadd.s32 s18, s3;
	[smem:$0x7F8] =	sst s21  }
0x43: {  	s31 =	simm.s32 $0x190;
	s25 =	sadd.s32 s18, s6;
	[smem:$0x7FA] =	sst s24  }
0x44: {  	s22 =	sadd.s32 s18, s9;
	s26 =	sadd.s32 s18, s8;
	[smem:$0x7FB] =	sst s25  }
0x45: {  	s12 =	simm.s32 $0xE0;
	s0 =	sshrl.u32 s22, $0x3;
	[dreg:$0xe] =	wrdreg s18  }
0x46: {  	[smem:$0x7FC] =	sst s26;
	s30 =	smul.u32 $0x1880, s17;
	s15 =	simm.s32 $0x16C80  }
0x47: {  	s25 =	simm.s32 $0x3;
	s26 =	simm.s32 $0x1C0;
	[smem:$0x7F9] =	sst s0  }
0x48: {  	v0 =	vimm.f32 $0.0e+00;
	s5 =	simm.s32 $0xB080;
	s1 =	simm.s32 $0x0;
	[smem:$0x7FD] =	sst s30  }
.LBB3_1:
0x49: {  	[smem:$0x7F2] =	sst s1;
	s24 =	simm.s32 $0x0  }
.LBB3_2:
0x4a: {  	s0 =	simm.s32 $0x16CC0  }
0x4b: {  	[tilespmem:s0+$0xFFFFFFC0] =	vst v0  }
0x4c: {  	[tilespmem:s0+$0x30] =	vst v0  }
0x4d: {  	[tilespmem:s0+$0x20] =	vst v0  }
0x4e: {  	[tilespmem:s0+$0x10] =	vst v0  }
0x4f: {  	[tilespmem:s0+$0x0] =	vst v0  }
0x50: {  	[tilespmem:s0+$0xFFFFFFF0] =	vst v0  }
0x51: {  	s1 =	simm.s32 $0x0;
	[tilespmem:s0+$0xFFFFFFE0] =	vst v0  }
.LBB3_3:
0x52: {  	s1 =	sadd.s32 $0x8, s1;
	[tilespmem:s0+$0xFFFFFFD0] =	vst v0;
	s0 =	sadd.s32 $0x80, s0  }
0x53: {  	[tilespmem:s0+$0xFFFFFFC0] =	vst v0;
	p0 =	slt.u32 s1, $0xC0  }
0x54: {  	[tilespmem:s0+$0x30] =	vst v0  }
.Ltmp0:
0x55: {  	[tilespmem:s0+$0x20] =	vst v0;
	(pc) =	sbr.rel @p0 .LBB3_3-.Ltmp0, $4  }
0x56: {  	[tilespmem:s0+$0x10] =	vst v0  }
0x57: {  	[tilespmem:s0+$0x0] =	vst v0  }
0x58: {  	[tilespmem:s0+$0xFFFFFFF0] =	vst v0  }
0x59: {  	[tilespmem:s0+$0xFFFFFFE0] =	vst v0  }
0x5a: {  	s1 =	rddreg [dreg:$0x1c];
	[tilespmem:s0+$0xFFFFFFD0] =	vst v0  }
0x5b: {  	s2 =	sld [smem:$0x7FA];
	_ =	sdelay $0x1  }
0x5c: {  	s1 =	sadd.s32 s1, s24  }
0x5d: {  	[spmem:s2] =	stream.linear.scatter [tilespmem:s15], [sflag:$0x3], $0xC80, $0x38;
	[tilespmem:$0x1DB80] =	vst v63  }
0x5e: {  	s13 =	smul.u32 $0x25800, s1;
	_ =	swait.ge [sflag:s25], $0xC80  }
0x5f: {  	s16 =	stileid.u32;
	s14 =	rddreg [dreg:$0xe];
	[sflag:s25] =	ssyncset.done $0x0  }
0x60: {  	s0 =	sadd.s32 s14, s13;
	[sflag:s25] =	ssyncadd.s32 $0xFFFFF380;
	s13 =	sld [smem:$0x7F7]  }
0x61: {  	s14 =	sshrl.u32 s0, $0x3;
	s0 =	sshll.u32 s16, $0x6;
	s11 =	rddreg [dreg:$0x0]  }
0x62: {  	s17 =	sadd.s32 s11, s14;
	s0 =	sor.u32 $0x1C03, s0  }
0x63: {  	[spmem:s13], [sflag:s0] =	dma.local [hbm:s17], $0x190  }
0x64: {  	_ =	swait.ge [sflag:s25], $0x190  }
0x65: {  	s18 =	sld [smem:$0x7FB]  }
0x66: {  	[sflag:s25] =	ssyncset.done $0x0  }
0x67: {  	[sflag:s25] =	ssyncadd.s32 $0xFFFFFE70  }
0x68: {  	[spmem:s18] =	stream.linear.scatter [tilespmem:s15], [sflag:$0x3], $0xC80, $0x38;
	[tilespmem:$0x1DB80] =	vst v63  }
0x69: {  	_ =	swait.ge [sflag:s25], $0xC80  }
0x6a: {  	s21 =	sld [smem:$0x7F8]  }
0x6b: {  	s20 =	sadd.s32 $0x1900, s14;
	[sflag:s25] =	ssyncset.done $0x0  }
0x6c: {  	s2 =	sadd.s32 s11, s20;
	[smem:$0x7F0] =	sst s20;
	[sflag:s25] =	ssyncadd.s32 $0xFFFFF380  }
0x6d: {  	[spmem:s21], [sflag:s0] =	dma.local [hbm:s2], $0x190  }
0x6e: {  	_ =	swait.ge [sflag:s25], $0x190  }
0x6f: {  	s22 =	sld [smem:$0x7FC]  }
0x70: {  	[sflag:s25] =	ssyncset.done $0x0  }
0x71: {  	[sflag:s25] =	ssyncadd.s32 $0xFFFFFE70  }
0x72: {  	[spmem:s22] =	stream.linear.scatter [tilespmem:s15], [sflag:$0x3], $0xC80, $0x38;
	[tilespmem:$0x1DB80] =	vst v63  }
0x73: {  	_ =	swait.ge [sflag:s25], $0xC80  }
0x74: {  	s13 =	sld [smem:$0x7F9]  }
0x75: {  	s30 =	sadd.s32 $0x3200, s14;
	[sflag:s25] =	ssyncset.done $0x0  }
0x76: {  	s2 =	sadd.s32 s11, s30;
	[smem:$0x7F1] =	sst s30;
	[sflag:s25] =	ssyncadd.s32 $0xFFFFF380  }
0x77: {  	[spmem:s13], [sflag:s0] =	dma.local [hbm:s2], $0x190  }
0x78: {  	_ =	swait.ge [sflag:s25], $0x190  }
0x79: {  	s16 =	sld [smem:$0x7FD]  }
0x7a: {  	s15 =	smul.u32 $0x49800, s1;
	[sflag:s25] =	ssyncset.done $0x0  }
0x7b: {  	[sflag:s25] =	ssyncadd.s32 $0xFFFFFE70  }
0x7c: {  	[bflag:$0x0] =	sbarrier.arrive $0xFFFF;
	s0 =	sadd.s32 s16, s15  }
0x7d: {  	s17 =	rddreg [dreg:$0x1];
	s0 =	sshrl.u32 s0, $0x3  }
0x7e: {  	s18 =	simm.s32 $0x0;
	s20 =	simm.s32 $0x6000;
	s0 =	sadd.s32 s17, s0  }
0x7f: {  	[tilespmem:s20], [sflag:$0x3] =	stream.linear.gather [hbm4b:s0+s18], $0x1880, $0x38;
	[tilespmem:$0x1DB80] =	vst v63  }
0x80: {  	_ =	swait.ge [sflag:s25], $0x1880  }
0x81: {  	[sflag:s25] =	ssyncset.done $0x0  }
0x82: {  	s22 =	simm.s32 $0x7880;
	s21 =	sadd.s32 $0x3100, s0;
	[sflag:s25] =	ssyncadd.s32 $0xFFFFE780  }
0x83: {  	[tilespmem:s22], [sflag:$0x3] =	stream.linear.gather [hbm4b:s21+s18], $0x1880, $0x38;
	[tilespmem:$0x1DB80] =	vst v63  }
0x84: {  	_ =	swait.ge [sflag:s25], $0x1880  }
0x85: {  	[sflag:s25] =	ssyncset.done $0x0  }
0x86: {  	s30 =	simm.s32 $0x9100;
	s0 =	sadd.s32 $0x6200, s0;
	[sflag:s25] =	ssyncadd.s32 $0xFFFFE780  }
0x87: {  	[tilespmem:s30], [sflag:$0x3] =	stream.linear.gather [hbm4b:s0+s18], $0x1880, $0x38;
	[tilespmem:$0x1DB80] =	vst v63  }
0x88: {  	_ =	swait.ge [sflag:s25], $0x1880  }
0x89: {  	[sflag:s25] =	ssyncset.done $0x0  }
0x8a: {  	s11 =	simm.s32 $0xD980;
	s13 =	simm.s32 $0x6000;
	[sflag:s25] =	ssyncadd.s32 $0xFFFFE780  }
0x8b: {  	[tilespmem:s11], [sflag:$0x1] =	stream.indirect.gather [spmem:s4], $0x1, s13, s26, $0xb8;
	[tilespmem:$0x1DB80] =	vst v63  }
0x8c: {  	s15 =	simm.s32 $0xF200  }
0x8d: {  	[tilespmem:s15], [sflag:$0x1] =	stream.indirect.gather [spmem:s7], $0x1, s13, s26, $0xb8;
	[tilespmem:$0x1DB80] =	vst v63  }
0x8e: {  	s16 =	simm.s32 $0x10A80  }
0x8f: {  	[tilespmem:s16], [sflag:$0x1] =	stream.indirect.gather [spmem:s9], $0x1, s13, s26, $0xb8;
	[tilespmem:$0x1DB80] =	vst v63  }
0x90: {  	s17 =	simm.s32 $0x12300;
	s18 =	simm.s32 $0x7880  }
0x91: {  	[tilespmem:s17], [sflag:$0x1] =	stream.indirect.gather [spmem:s4], $0x1, s18, s26, $0xb8;
	[tilespmem:$0x1DB80] =	vst v63  }
0x92: {  	s20 =	simm.s32 $0x13B80  }
0x93: {  	[tilespmem:s20], [sflag:$0x1] =	stream.indirect.gather [spmem:s7], $0x1, s18, s26, $0xb8;
	[tilespmem:$0x1DB80] =	vst v63  }
0x94: {  	s21 =	simm.s32 $0x15400  }
0x95: {  	[tilespmem:s21], [sflag:$0x1] =	stream.indirect.gather [spmem:s9], $0x1, s18, s26, $0xb8;
	[tilespmem:$0x1DB80] =	vst v63  }
0x96: {  	s1 =	simm.s32 $0xE00;
	s2 =	simm.s32 $0x9100;
	s22 =	simm.s32 $0x16C80  }
0x97: {  	[tilespmem:s22], [sflag:$0x1] =	stream.indirect.gather [spmem:s4], $0x1, s2, s26, $0xb8;
	[tilespmem:$0x1DB80] =	vst v63  }
0x98: {  	s30 =	simm.s32 $0x18500;
	s0 =	simm.s32 $0x1C0;
	s11 =	simm.s32 $0x19D80  }
0x99: {  	[tilespmem:s30], [sflag:$0x1] =	stream.indirect.gather [spmem:s7], $0x1, s2, s26, $0xb8;
	[tilespmem:$0x1DB80] =	vst v63  }
.LBB3_5:
0x9a: {  	[tilespmem:s11], [sflag:$0x1] =	stream.indirect.gather [spmem:s9], $0x1, s2, s26, $0xb8;
	[tilespmem:$0x1DB80] =	vst v63  }
0x9b: {  	s13 =	sshra.s32 s1, $0x2;
	s2 =	sadd.s32 $0xD980, s0;
	s11 =	sadd.s32 $0x6000, s0  }
0x9c: {  	[tilespmem:s2], [sflag:$0x1] =	stream.indirect.gather [spmem:s4], $0x1, s11, s26, $0xb8;
	[tilespmem:$0x1DB80] =	vst v63  }
0x9d: {  	p0 =	sne.s32 s1, $0x5B00;
	s1 =	sadd.s32 $0x700, s1;
	s2 =	sadd.s32 $0xF200, s0  }
0x9e: {  	[tilespmem:s2], [sflag:$0x1] =	stream.indirect.gather [spmem:s7], $0x1, s11, s26, $0xb8;
	[tilespmem:$0x1DB80] =	vst v63  }
0x9f: {  	s2 =	sadd.s32 $0x10A80, s0  }
0xa0: {  	[tilespmem:s2], [sflag:$0x1] =	stream.indirect.gather [spmem:s9], $0x1, s11, s26, $0xb8;
	[tilespmem:$0x1DB80] =	vst v63  }
0xa1: {  	s2 =	sadd.s32 $0x12300, s0;
	s11 =	sadd.s32 $0x7880, s0  }
0xa2: {  	[tilespmem:s2], [sflag:$0x1] =	stream.indirect.gather [spmem:s4], $0x1, s11, s26, $0xb8;
	[tilespmem:$0x1DB80] =	vst v63  }
0xa3: {  	s2 =	sadd.s32 $0x13B80, s0  }
0xa4: {  	[tilespmem:s2], [sflag:$0x1] =	stream.indirect.gather [spmem:s7], $0x1, s11, s26, $0xb8;
	[tilespmem:$0x1DB80] =	vst v63  }
0xa5: {  	s2 =	sadd.s32 $0x15400, s0  }
0xa6: {  	[tilespmem:s2], [sflag:$0x1] =	stream.indirect.gather [spmem:s9], $0x1, s11, s26, $0xb8;
	[tilespmem:$0x1DB80] =	vst v63  }
.Ltmp1:
0xa7: {  	s11 =	sadd.s32 $0x16C80, s0;
	s2 =	sadd.s32 $0x9100, s0;
	(pc) =	sbr.rel @p0 .LBB3_5-.Ltmp1, $4  }
0xa8: {  	[tilespmem:s11], [sflag:$0x1] =	stream.indirect.gather [spmem:s4], $0x1, s2, s26, $0xb8;
	[tilespmem:$0x1DB80] =	vst v63  }
0xa9: {  	s11 =	sadd.s32 $0x18500, s0  }
0xaa: {  	[tilespmem:s11], [sflag:$0x1] =	stream.indirect.gather [spmem:s7], $0x1, s2, s26, $0xb8;
	[tilespmem:$0x1DB80] =	vst v63  }
0xab: {  	s11 =	sadd.s32 $0x19D80, s0;
	s0 =	smov.u32 s13  }
0xac: {  	[tilespmem:s11], [sflag:$0x1] =	stream.indirect.gather [spmem:s9], $0x1, s2, s26, $0xb8;
	[tilespmem:$0x1DB80] =	vst v63  }
0xad: {  	s1 =	sadd.s32 $0xD980, s0;
	s21 =	sadd.s32 $0x6000, s0  }
0xae: {  	[tilespmem:s1], [sflag:$0x1] =	stream.indirect.gather [spmem:s4], $0x1, s21, s26, $0xb8;
	[tilespmem:$0x1DB80] =	vst v63  }
0xaf: {  	s22 =	sadd.s32 $0xF200, s0  }
0xb0: {  	[tilespmem:s22], [sflag:$0x1] =	stream.indirect.gather [spmem:s7], $0x1, s21, s26, $0xb8;
	[tilespmem:$0x1DB80] =	vst v63  }
0xb1: {  	s11 =	sadd.s32 $0x10A80, s0  }
0xb2: {  	[tilespmem:s11], [sflag:$0x1] =	stream.indirect.gather [spmem:s9], $0x1, s21, s26, $0xb8;
	[tilespmem:$0x1DB80] =	vst v63  }
0xb3: {  	s13 =	sadd.s32 $0x12300, s0;
	s15 =	sadd.s32 $0x7880, s0  }
0xb4: {  	[tilespmem:s13], [sflag:$0x1] =	stream.indirect.gather [spmem:s4], $0x1, s15, s26, $0xb8;
	[tilespmem:$0x1DB80] =	vst v63  }
0xb5: {  	s16 =	sadd.s32 $0x13B80, s0  }
0xb6: {  	[tilespmem:s16], [sflag:$0x1] =	stream.indirect.gather [spmem:s7], $0x1, s15, s26, $0xb8;
	[tilespmem:$0x1DB80] =	vst v63  }
0xb7: {  	s17 =	sadd.s32 $0x15400, s0  }
0xb8: {  	[tilespmem:s17], [sflag:$0x1] =	stream.indirect.gather [spmem:s9], $0x1, s15, s26, $0xb8;
	[tilespmem:$0x1DB80] =	vst v63  }
0xb9: {  	s18 =	sadd.s32 $0x16C80, s0;
	s20 =	sadd.s32 $0x9100, s0  }
0xba: {  	[tilespmem:s18], [sflag:$0x1] =	stream.indirect.gather [spmem:s4], $0x1, s20, s26, $0xb8;
	[tilespmem:$0x1DB80] =	vst v63  }
0xbb: {  	s21 =	sadd.s32 $0x18500, s0  }
0xbc: {  	[tilespmem:s21], [sflag:$0x1] =	stream.indirect.gather [spmem:s7], $0x1, s20, s26, $0xb8;
	[tilespmem:$0x1DB80] =	vst v63  }
0xbd: {  	s22 =	sadd.s32 $0x19D80, s0  }
0xbe: {  	[tilespmem:s22], [sflag:$0x1] =	stream.indirect.gather [spmem:s9], $0x1, s20, s26, $0xb8;
	[tilespmem:$0x1DB80] =	vst v63  }
0xbf: {  	_ =	swait.ge [sflag:s28], $0x1880  }
0xc0: {  	[sflag:s28] =	ssyncset.done $0x0  }
0xc1: {  	[sflag:s28] =	ssyncadd.s32 $0xFFFFE780  }
0xc2: {  	_ =	swait.ge [sflag:s28], $0x1880  }
0xc3: {  	[sflag:s28] =	ssyncset.done $0x0  }
0xc4: {  	[sflag:s28] =	ssyncadd.s32 $0xFFFFE780  }
0xc5: {  	_ =	swait.ge [sflag:s28], $0x1880  }
0xc6: {  	[sflag:s28] =	ssyncset.done $0x0  }
0xc7: {  	[sflag:s28] =	ssyncadd.s32 $0xFFFFE780  }
0xc8: {  	_ =	swait.ge [sflag:s28], $0x1880  }
0xc9: {  	[sflag:s28] =	ssyncset.done $0x0  }
0xca: {  	[sflag:s28] =	ssyncadd.s32 $0xFFFFE780  }
0xcb: {  	_ =	swait.ge [sflag:s28], $0x1880  }
0xcc: {  	[sflag:s28] =	ssyncset.done $0x0  }
0xcd: {  	[sflag:s28] =	ssyncadd.s32 $0xFFFFE780  }
0xce: {  	_ =	swait.ge [sflag:s28], $0x1880  }
0xcf: {  	[sflag:s28] =	ssyncset.done $0x0  }
0xd0: {  	[sflag:s28] =	ssyncadd.s32 $0xFFFFE780  }
0xd1: {  	_ =	swait.ge [sflag:s28], $0x1880  }
0xd2: {  	[sflag:s28] =	ssyncset.done $0x0  }
0xd3: {  	[sflag:s28] =	ssyncadd.s32 $0xFFFFE780  }
0xd4: {  	_ =	swait.ge [sflag:s28], $0x1880  }
0xd5: {  	[sflag:s28] =	ssyncset.done $0x0  }
0xd6: {  	[sflag:s28] =	ssyncadd.s32 $0xFFFFE780  }
0xd7: {  	_ =	swait.ge [sflag:s28], $0x1880  }
0xd8: {  	[sflag:s28] =	ssyncset.done $0x0  }
0xd9: {  	s0 =	simm.s32 $0xD9C0;
	[sflag:s28] =	ssyncadd.s32 $0xFFFFE780  }
0xda: {  	s1 =	simm.s32 $0xF240;
	v2 =	vld [tilespmem:s0+$0x30]  }
0xdb: {  	s13 =	simm.s32 $0x10AC0;
	v3 =	vld [tilespmem:s1+$0x30]  }
0xdc: {  	s2 =	simm.s32 $0x12340;
	v4 =	vld [tilespmem:s13+$0x30]  }
0xdd: {  	s11 =	simm.s32 $0x13BC0;
	v5 =	vld [tilespmem:s2+$0x30]  }
0xde: {  	s17 =	simm.s32 $0x15440;
	v6 =	vld [tilespmem:s11+$0x30]  }
0xdf: {  	s18 =	simm.s32 $0x18540;
	v7 =	vld [tilespmem:s17+$0x30]  }
0xe0: {  	s20 =	simm.s32 $0x19DC0;
	v8 =	vld [tilespmem:s18+$0x30]  }
0xe1: {  	s21 =	simm.s32 $0x16CC0;
	v9 =	vld [tilespmem:s20+$0x30]  }
0xe2: {  	v10 =	vld [tilespmem:s21+$0x30]  }
0xe3: {  	v11 =	vld [tilespmem:s1+$0xFFFFFFC0]  }
0xe4: {  	v12 =	vld [tilespmem:s13+$0xFFFFFFC0]  }
0xe5: {  	v0 =	vld [tilespmem:s2+$0xFFFFFFC0]  }
0xe6: {  	v13 =	vld [tilespmem:s11+$0xFFFFFFC0]  }
0xe7: {  	v14 =	vld [tilespmem:s17+$0xFFFFFFC0]  }
0xe8: {  	v1 =	vld [tilespmem:s21+$0xFFFFFFC0]  }
0xe9: {  	v15 =	vld [tilespmem:s18+$0xFFFFFFC0]  }
0xea: {  	v16 =	vld [tilespmem:s20+$0xFFFFFFC0]  }
0xeb: {  	v17 =	vld [tilespmem:s0+$0xFFFFFFD0]  }
0xec: {  	v18 =	vld [tilespmem:s1+$0xFFFFFFD0]  }
0xed: {  	v19 =	vld [tilespmem:s13+$0xFFFFFFD0]  }
0xee: {  	v20 =	vld [tilespmem:s2+$0xFFFFFFD0]  }
0xef: {  	v21 =	vld [tilespmem:s11+$0xFFFFFFD0]  }
0xf0: {  	v22 =	vld [tilespmem:s17+$0xFFFFFFD0]  }
0xf1: {  	v23 =	vld [tilespmem:s21+$0xFFFFFFD0]  }
0xf2: {  	v24 =	vld [tilespmem:s18+$0xFFFFFFD0]  }
0xf3: {  	v25 =	vld [tilespmem:s20+$0xFFFFFFD0]  }
0xf4: {  	v26 =	vld [tilespmem:s0+$0xFFFFFFE0]  }
0xf5: {  	v27 =	vld [tilespmem:s1+$0xFFFFFFE0]  }
0xf6: {  	v28 =	vld [tilespmem:s13+$0xFFFFFFE0]  }
0xf7: {  	v29 =	vld [tilespmem:s2+$0xFFFFFFE0]  }
0xf8: {  	v30 =	vld [tilespmem:s11+$0xFFFFFFE0]  }
0xf9: {  	v31 =	vld [tilespmem:s17+$0xFFFFFFE0]  }
0xfa: {  	v32 =	vld [tilespmem:s21+$0xFFFFFFE0]  }
0xfb: {  	v33 =	vld [tilespmem:s18+$0xFFFFFFE0]  }
0xfc: {  	v34 =	vld [tilespmem:s20+$0xFFFFFFE0]  }
0xfd: {  	v36 =	vld [tilespmem:s13+$0xFFFFFFF0];
	v6 =	vsub.f32 v6, v3;
	v7 =	vsub.f32 v7, v4  }
0xfe: {  	v38 =	vld [tilespmem:s1+$0x0];
	v3 =	vsub.f32 v8, v3;
	v4 =	vsub.f32 v9, v4  }
0xff: {  	v40 =	vld [tilespmem:s11+$0x0];
	v5 =	vsub.f32 v5, v2;
	v2 =	vsub.f32 v10, v2  }
0x100: {  	v37 =	vld [tilespmem:s2+$0xFFFFFFF0];
	v21 =	vsub.f32 v21, v18;
	v18 =	vsub.f32 v24, v18  }
0x101: {  	v47 =	vld [tilespmem:s18+$0x0];
	v30 =	vsub.f32 v30, v27;
	v31 =	vsub.f32 v31, v28  }
0x102: {  	v59 =	vld [tilespmem:s11+$0xFFFFFFF0];
	v32 =	vsub.f32 v32, v26;
	v27 =	vsub.f32 v33, v27;
	v10 =	vmul.f32 v4, v6  }
0x103: {  	v61 =	vld [tilespmem:s0+$0x0];
	v41 =	vsub.f32 v34, v28;
	v35 =	vmul.f32 v3, v7;
	v7 =	vmul.f32 v2, v7  }
0x104: {  	v63 =	vld [tilespmem:s13+$0x0];
	v54 =	vsub.f32 v40, v38;
	v4 =	vmul.f32 v4, v5;
	v5 =	vmul.f32 v3, v5  }
0x105: {  	v39 =	vld [tilespmem:s2+$0x0];
	v6 =	vmul.f32 v2, v6;
	v2 =	vsub.f32 v13, v11;
	v3 =	vsub.f32 v14, v12  }
0x106: {  	v42 =	vld [tilespmem:s17+$0x0];
	v43 =	vmul.f32 v32, v30;
	v46 =	vmul.f32 v41, v30;
	v30 =	vsub.f32 v47, v38  }
0x107: {  	v45 =	vld [tilespmem:s21+$0x0];
	v10 =	vsub.f32 v10, v35;
	v7 =	vsub.f32 v7, v4  }
0x108: {  	v8 =	vld [tilespmem:s0+$0xFFFFFFF0];
	v6 =	vsub.f32 v5, v6;
	v4 =	vsub.f32 v15, v11  }
0x109: {  	v9 =	vld [tilespmem:s1+$0xFFFFFFF0];
	v44 =	vmul.f32 v27, v31;
	v5 =	vsub.f32 v16, v12;
	v12 =	vsub.f32 v22, v19  }
0x10a: {  	v13 =	vld [tilespmem:s17+$0xFFFFFFF0];
	v15 =	vsub.f32 v23, v17;
	v17 =	vsub.f32 v20, v17  }
0x10b: {  	v14 =	vld [tilespmem:s21+$0xFFFFFFF0];
	v19 =	vsub.f32 v25, v19;
	v49 =	vsub.f32 v46, v44  }
0x10c: {  	v50 =	vld [tilespmem:s0+$0x10];
	v23 =	vsub.f32 v39, v61;
	v60 =	vmul.f32 v4, v3;
	v62 =	vmul.f32 v5, v2  }
0x10d: {  	v11 =	vld [tilespmem:s18+$0xFFFFFFF0];
	v51 =	vsub.f32 v37, v8;
	v20 =	vmul.f32 v15, v12;
	v15 =	vmul.f32 v15, v21  }
0x10e: {  	v16 =	vld [tilespmem:s20+$0xFFFFFFF0];
	v52 =	vsub.f32 v59, v9;
	v12 =	vmul.f32 v18, v12;
	v18 =	vmul.f32 v18, v17  }
0x10f: {  	v55 =	vld [tilespmem:s17+$0x10];
	v21 =	vmul.f32 v19, v21;
	v17 =	vmul.f32 v19, v17;
	v19 =	vsub.f32 v29, v26  }
0x110: {  	v48 =	vmul.f32 v32, v31;
	v59 =	vld [tilespmem:s20+$0x10];
	v13 =	vsub.f32 v13, v36;
	v8 =	vsub.f32 v14, v8  }
0x111: {  	[tilespmem:s0+$0x30] =	vst v10;
	v14 =	vld [tilespmem:s13+$0x10];
	v22 =	vsub.f32 v62, v60;
	v15 =	vsub.f32 v18, v15;
	v18 =	vmul.f32 v27, v19  }
0x112: {  	[tilespmem:s1+$0x30] =	vst v7;
	v12 =	vsub.f32 v21, v12;
	v17 =	vsub.f32 v20, v17;
	v20 =	vld [tilespmem:s20+$0x0];
	v19 =	vmul.f32 v41, v19  }
0x113: {  	v53 =	vld [tilespmem:s1+$0x10];
	[tilespmem:s13+$0x30] =	vst v6;
	v9 =	vsub.f32 v11, v9;
	v7 =	vsub.f32 v16, v36;
	v16 =	vmul.f32 v8, v13  }
0x114: {  	v11 =	vld [tilespmem:s2+$0x10];
	v8 =	vmul.f32 v8, v52;
	v18 =	vsub.f32 v18, v43;
	v10 =	vsub.f32 v48, v19;
	[tilespmem:s0+$0xFFFFFFD0] =	vst v12  }
0x115: {  	v19 =	vld [tilespmem:s11+$0x10];
	v12 =	vsub.f32 v42, v63;
	v6 =	vmul.f32 v9, v51;
	v9 =	vmul.f32 v9, v13;
	[tilespmem:s1+$0xFFFFFFD0] =	vst v17  }
0x116: {  	v57 =	vld [tilespmem:s18+$0x10];
	v17 =	vmul.f32 v7, v52;
	[tilespmem:s13+$0xFFFFFFD0] =	vst v15;
	v15 =	vsub.f32 v45, v61;
	v60 =	vsub.f32 v55, v14  }
0x117: {  	[tilespmem:s0+$0xFFFFFFE0] =	vst v49;
	v56 =	vmul.f32 v7, v51;
	v14 =	vsub.f32 v59, v14;
	v13 =	vsub.f32 v20, v63;
	v20 =	vld [tilespmem:s21+$0x10]  }
0x118: {  	v7 =	vld [tilespmem:s0+$0x20];
	[tilespmem:s1+$0xFFFFFFE0] =	vst v10;
	v6 =	vsub.f32 v6, v8;
	v8 =	vmul.f32 v30, v12;
	v17 =	vsub.f32 v17, v9  }
0x119: {  	v61 =	vld [tilespmem:s11+$0x20];
	v10 =	vsub.f32 v16, v56;
	[tilespmem:s13+$0xFFFFFFE0] =	vst v18;
	v12 =	vmul.f32 v15, v12;
	v58 =	vmul.f32 v13, v54  }
0x11a: {  	v9 =	vld [tilespmem:s13+$0x20];
	v11 =	vsub.f32 v11, v50;
	[tilespmem:s0+$0xFFFFFFF0] =	vst v17;
	v13 =	vmul.f32 v13, v23;
	v17 =	vsub.f32 v19, v53  }
0x11b: {  	v15 =	vmul.f32 v15, v54;
	v19 =	vsub.f32 v57, v53;
	[tilespmem:s1+$0xFFFFFFF0] =	vst v10;
	v16 =	vsub.f32 v58, v8;
	v8 =	vld [tilespmem:s1+$0x20]  }
0x11c: {  	v10 =	vmul.f32 v30, v23;
	[tilespmem:s13+$0xFFFFFFF0] =	vst v6;
	v6 =	vsub.f32 v12, v13;
	v13 =	vld [tilespmem:s17+$0x20];
	v18 =	vsub.f32 v20, v50  }
0x11d: {  	v63 =	vmul.f32 v19, v11;
	v20 =	vld [tilespmem:s2+$0x20];
	[tilespmem:s0+$0x0] =	vst v16;
	v16 =	vmul.f32 v19, v60  }
0x11e: {  	v12 =	vld [tilespmem:s21+$0x20];
	v62 =	vmul.f32 v18, v17;
	v17 =	vmul.f32 v14, v17  }
0x11f: {  	v10 =	vsub.f32 v10, v15;
	v15 =	vld [tilespmem:s18+$0x20];
	[tilespmem:s1+$0x0] =	vst v6;
	v6 =	vmul.f32 v18, v60;
	v18 =	vmul.f32 v14, v11  }
0x120: {  	v14 =	vld [tilespmem:s0+$0xFFFFFFC0];
	v11 =	vsub.f32 v63, v62  }
0x121: {  	s30 =	simm.s32 $0x0;
	[tilespmem:s0+$0xFFFFFFC0] =	vst v22;
	v17 =	vsub.f32 v17, v16;
	v16 =	vld [tilespmem:s20+$0x20];
	v18 =	vsub.f32 v6, v18  }
0x122: {  	s16 =	simm.s32 $0x10AC0;
	s15 =	simm.s32 $0xF240;
	s22 =	simm.s32 $0xDA40;
	[tilespmem:s13+$0x0] =	vst v10;
	v6 =	vsub.f32 v61, v8;
	v10 =	vsub.f32 v20, v7  }
.LBB3_7:
0x123: {  	v19 =	vld [tilespmem:s22+$0x30];
	[tilespmem:s0+$0x10] =	vst v17;
	v13 =	vsub.f32 v13, v9;
	s1 =	sadd.s32 $0x80, s1  }
0x124: {  	s13 =	sadd.s32 $0x80, s13;
	v17 =	vld [tilespmem:s1+$0x30];
	[tilespmem:s15+$0x10] =	vst v18;
	v7 =	vsub.f32 v12, v7  }
0x125: {  	s2 =	sadd.s32 $0x80, s2;
	v12 =	vld [tilespmem:s13+$0x30];
	[tilespmem:s16+$0x10] =	vst v11;
	v8 =	vsub.f32 v15, v8  }
0x126: {  	s11 =	sadd.s32 $0x80, s11;
	v11 =	vld [tilespmem:s2+$0x30];
	v9 =	vsub.f32 v16, v9;
	v15 =	vmul.f32 v7, v13;
	v7 =	vmul.f32 v7, v6  }
0x127: {  	s17 =	sadd.s32 $0x80, s17;
	v16 =	vld [tilespmem:s11+$0x30];
	v0 =	vsub.f32 v0, v14;
	v1 =	vsub.f32 v1, v14;
	v13 =	vmul.f32 v8, v13  }
0x128: {  	s18 =	sadd.s32 $0x80, s18;
	v14 =	vld [tilespmem:s17+$0x30];
	v6 =	vmul.f32 v9, v6;
	v9 =	vmul.f32 v9, v10  }
0x129: {  	s20 =	sadd.s32 $0x80, s20;
	v18 =	vld [tilespmem:s18+$0x30];
	v3 =	vmul.f32 v1, v3;
	v5 =	vmul.f32 v5, v0  }
0x12a: {  	s21 =	sadd.s32 $0x80, s21;
	v0 =	vmul.f32 v4, v0;
	v1 =	vmul.f32 v1, v2;
	v20 =	vld [tilespmem:s20+$0x30];
	v2 =	vsub.f32 v6, v13  }
0x12b: {  	v6 =	vmul.f32 v8, v10;
	v4 =	vld [tilespmem:s21+$0x30];
	v3 =	vsub.f32 v3, v5;
	v5 =	vsub.f32 v15, v9  }
0x12c: {  	s30 =	sadd.s32 $0x8, s30;
	v1 =	vsub.f32 v0, v1;
	v8 =	vld [tilespmem:s1+$0xFFFFFFC0];
	[tilespmem:s0+$0x20] =	vst v2;
	s0 =	smov.u32 s22  }
0x12d: {  	p0 =	slt.u32 s30, $0x180;
	v2 =	vsub.f32 v6, v7;
	v9 =	vld [tilespmem:s13+$0xFFFFFFC0];
	[tilespmem:s15+$0xFFFFFFC0] =	vst v3  }
0x12e: {  	v3 =	vsub.f32 v16, v17;
	v6 =	vsub.f32 v14, v12;
	v0 =	vld [tilespmem:s2+$0xFFFFFFC0];
	[tilespmem:s16+$0xFFFFFFC0] =	vst v1  }
0x12f: {  	v10 =	vsub.f32 v18, v17;
	v7 =	vld [tilespmem:s11+$0xFFFFFFC0];
	v12 =	vsub.f32 v20, v12;
	[tilespmem:s15+$0x20] =	vst v5;
	s15 =	smov.u32 s1  }
0x130: {  	v11 =	vsub.f32 v11, v19;
	v5 =	vld [tilespmem:s17+$0xFFFFFFC0];
	v4 =	vsub.f32 v4, v19;
	[tilespmem:s16+$0x20] =	vst v2;
	s16 =	smov.u32 s13  }
0x131: {  	v13 =	vmul.f32 v10, v6;
	v1 =	vld [tilespmem:s21+$0xFFFFFFC0];
	v2 =	vmul.f32 v12, v3  }
0x132: {  	v12 =	vmul.f32 v12, v11;
	v14 =	vld [tilespmem:s18+$0xFFFFFFC0];
	v6 =	vmul.f32 v4, v6  }
0x133: {  	v10 =	vmul.f32 v10, v11;
	v4 =	vmul.f32 v4, v3;
	v15 =	vld [tilespmem:s20+$0xFFFFFFC0];
	v13 =	vsub.f32 v2, v13  }
0x134: {  	v2 =	vsub.f32 v7, v8;
	v7 =	vld [tilespmem:s22+$0xFFFFFFD0];
	v6 =	vsub.f32 v6, v12  }
0x135: {  	v3 =	vsub.f32 v5, v9;
	v11 =	vld [tilespmem:s1+$0xFFFFFFD0];
	[tilespmem:s22+$0x30] =	vst v13;
	v5 =	vsub.f32 v10, v4  }
0x136: {  	v10 =	vld [tilespmem:s13+$0xFFFFFFD0];
	[tilespmem:s1+$0x30] =	vst v6  }
0x137: {  	v4 =	vsub.f32 v14, v8;
	v8 =	vld [tilespmem:s2+$0xFFFFFFD0];
	[tilespmem:s13+$0x30] =	vst v5  }
0x138: {  	v5 =	vsub.f32 v15, v9;
	v9 =	vld [tilespmem:s11+$0xFFFFFFD0]  }
0x139: {  	v6 =	vmul.f32 v4, v3;
	v12 =	vld [tilespmem:s17+$0xFFFFFFD0]  }
0x13a: {  	v13 =	vmul.f32 v5, v2;
	v14 =	vld [tilespmem:s21+$0xFFFFFFD0]  }
0x13b: {  	v15 =	vld [tilespmem:s18+$0xFFFFFFD0]  }
0x13c: {  	v6 =	vsub.f32 v13, v6;
	v8 =	vsub.f32 v8, v7;
	v13 =	vld [tilespmem:s20+$0xFFFFFFD0]  }
0x13d: {  	v9 =	vsub.f32 v9, v11;
	v16 =	vld [tilespmem:s22+$0xFFFFFFE0]  }
0x13e: {  	v12 =	vsub.f32 v12, v10;
	v17 =	vld [tilespmem:s1+$0xFFFFFFE0]  }
0x13f: {  	v7 =	vsub.f32 v14, v7;
	v14 =	vld [tilespmem:s13+$0xFFFFFFE0]  }
0x140: {  	v11 =	vsub.f32 v15, v11;
	v15 =	vld [tilespmem:s2+$0xFFFFFFE0]  }
0x141: {  	v10 =	vsub.f32 v13, v10;
	v13 =	vmul.f32 v7, v12;
	v7 =	vmul.f32 v7, v9;
	v18 =	vld [tilespmem:s11+$0xFFFFFFE0]  }
0x142: {  	v12 =	vmul.f32 v11, v12;
	v11 =	vmul.f32 v11, v8;
	v19 =	vld [tilespmem:s17+$0xFFFFFFE0]  }
0x143: {  	v9 =	vmul.f32 v10, v9;
	v8 =	vmul.f32 v10, v8;
	v10 =	vld [tilespmem:s21+$0xFFFFFFE0]  }
0x144: {  	v7 =	vsub.f32 v11, v7;
	v11 =	vld [tilespmem:s18+$0xFFFFFFE0]  }
0x145: {  	v9 =	vsub.f32 v9, v12;
	v12 =	vsub.f32 v15, v16;
	v15 =	vld [tilespmem:s20+$0xFFFFFFE0]  }
0x146: {  	v8 =	vsub.f32 v13, v8;
	v13 =	vsub.f32 v18, v17;
	v18 =	vld [tilespmem:s22+$0xFFFFFFF0]  }
0x147: {  	[tilespmem:s22+$0xFFFFFFD0] =	vst v9;
	v9 =	vsub.f32 v19, v14;
	v19 =	vld [tilespmem:s1+$0xFFFFFFF0]  }
0x148: {  	[tilespmem:s1+$0xFFFFFFD0] =	vst v8;
	v8 =	vsub.f32 v10, v16;
	v10 =	vld [tilespmem:s13+$0xFFFFFFF0]  }
0x149: {  	[tilespmem:s13+$0xFFFFFFD0] =	vst v7;
	v7 =	vsub.f32 v11, v17;
	v11 =	vld [tilespmem:s2+$0xFFFFFFF0]  }
0x14a: {  	v14 =	vsub.f32 v15, v14;
	v15 =	vmul.f32 v8, v9;
	v8 =	vmul.f32 v8, v13;
	v16 =	vld [tilespmem:s11+$0xFFFFFFF0]  }
0x14b: {  	v9 =	vmul.f32 v7, v9;
	v7 =	vmul.f32 v7, v12;
	v17 =	vld [tilespmem:s17+$0xFFFFFFF0]  }
0x14c: {  	v13 =	vmul.f32 v14, v13;
	v12 =	vmul.f32 v14, v12;
	v14 =	vld [tilespmem:s21+$0xFFFFFFF0]  }
0x14d: {  	v7 =	vsub.f32 v7, v8;
	v8 =	vld [tilespmem:s18+$0xFFFFFFF0]  }
0x14e: {  	v9 =	vsub.f32 v13, v9;
	v11 =	vsub.f32 v11, v18;
	v13 =	vld [tilespmem:s20+$0xFFFFFFF0]  }
0x14f: {  	v12 =	vsub.f32 v15, v12;
	v15 =	vsub.f32 v16, v19;
	v16 =	vld [tilespmem:s22+$0x0]  }
0x150: {  	[tilespmem:s22+$0xFFFFFFE0] =	vst v9;
	v9 =	vsub.f32 v17, v10;
	v17 =	vld [tilespmem:s1+$0x0]  }
0x151: {  	[tilespmem:s1+$0xFFFFFFE0] =	vst v12;
	v12 =	vsub.f32 v14, v18;
	v14 =	vld [tilespmem:s13+$0x0]  }
0x152: {  	[tilespmem:s13+$0xFFFFFFE0] =	vst v7;
	v7 =	vsub.f32 v8, v19;
	v8 =	vld [tilespmem:s2+$0x0]  }
0x153: {  	v10 =	vsub.f32 v13, v10;
	v13 =	vmul.f32 v12, v9;
	v12 =	vmul.f32 v12, v15;
	v18 =	vld [tilespmem:s11+$0x0]  }
0x154: {  	v9 =	vmul.f32 v7, v9;
	v7 =	vmul.f32 v7, v11;
	v19 =	vld [tilespmem:s17+$0x0]  }
0x155: {  	v15 =	vmul.f32 v10, v15;
	v10 =	vmul.f32 v10, v11;
	v11 =	vld [tilespmem:s21+$0x0]  }
0x156: {  	v7 =	vsub.f32 v7, v12;
	v12 =	vld [tilespmem:s18+$0x0]  }
0x157: {  	v9 =	vsub.f32 v15, v9;
	v8 =	vsub.f32 v8, v16;
	v15 =	vld [tilespmem:s20+$0x0]  }
0x158: {  	v10 =	vsub.f32 v13, v10;
	v13 =	vsub.f32 v18, v17;
	v18 =	vld [tilespmem:s22+$0x10]  }
0x159: {  	[tilespmem:s22+$0xFFFFFFF0] =	vst v9;
	v9 =	vsub.f32 v19, v14;
	v19 =	vld [tilespmem:s1+$0x10]  }
0x15a: {  	[tilespmem:s1+$0xFFFFFFF0] =	vst v10;
	v10 =	vsub.f32 v11, v16;
	v11 =	vld [tilespmem:s13+$0x10]  }
0x15b: {  	[tilespmem:s13+$0xFFFFFFF0] =	vst v7;
	v7 =	vsub.f32 v12, v17;
	v12 =	vld [tilespmem:s2+$0x10]  }
0x15c: {  	v14 =	vsub.f32 v15, v14;
	v15 =	vmul.f32 v10, v9;
	v10 =	vmul.f32 v10, v13;
	v16 =	vld [tilespmem:s11+$0x10]  }
0x15d: {  	v9 =	vmul.f32 v7, v9;
	v7 =	vmul.f32 v7, v8;
	v17 =	vld [tilespmem:s17+$0x10]  }
0x15e: {  	v13 =	vmul.f32 v14, v13;
	v8 =	vmul.f32 v14, v8;
	v14 =	vld [tilespmem:s21+$0x10]  }
0x15f: {  	v10 =	vsub.f32 v7, v10;
	v20 =	vld [tilespmem:s18+$0x10]  }
0x160: {  	v9 =	vsub.f32 v13, v9;
	v12 =	vsub.f32 v12, v18;
	v13 =	vld [tilespmem:s20+$0x10]  }
0x161: {  	v15 =	vsub.f32 v15, v8;
	v16 =	vsub.f32 v16, v19;
	v7 =	vld [tilespmem:s22+$0x20]  }
0x162: {  	[tilespmem:s22+$0x0] =	vst v9;
	v17 =	vsub.f32 v17, v11;
	v8 =	vld [tilespmem:s1+$0x20]  }
0x163: {  	[tilespmem:s1+$0x0] =	vst v15;
	v14 =	vsub.f32 v14, v18;
	v9 =	vld [tilespmem:s13+$0x20]  }
0x164: {  	[tilespmem:s13+$0x0] =	vst v10;
	v10 =	vsub.f32 v20, v19;
	v18 =	vld [tilespmem:s2+$0x20]  }
0x165: {  	v11 =	vsub.f32 v13, v11;
	v19 =	vmul.f32 v14, v17;
	v14 =	vmul.f32 v14, v16;
	v20 =	vld [tilespmem:s11+$0x20]  }
.Ltmp2:
0x166: {  	v17 =	vmul.f32 v10, v17;
	v10 =	vmul.f32 v10, v12;
	v13 =	vld [tilespmem:s17+$0x20];
	(pc) =	sbr.rel @p0 .LBB3_7-.Ltmp2, $4  }
0x167: {  	v16 =	vmul.f32 v11, v16;
	v21 =	vmul.f32 v11, v12;
	v12 =	vld [tilespmem:s21+$0x20]  }
0x168: {  	v11 =	vsub.f32 v10, v14;
	v15 =	vld [tilespmem:s18+$0x20]  }
0x169: {  	v17 =	vsub.f32 v16, v17;
	v10 =	vsub.f32 v18, v7;
	v16 =	vld [tilespmem:s20+$0x20]  }
0x16a: {  	s22 =	sadd.s32 $0x80, s22;
	v18 =	vsub.f32 v19, v21;
	v14 =	vld [tilespmem:s0+$0xFFFFFFC0];
	[tilespmem:s0+$0xFFFFFFC0] =	vst v6;
	v6 =	vsub.f32 v20, v8  }
0x16b: {  	_ =	sdelay $0x1  }
0x16c: {  	v13 =	vsub.f32 v13, v9  }
0x16d: {  	v8 =	vsub.f32 v15, v8;
	v55 =	vsub.f32 v16, v9  }
0x16e: {  	v0 =	vsub.f32 v0, v14;
	v1 =	vsub.f32 v1, v14  }
0x16f: {  	v7 =	vsub.f32 v12, v7;
	v56 =	vmul.f32 v8, v13;
	v57 =	vmul.f32 v55, v6  }
0x170: {  	[tilespmem:s0+$0x10] =	vst v17;
	v3 =	vmul.f32 v1, v3;
	v5 =	vmul.f32 v5, v0  }
0x171: {  	[tilespmem:s15+$0x10] =	vst v18;
	v59 =	vmul.f32 v7, v13;
	v9 =	vmul.f32 v55, v10;
	v58 =	vsub.f32 v57, v56  }
0x172: {  	[tilespmem:s16+$0x10] =	vst v11;
	v0 =	vmul.f32 v4, v0;
	v1 =	vmul.f32 v1, v2;
	v3 =	vsub.f32 v3, v5  }
0x173: {  	v60 =	vmul.f32 v7, v6;
	v61 =	vmul.f32 v8, v10;
	v62 =	vsub.f32 v59, v9;
	[tilespmem:s0+$0x20] =	vst v58  }
0x174: {  	v0 =	vsub.f32 v0, v1;
	[tilespmem:s15+$0xFFFFFFC0] =	vst v3  }
0x175: {  	v63 =	vsub.f32 v61, v60;
	[tilespmem:s15+$0x20] =	vst v62  }
0x176: {  	[tilespmem:s16+$0xFFFFFFC0] =	vst v0  }
0x177: {  	s22 =	simm.s32 $0xD980;
	s1 =	simm.s32 $0x6000;
	[tilespmem:s16+$0x20] =	vst v63  }
0x178: {  	[spmem:s3] =	stream.indirect.scatter.add.f32 [tilespmem:s22], [sflag:$0x2], $0x1, s1, s26, $0xb8;
	[tilespmem:$0x1DB80] =	vst v63  }
0x179: {  	s13 =	simm.s32 $0xF200  }
0x17a: {  	[spmem:s6] =	stream.indirect.scatter.add.f32 [tilespmem:s13], [sflag:$0x2], $0x1, s1, s26, $0xb8;
	[tilespmem:$0x1DB80] =	vst v63  }
0x17b: {  	s2 =	simm.s32 $0x10A80  }
0x17c: {  	[spmem:s8] =	stream.indirect.scatter.add.f32 [tilespmem:s2], [sflag:$0x2], $0x1, s1, s26, $0xb8;
	[tilespmem:$0x1DB80] =	vst v63  }
0x17d: {  	s30 =	simm.s32 $0x7880  }
0x17e: {  	[spmem:s3] =	stream.indirect.scatter.add.f32 [tilespmem:s22], [sflag:$0x2], $0x1, s30, s26, $0xb8;
	[tilespmem:$0x1DB80] =	vst v63  }
0x17f: {  	_ = 	snop  }
0x180: {  	[spmem:s6] =	stream.indirect.scatter.add.f32 [tilespmem:s13], [sflag:$0x2], $0x1, s30, s26, $0xb8;
	[tilespmem:$0x1DB80] =	vst v63  }
0x181: {  	_ = 	snop  }
0x182: {  	[spmem:s8] =	stream.indirect.scatter.add.f32 [tilespmem:s2], [sflag:$0x2], $0x1, s30, s26, $0xb8;
	[tilespmem:$0x1DB80] =	vst v63  }
0x183: {  	s11 =	simm.s32 $0x9100  }
0x184: {  	[spmem:s3] =	stream.indirect.scatter.add.f32 [tilespmem:s22], [sflag:$0x2], $0x1, s11, s26, $0xb8;
	[tilespmem:$0x1DB80] =	vst v63  }
0x185: {  	s0 =	simm.s32 $0x1C0;
	s1 =	simm.s32 $0xE00  }
0x186: {  	[spmem:s6] =	stream.indirect.scatter.add.f32 [tilespmem:s13], [sflag:$0x2], $0x1, s11, s26, $0xb8;
	[tilespmem:$0x1DB80] =	vst v63  }
.LBB3_9:
0x187: {  	[spmem:s8] =	stream.indirect.scatter.add.f32 [tilespmem:s2], [sflag:$0x2], $0x1, s11, s26, $0xb8;
	[tilespmem:$0x1DB80] =	vst v63  }
0x188: {  	s13 =	sshra.s32 s1, $0x2;
	s15 =	sadd.s32 $0xD980, s0;
	s11 =	sadd.s32 $0x6000, s0  }
0x189: {  	[spmem:s3] =	stream.indirect.scatter.add.f32 [tilespmem:s15], [sflag:$0x2], $0x1, s11, s26, $0xb8;
	[tilespmem:$0x1DB80] =	vst v63  }
0x18a: {  	p0 =	sne.s32 s1, $0x5B00;
	s1 =	sadd.s32 $0x700, s1;
	s16 =	sadd.s32 $0xF200, s0  }
0x18b: {  	[spmem:s6] =	stream.indirect.scatter.add.f32 [tilespmem:s16], [sflag:$0x2], $0x1, s11, s26, $0xb8;
	[tilespmem:$0x1DB80] =	vst v63  }
0x18c: {  	s2 =	sadd.s32 $0x10A80, s0  }
0x18d: {  	[spmem:s8] =	stream.indirect.scatter.add.f32 [tilespmem:s2], [sflag:$0x2], $0x1, s11, s26, $0xb8;
	[tilespmem:$0x1DB80] =	vst v63  }
0x18e: {  	s11 =	sadd.s32 $0x7880, s0  }
0x18f: {  	[spmem:s3] =	stream.indirect.scatter.add.f32 [tilespmem:s15], [sflag:$0x2], $0x1, s11, s26, $0xb8;
	[tilespmem:$0x1DB80] =	vst v63  }
0x190: {  	_ = 	snop  }
0x191: {  	[spmem:s6] =	stream.indirect.scatter.add.f32 [tilespmem:s16], [sflag:$0x2], $0x1, s11, s26, $0xb8;
	[tilespmem:$0x1DB80] =	vst v63  }
0x192: {  	_ = 	snop  }
0x193: {  	[spmem:s8] =	stream.indirect.scatter.add.f32 [tilespmem:s2], [sflag:$0x2], $0x1, s11, s26, $0xb8;
	[tilespmem:$0x1DB80] =	vst v63  }
.Ltmp3:
0x194: {  	_ = 	snop;
	(pc) =	sbr.rel @p0 .LBB3_9-.Ltmp3, $4  }
0x195: {  	s11 =	sadd.s32 $0x9100, s0;
	s0 =	smov.u32 s13  }
0x196: {  	[spmem:s3] =	stream.indirect.scatter.add.f32 [tilespmem:s15], [sflag:$0x2], $0x1, s11, s26, $0xb8;
	[tilespmem:$0x1DB80] =	vst v63  }
0x197: {  	_ = 	snop  }
0x198: {  	[spmem:s6] =	stream.indirect.scatter.add.f32 [tilespmem:s16], [sflag:$0x2], $0x1, s11, s26, $0xb8;
	[tilespmem:$0x1DB80] =	vst v63  }
0x199: {  	[spmem:s8] =	stream.indirect.scatter.add.f32 [tilespmem:s2], [sflag:$0x2], $0x1, s11, s26, $0xb8;
	[tilespmem:$0x1DB80] =	vst v63  }
0x19a: {  	s1 =	sadd.s32 $0xD980, s0;
	s20 =	sadd.s32 $0x6000, s0  }
0x19b: {  	[spmem:s3] =	stream.indirect.scatter.add.f32 [tilespmem:s1], [sflag:$0x2], $0x1, s20, s26, $0xb8;
	[tilespmem:$0x1DB80] =	vst v63  }
0x19c: {  	s21 =	sadd.s32 $0xF200, s0  }
0x19d: {  	[spmem:s6] =	stream.indirect.scatter.add.f32 [tilespmem:s21], [sflag:$0x2], $0x1, s20, s26, $0xb8;
	[tilespmem:$0x1DB80] =	vst v63  }
0x19e: {  	s13 =	sadd.s32 $0x10A80, s0  }
0x19f: {  	[spmem:s8] =	stream.indirect.scatter.add.f32 [tilespmem:s13], [sflag:$0x2], $0x1, s20, s26, $0xb8;
	[tilespmem:$0x1DB80] =	vst v63  }
0x1a0: {  	s22 =	sadd.s32 $0x7880, s0  }
0x1a1: {  	[spmem:s3] =	stream.indirect.scatter.add.f32 [tilespmem:s1], [sflag:$0x2], $0x1, s22, s26, $0xb8;
	[tilespmem:$0x1DB80] =	vst v63  }
0x1a2: {  	_ = 	snop  }
0x1a3: {  	[spmem:s6] =	stream.indirect.scatter.add.f32 [tilespmem:s21], [sflag:$0x2], $0x1, s22, s26, $0xb8;
	[tilespmem:$0x1DB80] =	vst v63  }
0x1a4: {  	_ = 	snop  }
0x1a5: {  	[spmem:s8] =	stream.indirect.scatter.add.f32 [tilespmem:s13], [sflag:$0x2], $0x1, s22, s26, $0xb8;
	[tilespmem:$0x1DB80] =	vst v63  }
0x1a6: {  	s2 =	sadd.s32 $0x9100, s0  }
0x1a7: {  	[spmem:s3] =	stream.indirect.scatter.add.f32 [tilespmem:s1], [sflag:$0x2], $0x1, s2, s26, $0xb8;
	[tilespmem:$0x1DB80] =	vst v63  }
0x1a8: {  	_ = 	snop  }
0x1a9: {  	[spmem:s6] =	stream.indirect.scatter.add.f32 [tilespmem:s21], [sflag:$0x2], $0x1, s2, s26, $0xb8;
	[tilespmem:$0x1DB80] =	vst v63  }
0x1aa: {  	_ = 	snop  }
0x1ab: {  	[spmem:s8] =	stream.indirect.scatter.add.f32 [tilespmem:s13], [sflag:$0x2], $0x1, s2, s26, $0xb8;
	[tilespmem:$0x1DB80] =	vst v63  }
0x1ac: {  	_ =	swait.ge [sflag:s29], $0x1880  }
0x1ad: {  	[sflag:s29] =	ssyncset.done $0x0  }
0x1ae: {  	[sflag:s29] =	ssyncadd.s32 $0xFFFFE780  }
0x1af: {  	_ =	swait.ge [sflag:s29], $0x1880  }
0x1b0: {  	[sflag:s29] =	ssyncset.done $0x0  }
0x1b1: {  	[sflag:s29] =	ssyncadd.s32 $0xFFFFE780  }
0x1b2: {  	_ =	swait.ge [sflag:s29], $0x1880  }
0x1b3: {  	[sflag:s29] =	ssyncset.done $0x0  }
0x1b4: {  	[sflag:s29] =	ssyncadd.s32 $0xFFFFE780  }
0x1b5: {  	_ =	swait.ge [sflag:s29], $0x1880  }
0x1b6: {  	[sflag:s29] =	ssyncset.done $0x0  }
0x1b7: {  	[sflag:s29] =	ssyncadd.s32 $0xFFFFE780  }
0x1b8: {  	_ =	swait.ge [sflag:s29], $0x1880  }
0x1b9: {  	[sflag:s29] =	ssyncset.done $0x0  }
0x1ba: {  	[sflag:s29] =	ssyncadd.s32 $0xFFFFE780  }
0x1bb: {  	_ =	swait.ge [sflag:s29], $0x1880  }
0x1bc: {  	[sflag:s29] =	ssyncset.done $0x0  }
0x1bd: {  	[sflag:s29] =	ssyncadd.s32 $0xFFFFE780  }
0x1be: {  	_ =	swait.ge [sflag:s29], $0x1880  }
0x1bf: {  	[sflag:s29] =	ssyncset.done $0x0  }
0x1c0: {  	[sflag:s29] =	ssyncadd.s32 $0xFFFFE780  }
0x1c1: {  	_ =	swait.ge [sflag:s29], $0x1880  }
0x1c2: {  	[sflag:s29] =	ssyncset.done $0x0  }
0x1c3: {  	[sflag:s29] =	ssyncadd.s32 $0xFFFFE780  }
0x1c4: {  	_ =	swait.ge [sflag:s29], $0x1880  }
0x1c5: {  	[sflag:s29] =	ssyncset.done $0x0  }
0x1c6: {  	[sflag:s29] =	ssyncadd.s32 $0xFFFFE780  }
0x1c7: {  	[bflag:$0x0] =	sbarrier.arrive $0xFFFF  }
0x1c8: {  	s15 =	simm.s32 $0x0;
	s13 =	simm.s32 $0xA980;
	s16 =	rddreg [dreg:$0xf]  }
0x1c9: {  	[tilespmem:s13], [sflag:$0x3] =	stream.linear.gather [hbm4b:s16+s15], $0x380, $0x38;
	[tilespmem:$0x1DB80] =	vst v63  }
0x1ca: {  	_ =	swait.ge [sflag:s25], $0x380  }
0x1cb: {  	[sflag:s25] =	ssyncset.done $0x0  }
0x1cc: {  	s16 =	simm.s32 $0x1B600;
	s17 =	rddreg [dreg:$0x10];
	[sflag:s25] =	ssyncadd.s32 $0xFFFFFC80  }
0x1cd: {  	[tilespmem:s16], [sflag:$0x3] =	stream.linear.gather [hbm4b:s17+s15], $0x380, $0x38;
	[tilespmem:$0x1DB80] =	vst v63  }
0x1ce: {  	_ =	swait.ge [sflag:s25], $0x380  }
0x1cf: {  	[sflag:s25] =	ssyncset.done $0x0  }
0x1d0: {  	s17 =	simm.s32 $0xAD00;
	s18 =	rddreg [dreg:$0x11];
	[sflag:s25] =	ssyncadd.s32 $0xFFFFFC80  }
0x1d1: {  	[tilespmem:s17], [sflag:$0x3] =	stream.linear.gather [hbm4b:s18+s15], $0x380, $0x38;
	[tilespmem:$0x1DB80] =	vst v63  }
0x1d2: {  	_ =	swait.ge [sflag:s25], $0x380  }
0x1d3: {  	[sflag:s25] =	ssyncset.done $0x0  }
0x1d4: {  	s18 =	simm.s32 $0x1C280;
	s20 =	rddreg [dreg:$0x12];
	[sflag:s25] =	ssyncadd.s32 $0xFFFFFC80  }
0x1d5: {  	[tilespmem:s18], [sflag:$0x3] =	stream.linear.gather [hbm4b:s20+s15], $0x380, $0x38;
	[tilespmem:$0x1DB80] =	vst v63  }
0x1d6: {  	_ =	swait.ge [sflag:s25], $0x380  }
0x1d7: {  	[sflag:s25] =	ssyncset.done $0x0  }
0x1d8: {  	s21 =	rddreg [dreg:$0x13];
	[sflag:s25] =	ssyncadd.s32 $0xFFFFFC80  }
0x1d9: {  	[tilespmem:s5], [sflag:$0x3] =	stream.linear.gather [hbm4b:s21+s15], $0x380, $0x38;
	[tilespmem:$0x1DB80] =	vst v63  }
0x1da: {  	_ =	swait.ge [sflag:s25], $0x380  }
0x1db: {  	[sflag:s25] =	ssyncset.done $0x0  }
0x1dc: {  	s20 =	simm.s32 $0x1CF00;
	s22 =	rddreg [dreg:$0x14];
	[sflag:s25] =	ssyncadd.s32 $0xFFFFFC80  }
0x1dd: {  	[tilespmem:s20], [sflag:$0x3] =	stream.linear.gather [hbm4b:s22+s15], $0x380, $0x38;
	[tilespmem:$0x1DB80] =	vst v63  }
0x1de: {  	_ =	swait.ge [sflag:s25], $0x380  }
0x1df: {  	[sflag:s25] =	ssyncset.done $0x0  }
0x1e0: {  	s21 =	simm.s32 $0xD980;
	[sflag:s25] =	ssyncadd.s32 $0xFFFFFC80  }
0x1e1: {  	[tilespmem:s21], [sflag:$0x1] =	stream.indirect.gather [spmem:s4], $0x1, s13, s12, $0xb8;
	[tilespmem:$0x1DB80] =	vst v63  }
0x1e2: {  	s22 =	simm.s32 $0xF200  }
0x1e3: {  	[tilespmem:s22], [sflag:$0x1] =	stream.indirect.gather [spmem:s7], $0x1, s13, s12, $0xb8;
	[tilespmem:$0x1DB80] =	vst v63  }
0x1e4: {  	s30 =	simm.s32 $0x10A80  }
0x1e5: {  	[tilespmem:s30], [sflag:$0x1] =	stream.indirect.gather [spmem:s9], $0x1, s13, s12, $0xb8;
	[tilespmem:$0x1DB80] =	vst v63  }
0x1e6: {  	s2 =	simm.s32 $0x12300  }
0x1e7: {  	[tilespmem:s2], [sflag:$0x1] =	stream.indirect.gather [spmem:s4], $0x1, s17, s12, $0xb8;
	[tilespmem:$0x1DB80] =	vst v63  }
0x1e8: {  	s11 =	simm.s32 $0x13B80  }
0x1e9: {  	[tilespmem:s11], [sflag:$0x1] =	stream.indirect.gather [spmem:s7], $0x1, s17, s12, $0xb8;
	[tilespmem:$0x1DB80] =	vst v63  }
0x1ea: {  	s15 =	simm.s32 $0x15400  }
0x1eb: {  	[tilespmem:s15], [sflag:$0x1] =	stream.indirect.gather [spmem:s9], $0x1, s17, s12, $0xb8;
	[tilespmem:$0x1DB80] =	vst v63  }
0x1ec: {  	s15 =	simm.s32 $0x16C80  }
0x1ed: {  	[tilespmem:s15], [sflag:$0x1] =	stream.indirect.gather [spmem:s4], $0x1, s5, s12, $0xb8;
	[tilespmem:$0x1DB80] =	vst v63  }
0x1ee: {  	s1 =	simm.s32 $0x18500  }
0x1ef: {  	[tilespmem:s1], [sflag:$0x1] =	stream.indirect.gather [spmem:s7], $0x1, s5, s12, $0xb8;
	[tilespmem:$0x1DB80] =	vst v63  }
0x1f0: {  	s2 =	simm.s32 $0x19D80  }
0x1f1: {  	[tilespmem:s2], [sflag:$0x1] =	stream.indirect.gather [spmem:s9], $0x1, s5, s12, $0xb8;
	[tilespmem:$0x1DB80] =	vst v63  }
0x1f2: {  	s0 =	simm.s32 $0xAA60;
	s11 =	simm.s32 $0xDA60  }
0x1f3: {  	[tilespmem:s11], [sflag:$0x1] =	stream.indirect.gather [spmem:s4], $0x1, s0, s12, $0xb8;
	[tilespmem:$0x1DB80] =	vst v63  }
0x1f4: {  	s2 =	simm.s32 $0xF2E0  }
0x1f5: {  	[tilespmem:s2], [sflag:$0x1] =	stream.indirect.gather [spmem:s7], $0x1, s0, s12, $0xb8;
	[tilespmem:$0x1DB80] =	vst v63  }
0x1f6: {  	s11 =	simm.s32 $0x10B60  }
0x1f7: {  	[tilespmem:s11], [sflag:$0x1] =	stream.indirect.gather [spmem:s9], $0x1, s0, s12, $0xb8;
	[tilespmem:$0x1DB80] =	vst v63  }
0x1f8: {  	s2 =	simm.s32 $0x123E0;
	s0 =	simm.s32 $0xADE0  }
0x1f9: {  	[tilespmem:s2], [sflag:$0x1] =	stream.indirect.gather [spmem:s4], $0x1, s0, s12, $0xb8;
	[tilespmem:$0x1DB80] =	vst v63  }
0x1fa: {  	s11 =	simm.s32 $0x13C60  }
0x1fb: {  	[tilespmem:s11], [sflag:$0x1] =	stream.indirect.gather [spmem:s7], $0x1, s0, s12, $0xb8;
	[tilespmem:$0x1DB80] =	vst v63  }
0x1fc: {  	s2 =	simm.s32 $0x154E0  }
0x1fd: {  	[tilespmem:s2], [sflag:$0x1] =	stream.indirect.gather [spmem:s9], $0x1, s0, s12, $0xb8;
	[tilespmem:$0x1DB80] =	vst v63  }
0x1fe: {  	s11 =	simm.s32 $0x16D60;
	s0 =	simm.s32 $0xB160  }
0x1ff: {  	[tilespmem:s11], [sflag:$0x1] =	stream.indirect.gather [spmem:s4], $0x1, s0, s12, $0xb8;
	[tilespmem:$0x1DB80] =	vst v63  }
0x200: {  	s2 =	simm.s32 $0x185E0  }
0x201: {  	[tilespmem:s2], [sflag:$0x1] =	stream.indirect.gather [spmem:s7], $0x1, s0, s12, $0xb8;
	[tilespmem:$0x1DB80] =	vst v63  }
0x202: {  	s11 =	simm.s32 $0x19E60  }
0x203: {  	[tilespmem:s11], [sflag:$0x1] =	stream.indirect.gather [spmem:s9], $0x1, s0, s12, $0xb8;
	[tilespmem:$0x1DB80] =	vst v63  }
0x204: {  	s2 =	simm.s32 $0xDB40;
	s0 =	simm.s32 $0xAB40  }
0x205: {  	[tilespmem:s2], [sflag:$0x1] =	stream.indirect.gather [spmem:s4], $0x1, s0, s12, $0xb8;
	[tilespmem:$0x1DB80] =	vst v63  }
0x206: {  	s11 =	simm.s32 $0xF3C0  }
0x207: {  	[tilespmem:s11], [sflag:$0x1] =	stream.indirect.gather [spmem:s7], $0x1, s0, s12, $0xb8;
	[tilespmem:$0x1DB80] =	vst v63  }
0x208: {  	s2 =	simm.s32 $0x10C40  }
0x209: {  	[tilespmem:s2], [sflag:$0x1] =	stream.indirect.gather [spmem:s9], $0x1, s0, s12, $0xb8;
	[tilespmem:$0x1DB80] =	vst v63  }
0x20a: {  	s11 =	simm.s32 $0x124C0;
	s0 =	simm.s32 $0xAEC0  }
0x20b: {  	[tilespmem:s11], [sflag:$0x1] =	stream.indirect.gather [spmem:s4], $0x1, s0, s12, $0xb8;
	[tilespmem:$0x1DB80] =	vst v63  }
0x20c: {  	s2 =	simm.s32 $0x13D40  }
0x20d: {  	[tilespmem:s2], [sflag:$0x1] =	stream.indirect.gather [spmem:s7], $0x1, s0, s12, $0xb8;
	[tilespmem:$0x1DB80] =	vst v63  }
0x20e: {  	s11 =	simm.s32 $0x155C0  }
0x20f: {  	[tilespmem:s11], [sflag:$0x1] =	stream.indirect.gather [spmem:s9], $0x1, s0, s12, $0xb8;
	[tilespmem:$0x1DB80] =	vst v63  }
0x210: {  	s2 =	simm.s32 $0x16E40;
	s0 =	simm.s32 $0xB240  }
0x211: {  	[tilespmem:s2], [sflag:$0x1] =	stream.indirect.gather [spmem:s4], $0x1, s0, s12, $0xb8;
	[tilespmem:$0x1DB80] =	vst v63  }
0x212: {  	s11 =	simm.s32 $0x186C0  }
0x213: {  	[tilespmem:s11], [sflag:$0x1] =	stream.indirect.gather [spmem:s7], $0x1, s0, s12, $0xb8;
	[tilespmem:$0x1DB80] =	vst v63  }
0x214: {  	s2 =	simm.s32 $0x19F40  }
0x215: {  	[tilespmem:s2], [sflag:$0x1] =	stream.indirect.gather [spmem:s9], $0x1, s0, s12, $0xb8;
	[tilespmem:$0x1DB80] =	vst v63  }
0x216: {  	s11 =	simm.s32 $0xDC20;
	s0 =	simm.s32 $0xAC20  }
0x217: {  	[tilespmem:s11], [sflag:$0x1] =	stream.indirect.gather [spmem:s4], $0x1, s0, s12, $0xb8;
	[tilespmem:$0x1DB80] =	vst v63  }
0x218: {  	s2 =	simm.s32 $0xF4A0  }
0x219: {  	[tilespmem:s2], [sflag:$0x1] =	stream.indirect.gather [spmem:s7], $0x1, s0, s12, $0xb8;
	[tilespmem:$0x1DB80] =	vst v63  }
0x21a: {  	s11 =	simm.s32 $0x10D20  }
0x21b: {  	[tilespmem:s11], [sflag:$0x1] =	stream.indirect.gather [spmem:s9], $0x1, s0, s12, $0xb8;
	[tilespmem:$0x1DB80] =	vst v63  }
0x21c: {  	s2 =	simm.s32 $0x125A0;
	s0 =	simm.s32 $0xAFA0  }
0x21d: {  	[tilespmem:s2], [sflag:$0x1] =	stream.indirect.gather [spmem:s4], $0x1, s0, s12, $0xb8;
	[tilespmem:$0x1DB80] =	vst v63  }
0x21e: {  	s11 =	simm.s32 $0x13E20  }
0x21f: {  	[tilespmem:s11], [sflag:$0x1] =	stream.indirect.gather [spmem:s7], $0x1, s0, s12, $0xb8;
	[tilespmem:$0x1DB80] =	vst v63  }
0x220: {  	s2 =	simm.s32 $0x156A0  }
0x221: {  	[tilespmem:s2], [sflag:$0x1] =	stream.indirect.gather [spmem:s9], $0x1, s0, s12, $0xb8;
	[tilespmem:$0x1DB80] =	vst v63  }
0x222: {  	s11 =	simm.s32 $0x16F20;
	s0 =	simm.s32 $0xB320  }
0x223: {  	[tilespmem:s11], [sflag:$0x1] =	stream.indirect.gather [spmem:s4], $0x1, s0, s12, $0xb8;
	[tilespmem:$0x1DB80] =	vst v63  }
0x224: {  	s2 =	simm.s32 $0x187A0  }
0x225: {  	[tilespmem:s2], [sflag:$0x1] =	stream.indirect.gather [spmem:s7], $0x1, s0, s12, $0xb8;
	[tilespmem:$0x1DB80] =	vst v63  }
0x226: {  	s11 =	simm.s32 $0x1A020  }
0x227: {  	[tilespmem:s11], [sflag:$0x1] =	stream.indirect.gather [spmem:s9], $0x1, s0, s12, $0xb8;
	[tilespmem:$0x1DB80] =	vst v63  }
0x228: {  	_ =	swait.ge [sflag:s28], $0x380  }
0x229: {  	[sflag:s28] =	ssyncset.done $0x0  }
0x22a: {  	[sflag:s28] =	ssyncadd.s32 $0xFFFFFC80  }
0x22b: {  	_ =	swait.ge [sflag:s28], $0x380  }
0x22c: {  	[sflag:s28] =	ssyncset.done $0x0  }
0x22d: {  	[sflag:s28] =	ssyncadd.s32 $0xFFFFFC80  }
0x22e: {  	_ =	swait.ge [sflag:s28], $0x380  }
0x22f: {  	[sflag:s28] =	ssyncset.done $0x0  }
0x230: {  	[sflag:s28] =	ssyncadd.s32 $0xFFFFFC80  }
0x231: {  	_ =	swait.ge [sflag:s28], $0x380  }
0x232: {  	[sflag:s28] =	ssyncset.done $0x0  }
0x233: {  	[sflag:s28] =	ssyncadd.s32 $0xFFFFFC80  }
0x234: {  	_ =	swait.ge [sflag:s28], $0x380  }
0x235: {  	[sflag:s28] =	ssyncset.done $0x0  }
0x236: {  	[sflag:s28] =	ssyncadd.s32 $0xFFFFFC80  }
0x237: {  	_ =	swait.ge [sflag:s28], $0x380  }
0x238: {  	[sflag:s28] =	ssyncset.done $0x0  }
0x239: {  	[sflag:s28] =	ssyncadd.s32 $0xFFFFFC80  }
0x23a: {  	_ =	swait.ge [sflag:s28], $0x380  }
0x23b: {  	[sflag:s28] =	ssyncset.done $0x0  }
0x23c: {  	[sflag:s28] =	ssyncadd.s32 $0xFFFFFC80  }
0x23d: {  	_ =	swait.ge [sflag:s28], $0x380  }
0x23e: {  	[sflag:s28] =	ssyncset.done $0x0  }
0x23f: {  	[sflag:s28] =	ssyncadd.s32 $0xFFFFFC80  }
0x240: {  	_ =	swait.ge [sflag:s28], $0x380  }
0x241: {  	[sflag:s28] =	ssyncset.done $0x0  }
0x242: {  	s0 =	simm.s32 $0x0;
	[sflag:s28] =	ssyncadd.s32 $0xFFFFFC80  }
0x243: {  	v2 =	vld [tilespmem:s0+$0x1B670]  }
0x244: {  	v1 =	vld [tilespmem:s0+$0x1C2F0]  }
0x245: {  	v3 =	vld [tilespmem:s0+$0x10AF0]  }
0x246: {  	v4 =	vld [tilespmem:s0+$0x15470]  }
0x247: {  	v0 =	vld [tilespmem:s0+$0x1CF70]  }
0x248: {  	v5 =	vld [tilespmem:s0+$0x19DF0]  }
0x249: {  	v6 =	vld [tilespmem:s0+$0x1B600]  }
0x24a: {  	v7 =	vld [tilespmem:s0+$0x1C280]  }
0x24b: {  	v8 =	vld [tilespmem:s0+$0xD980]  }
0x24c: {  	v9 =	vld [tilespmem:s0+$0xF200]  }
0x24d: {  	v10 =	vld [tilespmem:s0+$0x10A80]  }
0x24e: {  	v11 =	vld [tilespmem:s0+$0x12300]  }
0x24f: {  	v12 =	vld [tilespmem:s0+$0x13B80]  }
0x250: {  	v13 =	vld [tilespmem:s0+$0x15400]  }
0x251: {  	v14 =	vld [tilespmem:s0+$0x1B610]  }
0x252: {  	v15 =	vld [tilespmem:s0+$0x1C290]  }
0x253: {  	v16 =	vld [tilespmem:s0+$0xD990]  }
0x254: {  	v17 =	vld [tilespmem:s0+$0xF210]  }
0x255: {  	v18 =	vld [tilespmem:s0+$0x10A90]  }
0x256: {  	v19 =	vld [tilespmem:s0+$0x12310]  }
0x257: {  	v20 =	vld [tilespmem:s0+$0x13B90]  }
0x258: {  	v21 =	vld [tilespmem:s0+$0x15410]  }
0x259: {  	v22 =	vld [tilespmem:s0+$0x1B620]  }
0x25a: {  	v23 =	vld [tilespmem:s0+$0x1C2A0]  }
0x25b: {  	v24 =	vld [tilespmem:s0+$0xD9A0]  }
0x25c: {  	v25 =	vld [tilespmem:s0+$0xF220]  }
0x25d: {  	v26 =	vld [tilespmem:s0+$0x10AA0]  }
0x25e: {  	v27 =	vld [tilespmem:s0+$0x12320]  }
0x25f: {  	v28 =	vld [tilespmem:s0+$0x13BA0]  }
0x260: {  	v29 =	vld [tilespmem:s0+$0x15420]  }
0x261: {  	v30 =	vld [tilespmem:s0+$0x1B630]  }
0x262: {  	v31 =	vld [tilespmem:s0+$0x1C2B0]  }
0x263: {  	v32 =	vld [tilespmem:s0+$0xD9B0]  }
0x264: {  	v33 =	vld [tilespmem:s0+$0xF230]  }
0x265: {  	v34 =	vld [tilespmem:s0+$0x10AB0]  }
0x266: {  	v35 =	vld [tilespmem:s0+$0x12330]  }
0x267: {  	v36 =	vld [tilespmem:s0+$0x13BB0]  }
0x268: {  	v37 =	vld [tilespmem:s0+$0x15430]  }
0x269: {  	v38 =	vld [tilespmem:s0+$0x1B640]  }
0x26a: {  	v39 =	vld [tilespmem:s0+$0x1C2C0]  }
0x26b: {  	v40 =	vld [tilespmem:s0+$0xD9C0]  }
0x26c: {  	v41 =	vld [tilespmem:s0+$0xF240]  }
0x26d: {  	v42 =	vld [tilespmem:s0+$0x10AC0]  }
0x26e: {  	v43 =	vld [tilespmem:s0+$0x12340]  }
0x26f: {  	v44 =	vld [tilespmem:s0+$0x13BC0]  }
0x270: {  	v45 =	vld [tilespmem:s0+$0x15440]  }
0x271: {  	v46 =	vld [tilespmem:s0+$0x1B650]  }
0x272: {  	v47 =	vld [tilespmem:s0+$0x1C2D0]  }
0x273: {  	v48 =	vld [tilespmem:s0+$0xD9D0]  }
0x274: {  	v49 =	vld [tilespmem:s0+$0xF250]  }
0x275: {  	v50 =	vld [tilespmem:s0+$0x10AD0]  }
0x276: {  	v51 =	vld [tilespmem:s0+$0x12350]  }
0x277: {  	v52 =	vld [tilespmem:s0+$0x13BD0]  }
0x278: {  	v53 =	vld [tilespmem:s0+$0x15450]  }
0x279: {  	v54 =	vld [tilespmem:s0+$0x1B660];
	v3 =	vmul.f32 v3, v2  }
0x27a: {  	v55 =	vld [tilespmem:s0+$0x1C2E0];
	v4 =	vmul.f32 v4, v1;
	v9 =	vmul.f32 v9, v6  }
0x27b: {  	v56 =	vld [tilespmem:s0+$0xD9E0];
	v11 =	vmul.f32 v11, v7;
	v62 =	vmul.f32 v28, v23  }
0x27c: {  	v57 =	vld [tilespmem:s0+$0x10AE0];
	v32 =	vmul.f32 v32, v30;
	v33 =	vmul.f32 v33, v30  }
0x27d: {  	v58 =	vld [tilespmem:s0+$0x13BE0];
	v35 =	vmul.f32 v35, v31;
	v36 =	vmul.f32 v36, v31  }
0x27e: {  	v63 =	vld [tilespmem:s0+$0x16C80];
	v37 =	vmul.f32 v37, v31;
	v40 =	vmul.f32 v40, v38  }
0x27f: {  	v61 =	vld [tilespmem:s0+$0x16CA0];
	v41 =	vmul.f32 v41, v38;
	v3 =	vadd.f32 v4, v3;
	v4 =	vmul.f32 v5, v0  }
0x280: {  	v28 =	vld [tilespmem:s0+$0x1CF10];
	v43 =	vmul.f32 v43, v39;
	v44 =	vmul.f32 v44, v39  }
0x281: {  	v45 =	vmul.f32 v45, v39;
	v48 =	vmul.f32 v48, v46;
	v5 =	vld [tilespmem:s0+$0xF260];
	v3 =	vadd.f32 v4, v3  }
0x282: {  	v59 =	vmul.f32 v49, v46;
	v4 =	vmul.f32 v8, v6;
	v8 =	vld [tilespmem:s0+$0x12360]  }
0x283: {  	[tilespmem:s0+$0x10AF0] =	vst v3;
	v3 =	vmul.f32 v10, v6;
	v6 =	vmul.f32 v12, v7;
	v10 =	vld [tilespmem:s0+$0x15460]  }
0x284: {  	v4 =	vadd.f32 v11, v4;
	v7 =	vmul.f32 v13, v7;
	v11 =	vmul.f32 v16, v14;
	v12 =	vld [tilespmem:s0+$0xD9F0]  }
0x285: {  	v13 =	vmul.f32 v19, v15;
	v16 =	vld [tilespmem:s0+$0xF270];
	v19 =	vmul.f32 v27, v23  }
0x286: {  	v6 =	vadd.f32 v6, v9;
	v9 =	vmul.f32 v17, v14;
	v7 =	vadd.f32 v7, v3;
	v17 =	vld [tilespmem:s0+$0x12370]  }
0x287: {  	v3 =	vmul.f32 v18, v14;
	v11 =	vadd.f32 v13, v11;
	v13 =	vmul.f32 v21, v15;
	v18 =	vld [tilespmem:s0+$0x13BF0]  }
0x288: {  	v14 =	vmul.f32 v20, v15;
	v15 =	vmul.f32 v24, v22;
	v20 =	vld [tilespmem:s0+$0x1CF00]  }
0x289: {  	v60 =	vmul.f32 v51, v47;
	v24 =	vld [tilespmem:s0+$0x18500];
	v21 =	vadd.f32 v36, v33;
	v13 =	vadd.f32 v13, v3  }
0x28a: {  	v36 =	vld [tilespmem:s0+$0x1CF20];
	v3 =	vmul.f32 v26, v22;
	v15 =	vadd.f32 v19, v15;
	v19 =	vmul.f32 v29, v23  }
0x28b: {  	v27 =	vadd.f32 v44, v41;
	v8 =	vmul.f32 v8, v55;
	v9 =	vadd.f32 v14, v9;
	v26 =	vld [tilespmem:s0+$0x19D80]  }
0x28c: {  	v23 =	vadd.f32 v35, v32;
	v32 =	vld [tilespmem:s0+$0x18510];
	v19 =	vadd.f32 v19, v3;
	v3 =	vmul.f32 v34, v30  }
0x28d: {  	v14 =	vmul.f32 v25, v22;
	v29 =	vadd.f32 v43, v40;
	v35 =	vadd.f32 v60, v48;
	v30 =	vld [tilespmem:s0+$0x16C90]  }
0x28e: {  	v48 =	vmul.f32 v53, v47;
	v53 =	vld [tilespmem:s0+$0x18530];
	v25 =	vadd.f32 v37, v3;
	v3 =	vmul.f32 v42, v38  }
0x28f: {  	v10 =	vmul.f32 v10, v55;
	v14 =	vadd.f32 v62, v14;
	v34 =	vld [tilespmem:s0+$0x19D90];
	v24 =	vmul.f32 v24, v20  }
0x290: {  	v62 =	vmul.f32 v50, v46;
	v46 =	vld [tilespmem:s0+$0x19DA0];
	v31 =	vadd.f32 v45, v3;
	v3 =	vmul.f32 v63, v20  }
0x291: {  	v6 =	vadd.f32 v24, v6;
	v63 =	vld [tilespmem:s0+$0x18520];
	v45 =	vmul.f32 v52, v47;
	v20 =	vmul.f32 v26, v20  }
0x292: {  	v12 =	vmul.f32 v12, v2;
	v50 =	vld [tilespmem:s0+$0x1CF30];
	v51 =	vmul.f32 v30, v28;
	v49 =	vadd.f32 v3, v4  }
0x293: {  	v52 =	vld [tilespmem:s0+$0x16CB0];
	[tilespmem:s0+$0xF200] =	vst v6;
	v3 =	vadd.f32 v45, v59;
	v7 =	vadd.f32 v20, v7;
	v20 =	vmul.f32 v32, v28  }
0x294: {  	v60 =	vld [tilespmem:s0+$0x16CC0];
	v6 =	vadd.f32 v51, v11;
	v11 =	vmul.f32 v56, v54;
	v56 =	vmul.f32 v34, v28;
	[tilespmem:s0+$0xD980] =	vst v49  }
0x295: {  	v59 =	vld [tilespmem:s0+$0x19DB0];
	[tilespmem:s0+$0x10A80] =	vst v7;
	v7 =	vmul.f32 v5, v54;
	v5 =	vadd.f32 v20, v9;
	v9 =	vmul.f32 v61, v36  }
0x296: {  	v2 =	vmul.f32 v16, v2;
	v20 =	vld [tilespmem:s0+$0x1CF40];
	v13 =	vadd.f32 v56, v13;
	[tilespmem:s0+$0xD990] =	vst v6;
	v6 =	vmul.f32 v63, v36  }
0x297: {  	v4 =	vadd.f32 v48, v62;
	v62 =	vld [tilespmem:s0+$0x18540];
	[tilespmem:s0+$0xF210] =	vst v5;
	v9 =	vadd.f32 v9, v15;
	v15 =	vmul.f32 v46, v36  }
0x298: {  	v5 =	vadd.f32 v8, v11;
	v8 =	vmul.f32 v52, v50;
	v11 =	vld [tilespmem:s0+$0x19DC0];
	[tilespmem:s0+$0x10A90] =	vst v13;
	v6 =	vadd.f32 v6, v14  }
0x299: {  	v63 =	vld [tilespmem:s0+$0x16CD0];
	v14 =	vmul.f32 v58, v55;
	v13 =	vadd.f32 v15, v19;
	[tilespmem:s0+$0xD9A0] =	vst v9;
	v9 =	vmul.f32 v53, v50  }
0x29a: {  	v16 =	vmul.f32 v17, v1;
	v15 =	vld [tilespmem:s0+$0x1CF50];
	v8 =	vadd.f32 v8, v23;
	v19 =	vmul.f32 v59, v50;
	[tilespmem:s0+$0xF220] =	vst v6  }
0x29b: {  	v6 =	vadd.f32 v14, v7;
	v14 =	vld [tilespmem:s0+$0x18550];
	[tilespmem:s0+$0x10AA0] =	vst v13;
	v7 =	vadd.f32 v9, v21;
	v9 =	vmul.f32 v60, v20  }
0x29c: {  	v17 =	vmul.f32 v18, v1;
	v13 =	vadd.f32 v19, v25;
	[tilespmem:s0+$0xD9B0] =	vst v8;
	v8 =	vmul.f32 v62, v20;
	v19 =	vld [tilespmem:s0+$0x19DD0]  }
0x29d: {  	v1 =	vld [tilespmem:s0+$0x16CE0];
	v61 =	vmul.f32 v57, v54;
	v11 =	vmul.f32 v11, v20;
	[tilespmem:s0+$0xF230] =	vst v7;
	v9 =	vadd.f32 v9, v29  }
0x29e: {  	v7 =	vld [tilespmem:s0+$0x1CF60];
	[tilespmem:s0+$0x10AB0] =	vst v13;
	v8 =	vadd.f32 v8, v27  }
0x29f: {  	v13 =	vadd.f32 v10, v61;
	v10 =	vadd.f32 v11, v31;
	v11 =	vmul.f32 v63, v15;
	[tilespmem:s0+$0xD9C0] =	vst v9;
	v9 =	vld [tilespmem:s0+$0x18560]  }
0x2a0: {  	v17 =	vadd.f32 v17, v2;
	[tilespmem:s0+$0xF240] =	vst v8;
	v8 =	vld [tilespmem:s0+$0x19DE0];
	v2 =	vmul.f32 v14, v15  }
0x2a1: {  	s1 =	simm.s32 $0x0;
	s2 =	simm.s32 $0x200;
	v18 =	vadd.f32 v16, v12;
	[tilespmem:s0+$0x10AC0] =	vst v10;
	v11 =	vadd.f32 v11, v35;
	v12 =	vmul.f32 v19, v15;
	v10 =	vld [tilespmem:s0+$0x16CF0]  }
.LBB3_11:
0x2a2: {  	s11 =	sshra.s32 s2, $0x2;
	v3 =	vadd.f32 v2, v3;
	v14 =	vld [tilespmem:s0+$0x18570]  }
0x2a3: {  	v2 =	vld [tilespmem:s11+$0x1B670];
	v4 =	vadd.f32 v12, v4;
	[tilespmem:s0+$0xD9D0] =	vst v11;
	v11 =	vmul.f32 v1, v7  }
0x2a4: {  	v1 =	vld [tilespmem:s11+$0x1C2F0];
	[tilespmem:s0+$0xF250] =	vst v3;
	v3 =	vmul.f32 v9, v7  }
0x2a5: {  	s1 =	sadd.s32 $0x8, s1;
	v9 =	vld [tilespmem:s11+$0x10AF0];
	[tilespmem:s0+$0x10AD0] =	vst v4;
	v4 =	vadd.f32 v11, v5;
	v5 =	vmul.f32 v8, v7  }
0x2a6: {  	p0 =	slt.u32 s1, $0x30;
	v7 =	vld [tilespmem:s11+$0x15470];
	v3 =	vadd.f32 v3, v6;
	v6 =	vmul.f32 v10, v0  }
0x2a7: {  	v5 =	vadd.f32 v5, v13;
	[tilespmem:s0+$0xD9E0] =	vst v4;
	v4 =	vmul.f32 v14, v0;
	v0 =	vld [tilespmem:s11+$0x1CF70]  }
0x2a8: {  	v8 =	vld [tilespmem:s11+$0x19DF0];
	[tilespmem:s0+$0xF260] =	vst v3;
	v3 =	vadd.f32 v6, v18  }
0x2a9: {  	v6 =	vld [tilespmem:s11+$0x1B600];
	[tilespmem:s0+$0x10AE0] =	vst v5;
	v4 =	vadd.f32 v4, v17  }
0x2aa: {  	v5 =	vld [tilespmem:s11+$0x1C280];
	[tilespmem:s0+$0xD9F0] =	vst v3  }
0x2ab: {  	v9 =	vmul.f32 v9, v2;
	v3 =	vld [tilespmem:s11+$0xD980];
	v7 =	vmul.f32 v7, v1;
	[tilespmem:s0+$0xF270] =	vst v4;
	s0 =	smov.u32 s11  }
0x2ac: {  	v4 =	vld [tilespmem:s0+$0xF200]  }
0x2ad: {  	v10 =	vld [tilespmem:s0+$0x10A80];
	v7 =	vadd.f32 v7, v9;
	v8 =	vmul.f32 v8, v0  }
0x2ae: {  	v9 =	vld [tilespmem:s0+$0x12300]  }
0x2af: {  	v11 =	vld [tilespmem:s0+$0x13B80];
	v7 =	vadd.f32 v8, v7  }
0x2b0: {  	v8 =	vld [tilespmem:s0+$0x15400];
	v3 =	vmul.f32 v3, v6  }
0x2b1: {  	v4 =	vmul.f32 v4, v6;
	v12 =	vld [tilespmem:s0+$0x1B610];
	[tilespmem:s0+$0x10AF0] =	vst v7  }
0x2b2: {  	v6 =	vmul.f32 v10, v6;
	v13 =	vld [tilespmem:s0+$0x1C290]  }
0x2b3: {  	v7 =	vmul.f32 v9, v5;
	v10 =	vld [tilespmem:s0+$0xD990]  }
0x2b4: {  	v9 =	vmul.f32 v11, v5;
	v11 =	vld [tilespmem:s0+$0xF210]  }
0x2b5: {  	v7 =	vadd.f32 v7, v3;
	v3 =	vmul.f32 v8, v5;
	v5 =	vld [tilespmem:s0+$0x10A90]  }
0x2b6: {  	v8 =	vadd.f32 v9, v4;
	v4 =	vld [tilespmem:s0+$0x12310]  }
0x2b7: {  	v9 =	vadd.f32 v3, v6;
	v3 =	vld [tilespmem:s0+$0x13B90]  }
0x2b8: {  	v6 =	vld [tilespmem:s0+$0x15410];
	v10 =	vmul.f32 v10, v12  }
0x2b9: {  	v11 =	vmul.f32 v11, v12;
	v14 =	vld [tilespmem:s0+$0x1B620]  }
0x2ba: {  	v5 =	vmul.f32 v5, v12;
	v15 =	vld [tilespmem:s0+$0x1C2A0]  }
0x2bb: {  	v4 =	vmul.f32 v4, v13;
	v16 =	vld [tilespmem:s0+$0xD9A0]  }
0x2bc: {  	v3 =	vmul.f32 v3, v13;
	v17 =	vld [tilespmem:s0+$0xF220]  }
0x2bd: {  	v10 =	vadd.f32 v4, v10;
	v4 =	vmul.f32 v6, v13;
	v6 =	vld [tilespmem:s0+$0x10AA0]  }
0x2be: {  	v11 =	vadd.f32 v3, v11;
	v3 =	vld [tilespmem:s0+$0x12320]  }
0x2bf: {  	v12 =	vadd.f32 v4, v5;
	v4 =	vld [tilespmem:s0+$0x13BA0]  }
0x2c0: {  	v5 =	vld [tilespmem:s0+$0x15420];
	v13 =	vmul.f32 v16, v14  }
0x2c1: {  	v16 =	vmul.f32 v17, v14;
	v17 =	vld [tilespmem:s0+$0x1B630]  }
0x2c2: {  	v6 =	vmul.f32 v6, v14;
	v18 =	vld [tilespmem:s0+$0x1C2B0]  }
0x2c3: {  	v3 =	vmul.f32 v3, v15;
	v19 =	vld [tilespmem:s0+$0xD9B0]  }
0x2c4: {  	v4 =	vmul.f32 v4, v15;
	v20 =	vld [tilespmem:s0+$0xF230]  }
0x2c5: {  	v14 =	vadd.f32 v3, v13;
	v3 =	vmul.f32 v5, v15;
	v5 =	vld [tilespmem:s0+$0x10AB0]  }
0x2c6: {  	v15 =	vadd.f32 v4, v16;
	v4 =	vld [tilespmem:s0+$0x12330]  }
0x2c7: {  	v16 =	vadd.f32 v3, v6;
	v3 =	vld [tilespmem:s0+$0x13BB0]  }
0x2c8: {  	v6 =	vld [tilespmem:s0+$0x15430];
	v13 =	vmul.f32 v19, v17  }
0x2c9: {  	v20 =	vmul.f32 v20, v17;
	v22 =	vld [tilespmem:s0+$0x1B640]  }
0x2ca: {  	v5 =	vmul.f32 v5, v17;
	v17 =	vld [tilespmem:s0+$0x1C2C0]  }
0x2cb: {  	v4 =	vmul.f32 v4, v18;
	v23 =	vld [tilespmem:s0+$0xD9C0]  }
0x2cc: {  	v3 =	vmul.f32 v3, v18;
	v24 =	vld [tilespmem:s0+$0xF240]  }
0x2cd: {  	v19 =	vadd.f32 v4, v13;
	v4 =	vmul.f32 v6, v18;
	v6 =	vld [tilespmem:s0+$0x10AC0]  }
0x2ce: {  	v20 =	vadd.f32 v3, v20;
	v3 =	vld [tilespmem:s0+$0x12340]  }
0x2cf: {  	v21 =	vadd.f32 v4, v5;
	v4 =	vld [tilespmem:s0+$0x13BC0]  }
0x2d0: {  	v5 =	vld [tilespmem:s0+$0x15440];
	v13 =	vmul.f32 v23, v22  }
0x2d1: {  	v18 =	vmul.f32 v24, v22;
	v25 =	vld [tilespmem:s0+$0x1B650]  }
0x2d2: {  	v6 =	vmul.f32 v6, v22;
	v26 =	vld [tilespmem:s0+$0x1C2D0]  }
0x2d3: {  	v3 =	vmul.f32 v3, v17;
	v27 =	vld [tilespmem:s0+$0xD9D0]  }
0x2d4: {  	v4 =	vmul.f32 v4, v17;
	v28 =	vld [tilespmem:s0+$0xF250]  }
0x2d5: {  	v22 =	vadd.f32 v3, v13;
	v3 =	vmul.f32 v5, v17;
	v5 =	vld [tilespmem:s0+$0x10AD0]  }
0x2d6: {  	v23 =	vadd.f32 v4, v18;
	v4 =	vld [tilespmem:s0+$0x12350]  }
0x2d7: {  	v24 =	vadd.f32 v3, v6;
	v3 =	vld [tilespmem:s0+$0x13BD0]  }
0x2d8: {  	v6 =	vld [tilespmem:s0+$0x15450];
	v13 =	vmul.f32 v27, v25  }
0x2d9: {  	v17 =	vmul.f32 v28, v25;
	v18 =	vld [tilespmem:s0+$0x1B660]  }
0x2da: {  	v5 =	vmul.f32 v5, v25;
	v27 =	vld [tilespmem:s0+$0x1C2E0]  }
0x2db: {  	v4 =	vmul.f32 v4, v26;
	v28 =	vld [tilespmem:s0+$0xD9E0]  }
0x2dc: {  	v3 =	vmul.f32 v3, v26;
	v29 =	vld [tilespmem:s0+$0xF260]  }
0x2dd: {  	v25 =	vadd.f32 v4, v13;
	v4 =	vmul.f32 v6, v26;
	v6 =	vld [tilespmem:s0+$0x10AE0]  }
0x2de: {  	v3 =	vadd.f32 v3, v17;
	v13 =	vld [tilespmem:s0+$0x12360]  }
0x2df: {  	v4 =	vadd.f32 v4, v5;
	v5 =	vld [tilespmem:s0+$0x13BE0]  }
0x2e0: {  	v17 =	vld [tilespmem:s0+$0x15460];
	v26 =	vmul.f32 v28, v18  }
0x2e1: {  	v28 =	vmul.f32 v29, v18;
	v29 =	vld [tilespmem:s0+$0xD9F0]  }
0x2e2: {  	v18 =	vmul.f32 v6, v18;
	v30 =	vld [tilespmem:s0+$0xF270]  }
0x2e3: {  	v6 =	vmul.f32 v13, v27;
	v31 =	vld [tilespmem:s0+$0x12370]  }
0x2e4: {  	v13 =	vmul.f32 v5, v27;
	v32 =	vld [tilespmem:s0+$0x13BF0]  }
0x2e5: {  	v33 =	vld [tilespmem:s0+$0x1CF00];
	v5 =	vadd.f32 v6, v26;
	v17 =	vmul.f32 v17, v27  }
0x2e6: {  	v26 =	vld [tilespmem:s0+$0x16C80];
	v6 =	vadd.f32 v13, v28;
	v27 =	vmul.f32 v29, v2  }
0x2e7: {  	v28 =	vld [tilespmem:s0+$0x18500];
	v13 =	vadd.f32 v17, v18;
	v2 =	vmul.f32 v30, v2  }
0x2e8: {  	v29 =	vld [tilespmem:s0+$0x19D80];
	v17 =	vmul.f32 v31, v1  }
0x2e9: {  	v30 =	vld [tilespmem:s0+$0x1CF10];
	v1 =	vmul.f32 v32, v1  }
0x2ea: {  	v31 =	vld [tilespmem:s0+$0x16C90];
	v18 =	vadd.f32 v17, v27  }
0x2eb: {  	v26 =	vmul.f32 v26, v33;
	v27 =	vld [tilespmem:s0+$0x18510];
	v17 =	vadd.f32 v1, v2  }
0x2ec: {  	v1 =	vmul.f32 v28, v33;
	v2 =	vld [tilespmem:s0+$0x19D90]  }
0x2ed: {  	v7 =	vadd.f32 v26, v7;
	v26 =	vmul.f32 v29, v33;
	v28 =	vld [tilespmem:s0+$0x1CF20]  }
0x2ee: {  	v1 =	vadd.f32 v1, v8;
	v8 =	vld [tilespmem:s0+$0x16CA0]  }
0x2ef: {  	v9 =	vadd.f32 v26, v9;
	[tilespmem:s0+$0xD980] =	vst v7;
	v7 =	vmul.f32 v31, v30;
	v26 =	vld [tilespmem:s0+$0x18520]  }
0x2f0: {  	[tilespmem:s0+$0xF200] =	vst v1;
	v1 =	vmul.f32 v27, v30;
	v27 =	vld [tilespmem:s0+$0x19DA0]  }
0x2f1: {  	[tilespmem:s0+$0x10A80] =	vst v9;
	v7 =	vadd.f32 v7, v10;
	v2 =	vmul.f32 v2, v30;
	v9 =	vld [tilespmem:s0+$0x1CF30]  }
0x2f2: {  	v1 =	vadd.f32 v1, v11;
	v10 =	vld [tilespmem:s0+$0x16CB0]  }
0x2f3: {  	v2 =	vadd.f32 v2, v12;
	[tilespmem:s0+$0xD990] =	vst v7;
	v7 =	vmul.f32 v8, v28;
	v8 =	vld [tilespmem:s0+$0x18530]  }
0x2f4: {  	[tilespmem:s0+$0xF210] =	vst v1;
	v1 =	vmul.f32 v26, v28;
	v11 =	vld [tilespmem:s0+$0x19DB0]  }
0x2f5: {  	[tilespmem:s0+$0x10A90] =	vst v2;
	v2 =	vadd.f32 v7, v14;
	v7 =	vmul.f32 v27, v28;
	v12 =	vld [tilespmem:s0+$0x1CF40]  }
0x2f6: {  	v1 =	vadd.f32 v1, v15;
	v14 =	vld [tilespmem:s0+$0x16CC0]  }
0x2f7: {  	v7 =	vadd.f32 v7, v16;
	[tilespmem:s0+$0xD9A0] =	vst v2;
	v2 =	vmul.f32 v10, v9;
	v10 =	vld [tilespmem:s0+$0x18540]  }
0x2f8: {  	[tilespmem:s0+$0xF220] =	vst v1;
	v1 =	vmul.f32 v8, v9;
	v8 =	vld [tilespmem:s0+$0x19DC0]  }
0x2f9: {  	[tilespmem:s0+$0x10AA0] =	vst v7;
	v2 =	vadd.f32 v2, v19;
	v7 =	vmul.f32 v11, v9;
	v15 =	vld [tilespmem:s0+$0x1CF50]  }
0x2fa: {  	v1 =	vadd.f32 v1, v20;
	v9 =	vld [tilespmem:s0+$0x16CD0]  }
0x2fb: {  	v7 =	vadd.f32 v7, v21;
	[tilespmem:s0+$0xD9B0] =	vst v2;
	v2 =	vmul.f32 v14, v12;
	v11 =	vld [tilespmem:s0+$0x18550]  }
0x2fc: {  	[tilespmem:s0+$0xF230] =	vst v1;
	v1 =	vmul.f32 v10, v12;
	v10 =	vld [tilespmem:s0+$0x19DD0]  }
.Ltmp4:
0x2fd: {  	[tilespmem:s0+$0x10AB0] =	vst v7;
	v2 =	vadd.f32 v2, v22;
	v8 =	vmul.f32 v8, v12;
	v7 =	vld [tilespmem:s0+$0x1CF60];
	(pc) =	sbr.rel @p0 .LBB3_11-.Ltmp4, $4  }
0x2fe: {  	v12 =	vadd.f32 v1, v23;
	v1 =	vld [tilespmem:s0+$0x16CE0]  }
0x2ff: {  	v14 =	vadd.f32 v8, v24;
	[tilespmem:s0+$0xD9C0] =	vst v2;
	v16 =	vmul.f32 v9, v15;
	v9 =	vld [tilespmem:s0+$0x18560]  }
0x300: {  	[tilespmem:s0+$0xF240] =	vst v12;
	v2 =	vmul.f32 v11, v15;
	v8 =	vld [tilespmem:s0+$0x19DE0]  }
0x301: {  	s2 =	sadd.s32 $0x200, s2;
	[tilespmem:s0+$0x10AC0] =	vst v14;
	v11 =	vadd.f32 v16, v25;
	v12 =	vmul.f32 v10, v15;
	v10 =	vld [tilespmem:s0+$0x16CF0]  }
0x302: {  	v14 =	vld [tilespmem:s0+$0x18570]  }
0x303: {  	v2 =	vadd.f32 v2, v3;
	v1 =	vmul.f32 v1, v7  }
0x304: {  	v3 =	vadd.f32 v12, v4;
	[tilespmem:s0+$0xD9D0] =	vst v11;
	v4 =	vmul.f32 v9, v7  }
0x305: {  	[tilespmem:s0+$0xF250] =	vst v2;
	v1 =	vadd.f32 v1, v5;
	v2 =	vmul.f32 v8, v7  }
0x306: {  	[tilespmem:s0+$0x10AD0] =	vst v3;
	v3 =	vadd.f32 v4, v6;
	v4 =	vmul.f32 v10, v0  }
0x307: {  	v2 =	vadd.f32 v2, v13;
	[tilespmem:s0+$0xD9E0] =	vst v1;
	v0 =	vmul.f32 v14, v0  }
0x308: {  	[tilespmem:s0+$0xF260] =	vst v3;
	v1 =	vadd.f32 v4, v18  }
0x309: {  	[tilespmem:s0+$0x10AE0] =	vst v2;
	v0 =	vadd.f32 v0, v17  }
0x30a: {  	[tilespmem:s0+$0xD9F0] =	vst v1  }
0x30b: {  	[tilespmem:s0+$0xF270] =	vst v0  }
0x30c: {  	s0 =	rddreg [dreg:$0x1d]  }
0x30d: {  	[spmem:s0] =	stream.linear.scatter [tilespmem:s21], [sflag:$0x3], $0x380, $0x38;
	[tilespmem:$0x1DB80] =	vst v63  }
0x30e: {  	_ =	swait.ge [sflag:s25], $0x380  }
0x30f: {  	[sflag:s25] =	ssyncset.done $0x0  }
0x310: {  	s11 =	rddreg [dreg:$0x1e];
	[sflag:s25] =	ssyncadd.s32 $0xFFFFFC80  }
0x311: {  	[spmem:s11] =	stream.linear.scatter [tilespmem:s22], [sflag:$0x3], $0x380, $0x38;
	[tilespmem:$0x1DB80] =	vst v63  }
0x312: {  	_ =	swait.ge [sflag:s25], $0x380  }
0x313: {  	[sflag:s25] =	ssyncset.done $0x0  }
0x314: {  	s1 =	rddreg [dreg:$0x1f];
	[sflag:s25] =	ssyncadd.s32 $0xFFFFFC80  }
0x315: {  	[spmem:s1] =	stream.linear.scatter [tilespmem:s30], [sflag:$0x3], $0x380, $0x38;
	[tilespmem:$0x1DB80] =	vst v63  }
0x316: {  	_ =	swait.ge [sflag:s25], $0x380  }
0x317: {  	[sflag:s25] =	ssyncset.done $0x0  }
0x318: {  	[sflag:s25] =	ssyncadd.s32 $0xFFFFFC80  }
0x319: {  	[tilespmem:s21], [sflag:$0x1] =	stream.indirect.gather [spmem:s3], $0x1, s13, s12, $0xb8;
	[tilespmem:$0x1DB80] =	vst v63  }
0x31a: {  	_ = 	snop  }
0x31b: {  	[tilespmem:s22], [sflag:$0x1] =	stream.indirect.gather [spmem:s6], $0x1, s13, s12, $0xb8;
	[tilespmem:$0x1DB80] =	vst v63  }
0x31c: {  	_ = 	snop  }
0x31d: {  	[tilespmem:s30], [sflag:$0x1] =	stream.indirect.gather [spmem:s8], $0x1, s13, s12, $0xb8;
	[tilespmem:$0x1DB80] =	vst v63  }
0x31e: {  	s2 =	simm.s32 $0x12300  }
0x31f: {  	[tilespmem:s2], [sflag:$0x1] =	stream.indirect.gather [spmem:s3], $0x1, s17, s12, $0xb8;
	[tilespmem:$0x1DB80] =	vst v63  }
0x320: {  	s11 =	simm.s32 $0x13B80  }
0x321: {  	[tilespmem:s11], [sflag:$0x1] =	stream.indirect.gather [spmem:s6], $0x1, s17, s12, $0xb8;
	[tilespmem:$0x1DB80] =	vst v63  }
0x322: {  	s13 =	simm.s32 $0x15400  }
0x323: {  	[tilespmem:s13], [sflag:$0x1] =	stream.indirect.gather [spmem:s8], $0x1, s17, s12, $0xb8;
	[tilespmem:$0x1DB80] =	vst v63  }
0x324: {  	_ = 	snop  }
0x325: {  	[tilespmem:s15], [sflag:$0x1] =	stream.indirect.gather [spmem:s3], $0x1, s5, s12, $0xb8;
	[tilespmem:$0x1DB80] =	vst v63  }
0x326: {  	s1 =	simm.s32 $0x18500  }
0x327: {  	[tilespmem:s1], [sflag:$0x1] =	stream.indirect.gather [spmem:s6], $0x1, s5, s12, $0xb8;
	[tilespmem:$0x1DB80] =	vst v63  }
0x328: {  	s2 =	simm.s32 $0x19D80  }
0x329: {  	[tilespmem:s2], [sflag:$0x1] =	stream.indirect.gather [spmem:s8], $0x1, s5, s12, $0xb8;
	[tilespmem:$0x1DB80] =	vst v63  }
0x32a: {  	s11 =	simm.s32 $0xAA60;
	s1 =	simm.s32 $0xDA60  }
0x32b: {  	[tilespmem:s1], [sflag:$0x1] =	stream.indirect.gather [spmem:s3], $0x1, s11, s12, $0xb8;
	[tilespmem:$0x1DB80] =	vst v63  }
0x32c: {  	s13 =	simm.s32 $0xF2E0  }
0x32d: {  	[tilespmem:s13], [sflag:$0x1] =	stream.indirect.gather [spmem:s6], $0x1, s11, s12, $0xb8;
	[tilespmem:$0x1DB80] =	vst v63  }
0x32e: {  	s17 =	simm.s32 $0x10B60  }
0x32f: {  	[tilespmem:s17], [sflag:$0x1] =	stream.indirect.gather [spmem:s8], $0x1, s11, s12, $0xb8;
	[tilespmem:$0x1DB80] =	vst v63  }
0x330: {  	s2 =	simm.s32 $0xADE0;
	s11 =	simm.s32 $0x123E0  }
0x331: {  	[tilespmem:s11], [sflag:$0x1] =	stream.indirect.gather [spmem:s3], $0x1, s2, s12, $0xb8;
	[tilespmem:$0x1DB80] =	vst v63  }
0x332: {  	s13 =	simm.s32 $0x13C60  }
0x333: {  	[tilespmem:s13], [sflag:$0x1] =	stream.indirect.gather [spmem:s6], $0x1, s2, s12, $0xb8;
	[tilespmem:$0x1DB80] =	vst v63  }
0x334: {  	s17 =	simm.s32 $0x154E0  }
0x335: {  	[tilespmem:s17], [sflag:$0x1] =	stream.indirect.gather [spmem:s8], $0x1, s2, s12, $0xb8;
	[tilespmem:$0x1DB80] =	vst v63  }
0x336: {  	s11 =	simm.s32 $0x16D60;
	s2 =	simm.s32 $0xB160  }
0x337: {  	[tilespmem:s11], [sflag:$0x1] =	stream.indirect.gather [spmem:s3], $0x1, s2, s12, $0xb8;
	[tilespmem:$0x1DB80] =	vst v63  }
0x338: {  	s13 =	simm.s32 $0x185E0  }
0x339: {  	[tilespmem:s13], [sflag:$0x1] =	stream.indirect.gather [spmem:s6], $0x1, s2, s12, $0xb8;
	[tilespmem:$0x1DB80] =	vst v63  }
0x33a: {  	s17 =	simm.s32 $0x19E60  }
0x33b: {  	[tilespmem:s17], [sflag:$0x1] =	stream.indirect.gather [spmem:s8], $0x1, s2, s12, $0xb8;
	[tilespmem:$0x1DB80] =	vst v63  }
0x33c: {  	s11 =	simm.s32 $0xDB40;
	s2 =	simm.s32 $0xAB40  }
0x33d: {  	[tilespmem:s11], [sflag:$0x1] =	stream.indirect.gather [spmem:s3], $0x1, s2, s12, $0xb8;
	[tilespmem:$0x1DB80] =	vst v63  }
0x33e: {  	s13 =	simm.s32 $0xF3C0  }
0x33f: {  	[tilespmem:s13], [sflag:$0x1] =	stream.indirect.gather [spmem:s6], $0x1, s2, s12, $0xb8;
	[tilespmem:$0x1DB80] =	vst v63  }
0x340: {  	s17 =	simm.s32 $0x10C40  }
0x341: {  	[tilespmem:s17], [sflag:$0x1] =	stream.indirect.gather [spmem:s8], $0x1, s2, s12, $0xb8;
	[tilespmem:$0x1DB80] =	vst v63  }
0x342: {  	s11 =	simm.s32 $0x124C0;
	s2 =	simm.s32 $0xAEC0  }
0x343: {  	[tilespmem:s11], [sflag:$0x1] =	stream.indirect.gather [spmem:s3], $0x1, s2, s12, $0xb8;
	[tilespmem:$0x1DB80] =	vst v63  }
0x344: {  	s13 =	simm.s32 $0x13D40  }
0x345: {  	[tilespmem:s13], [sflag:$0x1] =	stream.indirect.gather [spmem:s6], $0x1, s2, s12, $0xb8;
	[tilespmem:$0x1DB80] =	vst v63  }
0x346: {  	s17 =	simm.s32 $0x155C0  }
0x347: {  	[tilespmem:s17], [sflag:$0x1] =	stream.indirect.gather [spmem:s8], $0x1, s2, s12, $0xb8;
	[tilespmem:$0x1DB80] =	vst v63  }
0x348: {  	s11 =	simm.s32 $0x16E40;
	s2 =	simm.s32 $0xB240  }
0x349: {  	[tilespmem:s11], [sflag:$0x1] =	stream.indirect.gather [spmem:s3], $0x1, s2, s12, $0xb8;
	[tilespmem:$0x1DB80] =	vst v63  }
0x34a: {  	s13 =	simm.s32 $0x186C0  }
0x34b: {  	[tilespmem:s13], [sflag:$0x1] =	stream.indirect.gather [spmem:s6], $0x1, s2, s12, $0xb8;
	[tilespmem:$0x1DB80] =	vst v63  }
0x34c: {  	s17 =	simm.s32 $0x19F40  }
0x34d: {  	[tilespmem:s17], [sflag:$0x1] =	stream.indirect.gather [spmem:s8], $0x1, s2, s12, $0xb8;
	[tilespmem:$0x1DB80] =	vst v63  }
0x34e: {  	s11 =	simm.s32 $0xDC20;
	s2 =	simm.s32 $0xAC20  }
0x34f: {  	[tilespmem:s11], [sflag:$0x1] =	stream.indirect.gather [spmem:s3], $0x1, s2, s12, $0xb8;
	[tilespmem:$0x1DB80] =	vst v63  }
0x350: {  	s13 =	simm.s32 $0xF4A0  }
0x351: {  	[tilespmem:s13], [sflag:$0x1] =	stream.indirect.gather [spmem:s6], $0x1, s2, s12, $0xb8;
	[tilespmem:$0x1DB80] =	vst v63  }
0x352: {  	s17 =	simm.s32 $0x10D20  }
0x353: {  	[tilespmem:s17], [sflag:$0x1] =	stream.indirect.gather [spmem:s8], $0x1, s2, s12, $0xb8;
	[tilespmem:$0x1DB80] =	vst v63  }
0x354: {  	s11 =	simm.s32 $0x125A0;
	s2 =	simm.s32 $0xAFA0  }
0x355: {  	[tilespmem:s11], [sflag:$0x1] =	stream.indirect.gather [spmem:s3], $0x1, s2, s12, $0xb8;
	[tilespmem:$0x1DB80] =	vst v63  }
0x356: {  	s13 =	simm.s32 $0x13E20  }
0x357: {  	[tilespmem:s13], [sflag:$0x1] =	stream.indirect.gather [spmem:s6], $0x1, s2, s12, $0xb8;
	[tilespmem:$0x1DB80] =	vst v63  }
0x358: {  	s17 =	simm.s32 $0x156A0  }
0x359: {  	[tilespmem:s17], [sflag:$0x1] =	stream.indirect.gather [spmem:s8], $0x1, s2, s12, $0xb8;
	[tilespmem:$0x1DB80] =	vst v63  }
0x35a: {  	s11 =	simm.s32 $0x16F20;
	s2 =	simm.s32 $0xB320  }
0x35b: {  	[tilespmem:s11], [sflag:$0x1] =	stream.indirect.gather [spmem:s3], $0x1, s2, s12, $0xb8;
	[tilespmem:$0x1DB80] =	vst v63  }
0x35c: {  	s13 =	simm.s32 $0x187A0  }
0x35d: {  	[tilespmem:s13], [sflag:$0x1] =	stream.indirect.gather [spmem:s6], $0x1, s2, s12, $0xb8;
	[tilespmem:$0x1DB80] =	vst v63  }
0x35e: {  	s17 =	simm.s32 $0x1A020  }
0x35f: {  	[tilespmem:s17], [sflag:$0x1] =	stream.indirect.gather [spmem:s8], $0x1, s2, s12, $0xb8;
	[tilespmem:$0x1DB80] =	vst v63  }
0x360: {  	_ =	swait.ge [sflag:s28], $0x380  }
0x361: {  	[sflag:s28] =	ssyncset.done $0x0  }
0x362: {  	[sflag:s28] =	ssyncadd.s32 $0xFFFFFC80  }
0x363: {  	_ =	swait.ge [sflag:s28], $0x380  }
0x364: {  	[sflag:s28] =	ssyncset.done $0x0  }
0x365: {  	[sflag:s28] =	ssyncadd.s32 $0xFFFFFC80  }
0x366: {  	_ =	swait.ge [sflag:s28], $0x380  }
0x367: {  	[sflag:s28] =	ssyncset.done $0x0  }
0x368: {  	[sflag:s28] =	ssyncadd.s32 $0xFFFFFC80  }
0x369: {  	_ =	swait.ge [sflag:s28], $0x380  }
0x36a: {  	[sflag:s28] =	ssyncset.done $0x0  }
0x36b: {  	[sflag:s28] =	ssyncadd.s32 $0xFFFFFC80  }
0x36c: {  	_ =	swait.ge [sflag:s28], $0x380  }
0x36d: {  	[sflag:s28] =	ssyncset.done $0x0  }
0x36e: {  	[sflag:s28] =	ssyncadd.s32 $0xFFFFFC80  }
0x36f: {  	_ =	swait.ge [sflag:s28], $0x380  }
0x370: {  	[sflag:s28] =	ssyncset.done $0x0  }
0x371: {  	[sflag:s28] =	ssyncadd.s32 $0xFFFFFC80  }
0x372: {  	_ =	swait.ge [sflag:s28], $0x380  }
0x373: {  	[sflag:s28] =	ssyncset.done $0x0  }
0x374: {  	[sflag:s28] =	ssyncadd.s32 $0xFFFFFC80  }
0x375: {  	_ =	swait.ge [sflag:s28], $0x380  }
0x376: {  	[sflag:s28] =	ssyncset.done $0x0  }
0x377: {  	[sflag:s28] =	ssyncadd.s32 $0xFFFFFC80  }
0x378: {  	_ =	swait.ge [sflag:s28], $0x380  }
0x379: {  	[sflag:s28] =	ssyncset.done $0x0  }
0x37a: {  	s1 =	simm.s32 $0x0;
	[sflag:s28] =	ssyncadd.s32 $0xFFFFFC80  }
0x37b: {  	v0 =	vld [tilespmem:s1+$0x19DF0]  }
0x37c: {  	v1 =	vld [tilespmem:s1+$0x16CF0]  }
0x37d: {  	v2 =	vld [tilespmem:s1+$0x18570]  }
0x37e: {  	v3 =	vld [tilespmem:s1+$0xD9F0]  }
0x37f: {  	v18 =	vld [tilespmem:s1+$0xD980]  }
0x380: {  	v4 =	vld [tilespmem:s1+$0xF270]  }
0x381: {  	v5 =	vld [tilespmem:s1+$0x12370]  }
0x382: {  	v6 =	vld [tilespmem:s1+$0x13BF0]  }
0x383: {  	v7 =	vld [tilespmem:s1+$0x10AF0]  }
0x384: {  	v8 =	vld [tilespmem:s1+$0x15470];
	[tilespmem:$0x1FCF0] =	vst v18  }
0x385: {  	v20 =	vld [tilespmem:s1+$0xF200];
	_ =	sdelay $0x4  }
0x386: {  	[tilespmem:$0x1FD10] =	vst v20  }
0x387: {  	v21 =	vld [tilespmem:s1+$0x12300];
	_ =	sdelay $0x4  }
0x388: {  	[tilespmem:$0x1FD00] =	vst v21  }
0x389: {  	v22 =	vld [tilespmem:s1+$0x13B80];
	_ =	sdelay $0x4  }
0x38a: {  	[tilespmem:$0x1FD20] =	vst v22  }
0x38b: {  	v24 =	vld [tilespmem:s1+$0xD990];
	_ =	sdelay $0x1  }
0x38c: {  	v9 =	vmul.f32 v1, v1;
	v10 =	vmul.f32 v2, v2  }
0x38d: {  	v11 =	vmul.f32 v3, v3;
	v12 =	vmul.f32 v4, v4  }
0x38e: {  	v13 =	vmul.f32 v5, v5;
	v14 =	vmul.f32 v6, v6  }
0x38f: {  	v15 =	vmul.f32 v7, v7;
	v9 =	vadd.f32 v10, v9;
	v10 =	vmul.f32 v0, v0;
	[tilespmem:$0x1FD30] =	vst v24  }
0x390: {  	v11 =	vadd.f32 v12, v11;
	v12 =	vadd.f32 v14, v13;
	v13 =	vmul.f32 v8, v8;
	v23 =	vld [tilespmem:s1+$0xF210]  }
0x391: {  	v9 =	vadd.f32 v10, v9  }
0x392: {  	v10 =	vadd.f32 v15, v11;
	v11 =	vadd.f32 v13, v12;
	_ =	sdelay $0x1  }
0x393: {  	v9 =	vmax.f32 v9, $9.999999960e-13;
	v10 =	vmax.f32 v10, $9.999999960e-13;
	v11 =	vmax.f32 v11, $9.999999960e-13  }
0x394: {  	v12 =	vshrl.u32 v9, $0x1;
	v13 =	vshrl.u32 v10, $0x1;
	v9 =	vmul.f32 $5.000000000e-01, v9;
	[tilespmem:$0x1FD50] =	vst v23  }
0x395: {  	v10 =	vmul.f32 $5.000000000e-01, v10;
	v14 =	vshrl.u32 v11, $0x1;
	v12 =	vsub.s32 $0x5F3759DF, v12;
	v26 =	vld [tilespmem:s1+$0x12310]  }
0x396: {  	v11 =	vmul.f32 $5.000000000e-01, v11;
	v13 =	vsub.s32 $0x5F3759DF, v13;
	v15 =	vmul.f32 v12, v9  }
0x397: {  	v14 =	vsub.s32 $0x5F3759DF, v14;
	v16 =	vmul.f32 v13, v10  }
0x398: {  	v17 =	vmul.f32 v14, v11;
	v15 =	vmul.f32 v12, v15  }
0x399: {  	v16 =	vmul.f32 v13, v16  }
0x39a: {  	v17 =	vmul.f32 v14, v17;
	v15 =	vsub.f32 $1.500000000e+00, v15;
	[tilespmem:$0x1FD40] =	vst v26  }
0x39b: {  	v16 =	vsub.f32 $1.500000000e+00, v16;
	v25 =	vld [tilespmem:s1+$0x13B90]  }
0x39c: {  	v17 =	vsub.f32 $1.500000000e+00, v17;
	v12 =	vmul.f32 v12, v15  }
0x39d: {  	v13 =	vmul.f32 v13, v16  }
0x39e: {  	v14 =	vmul.f32 v14, v17;
	v15 =	vmul.f32 v12, v9  }
0x39f: {  	v16 =	vmul.f32 v13, v10  }
0x3a0: {  	v17 =	vmul.f32 v14, v11;
	v15 =	vmul.f32 v15, v12;
	[tilespmem:$0x1FD60] =	vst v25  }
0x3a1: {  	v16 =	vmul.f32 v16, v13;
	v27 =	vld [tilespmem:s1+$0xD9A0]  }
0x3a2: {  	v17 =	vmul.f32 v17, v14;
	v15 =	vsub.f32 $1.500000000e+00, v15  }
0x3a3: {  	v16 =	vsub.f32 $1.500000000e+00, v16  }
0x3a4: {  	v17 =	vsub.f32 $1.500000000e+00, v17;
	v12 =	vmul.f32 v15, v12;
	v15 =	vld [tilespmem:s1+$0x1CF70]  }
0x3a5: {  	v13 =	vmul.f32 v16, v13;
	v16 =	vld [tilespmem:s1+$0x1B670]  }
0x3a6: {  	v14 =	vmul.f32 v17, v14;
	v17 =	vld [tilespmem:s1+$0x1C2F0];
	[tilespmem:$0x1FD70] =	vst v27  }
0x3a7: {  	v19 =	vld [tilespmem:s1+$0xF220];
	_ =	sdelay $0x4  }
0x3a8: {  	[tilespmem:$0x1FD90] =	vst v19  }
0x3a9: {  	v11 =	vmul.f32 v14, v11;
	v28 =	vld [tilespmem:s1+$0x12320];
	_ =	sdelay $0x1  }
0x3aa: {  	v11 =	vmul.f32 v11, v14;
	_ =	sdelay $0x1  }
0x3ab: {  	v9 =	vmul.f32 v12, v9;
	v11 =	vsub.f32 $1.500000000e+00, v11  }
0x3ac: {  	[tilespmem:$0x1FD80] =	vst v28  }
0x3ad: {  	v9 =	vmul.f32 v9, v12;
	v11 =	vmul.f32 v11, v14;
	v14 =	vld [tilespmem:s1+$0x13BA0];
	_ =	sdelay $0x1  }
0x3ae: {  	v9 =	vsub.f32 $1.500000000e+00, v9;
	_ =	sdelay $0x1  }
0x3af: {  	v10 =	vmul.f32 v13, v10;
	v9 =	vmul.f32 v9, v12  }
0x3b0: {  	[tilespmem:$0x1FDA0] =	vst v14  }
0x3b1: {  	v10 =	vmul.f32 v10, v13;
	v9 =	vmul.f32 v9, v15;
	v15 =	vld [tilespmem:s1+$0xD9B0];
	_ =	sdelay $0x1  }
0x3b2: {  	v10 =	vsub.f32 $1.500000000e+00, v10;
	_ =	sdelay $0x1  }
0x3b3: {  	v10 =	vmul.f32 v10, v13  }
0x3b4: {  	[tilespmem:$0x1FDB0] =	vst v15  }
0x3b5: {  	v10 =	vmul.f32 v10, v16;
	v16 =	vld [tilespmem:s1+$0xF230];
	_ =	sdelay $0x4  }
0x3b6: {  	[tilespmem:$0x1FDD0] =	vst v16  }
0x3b7: {  	v11 =	vmul.f32 v11, v17;
	v17 =	vld [tilespmem:s1+$0x12330];
	_ =	sdelay $0x4  }
0x3b8: {  	[tilespmem:$0x1FDC0] =	vst v17  }
0x3b9: {  	v12 =	vmul.f32 v20, v20;
	v20 =	vld [tilespmem:s1+$0x13BB0];
	_ =	sdelay $0x4  }
0x3ba: {  	[tilespmem:$0x1FDE0] =	vst v20  }
0x3bb: {  	v13 =	vmul.f32 v21, v21;
	v21 =	vld [tilespmem:s1+$0xD9C0];
	_ =	sdelay $0x4  }
0x3bc: {  	[tilespmem:$0x1FDF0] =	vst v21  }
0x3bd: {  	v29 =	vld [tilespmem:s1+$0xF240];
	_ =	sdelay $0x3  }
0x3be: {  	v4 =	vmul.f32 v10, v4;
	v6 =	vmul.f32 v11, v6  }
0x3bf: {  	[tilespmem:$0x1FE10] =	vst v29  }
0x3c0: {  	v4 =	vadd.f32 v6, v4;
	v6 =	vmul.f32 v24, v24;
	v24 =	vld [tilespmem:s1+$0x12340];
	_ =	sdelay $0x3  }
0x3c1: {  	v3 =	vmul.f32 v10, v3;
	v5 =	vmul.f32 v11, v5  }
0x3c2: {  	[tilespmem:$0x1FE00] =	vst v24  }
0x3c3: {  	v3 =	vadd.f32 v5, v3;
	v5 =	vmul.f32 v22, v22;
	v22 =	vld [tilespmem:s1+$0x13BC0];
	_ =	sdelay $0x3  }
0x3c4: {  	v2 =	vmul.f32 v9, v2  }
0x3c5: {  	[tilespmem:$0x1FE20] =	vst v22  }
0x3c6: {  	v4 =	vadd.f32 v2, v4;
	v2 =	vmul.f32 v23, v23;
	v23 =	vld [tilespmem:s1+$0xD9D0];
	_ =	sdelay $0x1  }
0x3c7: {  	v7 =	vmul.f32 v10, v7;
	v8 =	vmul.f32 v11, v8  }
0x3c8: {  	v1 =	vmul.f32 v9, v1  }
0x3c9: {  	v18 =	vmul.f32 v18, v18;
	v0 =	vmul.f32 v9, v0;
	v7 =	vadd.f32 v8, v7  }
0x3ca: {  	v8 =	vadd.f32 v1, v3;
	[tilespmem:$0x1FE30] =	vst v23  }
0x3cb: {  	v1 =	vadd.f32 v12, v18;
	v10 =	vadd.f32 v0, v7;
	v18 =	vld [tilespmem:s1+$0xF250];
	_ =	sdelay $0x1  }
0x3cc: {  	[tilespmem:$0x1FFF0] =	vst v10  }
0x3cd: {  	[tilespmem:$0x1FCD0] =	vst v8  }
0x3ce: {  	[tilespmem:$0x1FCE0] =	vst v4  }
0x3cf: {  	[tilespmem:$0x1FE50] =	vst v18  }
0x3d0: {  	v7 =	vmul.f32 v25, v25;
	v25 =	vld [tilespmem:s1+$0x12350];
	_ =	sdelay $0x4  }
0x3d1: {  	[tilespmem:$0x1FE40] =	vst v25  }
0x3d2: {  	v9 =	vmul.f32 v19, v19;
	v19 =	vld [tilespmem:s1+$0x13BD0];
	_ =	sdelay $0x4  }
0x3d3: {  	[tilespmem:$0x1FE60] =	vst v19  }
0x3d4: {  	v3 =	vmul.f32 v26, v26;
	v26 =	vld [tilespmem:s1+$0xD9E0];
	_ =	sdelay $0x4  }
0x3d5: {  	[tilespmem:$0x1FE70] =	vst v26  }
0x3d6: {  	v0 =	vmul.f32 v8, v8;
	v8 =	vmul.f32 v27, v27;
	v27 =	vld [tilespmem:s1+$0xF260];
	_ =	sdelay $0x4  }
0x3d7: {  	[tilespmem:$0x1FE90] =	vst v27  }
0x3d8: {  	v30 =	vld [tilespmem:s1+$0x12360];
	_ =	sdelay $0x4  }
0x3d9: {  	[tilespmem:$0x1FE80] =	vst v30  }
0x3da: {  	v2 =	vadd.f32 v2, v6;
	v6 =	vmul.f32 v28, v28;
	v28 =	vld [tilespmem:s1+$0x13BE0];
	_ =	sdelay $0x1  }
0x3db: {  	v4 =	vmul.f32 v4, v4;
	_ =	sdelay $0x1  }
0x3dc: {  	v0 =	vadd.f32 v4, v0;
	v4 =	vmul.f32 v10, v10;
	v10 =	vmul.f32 v14, v14  }
0x3dd: {  	[tilespmem:$0x1FEA0] =	vst v28  }
0x3de: {  	v6 =	vadd.f32 v10, v6;
	v10 =	vmul.f32 v20, v20;
	v20 =	vld [tilespmem:s1+$0x10A80];
	_ =	sdelay $0x4  }
0x3df: {  	[tilespmem:$0x1FEC0] =	vst v20  }
0x3e0: {  	v11 =	vmul.f32 v21, v21;
	v21 =	vld [tilespmem:s1+$0x15400];
	_ =	sdelay $0x4  }
0x3e1: {  	[tilespmem:$0x1FEE0] =	vst v21  }
0x3e2: {  	v32 =	vld [tilespmem:s1+$0x16C80];
	_ =	sdelay $0x2  }
0x3e3: {  	v3 =	vadd.f32 v7, v3;
	v7 =	vmul.f32 v15, v15  }
0x3e4: {  	v0 =	vadd.f32 v0, v4;
	v4 =	vadd.f32 v9, v8;
	v8 =	vmul.f32 v16, v16  }
0x3e5: {  	[tilespmem:$0x1FEB0] =	vst v32  }
0x3e6: {  	v7 =	vadd.f32 v8, v7;
	v8 =	vmul.f32 v22, v22;
	v22 =	vld [tilespmem:s1+$0x10A90];
	_ =	sdelay $0x4  }
0x3e7: {  	[tilespmem:$0x1FF00] =	vst v22  }
0x3e8: {  	v14 =	vmul.f32 v24, v24;
	v24 =	vld [tilespmem:s1+$0x15410];
	_ =	sdelay $0x3  }
0x3e9: {  	v9 =	vmul.f32 v17, v17  }
0x3ea: {  	[tilespmem:$0x1FF20] =	vst v24  }
0x3eb: {  	v9 =	vadd.f32 v10, v9;
	v10 =	vmul.f32 v23, v23;
	v23 =	vld [tilespmem:s1+$0x10AA0];
	_ =	sdelay $0x4  }
0x3ec: {  	[tilespmem:$0x1FF40] =	vst v23  }
0x3ed: {  	v8 =	vadd.f32 v8, v14;
	v14 =	vmul.f32 v25, v25;
	v25 =	vld [tilespmem:s1+$0x15420];
	_ =	sdelay $0x3  }
0x3ee: {  	v16 =	vmul.f32 v18, v18  }
0x3ef: {  	[tilespmem:$0x1FF50] =	vst v25  }
0x3f0: {  	v10 =	vadd.f32 v16, v10;
	v16 =	vmul.f32 v26, v26;
	v26 =	vld [tilespmem:s1+$0x10AB0];
	_ =	sdelay $0x4  }
0x3f1: {  	[tilespmem:$0x1FF60] =	vst v26  }
0x3f2: {  	v17 =	vmul.f32 v27, v27;
	v27 =	vld [tilespmem:s1+$0x15430];
	_ =	sdelay $0x4  }
0x3f3: {  	[tilespmem:$0x1FF70] =	vst v27  }
0x3f4: {  	v18 =	vmul.f32 v28, v28;
	v28 =	vld [tilespmem:s1+$0x10AC0];
	_ =	sdelay $0x4  }
0x3f5: {  	[tilespmem:$0x1FF80] =	vst v28  }
0x3f6: {  	v33 =	vld [tilespmem:s1+$0x18500];
	_ =	sdelay $0x1  }
0x3f7: {  	v0 =	vmax.f32 v0, $9.999999960e-13  }
0x3f8: {  	v12 =	vshrl.u32 v0, $0x1  }
0x3f9: {  	v0 =	vmul.f32 $5.000000000e-01, v0;
	v16 =	vadd.f32 v17, v16;
	v17 =	vmul.f32 v20, v20  }
0x3fa: {  	v5 =	vadd.f32 v5, v13;
	v13 =	vmul.f32 v29, v29;
	v12 =	vsub.s32 $0x5F3759DF, v12;
	[tilespmem:$0x1FED0] =	vst v33  }
0x3fb: {  	v15 =	vmul.f32 v12, v0;
	v1 =	vadd.f32 v17, v1;
	v17 =	vmul.f32 v24, v24;
	v24 =	vld [tilespmem:s1+$0x16C90];
	_ =	sdelay $0x1  }
0x3fc: {  	v11 =	vadd.f32 v13, v11;
	v13 =	vmul.f32 v12, v15;
	_ =	sdelay $0x1  }
0x3fd: {  	v13 =	vsub.f32 $1.500000000e+00, v13  }
0x3fe: {  	[tilespmem:$0x1FEF0] =	vst v24  }
0x3ff: {  	v12 =	vmul.f32 v12, v13;
	v13 =	vmul.f32 v21, v21;
	v21 =	vld [tilespmem:s1+$0x15440];
	_ =	sdelay $0x1  }
0x400: {  	v15 =	vmul.f32 v19, v19;
	_ =	sdelay $0x1  }
0x401: {  	v14 =	vadd.f32 v15, v14;
	v15 =	vmul.f32 v30, v30  }
0x402: {  	[tilespmem:$0x1FF90] =	vst v21  }
0x403: {  	v15 =	vadd.f32 v18, v15;
	v18 =	vmul.f32 v22, v22;
	v22 =	vld [tilespmem:s1+$0x10AD0];
	_ =	sdelay $0x3  }
0x404: {  	v20 =	vmul.f32 v23, v23  }
0x405: {  	[tilespmem:$0x1FFA0] =	vst v22  }
0x406: {  	v4 =	vadd.f32 v20, v4;
	v20 =	vld [tilespmem:s1+$0x15450];
	_ =	sdelay $0x3  }
0x407: {  	v2 =	vadd.f32 v18, v2;
	v18 =	vmul.f32 v26, v26  }
0x408: {  	[tilespmem:$0x1FFB0] =	vst v20  }
0x409: {  	v19 =	vmul.f32 v12, v0;
	v29 =	vadd.f32 v18, v7;
	v18 =	vld [tilespmem:s1+$0x10AE0]  }
0x40a: {  	v5 =	vadd.f32 v13, v5  }
0x40b: {  	v3 =	vadd.f32 v17, v3;
	v17 =	vmul.f32 v19, v12;
	v13 =	vmul.f32 v25, v25;
	_ =	sdelay $0x1  }
0x40c: {  	v6 =	vadd.f32 v13, v6;
	v13 =	vsub.f32 $1.500000000e+00, v17;
	v17 =	vmul.f32 v28, v28  }
0x40d: {  	[tilespmem:$0x1FFC0] =	vst v18  }
0x40e: {  	v11 =	vadd.f32 v17, v11;
	v17 =	vld [tilespmem:s1+$0x15460];
	_ =	sdelay $0x3  }
0x40f: {  	v19 =	vmul.f32 v27, v27  }
0x410: {  	v1 =	vmax.f32 v1, $9.999999960e-13;
	v7 =	vmul.f32 v13, v12;
	[tilespmem:$0x1FFD0] =	vst v17  }
0x411: {  	v46 =	vmul.f32 $5.000000000e-01, v1;
	v2 =	vmax.f32 v2, $9.999999960e-13;
	v28 =	vadd.f32 v19, v9;
	v19 =	vld [tilespmem:s1+$0x18510]  }
0x412: {  	v45 =	vmul.f32 $5.000000000e-01, v2;
	v0 =	vmul.f32 v7, v0  }
0x413: {  	v3 =	vmax.f32 v3, $9.999999960e-13;
	v9 =	vshrl.u32 v1, $0x1;
	v1 =	vmul.f32 v21, v21  }
0x414: {  	v44 =	vmul.f32 $5.000000000e-01, v3;
	v0 =	vmul.f32 v0, v7;
	v9 =	vsub.s32 $0x5F3759DF, v9  }
0x415: {  	v13 =	vmul.f32 v9, v46;
	v1 =	vadd.f32 v1, v8;
	v8 =	vmul.f32 v20, v20  }
0x416: {  	v4 =	vmax.f32 v4, $9.999999960e-13;
	v0 =	vsub.f32 $1.500000000e+00, v0;
	v12 =	vmul.f32 v22, v22;
	[tilespmem:$0x1FF10] =	vst v19  }
0x417: {  	v43 =	vmul.f32 $5.000000000e-01, v4;
	v31 =	vadd.f32 v8, v14;
	v8 =	vmul.f32 v9, v13;
	v21 =	vld [tilespmem:s1+$0x16CA0]  }
0x418: {  	v0 =	vmul.f32 v0, v7;
	v10 =	vadd.f32 v12, v10;
	v12 =	vmul.f32 v18, v18  }
0x419: {  	v1 =	vmax.f32 v1, $9.999999960e-13;
	v8 =	vsub.f32 $1.500000000e+00, v8;
	v13 =	vmul.f32 v17, v17  }
0x41a: {  	v30 =	vadd.f32 v12, v16;
	v16 =	vmul.f32 v32, v32;
	v17 =	vmul.f32 v33, v33  }
0x41b: {  	v39 =	vmul.f32 $5.000000000e-01, v1;
	v32 =	vmul.f32 v9, v8;
	v60 =	vadd.f32 v13, v15  }
0x41c: {  	v15 =	vmul.f32 v24, v24;
	v16 =	vadd.f32 v17, v16;
	v18 =	vmul.f32 v19, v19;
	[tilespmem:$0x1FF30] =	vst v21  }
0x41d: {  	v17 =	vmul.f32 v21, v21;
	v49 =	vld [tilespmem:s1+$0x18520];
	[tilespmem:$0x1FFE0] =	vst v0;
	v0 =	vmax.f32 v5, $9.999999960e-13;
	v5 =	vmax.f32 v6, $9.999999960e-13  }
0x41e: {  	v6 =	vshrl.u32 v0, $0x1;
	v41 =	vmul.f32 $5.000000000e-01, v0;
	v48 =	vld [tilespmem:s1+$0x16CB0];
	v0 =	vshrl.u32 v2, $0x1  }
0x41f: {  	v50 =	vld [tilespmem:s1+$0x18530];
	v2 =	vshrl.u32 v3, $0x1;
	v42 =	vmul.f32 $5.000000000e-01, v5;
	v3 =	vsub.s32 $0x5F3759DF, v6  }
0x420: {  	v51 =	vld [tilespmem:s1+$0x18540];
	v0 =	vsub.s32 $0x5F3759DF, v0;
	v6 =	vshrl.u32 v4, $0x1;
	v2 =	vsub.s32 $0x5F3759DF, v2  }
0x421: {  	v56 =	vld [tilespmem:s1+$0x18560];
	v7 =	vmul.f32 v3, v41;
	v8 =	vmul.f32 v0, v45;
	v9 =	vsub.s32 $0x5F3759DF, v6  }
0x422: {  	v52 =	vld [tilespmem:s1+$0x16CC0];
	v22 =	vmul.f32 v2, v44;
	v24 =	vmul.f32 v9, v43  }
0x423: {  	v4 =	vshrl.u32 v5, $0x1;
	v21 =	vmul.f32 v49, v49;
	v5 =	vmul.f32 v3, v7  }
0x424: {  	v15 =	vadd.f32 v18, v15;
	v54 =	vld [tilespmem:s1+$0x16CD0];
	v7 =	vmul.f32 v0, v8;
	v6 =	vmul.f32 v48, v48  }
0x425: {  	v55 =	vld [tilespmem:s1+$0x16CE0];
	v4 =	vsub.s32 $0x5F3759DF, v4;
	v8 =	vmul.f32 v50, v50;
	v23 =	vmul.f32 v51, v51  }
0x426: {  	v53 =	vld [tilespmem:s1+$0x18550];
	v25 =	vmul.f32 v56, v56;
	v12 =	vadd.f32 v21, v17;
	v5 =	vsub.f32 $1.500000000e+00, v5  }
0x427: {  	v21 =	vmul.f32 v52, v52;
	v63 =	vadd.f32 v8, v6;
	v6 =	vmul.f32 v2, v22  }
0x428: {  	v7 =	vsub.f32 $1.500000000e+00, v7;
	v22 =	vmul.f32 v4, v42;
	v26 =	vmul.f32 v3, v5  }
0x429: {  	v47 =	vld [tilespmem:s1+$0x19DC0];
	v27 =	vadd.f32 v23, v21;
	v3 =	vmul.f32 v9, v24;
	v21 =	vmul.f32 v54, v54  }
0x42a: {  	v24 =	vmul.f32 v55, v55;
	v19 =	vmul.f32 v0, v7;
	v0 =	vmax.f32 v29, $9.999999960e-13  }
0x42b: {  	v5 =	vmul.f32 v4, v22;
	v6 =	vsub.f32 $1.500000000e+00, v6;
	v22 =	vmul.f32 v53, v53  }
0x42c: {  	v34 =	vmul.f32 $5.000000000e-01, v0;
	v3 =	vsub.f32 $1.500000000e+00, v3;
	v38 =	vadd.f32 v25, v24  }
0x42d: {  	v23 =	vsub.f32 $1.500000000e+00, v5;
	v61 =	vadd.f32 v22, v21;
	v22 =	vmul.f32 v2, v6  }
0x42e: {  	v57 =	vld [tilespmem:s1+$0x19D80];
	v2 =	vmax.f32 v28, $9.999999960e-13;
	v6 =	vmul.f32 v47, v47;
	v20 =	vmul.f32 v9, v3  }
0x42f: {  	v58 =	vld [tilespmem:s1+$0x19D90];
	v3 =	vmax.f32 v11, $9.999999960e-13;
	v33 =	vmul.f32 $5.000000000e-01, v2;
	v24 =	vmul.f32 v4, v23  }
0x430: {  	v4 =	vmax.f32 v10, $9.999999960e-13;
	v10 =	vshrl.u32 v0, $0x1;
	v0 =	vshrl.u32 v2, $0x1  }
0x431: {  	v2 =	vshrl.u32 v3, $0x1;
	v40 =	vmul.f32 $5.000000000e-01, v3;
	v3 =	vsub.s32 $0x5F3759DF, v10  }
0x432: {  	v10 =	vshrl.u32 v1, $0x1;
	v11 =	vshrl.u32 v4, $0x1;
	v36 =	vmul.f32 $5.000000000e-01, v4  }
0x433: {  	v0 =	vsub.s32 $0x5F3759DF, v0;
	v21 =	vsub.s32 $0x5F3759DF, v2;
	v2 =	vmul.f32 v57, v57  }
0x434: {  	v4 =	vmul.f32 v58, v58;
	v1 =	vmul.f32 v3, v34;
	v10 =	vsub.s32 $0x5F3759DF, v10  }
0x435: {  	v59 =	vld [tilespmem:s1+$0x19DA0];
	v23 =	vmul.f32 v0, v33;
	v11 =	vsub.s32 $0x5F3759DF, v11;
	v62 =	vmul.f32 v21, v40  }
0x436: {  	v15 =	vadd.f32 v4, v15;
	v5 =	vmul.f32 v3, v1;
	v1 =	vmul.f32 v10, v39  }
0x437: {  	v16 =	vadd.f32 v2, v16;
	v2 =	vmul.f32 v0, v23;
	v23 =	vmul.f32 v11, v36  }
0x438: {  	v4 =	vmul.f32 v21, v62;
	v15 =	vmax.f32 v15, $9.999999960e-13;
	v1 =	vmul.f32 v10, v1  }
0x439: {  	v23 =	vmul.f32 v11, v23;
	v5 =	vsub.f32 $1.500000000e+00, v5;
	v37 =	vsub.f32 $1.500000000e+00, v2  }
0x43a: {  	v2 =	vsub.f32 $1.500000000e+00, v4;
	v4 =	vsub.f32 $1.500000000e+00, v1;
	v1 =	vmul.f32 v59, v59  }
0x43b: {  	v13 =	vmul.f32 v3, v5;
	v18 =	vmul.f32 v0, v37;
	v3 =	vsub.f32 $1.500000000e+00, v23  }
0x43c: {  	v37 =	vmul.f32 $5.000000000e-01, v15;
	v23 =	vadd.f32 v1, v12;
	v12 =	vmul.f32 v21, v2  }
0x43d: {  	v14 =	vmul.f32 v10, v4;
	v17 =	vmul.f32 v11, v3  }
0x43e: {  	v2 =	vmax.f32 v31, $9.999999960e-13;
	v4 =	vmax.f32 v30, $9.999999960e-13;
	v10 =	vmax.f32 v60, $9.999999960e-13  }
0x43f: {  	v60 =	vld [tilespmem:s1+$0x19DB0];
	v11 =	vshrl.u32 v2, $0x1;
	v30 =	vmul.f32 $5.000000000e-01, v2;
	v21 =	vshrl.u32 v4, $0x1  }
0x440: {  	v28 =	vmul.f32 $5.000000000e-01, v4;
	v4 =	vshrl.u32 v10, $0x1;
	v25 =	vmul.f32 $5.000000000e-01, v10  }
0x441: {  	v10 =	vsub.s32 $0x5F3759DF, v11;
	v11 =	vmax.f32 v16, $9.999999960e-13;
	v0 =	vsub.s32 $0x5F3759DF, v21  }
0x442: {  	v4 =	vsub.s32 $0x5F3759DF, v4;
	v62 =	vmul.f32 v10, v30;
	v1 =	vshrl.u32 v11, $0x1  }
0x443: {  	v35 =	vmul.f32 $5.000000000e-01, v11;
	v11 =	vshrl.u32 v15, $0x1;
	v3 =	vmul.f32 v0, v28  }
0x444: {  	v5 =	vmul.f32 v4, v25;
	v1 =	vsub.s32 $0x5F3759DF, v1;
	v2 =	vmul.f32 v60, v60  }
0x445: {  	v11 =	vsub.s32 $0x5F3759DF, v11;
	v15 =	vmul.f32 v10, v62;
	v3 =	vmul.f32 v0, v3  }
0x446: {  	v62 =	vld [tilespmem:s1+$0x19DD0];
	v5 =	vmul.f32 v4, v5;
	v7 =	vadd.f32 v2, v63;
	v63 =	vmul.f32 v1, v35  }
0x447: {  	v6 =	vadd.f32 v6, v27;
	v2 =	vmul.f32 v11, v37;
	v15 =	vsub.f32 $1.500000000e+00, v15  }
0x448: {  	v3 =	vsub.f32 $1.500000000e+00, v3;
	v5 =	vsub.f32 $1.500000000e+00, v5;
	v27 =	vmul.f32 v1, v63  }
0x449: {  	v6 =	vmax.f32 v6, $9.999999960e-13;
	v2 =	vmul.f32 v11, v2;
	v15 =	vmul.f32 v10, v15  }
0x44a: {  	v8 =	vmul.f32 v0, v3;
	v9 =	vmul.f32 v4, v5;
	v0 =	vmax.f32 v23, $9.999999960e-13  }
0x44b: {  	v63 =	vmul.f32 v62, v62;
	v4 =	vshrl.u32 v0, $0x1;
	v31 =	vmul.f32 $5.000000000e-01, v0  }
0x44c: {  	v0 =	vshrl.u32 v6, $0x1;
	v10 =	vsub.f32 $1.500000000e+00, v27;
	v2 =	vsub.f32 $1.500000000e+00, v2  }
0x44d: {  	v21 =	vmul.f32 $5.000000000e-01, v6;
	v0 =	vsub.s32 $0x5F3759DF, v0  }
0x44e: {  	v27 =	vadd.f32 v63, v61;
	v63 =	vld [tilespmem:s1+$0x19DE0];
	v61 =	vmul.f32 v1, v10;
	v11 =	vmul.f32 v11, v2  }
0x44f: {  	v1 =	vmax.f32 v7, $9.999999960e-13;
	v10 =	vsub.s32 $0x5F3759DF, v4;
	v2 =	vmul.f32 v0, v21  }
0x450: {  	v7 =	vmax.f32 v27, $9.999999960e-13;
	v23 =	vshrl.u32 v1, $0x1;
	v27 =	vmul.f32 v10, v31  }
0x451: {  	v29 =	vmul.f32 $5.000000000e-01, v1;
	v6 =	vshrl.u32 v7, $0x1;
	v16 =	vmul.f32 $5.000000000e-01, v7  }
0x452: {  	v7 =	vsub.s32 $0x5F3759DF, v23;
	v2 =	vmul.f32 v0, v2;
	v23 =	vmul.f32 v10, v27  }
0x453: {  	v1 =	vmul.f32 v7, v29;
	v27 =	vmul.f32 v63, v63  }
0x454: {  	v6 =	vsub.s32 $0x5F3759DF, v6;
	v2 =	vsub.f32 $1.500000000e+00, v2;
	v23 =	vsub.f32 $1.500000000e+00, v23  }
0x455: {  	v1 =	vmul.f32 v7, v1;
	v27 =	vadd.f32 v27, v38;
	v38 =	vmul.f32 v6, v16  }
0x456: {  	v5 =	vmul.f32 v0, v2;
	v0 =	vmul.f32 v19, v45  }
0x457: {  	v23 =	vmul.f32 v10, v23;
	v1 =	vsub.f32 $1.500000000e+00, v1;
	v10 =	vmax.f32 v27, $9.999999960e-13  }
0x458: {  	v27 =	vmul.f32 v6, v38;
	v38 =	vshrl.u32 v10, $0x1;
	v10 =	vmul.f32 $5.000000000e-01, v10  }
0x459: {  	v4 =	vmul.f32 v7, v1;
	v1 =	vmul.f32 v22, v44  }
0x45a: {  	v7 =	vsub.s32 $0x5F3759DF, v38;
	v27 =	vsub.f32 $1.500000000e+00, v27;
	v38 =	vmul.f32 v26, v41  }
0x45b: {  	v2 =	vmul.f32 v7, v10;
	v1 =	vmul.f32 v1, v22  }
0x45c: {  	v6 =	vmul.f32 v6, v27;
	v27 =	vmul.f32 v32, v46  }
0x45d: {  	v38 =	vmul.f32 v38, v26;
	v3 =	vmul.f32 v7, v2  }
0x45e: {  	v2 =	vmul.f32 v0, v19;
	v0 =	vmul.f32 v20, v43;
	v1 =	vsub.f32 $1.500000000e+00, v1  }
0x45f: {  	v27 =	vmul.f32 v27, v32;
	v38 =	vsub.f32 $1.500000000e+00, v38  }
0x460: {  	v3 =	vsub.f32 $1.500000000e+00, v3;
	v0 =	vmul.f32 v0, v20;
	v1 =	vmul.f32 v1, v22  }
0x461: {  	v2 =	vsub.f32 $1.500000000e+00, v2;
	v22 =	vmul.f32 v18, v33;
	v26 =	vmul.f32 v38, v26  }
0x462: {  	v27 =	vsub.f32 $1.500000000e+00, v27;
	v38 =	vmul.f32 v17, v36;
	v3 =	vmul.f32 v7, v3  }
0x463: {  	v2 =	vmul.f32 v2, v19;
	v19 =	vmul.f32 v24, v42  }
0x464: {  	v0 =	vsub.f32 $1.500000000e+00, v0;
	v22 =	vmul.f32 v22, v18;
	v7 =	vmul.f32 v27, v32  }
0x465: {  	v27 =	vmul.f32 v12, v40;
	v32 =	vmul.f32 v14, v39  }
0x466: {  	v0 =	vmul.f32 v0, v20;
	v20 =	vmul.f32 v13, v34  }
0x467: {  	v38 =	vmul.f32 v38, v17;
	v19 =	vmul.f32 v19, v24  }
0x468: {  	v41 =	vmul.f32 v26, v41;
	v22 =	vsub.f32 $1.500000000e+00, v22;
	v20 =	vmul.f32 v20, v13  }
0x469: {  	v27 =	vmul.f32 v27, v12;
	v32 =	vmul.f32 v32, v14;
	v19 =	vsub.f32 $1.500000000e+00, v19  }
0x46a: {  	v18 =	vmul.f32 v22, v18;
	v22 =	vsub.f32 $1.500000000e+00, v38;
	v20 =	vsub.f32 $1.500000000e+00, v20  }
0x46b: {  	v46 =	vmul.f32 v7, v46;
	v19 =	vmul.f32 v19, v24  }
0x46c: {  	v17 =	vmul.f32 v22, v17;
	v13 =	vmul.f32 v20, v13;
	v20 =	vsub.f32 $1.500000000e+00, v32  }
0x46d: {  	v27 =	vsub.f32 $1.500000000e+00, v27;
	v22 =	vmul.f32 v8, v28;
	v24 =	vmul.f32 v9, v25  }
0x46e: {  	v14 =	vmul.f32 v20, v14;
	v20 =	vmul.f32 v15, v30  }
0x46f: {  	v12 =	vmul.f32 v27, v12;
	v27 =	vmul.f32 v61, v35  }
0x470: {  	v22 =	vmul.f32 v22, v8;
	v20 =	vmul.f32 v20, v15  }
0x471: {  	v24 =	vmul.f32 v24, v9;
	v32 =	vmul.f32 v11, v37  }
0x472: {  	v38 =	vmul.f32 v23, v31;
	v27 =	vmul.f32 v27, v61;
	v20 =	vsub.f32 $1.500000000e+00, v20  }
0x473: {  	v32 =	vmul.f32 v32, v11;
	v22 =	vsub.f32 $1.500000000e+00, v22;
	v24 =	vsub.f32 $1.500000000e+00, v24  }
0x474: {  	v15 =	vmul.f32 v20, v15;
	v20 =	vsub.f32 $1.500000000e+00, v27;
	v27 =	vmul.f32 v38, v23  }
0x475: {  	v8 =	vmul.f32 v22, v8;
	v9 =	vmul.f32 v24, v9;
	v22 =	vsub.f32 $1.500000000e+00, v32  }
0x476: {  	v32 =	vmul.f32 v46, v7;
	v24 =	vsub.f32 $1.500000000e+00, v27;
	v27 =	vmul.f32 v4, v29  }
0x477: {  	v20 =	vmul.f32 v20, v61;
	v61 =	vmul.f32 v3, v10  }
0x478: {  	v23 =	vmul.f32 v24, v23;
	v24 =	vmul.f32 v27, v4  }
0x479: {  	v11 =	vmul.f32 v22, v11;
	v22 =	vmul.f32 v5, v21  }
0x47a: {  	v33 =	vmul.f32 v18, v33;
	v38 =	vmul.f32 v61, v3;
	v24 =	vsub.f32 $1.500000000e+00, v24  }
0x47b: {  	v41 =	vmul.f32 v41, v26;
	v32 =	vsub.f32 $1.500000000e+00, v32;
	v22 =	vmul.f32 v22, v5  }
0x47c: {  	v33 =	vmul.f32 v33, v18;
	v4 =	vmul.f32 v24, v4;
	v24 =	vsub.f32 $1.500000000e+00, v38  }
0x47d: {  	v28 =	vmul.f32 v8, v28;
	v7 =	vmul.f32 v32, v7;
	v22 =	vsub.f32 $1.500000000e+00, v22  }
0x47e: {  	v3 =	vmul.f32 v24, v3;
	v24 =	vmul.f32 v2, v45  }
0x47f: {  	v27 =	vmul.f32 v6, v16;
	v5 =	vmul.f32 v22, v5;
	v22 =	vsub.f32 $1.500000000e+00, v41  }
0x480: {  	v41 =	vmul.f32 v19, v42;
	v24 =	vmul.f32 v24, v2  }
0x481: {  	v27 =	vmul.f32 v27, v6;
	v22 =	vmul.f32 v22, v26  }
0x482: {  	v26 =	vmul.f32 v1, v44;
	v32 =	vmul.f32 v41, v19;
	v24 =	vsub.f32 $1.500000000e+00, v24  }
0x483: {  	v25 =	vmul.f32 v9, v25;
	v28 =	vmul.f32 v28, v8;
	v27 =	vsub.f32 $1.500000000e+00, v27  }
0x484: {  	v26 =	vmul.f32 v26, v1;
	v2 =	vmul.f32 v24, v2;
	v24 =	vsub.f32 $1.500000000e+00, v32  }
0x485: {  	v6 =	vmul.f32 v27, v6;
	v27 =	vmul.f32 v0, v43  }
0x486: {  	v19 =	vmul.f32 v24, v19;
	v24 =	vmul.f32 v12, v40  }
0x487: {  	v30 =	vmul.f32 v15, v30;
	v28 =	vsub.f32 $1.500000000e+00, v28;
	v27 =	vmul.f32 v27, v0  }
0x488: {  	v25 =	vmul.f32 v25, v9;
	v26 =	vsub.f32 $1.500000000e+00, v26;
	v24 =	vmul.f32 v24, v12  }
0x489: {  	v30 =	vmul.f32 v30, v15;
	v8 =	vmul.f32 v28, v8;
	v27 =	vsub.f32 $1.500000000e+00, v27  }
0x48a: {  	v28 =	vmul.f32 v20, v35;
	v1 =	vmul.f32 v26, v1;
	v24 =	vsub.f32 $1.500000000e+00, v24  }
0x48b: {  	v26 =	vsub.f32 $1.500000000e+00, v33;
	v0 =	vmul.f32 v27, v0;
	v27 =	vmul.f32 v14, v39  }
0x48c: {  	v44 =	vld [tilespmem:s1+$0x1C290];
	v43 =	vmul.f32 v17, v36;
	v12 =	vmul.f32 v24, v12;
	v24 =	vsub.f32 $1.500000000e+00, v30  }
0x48d: {  	v25 =	vsub.f32 $1.500000000e+00, v25;
	v18 =	vmul.f32 v26, v18;
	v26 =	vld [tilespmem:s1+$0x1B600];
	v27 =	vmul.f32 v27, v14  }
0x48e: {  	v32 =	vmul.f32 v43, v17;
	v15 =	vmul.f32 v24, v15;
	v24 =	vld [tilespmem:s1+$0x1C2C0]  }
0x48f: {  	v9 =	vmul.f32 v25, v9;
	v25 =	vld [tilespmem:s1+$0x1B650];
	v27 =	vsub.f32 $1.500000000e+00, v27  }
0x490: {  	v28 =	vmul.f32 v28, v20;
	v43 =	vld [tilespmem:s1+$0x1B660];
	v32 =	vsub.f32 $1.500000000e+00, v32  }
0x491: {  	v1 =	vmul.f32 v1, v44;
	v44 =	vld [tilespmem:s1+$0x1C2E0];
	v14 =	vmul.f32 v27, v14  }
0x492: {  	v7 =	vmul.f32 v7, v26;
	v26 =	vld [tilespmem:s1+$0x1C2D0];
	v17 =	vmul.f32 v32, v17  }
0x493: {  	v14 =	vmul.f32 v14, v24;
	v24 =	vsub.f32 $1.500000000e+00, v28  }
0x494: {  	v27 =	vld [tilespmem:s1+$0x1B640];
	v17 =	vmul.f32 v17, v25  }
0x495: {  	v25 =	vmul.f32 v8, v43;
	v30 =	vld [tilespmem:s1+$0x1C2B0];
	v8 =	vmul.f32 v24, v20  }
0x496: {  	v20 =	vmul.f32 v9, v44;
	v9 =	vmul.f32 v11, v37  }
0x497: {  	v15 =	vmul.f32 v15, v26  }
0x498: {  	v26 =	vmul.f32 v4, v29;
	v9 =	vmul.f32 v9, v11  }
0x499: {  	v21 =	vmul.f32 v5, v21;
	v12 =	vmul.f32 v12, v27;
	v27 =	vld [tilespmem:s1+$0x1CF00]  }
0x49a: {  	v18 =	vmul.f32 v18, v30;
	v30 =	vld [tilespmem:s1+$0x1CF30];
	v26 =	vmul.f32 v26, v4;
	v9 =	vsub.f32 $1.500000000e+00, v9  }
0x49b: {  	v21 =	vmul.f32 v21, v5;
	v28 =	vld [tilespmem:s1+$0x1CF10]  }
0x49c: {  	v9 =	vmul.f32 v9, v11;
	v11 =	vsub.f32 $1.500000000e+00, v26;
	v26 =	vld [tilespmem:s1+$0x1CF40]  }
0x49d: {  	v21 =	vsub.f32 $1.500000000e+00, v21  }
0x49e: {  	v4 =	vmul.f32 v11, v4  }
0x49f: {  	v33 =	vld [tilespmem:s1+$0x1C280];
	v5 =	vmul.f32 v21, v5;
	v21 =	vmul.f32 v8, v27  }
0x4a0: {  	v27 =	vmul.f32 v9, v28;
	v28 =	vmul.f32 v4, v30;
	v4 =	vld [tilespmem:$0x1FCF0]  }
0x4a1: {  	v26 =	vmul.f32 v5, v26;
	v5 =	vld [tilespmem:$0x1FD00]  }
0x4a2: {  	v34 =	vmul.f32 v13, v34;
	_ =	sdelay $0x1  }
0x4a3: {  	v34 =	vmul.f32 v34, v13;
	v22 =	vmul.f32 v22, v33;
	_ =	sdelay $0x1  }
0x4a4: {  	v42 =	vsub.f32 $1.500000000e+00, v34;
	v34 =	vld [tilespmem:s1+$0x1B610];
	v4 =	vmul.f32 v7, v4;
	v5 =	vmul.f32 v22, v5  }
0x4a5: {  	v9 =	vld [tilespmem:$0x1FD40]  }
0x4a6: {  	v4 =	vadd.f32 v5, v4;
	v5 =	vld [tilespmem:$0x1FD30];
	_ =	sdelay $0x2  }
0x4a7: {  	v2 =	vmul.f32 v2, v34  }
0x4a8: {  	v46 =	vld [tilespmem:s1+$0x1C2A0];
	v24 =	vmul.f32 v23, v31  }
0x4a9: {  	v45 =	vld [tilespmem:s1+$0x1B620];
	v9 =	vmul.f32 v1, v9;
	v5 =	vmul.f32 v2, v5  }
0x4aa: {  	v11 =	vld [tilespmem:$0x1FD80]  }
0x4ab: {  	v24 =	vmul.f32 v24, v23;
	v9 =	vadd.f32 v9, v5;
	v5 =	vld [tilespmem:$0x1FD70];
	_ =	sdelay $0x1  }
0x4ac: {  	v29 =	vld [tilespmem:s1+$0x1CF20];
	v24 =	vsub.f32 $1.500000000e+00, v24  }
0x4ad: {  	v0 =	vmul.f32 v0, v45;
	v19 =	vmul.f32 v19, v46  }
0x4ae: {  	v23 =	vmul.f32 v24, v23  }
0x4af: {  	v11 =	vmul.f32 v19, v11;
	v5 =	vmul.f32 v0, v5  }
0x4b0: {  	v61 =	vld [tilespmem:s1+$0x1B630]  }
0x4b1: {  	v23 =	vmul.f32 v23, v29;
	v29 =	vadd.f32 v11, v5;
	v5 =	vld [tilespmem:$0x1FDB0]  }
0x4b2: {  	v11 =	vld [tilespmem:$0x1FDC0]  }
0x4b3: {  	v13 =	vmul.f32 v42, v13;
	_ =	sdelay $0x1  }
0x4b4: {  	v13 =	vmul.f32 v13, v61;
	_ =	sdelay $0x1  }
0x4b5: {  	v5 =	vmul.f32 v13, v5;
	v11 =	vmul.f32 v18, v11;
	_ =	sdelay $0x1  }
0x4b6: {  	v31 =	vadd.f32 v11, v5;
	v5 =	vld [tilespmem:$0x1FDF0]  }
0x4b7: {  	v11 =	vld [tilespmem:$0x1FE00];
	_ =	sdelay $0x4  }
0x4b8: {  	v5 =	vmul.f32 v12, v5;
	v11 =	vmul.f32 v14, v11;
	_ =	sdelay $0x1  }
0x4b9: {  	v61 =	vadd.f32 v11, v5;
	v5 =	vld [tilespmem:$0x1FE30]  }
0x4ba: {  	v11 =	vld [tilespmem:$0x1FE40];
	_ =	sdelay $0x4  }
0x4bb: {  	v5 =	vmul.f32 v17, v5;
	v11 =	vmul.f32 v15, v11;
	_ =	sdelay $0x1  }
0x4bc: {  	v42 =	vadd.f32 v11, v5;
	v5 =	vld [tilespmem:$0x1FE70]  }
0x4bd: {  	v11 =	vld [tilespmem:$0x1FE80];
	_ =	sdelay $0x1  }
0x4be: {  	v16 =	vmul.f32 v6, v16;
	v45 =	vld [tilespmem:$0x1FE20];
	_ =	sdelay $0x1  }
0x4bf: {  	v10 =	vmul.f32 v3, v10;
	v16 =	vmul.f32 v16, v6  }
0x4c0: {  	v24 =	vld [tilespmem:s1+$0x1CF50];
	v5 =	vmul.f32 v25, v5;
	v11 =	vmul.f32 v20, v11  }
0x4c1: {  	v10 =	vmul.f32 v10, v3;
	v16 =	vsub.f32 $1.500000000e+00, v16;
	v46 =	vld [tilespmem:s1+$0x1CF60]  }
0x4c2: {  	v32 =	vmul.f32 v14, v45;
	v45 =	vadd.f32 v11, v5;
	v5 =	vld [tilespmem:$0x1FEC0]  }
0x4c3: {  	v10 =	vsub.f32 $1.500000000e+00, v10;
	v6 =	vmul.f32 v16, v6  }
0x4c4: {  	v8 =	vld [tilespmem:$0x1FD20]  }
0x4c5: {  	v3 =	vmul.f32 v10, v3;
	v24 =	vmul.f32 v6, v24;
	v6 =	vld [tilespmem:$0x1FD10];
	_ =	sdelay $0x1  }
0x4c6: {  	v33 =	vmul.f32 v3, v46;
	v46 =	vmul.f32 v7, v5;
	v5 =	vld [tilespmem:$0x1FED0];
	_ =	sdelay $0x2  }
0x4c7: {  	v8 =	vmul.f32 v22, v8;
	v6 =	vmul.f32 v7, v6  }
0x4c8: {  	v3 =	vld [tilespmem:$0x1FEB0]  }
0x4c9: {  	v6 =	vadd.f32 v8, v6;
	v5 =	vmul.f32 v21, v5  }
0x4ca: {  	v8 =	vld [tilespmem:$0x1FD50]  }
0x4cb: {  	v5 =	vadd.f32 v5, v6;
	v6 =	vld [tilespmem:$0x1FF00]  }
0x4cc: {  	v10 =	vld [tilespmem:$0x1FD60]  }
0x4cd: {  	v3 =	vmul.f32 v21, v3;
	_ =	sdelay $0x1  }
0x4ce: {  	v3 =	vadd.f32 v3, v4;
	v4 =	vld [tilespmem:$0x1FEE0]  }
0x4cf: {  	v8 =	vmul.f32 v2, v8;
	v2 =	vmul.f32 v2, v6;
	v6 =	vld [tilespmem:$0x1FF10]  }
0x4d0: {  	v10 =	vmul.f32 v1, v10  }
0x4d1: {  	v16 =	vld [tilespmem:$0x1FDA0]  }
0x4d2: {  	v8 =	vadd.f32 v10, v8;
	v10 =	vld [tilespmem:$0x1FD90];
	_ =	sdelay $0x1  }
0x4d3: {  	v22 =	vmul.f32 v22, v4;
	v4 =	vld [tilespmem:$0x1FEF0];
	v6 =	vmul.f32 v27, v6  }
0x4d4: {  	v7 =	vld [tilespmem:$0x1FF20]  }
0x4d5: {  	v11 =	vadd.f32 v6, v8;
	v6 =	vld [tilespmem:$0x1FF40]  }
0x4d6: {  	v16 =	vmul.f32 v19, v16;
	v10 =	vmul.f32 v0, v10  }
0x4d7: {  	v30 =	vld [tilespmem:$0x1FDE0]  }
0x4d8: {  	v10 =	vadd.f32 v16, v10;
	v16 =	vld [tilespmem:$0x1FDD0]  }
0x4d9: {  	v4 =	vmul.f32 v27, v4;
	v1 =	vmul.f32 v1, v7;
	v7 =	vld [tilespmem:$0x1FF30]  }
0x4da: {  	v8 =	vld [tilespmem:$0x1FF50];
	v0 =	vmul.f32 v0, v6;
	v6 =	vmul.f32 v23, v49;
	_ =	sdelay $0x1  }
0x4db: {  	v4 =	vadd.f32 v4, v9;
	v9 =	vadd.f32 v6, v10;
	v6 =	vld [tilespmem:$0x1FF60]  }
0x4dc: {  	v30 =	vmul.f32 v18, v30  }
0x4dd: {  	v16 =	vmul.f32 v13, v16;
	v7 =	vmul.f32 v23, v7  }
0x4de: {  	v19 =	vmul.f32 v19, v8;
	v8 =	vmul.f32 v28, v48  }
0x4df: {  	v16 =	vadd.f32 v30, v16;
	v7 =	vadd.f32 v7, v29  }
0x4e0: {  	v10 =	vmul.f32 v28, v50;
	v29 =	vmul.f32 v13, v6;
	v6 =	vadd.f32 v8, v31;
	v8 =	vld [tilespmem:$0x1FF70];
	_ =	sdelay $0x1  }
0x4e1: {  	v13 =	vadd.f32 v10, v16;
	v10 =	vld [tilespmem:$0x1FF80];
	_ =	sdelay $0x2  }
0x4e2: {  	v18 =	vmul.f32 v18, v8;
	v8 =	vmul.f32 v26, v52  }
0x4e3: {  	v30 =	vld [tilespmem:$0x1FE10]  }
0x4e4: {  	v31 =	vmul.f32 v12, v10;
	v10 =	vadd.f32 v8, v61;
	v8 =	vld [tilespmem:$0x1FF90]  }
0x4e5: {  	v41 =	vld [tilespmem:$0x1FE60]  }
0x4e6: {  	v40 =	vld [tilespmem:$0x1FE50];
	_ =	sdelay $0x1  }
0x4e7: {  	v43 =	vld [tilespmem:$0x1FE90]  }
0x4e8: {  	v30 =	vmul.f32 v12, v30;
	v52 =	vmul.f32 v14, v8;
	v14 =	vld [tilespmem:$0x1FFA0]  }
0x4e9: {  	v44 =	vld [tilespmem:$0x1FEA0]  }
0x4ea: {  	v35 =	vmul.f32 v15, v41;
	v30 =	vadd.f32 v32, v30;
	v32 =	vmul.f32 v17, v40;
	v16 =	vld [tilespmem:$0x1FFB0]  }
0x4eb: {  	v12 =	vmul.f32 v26, v51  }
0x4ec: {  	v32 =	vadd.f32 v35, v32  }
0x4ed: {  	v12 =	vadd.f32 v12, v30;
	v30 =	vmul.f32 v17, v14;
	v14 =	vmul.f32 v24, v53  }
0x4ee: {  	v37 =	vmul.f32 v20, v44;
	v35 =	vmul.f32 v25, v43;
	v1 =	vadd.f32 v1, v2  }
0x4ef: {  	v2 =	vmul.f32 v27, v58;
	v15 =	vmul.f32 v15, v16;
	v16 =	vadd.f32 v14, v32;
	v14 =	vld [tilespmem:$0x1FFC0]  }
0x4f0: {  	v35 =	vadd.f32 v37, v35  }
0x4f1: {  	v21 =	vmul.f32 v21, v57;
	v0 =	vadd.f32 v19, v0;
	v19 =	vadd.f32 v2, v1  }
0x4f2: {  	v22 =	vadd.f32 v22, v46;
	v36 =	vmul.f32 v9, v9;
	v17 =	vmul.f32 v33, v55  }
0x4f3: {  	v38 =	vmul.f32 v19, v19;
	v27 =	vadd.f32 v18, v29;
	v18 =	vmul.f32 v23, v59  }
0x4f4: {  	v8 =	vmul.f32 v24, v54;
	v25 =	vmul.f32 v25, v14;
	v14 =	vadd.f32 v17, v45;
	v17 =	vld [tilespmem:$0x1FFD0]  }
0x4f5: {  	v37 =	vmul.f32 v13, v13;
	v26 =	vmul.f32 v26, v47;
	v23 =	vadd.f32 v52, v31  }
0x4f6: {  	v61 =	vmul.f32 v33, v56;
	v18 =	vadd.f32 v18, v0;
	v8 =	vadd.f32 v8, v42  }
0x4f7: {  	v2 =	vadd.f32 v26, v23;
	v23 =	vmul.f32 v10, v10;
	v26 =	vmul.f32 v12, v12  }
0x4f8: {  	v31 =	vmul.f32 v11, v11;
	v29 =	vadd.f32 v15, v30;
	v15 =	vmul.f32 v28, v60  }
0x4f9: {  	v23 =	vadd.f32 v26, v23;
	v28 =	vmul.f32 v5, v5;
	v20 =	vmul.f32 v20, v17  }
0x4fa: {  	v30 =	vmul.f32 v4, v4;
	v15 =	vadd.f32 v15, v27;
	v27 =	vmul.f32 v6, v6  }
0x4fb: {  	v25 =	vadd.f32 v20, v25;
	v20 =	vadd.f32 v21, v22;
	v21 =	vmul.f32 v24, v62  }
0x4fc: {  	v30 =	vadd.f32 v31, v30;
	v17 =	vadd.f32 v61, v35;
	v22 =	vmul.f32 v33, v63  }
0x4fd: {  	v24 =	vmul.f32 v3, v3;
	v63 =	vmul.f32 v7, v7;
	v1 =	vadd.f32 v21, v29  }
0x4fe: {  	v21 =	vmul.f32 v8, v8;
	v29 =	vmul.f32 v16, v16;
	v0 =	vadd.f32 v22, v25  }
0x4ff: {  	v22 =	vadd.f32 v28, v24;
	v24 =	vmul.f32 v14, v14;
	v25 =	vmul.f32 v17, v17  }
0x500: {  	v27 =	vadd.f32 v37, v27;
	v28 =	vmul.f32 v20, v20;
	v31 =	vadd.f32 v36, v63  }
0x501: {  	v26 =	vmul.f32 v18, v18;
	v21 =	vadd.f32 v29, v21;
	v24 =	vadd.f32 v25, v24  }
0x502: {  	v22 =	vadd.f32 v22, v28;
	v25 =	vmul.f32 v15, v15;
	v28 =	vmul.f32 v2, v2  }
0x503: {  	v29 =	vadd.f32 v30, v38;
	v30 =	vmul.f32 v1, v1;
	v39 =	vmul.f32 v0, v0  }
0x504: {  	v26 =	vadd.f32 v31, v26;
	v22 =	vmax.f32 v22, $9.999999960e-13;
	v25 =	vadd.f32 v27, v25  }
0x505: {  	v27 =	vmax.f32 v29, $9.999999960e-13;
	v23 =	vadd.f32 v23, v28;
	v21 =	vadd.f32 v21, v30  }
0x506: {  	v26 =	vmax.f32 v26, $9.999999960e-13;
	v24 =	vadd.f32 v24, v39;
	v28 =	vshrl.u32 v22, $0x1  }
0x507: {  	v22 =	vmul.f32 $5.000000000e-01, v22;
	v29 =	vshrl.u32 v27, $0x1;
	v27 =	vmul.f32 $5.000000000e-01, v27  }
0x508: {  	v30 =	vshrl.u32 v26, $0x1;
	v31 =	vmul.f32 $5.000000000e-01, v26;
	v25 =	vmax.f32 v25, $9.999999960e-13  }
0x509: {  	v23 =	vmax.f32 v23, $9.999999960e-13;
	v21 =	vmax.f32 v21, $9.999999960e-13;
	v24 =	vmax.f32 v24, $9.999999960e-13  }
0x50a: {  	v28 =	vsub.s32 $0x5F3759DF, v28;
	v29 =	vsub.s32 $0x5F3759DF, v29;
	v30 =	vsub.s32 $0x5F3759DF, v30  }
0x50b: {  	v26 =	vshrl.u32 v25, $0x1;
	v25 =	vmul.f32 $5.000000000e-01, v25;
	v40 =	vshrl.u32 v23, $0x1  }
0x50c: {  	v23 =	vmul.f32 $5.000000000e-01, v23;
	v41 =	vshrl.u32 v21, $0x1;
	v21 =	vmul.f32 $5.000000000e-01, v21  }
0x50d: {  	v42 =	vshrl.u32 v24, $0x1;
	v43 =	vmul.f32 v28, v22;
	v24 =	vmul.f32 $5.000000000e-01, v24  }
0x50e: {  	v44 =	vmul.f32 v29, v27;
	v45 =	vmul.f32 v30, v31;
	v26 =	vsub.s32 $0x5F3759DF, v26  }
0x50f: {  	v32 =	vsub.s32 $0x5F3759DF, v40;
	v33 =	vsub.s32 $0x5F3759DF, v41;
	v35 =	vmul.f32 v28, v43  }
0x510: {  	v34 =	vsub.s32 $0x5F3759DF, v42;
	v46 =	vmul.f32 v26, v25;
	v36 =	vmul.f32 v29, v44  }
0x511: {  	v47 =	vmul.f32 v32, v23;
	v48 =	vmul.f32 v33, v21;
	v35 =	vsub.f32 $1.500000000e+00, v35  }
0x512: {  	v37 =	vmul.f32 v30, v45;
	v49 =	vmul.f32 v34, v24  }
0x513: {  	v36 =	vsub.f32 $1.500000000e+00, v36;
	v38 =	vmul.f32 v26, v46;
	v28 =	vmul.f32 v28, v35  }
0x514: {  	v50 =	vmul.f32 v32, v47;
	v37 =	vsub.f32 $1.500000000e+00, v37;
	v51 =	vmul.f32 v33, v48  }
0x515: {  	v29 =	vmul.f32 v29, v36;
	v38 =	vsub.f32 $1.500000000e+00, v38;
	v52 =	vmul.f32 v28, v22  }
0x516: {  	v35 =	vmul.f32 v34, v49;
	v36 =	vsub.f32 $1.500000000e+00, v50;
	v30 =	vmul.f32 v30, v37  }
0x517: {  	v39 =	vsub.f32 $1.500000000e+00, v51;
	v26 =	vmul.f32 v26, v38;
	v54 =	vmul.f32 v52, v28  }
0x518: {  	v53 =	vmul.f32 v29, v27;
	v35 =	vsub.f32 $1.500000000e+00, v35;
	v32 =	vmul.f32 v32, v36  }
0x519: {  	v33 =	vmul.f32 v33, v39;
	v56 =	vmul.f32 v30, v31;
	v36 =	vsub.f32 $1.500000000e+00, v54  }
0x51a: {  	v55 =	vmul.f32 v53, v29;
	v34 =	vmul.f32 v34, v35  }
0x51b: {  	v57 =	vmul.f32 v26, v25;
	v28 =	vmul.f32 v36, v28  }
0x51c: {  	v58 =	vmul.f32 v32, v23;
	v59 =	vmul.f32 v33, v21  }
0x51d: {  	v35 =	vmul.f32 v56, v30;
	v22 =	vmul.f32 v28, v22  }
0x51e: {  	v37 =	vsub.f32 $1.500000000e+00, v55;
	v60 =	vmul.f32 v34, v24;
	v38 =	vmul.f32 v57, v26  }
0x51f: {  	v39 =	vmul.f32 v58, v32;
	v22 =	vmul.f32 v22, v28  }
0x520: {  	v35 =	vsub.f32 $1.500000000e+00, v35;
	v29 =	vmul.f32 v37, v29;
	v38 =	vsub.f32 $1.500000000e+00, v38  }
0x521: {  	v36 =	vmul.f32 v59, v33;
	v37 =	vmul.f32 v60, v34;
	v22 =	vsub.f32 $1.500000000e+00, v22  }
0x522: {  	v30 =	vmul.f32 v35, v30;
	v63 =	vmul.f32 v38, v26  }
0x523: {  	v62 =	vsub.f32 $1.500000000e+00, v37;
	v26 =	vmul.f32 v22, v28;
	v22 =	vmul.f32 v29, v27  }
0x524: {  	v39 =	vsub.f32 $1.500000000e+00, v39;
	v27 =	vmul.f32 v30, v31  }
0x525: {  	v61 =	vsub.f32 $1.500000000e+00, v36;
	v34 =	vmul.f32 v62, v34;
	v22 =	vmul.f32 v22, v29  }
0x526: {  	v25 =	vmul.f32 v63, v25;
	v27 =	vmul.f32 v27, v30  }
0x527: {  	v32 =	vmul.f32 v39, v32;
	v33 =	vmul.f32 v61, v33;
	v22 =	vsub.f32 $1.500000000e+00, v22  }
0x528: {  	v24 =	vmul.f32 v34, v24;
	v25 =	vmul.f32 v25, v63;
	v28 =	vsub.f32 $1.500000000e+00, v27  }
0x529: {  	v23 =	vmul.f32 v32, v23;
	v27 =	vmul.f32 v22, v29  }
0x52a: {  	v22 =	vmul.f32 v24, v34;
	v24 =	vsub.f32 $1.500000000e+00, v25;
	v25 =	vmul.f32 v28, v30;
	v30 =	vld [tilespmem:$0x1FFE0]  }
0x52b: {  	v21 =	vmul.f32 v33, v21;
	v28 =	vld [tilespmem:$0x1FFF0]  }
0x52c: {  	v23 =	vmul.f32 v23, v32  }
0x52d: {  	v21 =	vmul.f32 v21, v33  }
0x52e: {  	v23 =	vsub.f32 $1.500000000e+00, v23  }
0x52f: {  	v21 =	vsub.f32 $1.500000000e+00, v21  }
0x530: {  	v23 =	vmul.f32 v23, v32;
	v29 =	vsub.f32 $1.500000000e+00, v22;
	v28 =	vmul.f32 v30, v28  }
0x531: {  	v24 =	vmul.f32 v24, v63;
	v22 =	vmul.f32 v21, v33  }
0x532: {  	s0 =	simm.s32 $0x200;
	s13 =	simm.s32 $0x0;
	v21 =	vmul.f32 v29, v34;
	[tilespmem:s1+$0x10AF0] =	vst v28;
	v28 =	vmul.f32 v26, v3  }
.LBB3_13:
0x533: {  	v29 =	vmul.f32 v26, v5  }
0x534: {  	v20 =	vmul.f32 v26, v20;
	[tilespmem:s1+$0xD980] =	vst v28  }
0x535: {  	s2 =	sshra.s32 s0, $0x2;
	v26 =	vmul.f32 v27, v4;
	[tilespmem:s1+$0xF200] =	vst v29  }
0x536: {  	v11 =	vmul.f32 v27, v11;
	v3 =	vld [tilespmem:s2+$0x19DF0];
	[tilespmem:s1+$0x10A80] =	vst v20  }
0x537: {  	v19 =	vmul.f32 v27, v19;
	v5 =	vld [tilespmem:s2+$0x16CF0];
	[tilespmem:s1+$0xD990] =	vst v26  }
0x538: {  	v27 =	vmul.f32 v25, v7;
	v4 =	vld [tilespmem:s2+$0x18570];
	[tilespmem:s1+$0xF210] =	vst v11  }
0x539: {  	v18 =	vmul.f32 v25, v18;
	v7 =	vld [tilespmem:s2+$0xD9F0];
	v13 =	vmul.f32 v24, v13;
	[tilespmem:s1+$0x10A90] =	vst v19  }
0x53a: {  	v20 =	vmul.f32 v25, v9;
	v25 =	vmul.f32 v24, v6;
	v6 =	vld [tilespmem:s2+$0xF270];
	[tilespmem:s1+$0xD9A0] =	vst v27  }
0x53b: {  	v10 =	vmul.f32 v23, v10;
	v12 =	vmul.f32 v23, v12;
	v9 =	vld [tilespmem:s2+$0x12370];
	[tilespmem:s1+$0x10AA0] =	vst v18  }
0x53c: {  	v11 =	vmul.f32 v24, v15;
	v15 =	vmul.f32 v23, v2;
	v2 =	vld [tilespmem:s2+$0x13BF0];
	[tilespmem:s1+$0xF230] =	vst v13  }
0x53d: {  	v16 =	vmul.f32 v22, v16;
	v19 =	vmul.f32 v22, v8;
	v8 =	vld [tilespmem:s2+$0x10AF0];
	[tilespmem:s1+$0xD9C0] =	vst v10  }
0x53e: {  	v26 =	vld [tilespmem:s2+$0xD980];
	[tilespmem:s1+$0xF240] =	vst v12  }
0x53f: {  	v14 =	vmul.f32 v21, v14;
	v17 =	vmul.f32 v21, v17;
	v27 =	vld [tilespmem:s2+$0x12300];
	[tilespmem:s1+$0xF250] =	vst v16  }
0x540: {  	v0 =	vmul.f32 v21, v0;
	[tilespmem:s1+$0xF220] =	vst v20;
	v20 =	vmul.f32 v22, v1;
	v1 =	vld [tilespmem:s2+$0x15470]  }
0x541: {  	v16 =	vld [tilespmem:$0x1FCE0];
	[tilespmem:s1+$0xD9E0] =	vst v14;
	v18 =	vmul.f32 v5, v5;
	v21 =	vmul.f32 v4, v4  }
0x542: {  	[tilespmem:s1+$0x10AC0] =	vst v15;
	v15 =	vld [tilespmem:$0x1FCD0];
	v22 =	vmul.f32 v7, v7;
	v23 =	vmul.f32 v6, v6  }
0x543: {  	[tilespmem:s1+$0xD9B0] =	vst v25;
	v25 =	vld [tilespmem:s2+$0xF200];
	v13 =	vmul.f32 v9, v9;
	v24 =	vmul.f32 v2, v2  }
0x544: {  	v28 =	vld [tilespmem:s2+$0x13B80];
	[tilespmem:s1+$0x10AB0] =	vst v11;
	v11 =	vmul.f32 v8, v8;
	v18 =	vadd.f32 v21, v18;
	v21 =	vmul.f32 v3, v3  }
0x545: {  	v29 =	vld [tilespmem:s2+$0xD990];
	[tilespmem:s1+$0xF260] =	vst v17;
	v10 =	vadd.f32 v23, v22;
	v13 =	vadd.f32 v24, v13;
	v22 =	vmul.f32 v1, v1  }
0x546: {  	[tilespmem:s1+$0x10AE0] =	vst v0;
	v31 =	vld [tilespmem:s2+$0x12320];
	v12 =	vmul.f32 v26, v26;
	v16 =	vmul.f32 v30, v16;
	v18 =	vadd.f32 v21, v18  }
0x547: {  	[tilespmem:s1+$0xD9D0] =	vst v19;
	v32 =	vld [tilespmem:s2+$0x13BA0];
	v15 =	vmul.f32 v30, v15;
	v10 =	vadd.f32 v11, v10;
	v11 =	vadd.f32 v22, v13  }
0x548: {  	v33 =	vld [tilespmem:s2+$0xD9B0];
	[tilespmem:s1+$0x10AD0] =	vst v20;
	v21 =	vmul.f32 v25, v25;
	v13 =	vmul.f32 v27, v27;
	v18 =	vmax.f32 v18, $9.999999960e-13  }
0x549: {  	[tilespmem:$0x1F880] =	vst v26;
	v26 =	vld [tilespmem:s2+$0x13B90];
	v10 =	vmax.f32 v10, $9.999999960e-13;
	v11 =	vmax.f32 v11, $9.999999960e-13;
	v19 =	vshrl.u32 v18, $0x1  }
0x54a: {  	[tilespmem:$0x1F890] =	vst v27;
	v24 =	vld [tilespmem:s2+$0xF210];
	v18 =	vmul.f32 $5.000000000e-01, v18;
	v20 =	vshrl.u32 v10, $0x1;
	v22 =	vmul.f32 $5.000000000e-01, v10  }
0x54b: {  	[tilespmem:$0x1F8A0] =	vst v25;
	v25 =	vld [tilespmem:s2+$0x12310];
	v10 =	vshrl.u32 v11, $0x1;
	v23 =	vmul.f32 $5.000000000e-01, v11;
	v11 =	vsub.s32 $0x5F3759DF, v19  }
0x54c: {  	[tilespmem:$0x1F8B0] =	vst v28;
	v30 =	vld [tilespmem:s2+$0xF220];
	v14 =	vsub.s32 $0x5F3759DF, v20;
	v17 =	vsub.s32 $0x5F3759DF, v10;
	v10 =	vmul.f32 v11, v18  }
0x54d: {  	[tilespmem:s1+$0xF270] =	vst v16;
	v27 =	vld [tilespmem:s2+$0xD9A0];
	v0 =	vadd.f32 v21, v12;
	v12 =	vmul.f32 v14, v22;
	v19 =	vmul.f32 v17, v23  }
0x54e: {  	[tilespmem:s1+$0xD9F0] =	vst v15;
	v15 =	vmul.f32 v28, v28;
	v28 =	vld [tilespmem:s2+$0xF230];
	s1 =	smov.u32 s2;
	v10 =	vmul.f32 v11, v10  }
0x54f: {  	v34 =	vld [tilespmem:s1+$0x12330];
	v12 =	vmul.f32 v14, v12;
	v16 =	vmul.f32 v17, v19  }
0x550: {  	v35 =	vld [tilespmem:s1+$0xD9C0];
	[tilespmem:$0x1F8E0] =	vst v24;
	v20 =	vmul.f32 v24, v24;
	v24 =	vmul.f32 v25, v25;
	v21 =	vsub.f32 $1.500000000e+00, v10  }
0x551: {  	v36 =	vld [tilespmem:s1+$0xF240];
	[tilespmem:$0x1F8D0] =	vst v25;
	v25 =	vmul.f32 v32, v32;
	v12 =	vsub.f32 $1.500000000e+00, v12;
	v16 =	vsub.f32 $1.500000000e+00, v16  }
0x552: {  	v37 =	vld [tilespmem:s1+$0x12340];
	v19 =	vmul.f32 v29, v29;
	v21 =	vmul.f32 v11, v21  }
0x553: {  	v38 =	vld [tilespmem:s1+$0x13BC0];
	v14 =	vmul.f32 v14, v12;
	v16 =	vmul.f32 v17, v16  }
0x554: {  	v39 =	vld [tilespmem:s1+$0xD9D0];
	v10 =	vadd.f32 v15, v13;
	v13 =	vmul.f32 v26, v26;
	v15 =	vmul.f32 v21, v18  }
0x555: {  	v40 =	vld [tilespmem:s1+$0x12350];
	v11 =	vadd.f32 v20, v19;
	v17 =	vmul.f32 v14, v22;
	v19 =	vmul.f32 v16, v23  }
0x556: {  	v46 =	vld [tilespmem:s1+$0x13BD0];
	v20 =	vmul.f32 v30, v30;
	v15 =	vmul.f32 v15, v21  }
0x557: {  	v47 =	vld [tilespmem:s1+$0xD9E0];
	v12 =	vadd.f32 v13, v24;
	v17 =	vmul.f32 v17, v14;
	v19 =	vmul.f32 v19, v16  }
0x558: {  	v41 =	vld [tilespmem:s1+$0xF260];
	[tilespmem:$0x1F8F0] =	vst v26;
	v13 =	vmul.f32 v27, v27;
	v24 =	vmul.f32 v31, v31;
	v26 =	vsub.f32 $1.500000000e+00, v15  }
0x559: {  	v42 =	vld [tilespmem:s1+$0x12360];
	[tilespmem:$0x1F900] =	vst v27;
	v27 =	vmul.f32 v33, v33;
	v17 =	vsub.f32 $1.500000000e+00, v17;
	v19 =	vsub.f32 $1.500000000e+00, v19  }
0x55a: {  	v43 =	vld [tilespmem:s1+$0x13BE0];
	v15 =	vadd.f32 v20, v13;
	v20 =	vmul.f32 v28, v28;
	v21 =	vmul.f32 v26, v21  }
0x55b: {  	[tilespmem:$0x1F8C0] =	vst v29;
	v29 =	vld [tilespmem:s1+$0x13BB0];
	v13 =	vadd.f32 v25, v24;
	v24 =	vmul.f32 v17, v14;
	v19 =	vmul.f32 v19, v16  }
0x55c: {  	v48 =	vld [tilespmem:s1+$0x15400];
	v26 =	vmul.f32 v35, v35;
	v17 =	vmul.f32 v21, v18  }
0x55d: {  	v49 =	vld [tilespmem:s1+$0x16C80];
	v14 =	vadd.f32 v20, v27;
	v18 =	vmul.f32 v24, v22;
	v20 =	vmul.f32 v19, v23  }
0x55e: {  	[tilespmem:$0x1F920] =	vst v30;
	v30 =	vld [tilespmem:s1+$0xF250];
	v16 =	vmul.f32 v34, v34;
	v17 =	vmul.f32 v17, v21  }
0x55f: {  	v23 =	vld [tilespmem:s1+$0x1CF70];
	v18 =	vmul.f32 v18, v24;
	v20 =	vmul.f32 v20, v19  }
0x560: {  	[tilespmem:$0x1F960] =	vst v28;
	v25 =	vld [tilespmem:s1+$0x1B670];
	v27 =	vmul.f32 v36, v36;
	v22 =	vmul.f32 v29, v29;
	v17 =	vsub.f32 $1.500000000e+00, v17  }
0x561: {  	[tilespmem:$0x1F970] =	vst v29;
	v28 =	vld [tilespmem:s1+$0x1C2F0];
	v29 =	vmul.f32 v37, v37;
	v18 =	vsub.f32 $1.500000000e+00, v18;
	v20 =	vsub.f32 $1.500000000e+00, v20  }
0x562: {  	v50 =	vld [tilespmem:s1+$0x18500];
	v16 =	vadd.f32 v22, v16;
	v22 =	vmul.f32 v38, v38;
	v21 =	vmul.f32 v17, v21  }
0x563: {  	v51 =	vld [tilespmem:s1+$0x16CA0];
	v24 =	vmul.f32 v18, v24;
	v19 =	vmul.f32 v20, v19  }
0x564: {  	v52 =	vld [tilespmem:s1+$0x18520];
	v20 =	vmul.f32 v39, v39;
	v21 =	vmul.f32 v21, v23  }
0x565: {  	v58 =	vld [tilespmem:s1+$0x18540];
	v18 =	vadd.f32 v22, v29;
	v23 =	vmul.f32 v30, v30;
	v22 =	vmul.f32 v24, v25  }
0x566: {  	[tilespmem:$0x1F910] =	vst v31;
	v29 =	vld [tilespmem:s1+$0x18510];
	v19 =	vmul.f32 v19, v28;
	v5 =	vmul.f32 v21, v5  }
0x567: {  	v54 =	vld [tilespmem:s1+$0x16CB0];
	[tilespmem:$0x1F9C0] =	vst v39;
	v4 =	vmul.f32 v21, v4;
	v7 =	vmul.f32 v22, v7  }
0x568: {  	[tilespmem:$0x1FAE0] =	vst v48;
	v24 =	vld [tilespmem:s1+$0x10AA0];
	v9 =	vmul.f32 v19, v9;
	v6 =	vmul.f32 v22, v6  }
0x569: {  	[tilespmem:$0x1FAA0] =	vst v49;
	v25 =	vld [tilespmem:s1+$0x15420];
	v2 =	vmul.f32 v19, v2;
	v8 =	vmul.f32 v22, v8  }
0x56a: {  	v53 =	vld [tilespmem:s1+$0x15430];
	[tilespmem:$0x1FAC0] =	vst v50;
	v17 =	vadd.f32 v27, v26;
	v1 =	vmul.f32 v19, v1;
	v19 =	vmul.f32 v49, v49  }
0x56b: {  	v55 =	vld [tilespmem:s1+$0x18530];
	[tilespmem:$0x1FB30] =	vst v51;
	v20 =	vadd.f32 v23, v20;
	v49 =	vmul.f32 v58, v58;
	v22 =	vmul.f32 v29, v29  }
0x56c: {  	v26 =	vld [tilespmem:s1+$0x10A90];
	[tilespmem:$0x1FB00] =	vst v29;
	v29 =	vmul.f32 v54, v54;
	v7 =	vadd.f32 v9, v7;
	v2 =	vadd.f32 v2, v6  }
0x56d: {  	v59 =	vld [tilespmem:s1+$0x10AD0];
	[tilespmem:$0x1FB40] =	vst v52;
	v6 =	vmul.f32 v40, v40;
	v9 =	vmul.f32 v46, v46;
	v1 =	vadd.f32 v1, v8  }
0x56e: {  	v56 =	vld [tilespmem:s1+$0x15440];
	[tilespmem:$0x1FB50] =	vst v24;
	v23 =	vmul.f32 v24, v24;
	v24 =	vmul.f32 v25, v25;
	v8 =	vadd.f32 v5, v7  }
0x56f: {  	[tilespmem:$0x1FBA0] =	vst v53;
	v31 =	vld [tilespmem:s1+$0x10A80];
	v7 =	vadd.f32 v4, v2;
	v2 =	vmul.f32 v21, v3;
	v4 =	vmul.f32 v47, v47  }
0x570: {  	[tilespmem:$0x1F9E0] =	vst v30;
	v30 =	vld [tilespmem:s1+$0x10AB0];
	v3 =	vadd.f32 v9, v6;
	v5 =	vmul.f32 v41, v41;
	v9 =	vmul.f32 v48, v48  }
0x571: {  	v57 =	vld [tilespmem:s1+$0x16CC0];
	[tilespmem:$0x1FB10] =	vst v26;
	v21 =	vmul.f32 v26, v26;
	v26 =	vmul.f32 v51, v51;
	v13 =	vadd.f32 v24, v13  }
0x572: {  	v60 =	vld [tilespmem:s1+$0x15450];
	[tilespmem:$0x1FB70] =	vst v54;
	v24 =	vmul.f32 v59, v59;
	v1 =	vadd.f32 v2, v1;
	v2 =	vmul.f32 v8, v8  }
0x573: {  	v61 =	vld [tilespmem:s1+$0x16CD0];
	[tilespmem:$0x1FCD0] =	vst v8;
	v6 =	vmul.f32 v7, v7;
	v4 =	vadd.f32 v5, v4;
	v5 =	vmul.f32 v42, v42  }
0x574: {  	v28 =	vld [tilespmem:s1+$0x16C90];
	v15 =	vadd.f32 v23, v15;
	[tilespmem:$0x1FCE0] =	vst v7;
	v7 =	vmul.f32 v43, v43;
	v8 =	vmul.f32 v31, v31  }
0x575: {  	v62 =	vld [tilespmem:s1+$0x18550];
	[tilespmem:$0x1FB80] =	vst v55;
	v9 =	vadd.f32 v9, v10;
	v10 =	vmul.f32 v30, v30;
	v11 =	vadd.f32 v21, v11  }
0x576: {  	v44 =	vld [tilespmem:s1+$0x16CE0];
	[tilespmem:$0x1FB90] =	vst v30;
	v21 =	vmul.f32 v53, v53;
	v30 =	vmul.f32 v56, v56;
	v20 =	vadd.f32 v24, v20  }
0x577: {  	[tilespmem:$0x1FBE0] =	vst v56;
	v15 =	vmax.f32 v15, $9.999999960e-13;
	v13 =	vmax.f32 v13, $9.999999960e-13;
	v2 =	vadd.f32 v6, v2  }
0x578: {  	[tilespmem:$0x1FBB0] =	vst v57;
	v51 =	vld [tilespmem:s1+$0x19D80];
	v6 =	vmul.f32 v1, v1;
	v5 =	vadd.f32 v7, v5;
	v7 =	vmul.f32 v50, v50  }
0x579: {  	[tilespmem:$0x1FBC0] =	vst v58;
	v0 =	vadd.f32 v8, v0;
	v8 =	vmul.f32 v28, v28;
	v50 =	vld [tilespmem:s1+$0x18560];
	v10 =	vadd.f32 v10, v14  }
0x57a: {  	[tilespmem:$0x1FC10] =	vst v59;
	v27 =	vld [tilespmem:s1+$0x15410];
	v14 =	vmul.f32 v61, v61;
	v16 =	vadd.f32 v21, v16;
	v2 =	vadd.f32 v2, v6  }
0x57b: {  	[tilespmem:$0x1FC20] =	vst v60;
	v21 =	vmul.f32 v62, v62;
	v18 =	vadd.f32 v30, v18;
	v30 =	vmul.f32 v44, v44  }
0x57c: {  	v63 =	vld [tilespmem:s1+$0x10AE0];
	[tilespmem:$0x1FAD0] =	vst v31;
	v9 =	vmax.f32 v9, $9.999999960e-13;
	v11 =	vmax.f32 v11, $9.999999960e-13;
	v2 =	vmax.f32 v2, $9.999999960e-13  }
0x57d: {  	[tilespmem:$0x1FB60] =	vst v25;
	v31 =	vld [tilespmem:s1+$0x10AC0];
	v39 =	vmul.f32 v51, v51;
	v25 =	vshrl.u32 v2, $0x1;
	v2 =	vmul.f32 $5.000000000e-01, v2  }
0x57e: {  	[tilespmem:$0x1FBF0] =	vst v61;
	v48 =	vld [tilespmem:s1+$0x15460];
	v61 =	vmul.f32 $5.000000000e-01, v9;
	v58 =	vmul.f32 v50, v50;
	v25 =	vsub.s32 $0x5F3759DF, v25  }
0x57f: {  	[tilespmem:$0x1FAF0] =	vst v28;
	v53 =	vld [tilespmem:s1+$0x19D90];
	v20 =	vmax.f32 v20, $9.999999960e-13;
	v6 =	vmul.f32 v27, v27;
	v28 =	vmul.f32 v25, v2  }
0x580: {  	[tilespmem:$0x1FB20] =	vst v27;
	v27 =	vmul.f32 v52, v52;
	v14 =	vadd.f32 v21, v14;
	v21 =	vadd.f32 v58, v30;
	v30 =	vld [tilespmem:s1+$0x1B630]  }
0x581: {  	[tilespmem:$0x1FC00] =	vst v62;
	v54 =	vld [tilespmem:s1+$0x19DA0];
	v52 =	vmul.f32 v60, v60;
	v7 =	vadd.f32 v7, v19;
	v28 =	vmul.f32 v25, v28  }
0x582: {  	[tilespmem:$0x1FC50] =	vst v63;
	v59 =	vld [tilespmem:s1+$0x19DD0];
	v8 =	vadd.f32 v22, v8;
	v0 =	vmax.f32 v0, $9.999999960e-13;
	v23 =	vmul.f32 v31, v31  }
0x583: {  	v60 =	vmul.f32 $5.000000000e-01, v11;
	[tilespmem:$0x1FBD0] =	vst v31;
	v31 =	vmul.f32 v57, v57;
	v57 =	vld [tilespmem:s1+$0x19DC0];
	v28 =	vsub.f32 $1.500000000e+00, v28  }
0x584: {  	[tilespmem:$0x1FC70] =	vst v51;
	v22 =	vadd.f32 v27, v26;
	v27 =	vld [tilespmem:s1+$0x1B620];
	v17 =	vadd.f32 v23, v17;
	v23 =	vmul.f32 v48, v48  }
0x585: {  	v18 =	vmax.f32 v18, $9.999999960e-13;
	v19 =	vmul.f32 v53, v53;
	[tilespmem:$0x1F800] =	vst v30;
	v30 =	vld [tilespmem:s1+$0x1C2B0];
	v25 =	vmul.f32 v25, v28  }
0x586: {  	[tilespmem:$0x1FC80] =	vst v53;
	v62 =	vmul.f32 $5.000000000e-01, v0;
	v53 =	vmul.f32 $5.000000000e-01, v18;
	v5 =	vadd.f32 v23, v5;
	v23 =	vld [tilespmem:s1+$0x1B600]  }
0x587: {  	[tilespmem:$0x1FCC0] =	vst v59;
	v3 =	vadd.f32 v52, v3;
	v26 =	vld [tilespmem:s1+$0x1B610];
	v28 =	vmul.f32 v63, v63;
	v56 =	vmul.f32 v25, v2  }
0x588: {  	v6 =	vadd.f32 v6, v12;
	v12 =	vmul.f32 v55, v55;
	v52 =	vmul.f32 $5.000000000e-01, v20;
	[tilespmem:$0x1FC40] =	vst v50;
	v63 =	vld [tilespmem:s1+$0x19DE0]  }
0x589: {  	v3 =	vmax.f32 v3, $9.999999960e-13;
	[tilespmem:$0x1F7E0] =	vst v27;
	v4 =	vadd.f32 v28, v4;
	v28 =	vld [tilespmem:s1+$0x1C2A0];
	v24 =	vmul.f32 v56, v25  }
0x58a: {  	v16 =	vmax.f32 v16, $9.999999960e-13;
	v58 =	vmul.f32 $5.000000000e-01, v15;
	v51 =	vmul.f32 $5.000000000e-01, v3;
	[tilespmem:$0x1F810] =	vst v30;
	v30 =	vld [tilespmem:s1+$0x1B640]  }
0x58b: {  	v27 =	vmul.f32 v57, v57;
	v5 =	vmax.f32 v5, $9.999999960e-13;
	[tilespmem:$0x1F7A0] =	vst v23;
	v23 =	vsub.f32 $1.500000000e+00, v24;
	v24 =	vld [tilespmem:s1+$0x1C280]  }
0x58c: {  	v55 =	vld [tilespmem:s1+$0x19DB0];
	v12 =	vadd.f32 v12, v29;
	[tilespmem:$0x1FCB0] =	vst v57;
	v57 =	vmul.f32 $5.000000000e-01, v13;
	v50 =	vmul.f32 $5.000000000e-01, v5  }
0x58d: {  	[tilespmem:$0x1F7C0] =	vst v26;
	v4 =	vmax.f32 v4, $9.999999960e-13;
	v56 =	vmul.f32 $5.000000000e-01, v16;
	v23 =	vmul.f32 v23, v25;
	v25 =	vld [tilespmem:s1+$0x1C290]  }
0x58e: {  	v26 =	vadd.f32 v49, v31;
	v29 =	vmul.f32 v63, v63;
	v49 =	vmul.f32 $5.000000000e-01, v4;
	[tilespmem:$0x1F7F0] =	vst v28  }
0x58f: {  	v6 =	vmax.f32 v6, $9.999999960e-13;
	v28 =	vmul.f32 v59, v59;
	[tilespmem:$0x1F820] =	vst v30;
	v30 =	vld [tilespmem:s1+$0x1C2C0];
	v2 =	vmul.f32 v23, v2  }
0x590: {  	v17 =	vmax.f32 v17, $9.999999960e-13;
	v59 =	vmul.f32 $5.000000000e-01, v6;
	[tilespmem:$0x1F7B0] =	vst v24;
	v24 =	vmul.f32 v54, v54  }
0x591: {  	[tilespmem:$0x1FC90] =	vst v54;
	v10 =	vmax.f32 v10, $9.999999960e-13;
	v54 =	vmul.f32 $5.000000000e-01, v17;
	v2 =	vmul.f32 v2, v23  }
0x592: {  	[tilespmem:$0x1F7D0] =	vst v25;
	v25 =	vmul.f32 v55, v55;
	v24 =	vadd.f32 v24, v22;
	v22 =	vadd.f32 v28, v14  }
0x593: {  	[tilespmem:$0x1FCA0] =	vst v55;
	v14 =	vadd.f32 v29, v21;
	v55 =	vmul.f32 $5.000000000e-01, v10;
	v2 =	vsub.f32 $1.500000000e+00, v2  }
0x594: {  	[tilespmem:$0x1F830] =	vst v30;
	v30 =	vld [tilespmem:s1+$0x1B650];
	v25 =	vadd.f32 v25, v12;
	v12 =	vshrl.u32 v17, $0x1;
	v17 =	vshrl.u32 v4, $0x1  }
0x595: {  	v22 =	vmax.f32 v22, $9.999999960e-13;
	v31 =	vmul.f32 v2, v23;
	v2 =	vshrl.u32 v0, $0x1  }
0x596: {  	[tilespmem:$0x1F9A0] =	vst v36;
	v23 =	vadd.f32 v39, v7;
	v36 =	vsub.s32 $0x5F3759DF, v12;
	v39 =	vsub.s32 $0x5F3759DF, v17  }
0x597: {  	[tilespmem:$0x1FC60] =	vst v48;
	v17 =	vmax.f32 v24, $9.999999960e-13;
	v48 =	vmul.f32 $5.000000000e-01, v22;
	v28 =	vsub.s32 $0x5F3759DF, v2  }
0x598: {  	[tilespmem:$0x1F930] =	vst v32;
	v4 =	vshrl.u32 v17, $0x1;
	v45 =	vmul.f32 $5.000000000e-01, v17;
	v1 =	vmul.f32 v31, v1  }
0x599: {  	v24 =	vmul.f32 v28, v62;
	[tilespmem:$0x1F840] =	vst v30;
	v30 =	vadd.f32 v19, v8;
	v19 =	vadd.f32 v27, v26  }
0x59a: {  	[tilespmem:$0x1F940] =	vst v33;
	v8 =	vshrl.u32 v6, $0x1;
	v6 =	vshrl.u32 v15, $0x1;
	v15 =	vshrl.u32 v20, $0x1  }
0x59b: {  	[tilespmem:s1+$0x10AF0] =	vst v1;
	v1 =	vshrl.u32 v11, $0x1;
	v11 =	vshrl.u32 v10, $0x1;
	v10 =	vshrl.u32 v16, $0x1  }
0x59c: {  	[tilespmem:$0x1F950] =	vst v34;
	v16 =	vshrl.u32 v3, $0x1;
	v32 =	vsub.s32 $0x5F3759DF, v8;
	v33 =	vsub.s32 $0x5F3759DF, v6  }
0x59d: {  	[tilespmem:$0x1F9D0] =	vst v40;
	v40 =	vsub.s32 $0x5F3759DF, v15;
	v15 =	vmax.f32 v23, $9.999999960e-13;
	v23 =	vmax.f32 v14, $9.999999960e-13  }
0x59e: {  	[tilespmem:$0x1F990] =	vst v37;
	v8 =	vmul.f32 v39, v49;
	v29 =	vsub.s32 $0x5F3759DF, v1;
	v34 =	vsub.s32 $0x5F3759DF, v11  }
0x59f: {  	[tilespmem:$0x1FA10] =	vst v42;
	v37 =	vsub.s32 $0x5F3759DF, v10;
	v42 =	vsub.s32 $0x5F3759DF, v16;
	v16 =	vmax.f32 v30, $9.999999960e-13  }
0x5a0: {  	v19 =	vmax.f32 v19, $9.999999960e-13;
	v14 =	vshrl.u32 v15, $0x1;
	v10 =	vmul.f32 v32, v59  }
0x5a1: {  	[tilespmem:$0x1FA30] =	vst v43;
	v7 =	vld [tilespmem:s1+$0x1C2D0];
	v6 =	vmul.f32 v40, v52;
	v1 =	vshrl.u32 v22, $0x1;
	v43 =	vmul.f32 $5.000000000e-01, v15  }
0x5a2: {  	v22 =	vmul.f32 v28, v24;
	v30 =	vmul.f32 v29, v60;
	v21 =	vshrl.u32 v16, $0x1  }
0x5a3: {  	[tilespmem:$0x1FA00] =	vst v47;
	v20 =	vmul.f32 v37, v56;
	v2 =	vshrl.u32 v19, $0x1;
	v11 =	vmul.f32 v42, v51  }
0x5a4: {  	[tilespmem:$0x1FC30] =	vst v44;
	v27 =	vsub.s32 $0x5F3759DF, v14;
	v44 =	vmul.f32 $5.000000000e-01, v16;
	v47 =	vmul.f32 $5.000000000e-01, v19  }
0x5a5: {  	v19 =	vmul.f32 $5.000000000e-01, v23;
	v14 =	vsub.s32 $0x5F3759DF, v1;
	v8 =	vmul.f32 v39, v8  }
0x5a6: {  	[tilespmem:$0x1F850] =	vst v7;
	v7 =	vld [tilespmem:s1+$0x1B660];
	v21 =	vsub.s32 $0x5F3759DF, v21;
	v10 =	vmul.f32 v32, v10;
	v6 =	vmul.f32 v40, v6  }
0x5a7: {  	v0 =	vld [tilespmem:s1+$0x1C2E0];
	v17 =	vsub.s32 $0x5F3759DF, v2;
	v1 =	vmul.f32 v14, v48;
	v24 =	vmul.f32 v29, v30  }
0x5a8: {  	v22 =	vsub.f32 $1.500000000e+00, v22;
	v20 =	vmul.f32 v37, v20;
	v11 =	vmul.f32 v42, v11  }
0x5a9: {  	v30 =	vmul.f32 v21, v44;
	v2 =	vmul.f32 v17, v47;
	v8 =	vsub.f32 $1.500000000e+00, v8  }
0x5aa: {  	v10 =	vsub.f32 $1.500000000e+00, v10;
	v6 =	vsub.f32 $1.500000000e+00, v6;
	v1 =	vmul.f32 v14, v1  }
0x5ab: {  	v22 =	vmul.f32 v28, v22;
	[tilespmem:$0x1F860] =	vst v7;
	v7 =	vshrl.u32 v9, $0x1;
	v9 =	vshrl.u32 v13, $0x1  }
0x5ac: {  	[tilespmem:$0x1F870] =	vst v0;
	v0 =	vld [tilespmem:s1+$0x1CF00];
	v13 =	vshrl.u32 v18, $0x1;
	v18 =	vshrl.u32 v5, $0x1;
	v5 =	vmul.f32 v34, v55  }
0x5ad: {  	[tilespmem:$0x1F980] =	vst v35;
	v24 =	vsub.f32 $1.500000000e+00, v24;
	v30 =	vmul.f32 v21, v30;
	v2 =	vmul.f32 v17, v2  }
0x5ae: {  	[tilespmem:$0x1FFE0] =	vst v31;
	v8 =	vmul.f32 v39, v8;
	v31 =	vsub.s32 $0x5F3759DF, v7;
	v35 =	vsub.s32 $0x5F3759DF, v9  }
0x5af: {  	[tilespmem:$0x1F9B0] =	vst v38;
	v38 =	vsub.s32 $0x5F3759DF, v13;
	v7 =	vmul.f32 v33, v58;
	v9 =	vmul.f32 v36, v54  }
0x5b0: {  	[tilespmem:$0x1FA20] =	vst v41;
	v41 =	vsub.s32 $0x5F3759DF, v18;
	v10 =	vmul.f32 v32, v10;
	v6 =	vmul.f32 v40, v6  }
0x5b1: {  	[tilespmem:$0x1FA40] =	vst v0;
	v0 =	vld [tilespmem:s1+$0x1CF10];
	v18 =	vmax.f32 v25, $9.999999960e-13;
	v25 =	vmul.f32 v31, v61;
	v12 =	vmul.f32 v35, v57  }
0x5b2: {  	v20 =	vsub.f32 $1.500000000e+00, v20;
	v13 =	vmul.f32 v38, v53;
	v26 =	vmul.f32 v41, v50  }
0x5b3: {  	[tilespmem:$0x1F9F0] =	vst v46;
	v11 =	vsub.f32 $1.500000000e+00, v11;
	v46 =	vmul.f32 $5.000000000e-01, v18;
	v5 =	vmul.f32 v34, v5  }
0x5b4: {  	v1 =	vsub.f32 $1.500000000e+00, v1;
	v24 =	vmul.f32 v29, v24;
	v20 =	vmul.f32 v37, v20  }
0x5b5: {  	v3 =	vshrl.u32 v18, $0x1;
	v11 =	vmul.f32 v42, v11;
	v29 =	vmul.f32 v22, v62  }
0x5b6: {  	v18 =	vsub.s32 $0x5F3759DF, v4;
	v7 =	vmul.f32 v33, v7;
	v9 =	vmul.f32 v36, v9;
	[tilespmem:$0x1FA50] =	vst v0;
	v0 =	vld [tilespmem:s1+$0x1CF20]  }
0x5b7: {  	v16 =	vsub.s32 $0x5F3759DF, v3;
	v3 =	vmul.f32 v18, v45;
	v32 =	vmul.f32 v10, v59  }
0x5b8: {  	v28 =	vsub.f32 $1.500000000e+00, v30;
	v39 =	vmul.f32 v6, v52;
	v1 =	vmul.f32 v14, v1  }
0x5b9: {  	v2 =	vsub.f32 $1.500000000e+00, v2;
	v12 =	vmul.f32 v35, v12;
	v13 =	vmul.f32 v38, v13  }
0x5ba: {  	v26 =	vmul.f32 v41, v26;
	v40 =	vmul.f32 v11, v51  }
0x5bb: {  	v5 =	vsub.f32 $1.500000000e+00, v5;
	v21 =	vmul.f32 v21, v28;
	v2 =	vmul.f32 v17, v2;
	[tilespmem:$0x1FA60] =	vst v0;
	v0 =	vld [tilespmem:s1+$0x1CF30]  }
0x5bc: {  	v14 =	vmul.f32 v29, v22;
	v7 =	vsub.f32 $1.500000000e+00, v7;
	v9 =	vsub.f32 $1.500000000e+00, v9  }
0x5bd: {  	v3 =	vmul.f32 v18, v3;
	v17 =	vmul.f32 v32, v10;
	v12 =	vsub.f32 $1.500000000e+00, v12  }
0x5be: {  	v13 =	vsub.f32 $1.500000000e+00, v13;
	v5 =	vmul.f32 v34, v5;
	v7 =	vmul.f32 v33, v7  }
0x5bf: {  	v26 =	vsub.f32 $1.500000000e+00, v26;
	v9 =	vmul.f32 v36, v9;
	v36 =	vmul.f32 v20, v56  }
0x5c0: {  	v14 =	vsub.f32 $1.500000000e+00, v14;
	v12 =	vmul.f32 v35, v12;
	v13 =	vmul.f32 v38, v13;
	[tilespmem:$0x1FA70] =	vst v0;
	v0 =	vld [tilespmem:s1+$0x1CF40]  }
0x5c1: {  	v3 =	vsub.f32 $1.500000000e+00, v3;
	v26 =	vmul.f32 v41, v26;
	v35 =	vmul.f32 v5, v55  }
0x5c2: {  	v17 =	vsub.f32 $1.500000000e+00, v17;
	v41 =	vmul.f32 v8, v49;
	v14 =	vmul.f32 v14, v22  }
0x5c3: {  	v33 =	vmul.f32 v7, v58;
	v37 =	vmul.f32 v9, v54  }
0x5c4: {  	v3 =	vmul.f32 v18, v3;
	v10 =	vmul.f32 v17, v10  }
0x5c5: {  	v34 =	vmul.f32 v12, v57;
	v38 =	vmul.f32 v13, v53;
	[tilespmem:$0x1FA80] =	vst v0;
	v0 =	vld [tilespmem:s1+$0x1CF50]  }
0x5c6: {  	v29 =	vmul.f32 v35, v5;
	v35 =	vmul.f32 v41, v8  }
0x5c7: {  	v41 =	vmul.f32 v1, v48;
	v18 =	vmul.f32 v33, v7  }
0x5c8: {  	v33 =	vmul.f32 v39, v6;
	v28 =	vmul.f32 v34, v12  }
0x5c9: {  	v32 =	vmul.f32 v38, v13;
	v38 =	vmul.f32 v3, v45  }
0x5ca: {  	v34 =	vmul.f32 v40, v11;
	v40 =	vmul.f32 v2, v47;
	[tilespmem:$0x1FA90] =	vst v0;
	v0 =	vld [tilespmem:s1+$0x1CF60]  }
0x5cb: {  	v29 =	vsub.f32 $1.500000000e+00, v29;
	v18 =	vsub.f32 $1.500000000e+00, v18;
	v38 =	vmul.f32 v38, v3  }
0x5cc: {  	v41 =	vmul.f32 v41, v1;
	v28 =	vsub.f32 $1.500000000e+00, v28;
	v40 =	vmul.f32 v40, v2  }
0x5cd: {  	v5 =	vmul.f32 v29, v5;
	v7 =	vmul.f32 v18, v7;
	v22 =	vsub.f32 $1.500000000e+00, v38  }
0x5ce: {  	v17 =	vsub.f32 $1.500000000e+00, v40;
	v12 =	vmul.f32 v28, v12;
	v28 =	vmul.f32 v14, v62  }
0x5cf: {  	v3 =	vmul.f32 v22, v3;
	[tilespmem:$0x1FAB0] =	vst v0;
	v0 =	vshrl.u32 v23, $0x1;
	v23 =	vmul.f32 v31, v25  }
0x5d0: {  	v2 =	vmul.f32 v17, v2;
	v25 =	vmul.f32 v27, v43  }
0x5d1: {  	v15 =	vsub.s32 $0x5F3759DF, v0;
	v0 =	vmul.f32 v16, v46;
	v23 =	vsub.f32 $1.500000000e+00, v23  }
0x5d2: {  	v18 =	vsub.f32 $1.500000000e+00, v41;
	v4 =	vmul.f32 v15, v19;
	v25 =	vmul.f32 v27, v25  }
0x5d3: {  	v0 =	vmul.f32 v16, v0;
	v23 =	vmul.f32 v31, v23  }
0x5d4: {  	v17 =	vmul.f32 v18, v1;
	v25 =	vsub.f32 $1.500000000e+00, v25;
	v4 =	vmul.f32 v15, v4  }
0x5d5: {  	v31 =	vmul.f32 v24, v60;
	v0 =	vsub.f32 $1.500000000e+00, v0;
	v30 =	vmul.f32 v23, v61  }
0x5d6: {  	v4 =	vsub.f32 $1.500000000e+00, v4;
	v25 =	vmul.f32 v27, v25;
	v27 =	vmul.f32 v26, v50  }
0x5d7: {  	v0 =	vmul.f32 v16, v0;
	v16 =	vmul.f32 v31, v24  }
0x5d8: {  	v31 =	vmul.f32 v37, v9;
	v4 =	vmul.f32 v15, v4  }
0x5d9: {  	v15 =	vmul.f32 v30, v23;
	v30 =	vmul.f32 v36, v20  }
0x5da: {  	v27 =	vmul.f32 v27, v26;
	v16 =	vsub.f32 $1.500000000e+00, v16;
	v39 =	vmul.f32 v0, v46  }
0x5db: {  	v31 =	vsub.f32 $1.500000000e+00, v31;
	v15 =	vsub.f32 $1.500000000e+00, v15;
	v42 =	vmul.f32 v4, v19  }
0x5dc: {  	v30 =	vsub.f32 $1.500000000e+00, v30;
	v39 =	vmul.f32 v39, v0;
	v16 =	vmul.f32 v16, v24  }
0x5dd: {  	v27 =	vsub.f32 $1.500000000e+00, v27;
	v9 =	vmul.f32 v31, v9;
	v42 =	vmul.f32 v42, v4  }
0x5de: {  	v31 =	vmul.f32 v7, v58;
	v15 =	vmul.f32 v15, v23  }
0x5df: {  	v20 =	vmul.f32 v30, v20;
	v26 =	vmul.f32 v27, v26;
	v24 =	vsub.f32 $1.500000000e+00, v42  }
0x5e0: {  	v30 =	vmul.f32 v10, v59;
	v59 =	vmul.f32 v12, v57  }
0x5e1: {  	v4 =	vmul.f32 v24, v4;
	v24 =	vmul.f32 v31, v7  }
0x5e2: {  	v23 =	vsub.f32 $1.500000000e+00, v39;
	v29 =	vmul.f32 v16, v60;
	v27 =	vmul.f32 v15, v61  }
0x5e3: {  	v61 =	vmul.f32 v20, v56;
	v57 =	vmul.f32 v26, v50;
	v24 =	vsub.f32 $1.500000000e+00, v24  }
0x5e4: {  	v22 =	vmul.f32 v23, v0;
	v0 =	vmul.f32 v28, v14  }
0x5e5: {  	v35 =	vsub.f32 $1.500000000e+00, v35;
	v18 =	vmul.f32 v29, v16;
	v7 =	vmul.f32 v24, v7;
	v24 =	vld [tilespmem:$0x1F7A0]  }
0x5e6: {  	v29 =	vmul.f32 v61, v20;
	v61 =	vmul.f32 v57, v26;
	v0 =	vsub.f32 $1.500000000e+00, v0;
	_ =	sdelay $0x1  }
0x5e7: {  	v8 =	vmul.f32 v35, v8;
	v35 =	vsub.f32 $1.500000000e+00, v61;
	v0 =	vmul.f32 v0, v14  }
0x5e8: {  	v1 =	vmul.f32 v27, v15  }
0x5e9: {  	v24 =	vmul.f32 v0, v24;
	v0 =	vmul.f32 v35, v26;
	v26 =	vld [tilespmem:$0x1F7B0]  }
0x5ea: {  	v1 =	vsub.f32 $1.500000000e+00, v1;
	_ =	sdelay $0x1  }
0x5eb: {  	v1 =	vmul.f32 v1, v15;
	_ =	sdelay $0x1  }
0x5ec: {  	v26 =	vmul.f32 v1, v26;
	v1 =	vld [tilespmem:$0x1F7C0]  }
0x5ed: {  	v18 =	vsub.f32 $1.500000000e+00, v18;
	_ =	sdelay $0x1  }
0x5ee: {  	v15 =	vmul.f32 v18, v16  }
0x5ef: {  	v23 =	vmul.f32 v30, v10  }
0x5f0: {  	v15 =	vmul.f32 v15, v1;
	v1 =	vld [tilespmem:$0x1F7D0]  }
0x5f1: {  	v23 =	vsub.f32 $1.500000000e+00, v23;
	_ =	sdelay $0x1  }
0x5f2: {  	v10 =	vmul.f32 v23, v10;
	_ =	sdelay $0x1  }
0x5f3: {  	v10 =	vmul.f32 v10, v1;
	v1 =	vld [tilespmem:$0x1F7E0];
	_ =	sdelay $0x3  }
0x5f4: {  	v27 =	vmul.f32 v59, v12  }
0x5f5: {  	v7 =	vmul.f32 v7, v1;
	v1 =	vld [tilespmem:$0x1F7F0]  }
0x5f6: {  	v27 =	vsub.f32 $1.500000000e+00, v27  }
0x5f7: {  	v60 =	vmul.f32 v5, v55  }
0x5f8: {  	v12 =	vmul.f32 v27, v12  }
0x5f9: {  	v28 =	vmul.f32 v60, v5  }
0x5fa: {  	v12 =	vmul.f32 v12, v1;
	v1 =	vld [tilespmem:$0x1F800]  }
0x5fb: {  	v28 =	vsub.f32 $1.500000000e+00, v28;
	_ =	sdelay $0x1  }
0x5fc: {  	v5 =	vmul.f32 v28, v5;
	_ =	sdelay $0x1  }
0x5fd: {  	v27 =	vmul.f32 v5, v1;
	v1 =	vld [tilespmem:$0x1F810]  }
0x5fe: {  	v29 =	vsub.f32 $1.500000000e+00, v29  }
0x5ff: {  	v62 =	vmul.f32 v9, v54  }
0x600: {  	v32 =	vsub.f32 $1.500000000e+00, v32;
	v20 =	vmul.f32 v29, v20  }
0x601: {  	v30 =	vmul.f32 v62, v9  }
0x602: {  	v13 =	vmul.f32 v32, v13;
	v20 =	vmul.f32 v20, v1;
	v1 =	vld [tilespmem:$0x1F820]  }
0x603: {  	v30 =	vsub.f32 $1.500000000e+00, v30  }
0x604: {  	v33 =	vsub.f32 $1.500000000e+00, v33;
	v53 =	vmul.f32 v13, v53  }
0x605: {  	v9 =	vmul.f32 v30, v9  }
0x606: {  	v6 =	vmul.f32 v33, v6;
	v31 =	vmul.f32 v53, v13  }
0x607: {  	v36 =	vmul.f32 v25, v43;
	v28 =	vmul.f32 v9, v1;
	v1 =	vld [tilespmem:$0x1F830]  }
0x608: {  	v37 =	vmul.f32 v21, v44;
	v31 =	vsub.f32 $1.500000000e+00, v31  }
0x609: {  	v36 =	vmul.f32 v36, v25;
	v54 =	vmul.f32 v6, v52  }
0x60a: {  	v37 =	vmul.f32 v37, v21;
	v13 =	vmul.f32 v31, v13  }
0x60b: {  	v36 =	vsub.f32 $1.500000000e+00, v36;
	v58 =	vmul.f32 v54, v6  }
0x60c: {  	v37 =	vsub.f32 $1.500000000e+00, v37;
	v29 =	vmul.f32 v13, v1;
	v1 =	vld [tilespmem:$0x1F840]  }
0x60d: {  	v25 =	vmul.f32 v36, v25;
	v32 =	vsub.f32 $1.500000000e+00, v58  }
0x60e: {  	v21 =	vmul.f32 v37, v21  }
0x60f: {  	v62 =	vmul.f32 v25, v43;
	v6 =	vmul.f32 v32, v6  }
0x610: {  	v37 =	vmul.f32 v21, v44  }
0x611: {  	v36 =	vmul.f32 v62, v25;
	v30 =	vmul.f32 v6, v1;
	v6 =	vld [tilespmem:$0x1F870]  }
0x612: {  	v61 =	vld [tilespmem:$0x1FA40]  }
0x613: {  	v37 =	vmul.f32 v37, v21;
	v36 =	vsub.f32 $1.500000000e+00, v36;
	_ =	sdelay $0x1  }
0x614: {  	v37 =	vsub.f32 $1.500000000e+00, v37;
	v5 =	vmul.f32 v36, v25  }
0x615: {  	v0 =	vmul.f32 v0, v6  }
0x616: {  	v6 =	vmul.f32 v37, v21;
	v37 =	vmul.f32 v5, v61;
	v5 =	vld [tilespmem:$0x1FA50]  }
0x617: {  	v34 =	vsub.f32 $1.500000000e+00, v34  }
0x618: {  	v56 =	vmul.f32 v8, v49;
	v49 =	vmul.f32 v3, v45  }
0x619: {  	v11 =	vmul.f32 v34, v11  }
0x61a: {  	v38 =	vmul.f32 v49, v3  }
0x61b: {  	v55 =	vmul.f32 v11, v51;
	v62 =	vmul.f32 v6, v5;
	v5 =	vld [tilespmem:$0x1FA60]  }
0x61c: {  	v14 =	vsub.f32 $1.500000000e+00, v38  }
0x61d: {  	v59 =	vmul.f32 v55, v11;
	v19 =	vmul.f32 v4, v19  }
0x61e: {  	v3 =	vmul.f32 v14, v3;
	v1 =	vld [tilespmem:$0x1F850]  }
0x61f: {  	v33 =	vsub.f32 $1.500000000e+00, v59;
	v19 =	vmul.f32 v19, v4  }
0x620: {  	v45 =	vmul.f32 v3, v5;
	v5 =	vld [tilespmem:$0x1FAB0]  }
0x621: {  	v11 =	vmul.f32 v33, v11;
	v19 =	vsub.f32 $1.500000000e+00, v19  }
0x622: {  	v60 =	vmul.f32 v56, v8;
	v50 =	vmul.f32 v22, v46;
	v14 =	vld [tilespmem:$0x1F8A0]  }
0x623: {  	v4 =	vmul.f32 v19, v4;
	v31 =	vmul.f32 v11, v1;
	v1 =	vld [tilespmem:$0x1F860]  }
0x624: {  	v52 =	vmul.f32 v17, v48;
	v11 =	vld [tilespmem:$0x1F880]  }
0x625: {  	v34 =	vsub.f32 $1.500000000e+00, v60;
	v39 =	vmul.f32 v50, v22;
	v48 =	vmul.f32 v4, v5;
	v5 =	vld [tilespmem:$0x1FAD0];
	_ =	sdelay $0x1  }
0x626: {  	v8 =	vmul.f32 v34, v8;
	v16 =	vsub.f32 $1.500000000e+00, v39  }
0x627: {  	v14 =	vmul.f32 v24, v14;
	v13 =	vld [tilespmem:$0x1F890]  }
0x628: {  	v1 =	vmul.f32 v8, v1;
	v8 =	vmul.f32 v16, v22;
	v16 =	vld [tilespmem:$0x1F8B0]  }
0x629: {  	v11 =	vmul.f32 v24, v11;
	v24 =	vmul.f32 v24, v5;
	v5 =	vld [tilespmem:$0x1FAE0];
	_ =	sdelay $0x2  }
0x62a: {  	v4 =	vld [tilespmem:$0x1FAC0]  }
0x62b: {  	v41 =	vmul.f32 v52, v17;
	v13 =	vmul.f32 v26, v13  }
0x62c: {  	v16 =	vmul.f32 v26, v16;
	v26 =	vmul.f32 v26, v5;
	v5 =	vld [tilespmem:$0x1FAF0]  }
0x62d: {  	v23 =	vsub.f32 $1.500000000e+00, v41;
	_ =	sdelay $0x1  }
0x62e: {  	v9 =	vmul.f32 v23, v17;
	v17 =	vld [tilespmem:$0x1F8D0];
	v14 =	vadd.f32 v16, v14;
	v4 =	vmul.f32 v37, v4  }
0x62f: {  	v3 =	vld [tilespmem:$0x1FA70]  }
0x630: {  	v6 =	vmul.f32 v62, v5;
	v5 =	vadd.f32 v4, v14;
	v4 =	vld [tilespmem:$0x1FB00]  }
0x631: {  	v51 =	vmul.f32 v2, v47;
	v11 =	vadd.f32 v13, v11;
	v13 =	vld [tilespmem:$0x1F8C0];
	_ =	sdelay $0x1  }
0x632: {  	v40 =	vmul.f32 v51, v2;
	v16 =	vld [tilespmem:$0x1F8E0]  }
0x633: {  	v46 =	vmul.f32 v8, v3;
	v3 =	vld [tilespmem:$0x1FA80]  }
0x634: {  	v18 =	vsub.f32 $1.500000000e+00, v40;
	v8 =	vmul.f32 v62, v4;
	v4 =	vld [tilespmem:$0x1FB10]  }
0x635: {  	v17 =	vmul.f32 v10, v17;
	v13 =	vmul.f32 v15, v13  }
0x636: {  	v2 =	vmul.f32 v18, v2  }
0x637: {  	v18 =	vld [tilespmem:$0x1F8F0];
	v13 =	vadd.f32 v17, v13  }
0x638: {  	v2 =	vmul.f32 v2, v3;
	v3 =	vld [tilespmem:$0x1FA90]  }
0x639: {  	v16 =	vmul.f32 v15, v16;
	v15 =	vmul.f32 v15, v4;
	v4 =	vadd.f32 v6, v13;
	v6 =	vld [tilespmem:$0x1FB20];
	_ =	sdelay $0x1  }
0x63a: {  	v19 =	vld [tilespmem:$0x1F910]  }
0x63b: {  	v17 =	vld [tilespmem:$0x1F900]  }
0x63c: {  	v18 =	vmul.f32 v10, v18;
	v47 =	vmul.f32 v9, v3;
	v3 =	vld [tilespmem:$0x1FAA0]  }
0x63d: {  	v49 =	vmul.f32 v10, v6;
	v6 =	vld [tilespmem:$0x1FB30]  }
0x63e: {  	v16 =	vadd.f32 v18, v16;
	v18 =	vld [tilespmem:$0x1F920]  }
0x63f: {  	v9 =	vld [tilespmem:$0x1FB50]  }
0x640: {  	v19 =	vmul.f32 v12, v19;
	v17 =	vmul.f32 v7, v17  }
0x641: {  	v21 =	vld [tilespmem:$0x1F930];
	v3 =	vmul.f32 v37, v3  }
0x642: {  	v23 =	vld [tilespmem:$0x1F970];
	v17 =	vadd.f32 v19, v17;
	v6 =	vmul.f32 v45, v6  }
0x643: {  	v3 =	vadd.f32 v3, v11;
	v11 =	vadd.f32 v8, v16;
	v8 =	vld [tilespmem:$0x1FB40]  }
0x644: {  	v18 =	vmul.f32 v7, v18;
	v50 =	vmul.f32 v7, v9;
	v7 =	vadd.f32 v6, v17;
	v6 =	vld [tilespmem:$0x1FB60]  }
0x645: {  	v10 =	vld [tilespmem:$0x1FB90]  }
0x646: {  	v21 =	vmul.f32 v12, v21;
	v22 =	vld [tilespmem:$0x1F950]  }
0x647: {  	v19 =	vld [tilespmem:$0x1F940]  }
0x648: {  	v18 =	vadd.f32 v21, v18;
	v21 =	vld [tilespmem:$0x1F960];
	v8 =	vmul.f32 v45, v8  }
0x649: {  	v51 =	vmul.f32 v12, v6;
	v6 =	vld [tilespmem:$0x1FB70]  }
0x64a: {  	v9 =	vadd.f32 v8, v18;
	v18 =	vmul.f32 v27, v10;
	v10 =	vld [tilespmem:$0x1FBA0]  }
0x64b: {  	v12 =	vld [tilespmem:$0x1FBD0]  }
0x64c: {  	v22 =	vmul.f32 v20, v22;
	v19 =	vmul.f32 v27, v19;
	v8 =	vld [tilespmem:$0x1FB80];
	_ =	sdelay $0x1  }
0x64d: {  	v19 =	vadd.f32 v22, v19;
	v6 =	vmul.f32 v46, v6  }
0x64e: {  	v53 =	vld [tilespmem:$0x1F9B0];
	v23 =	vmul.f32 v20, v23;
	v21 =	vmul.f32 v27, v21  }
0x64f: {  	v6 =	vadd.f32 v6, v19;
	v19 =	vmul.f32 v20, v10;
	v20 =	vmul.f32 v28, v12;
	v12 =	vld [tilespmem:$0x1FBE0]  }
0x650: {  	v21 =	vadd.f32 v23, v21;
	v23 =	vld [tilespmem:$0x1F9A0];
	v8 =	vmul.f32 v46, v8  }
0x651: {  	v25 =	vld [tilespmem:$0x1F990]  }
0x652: {  	v13 =	vadd.f32 v8, v21;
	v8 =	vld [tilespmem:$0x1FBC0]  }
0x653: {  	v22 =	vld [tilespmem:$0x1F980]  }
0x654: {  	v21 =	vmul.f32 v29, v12;
	v12 =	vld [tilespmem:$0x1FBF0]  }
0x655: {  	v32 =	vmul.f32 v29, v53;
	v23 =	vmul.f32 v28, v23  }
0x656: {  	v54 =	vld [tilespmem:$0x1F9D0]  }
0x657: {  	v55 =	vld [tilespmem:$0x1F9E0];
	v23 =	vadd.f32 v32, v23;
	v8 =	vmul.f32 v2, v8  }
0x658: {  	v56 =	vld [tilespmem:$0x1F9F0];
	v25 =	vmul.f32 v29, v25;
	v22 =	vmul.f32 v28, v22  }
0x659: {  	v14 =	vmul.f32 v47, v12;
	v12 =	vadd.f32 v8, v23;
	v8 =	vld [tilespmem:$0x1FC00]  }
0x65a: {  	v22 =	vadd.f32 v25, v22;
	v25 =	vld [tilespmem:$0x1F9C0]  }
0x65b: {  	v57 =	vld [tilespmem:$0x1FA00]  }
0x65c: {  	v10 =	vld [tilespmem:$0x1FBB0]  }
0x65d: {  	v58 =	vld [tilespmem:$0x1FA10]  }
0x65e: {  	v16 =	vmul.f32 v47, v8;
	v8 =	vld [tilespmem:$0x1FC10]  }
0x65f: {  	v59 =	vld [tilespmem:$0x1FA20];
	v33 =	vmul.f32 v31, v54;
	v25 =	vmul.f32 v30, v25  }
0x660: {  	v60 =	vld [tilespmem:$0x1FA30]  }
0x661: {  	v24 =	vadd.f32 v26, v24;
	v26 =	vld [tilespmem:$0x1FC80];
	v25 =	vadd.f32 v33, v25;
	v10 =	vmul.f32 v2, v10  }
0x662: {  	v17 =	vld [tilespmem:$0x1FC40]  }
0x663: {  	v10 =	vadd.f32 v10, v22;
	v22 =	vmul.f32 v30, v8;
	v8 =	vadd.f32 v14, v25;
	v14 =	vld [tilespmem:$0x1FC20]  }
0x664: {  	v25 =	vld [tilespmem:$0x1FC50]  }
0x665: {  	v34 =	vmul.f32 v31, v56;
	v32 =	vmul.f32 v30, v55;
	v28 =	vadd.f32 v19, v18;
	v18 =	vld [tilespmem:$0x1FC90]  }
0x666: {  	v35 =	vmul.f32 v0, v58;
	v33 =	vmul.f32 v1, v57;
	v19 =	vld [tilespmem:$0x1FCA0]  }
0x667: {  	v36 =	vmul.f32 v0, v60;
	v32 =	vadd.f32 v34, v32;
	v34 =	vmul.f32 v1, v59  }
0x668: {  	v26 =	vmul.f32 v62, v26;
	v33 =	vadd.f32 v35, v33;
	v23 =	vmul.f32 v31, v14;
	v14 =	vld [tilespmem:$0x1FC30]  }
0x669: {  	v34 =	vadd.f32 v36, v34;
	v17 =	vmul.f32 v48, v17;
	v1 =	vmul.f32 v1, v25;
	v25 =	vld [tilespmem:$0x1FC60]  }
0x66a: {  	v15 =	vadd.f32 v49, v15;
	v27 =	vadd.f32 v51, v50;
	v18 =	vmul.f32 v45, v18  }
0x66b: {  	v17 =	vadd.f32 v17, v34;
	v22 =	vadd.f32 v23, v22;
	v23 =	vmul.f32 v46, v19;
	v19 =	vld [tilespmem:$0x1FCB0]  }
0x66c: {  	v29 =	vmul.f32 v5, v5;
	v18 =	vadd.f32 v18, v27;
	v27 =	vmul.f32 v7, v7  }
0x66d: {  	v52 =	vmul.f32 v12, v12;
	v16 =	vadd.f32 v16, v32;
	v31 =	vmul.f32 v9, v9  }
0x66e: {  	v21 =	vadd.f32 v21, v20;
	v14 =	vmul.f32 v48, v14;
	v0 =	vmul.f32 v0, v25  }
0x66f: {  	v53 =	vmul.f32 v16, v16;
	v30 =	vmul.f32 v11, v11;
	v27 =	vadd.f32 v31, v27;
	v25 =	vld [tilespmem:$0x1FC70]  }
0x670: {  	v14 =	vadd.f32 v14, v33;
	v2 =	vmul.f32 v2, v19;
	v0 =	vadd.f32 v0, v1  }
0x671: {  	v1 =	vld [tilespmem:$0x1FCC0];
	v19 =	vadd.f32 v26, v15;
	v26 =	vmul.f32 v4, v4;
	v15 =	vadd.f32 v23, v28  }
0x672: {  	v23 =	vmul.f32 v6, v6;
	v28 =	vmul.f32 v13, v13;
	v2 =	vadd.f32 v2, v21  }
0x673: {  	v21 =	vmul.f32 v10, v10;
	v26 =	vadd.f32 v30, v26;
	v30 =	vmul.f32 v19, v19  }
0x674: {  	v23 =	vadd.f32 v28, v23;
	v28 =	vmul.f32 v18, v18;
	v25 =	vmul.f32 v37, v25  }
0x675: {  	v21 =	vadd.f32 v52, v21;
	v31 =	vmul.f32 v2, v2;
	v26 =	vadd.f32 v26, v30  }
0x676: {  	v20 =	vadd.f32 v25, v24;
	v1 =	vmul.f32 v47, v1;
	v24 =	vmul.f32 v48, v63  }
0x677: {  	v27 =	vadd.f32 v27, v28;
	v25 =	vmul.f32 v3, v3;
	v21 =	vadd.f32 v21, v31  }
0x678: {  	v1 =	vadd.f32 v1, v22;
	v22 =	vmul.f32 v8, v8;
	v0 =	vadd.f32 v24, v0  }
0x679: {  	v24 =	vadd.f32 v29, v25;
	v25 =	vmul.f32 v14, v14;
	v29 =	vmul.f32 v17, v17  }
0x67a: {  	v26 =	vmax.f32 v26, $9.999999960e-13;
	v27 =	vmax.f32 v27, $9.999999960e-13;
	v54 =	vmul.f32 v20, v20  }
0x67b: {  	v21 =	vmax.f32 v21, $9.999999960e-13;
	v22 =	vadd.f32 v53, v22;
	v25 =	vadd.f32 v29, v25  }
0x67c: {  	v24 =	vadd.f32 v24, v54;
	v29 =	vmul.f32 v15, v15;
	v30 =	vmul.f32 v1, v1  }
0x67d: {  	v55 =	vmul.f32 v0, v0;
	v56 =	vshrl.u32 v21, $0x1;
	v21 =	vmul.f32 $5.000000000e-01, v21  }
0x67e: {  	v32 =	vsub.s32 $0x5F3759DF, v56;
	v24 =	vmax.f32 v24, $9.999999960e-13;
	v23 =	vadd.f32 v23, v29  }
0x67f: {  	v22 =	vadd.f32 v22, v30;
	v25 =	vadd.f32 v25, v55;
	v29 =	vshrl.u32 v26, $0x1  }
0x680: {  	v26 =	vmul.f32 $5.000000000e-01, v26;
	v30 =	vshrl.u32 v27, $0x1;
	v27 =	vmul.f32 $5.000000000e-01, v27  }
0x681: {  	v63 =	vmul.f32 v32, v21;
	v28 =	vshrl.u32 v24, $0x1;
	v24 =	vmul.f32 $5.000000000e-01, v24  }
0x682: {  	v29 =	vsub.s32 $0x5F3759DF, v29;
	v30 =	vsub.s32 $0x5F3759DF, v30;
	v23 =	vmax.f32 v23, $9.999999960e-13  }
0x683: {  	v22 =	vmax.f32 v22, $9.999999960e-13;
	v25 =	vmax.f32 v25, $9.999999960e-13;
	v60 =	vmul.f32 v29, v26  }
0x684: {  	v28 =	vsub.s32 $0x5F3759DF, v28;
	v61 =	vmul.f32 v30, v27;
	v39 =	vmul.f32 v32, v63  }
0x685: {  	v31 =	vshrl.u32 v23, $0x1;
	v23 =	vmul.f32 $5.000000000e-01, v23;
	v57 =	vshrl.u32 v22, $0x1  }
0x686: {  	v22 =	vmul.f32 $5.000000000e-01, v22;
	v58 =	vshrl.u32 v25, $0x1;
	v25 =	vmul.f32 $5.000000000e-01, v25  }
0x687: {  	v59 =	vmul.f32 v28, v24;
	v31 =	vsub.s32 $0x5F3759DF, v31;
	v33 =	vsub.s32 $0x5F3759DF, v57  }
0x688: {  	v34 =	vsub.s32 $0x5F3759DF, v58;
	v36 =	vmul.f32 v29, v60;
	v37 =	vmul.f32 v30, v61  }
0x689: {  	v48 =	vsub.f32 $1.500000000e+00, v39;
	v62 =	vmul.f32 v31, v23;
	v44 =	vmul.f32 v33, v22  }
0x68a: {  	v35 =	vmul.f32 v28, v59;
	v45 =	vmul.f32 v34, v25;
	v36 =	vsub.f32 $1.500000000e+00, v36  }
0x68b: {  	v46 =	vsub.f32 $1.500000000e+00, v37;
	v32 =	vmul.f32 v32, v48;
	v38 =	vmul.f32 v31, v62  }
0x68c: {  	v35 =	vsub.f32 $1.500000000e+00, v35;
	v40 =	vmul.f32 v33, v44;
	v41 =	vmul.f32 v34, v45  }
0x68d: {  	v29 =	vmul.f32 v29, v36;
	v30 =	vmul.f32 v30, v46  }
0x68e: {  	v55 =	vmul.f32 v32, v21;
	v28 =	vmul.f32 v28, v35  }
0x68f: {  	v47 =	vsub.f32 $1.500000000e+00, v38;
	v49 =	vsub.f32 $1.500000000e+00, v40;
	v52 =	vmul.f32 v29, v26  }
0x690: {  	v50 =	vsub.f32 $1.500000000e+00, v41;
	v53 =	vmul.f32 v30, v27;
	v39 =	vmul.f32 v55, v32  }
0x691: {  	v31 =	vmul.f32 v31, v47;
	v33 =	vmul.f32 v33, v49  }
0x692: {  	v51 =	vmul.f32 v28, v24;
	v34 =	vmul.f32 v34, v50  }
0x693: {  	v35 =	vmul.f32 v52, v29;
	v37 =	vmul.f32 v53, v30  }
0x694: {  	v59 =	vsub.f32 $1.500000000e+00, v39;
	v54 =	vmul.f32 v31, v23;
	v56 =	vmul.f32 v33, v22  }
0x695: {  	v57 =	vmul.f32 v34, v25;
	v36 =	vmul.f32 v51, v28;
	v35 =	vsub.f32 $1.500000000e+00, v35  }
0x696: {  	v37 =	vsub.f32 $1.500000000e+00, v37;
	v32 =	vmul.f32 v59, v32;
	v38 =	vmul.f32 v54, v31  }
0x697: {  	v36 =	vsub.f32 $1.500000000e+00, v36;
	v40 =	vmul.f32 v56, v33;
	v41 =	vmul.f32 v57, v34  }
0x698: {  	v29 =	vmul.f32 v35, v29;
	v30 =	vmul.f32 v37, v30  }
0x699: {  	v21 =	vmul.f32 v32, v21;
	v28 =	vmul.f32 v36, v28;
	v58 =	vsub.f32 $1.500000000e+00, v38  }
0x69a: {  	v60 =	vsub.f32 $1.500000000e+00, v40;
	v26 =	vmul.f32 v29, v26;
	v27 =	vmul.f32 v30, v27  }
0x69b: {  	v61 =	vsub.f32 $1.500000000e+00, v41;
	v21 =	vmul.f32 v21, v32;
	v31 =	vmul.f32 v58, v31  }
0x69c: {  	v33 =	vmul.f32 v60, v33;
	v24 =	vmul.f32 v28, v24  }
0x69d: {  	v34 =	vmul.f32 v61, v34;
	v26 =	vmul.f32 v26, v29  }
0x69e: {  	v27 =	vmul.f32 v27, v30;
	v23 =	vmul.f32 v31, v23  }
0x69f: {  	v22 =	vmul.f32 v33, v22;
	v24 =	vmul.f32 v24, v28  }
0x6a0: {  	s13 =	sadd.s32 $0x8, s13;
	v21 =	vsub.f32 $1.500000000e+00, v21;
	v25 =	vmul.f32 v34, v25;
	v23 =	vmul.f32 v23, v31  }
0x6a1: {  	p0 =	slt.u32 s13, $0x30;
	v62 =	vsub.f32 $1.500000000e+00, v26;
	v24 =	vsub.f32 $1.500000000e+00, v24;
	v22 =	vmul.f32 v22, v33  }
.Ltmp5:
0x6a2: {  	v63 =	vsub.f32 $1.500000000e+00, v27;
	v25 =	vmul.f32 v25, v34;
	v23 =	vsub.f32 $1.500000000e+00, v23;
	(pc) =	sbr.rel @p0 .LBB3_13-.Ltmp5, $4  }
0x6a3: {  	v27 =	vmul.f32 v62, v29;
	v26 =	vmul.f32 v24, v28;
	v22 =	vsub.f32 $1.500000000e+00, v22  }
0x6a4: {  	v29 =	vsub.f32 $1.500000000e+00, v25;
	v25 =	vmul.f32 v63, v30;
	v24 =	vmul.f32 v23, v31  }
0x6a5: {  	v23 =	vmul.f32 v21, v32;
	v22 =	vmul.f32 v22, v33  }
0x6a6: {  	s0 =	sadd.s32 $0x200, s0;
	v30 =	vld [tilespmem:$0x1FFE0];
	v28 =	vmul.f32 v26, v3;
	v21 =	vmul.f32 v29, v34  }
0x6a7: {  	v3 =	vmul.f32 v26, v5  }
0x6a8: {  	v5 =	vmul.f32 v26, v20;
	[tilespmem:s1+$0xD980] =	vst v28  }
0x6a9: {  	v4 =	vmul.f32 v27, v4;
	[tilespmem:s1+$0xF200] =	vst v3  }
0x6aa: {  	v2 =	vmul.f32 v23, v2;
	[tilespmem:s1+$0x10A80] =	vst v5  }
0x6ab: {  	v1 =	vmul.f32 v22, v1;
	[tilespmem:s1+$0xD990] =	vst v4  }
0x6ac: {  	v3 =	vmul.f32 v27, v11;
	[tilespmem:s1+$0x10AC0] =	vst v2  }
0x6ad: {  	v5 =	vmul.f32 v27, v19;
	[tilespmem:s1+$0x10AD0] =	vst v1  }
0x6ae: {  	v4 =	vmul.f32 v25, v7;
	[tilespmem:s1+$0xF210] =	vst v3  }
0x6af: {  	v2 =	vmul.f32 v21, v14;
	[tilespmem:s1+$0x10A90] =	vst v5  }
0x6b0: {  	v3 =	vmul.f32 v25, v9;
	[tilespmem:s1+$0xD9A0] =	vst v4  }
0x6b1: {  	v5 =	vmul.f32 v25, v18;
	[tilespmem:s1+$0xD9E0] =	vst v2  }
0x6b2: {  	v4 =	vmul.f32 v24, v6;
	[tilespmem:s1+$0xF220] =	vst v3  }
0x6b3: {  	v3 =	vmul.f32 v24, v13;
	[tilespmem:s1+$0x10AA0] =	vst v5  }
0x6b4: {  	v5 =	vmul.f32 v24, v15;
	[tilespmem:s1+$0xD9B0] =	vst v4  }
0x6b5: {  	[tilespmem:s1+$0xF230] =	vst v3;
	v3 =	vmul.f32 v23, v12  }
0x6b6: {  	v4 =	vmul.f32 v23, v10;
	[tilespmem:s1+$0x10AB0] =	vst v5  }
0x6b7: {  	[tilespmem:s1+$0xF240] =	vst v3;
	v3 =	vmul.f32 v22, v16  }
0x6b8: {  	[tilespmem:s1+$0xD9C0] =	vst v4;
	v4 =	vmul.f32 v22, v8  }
0x6b9: {  	[tilespmem:s1+$0xF250] =	vst v3;
	v3 =	vmul.f32 v21, v17  }
0x6ba: {  	[tilespmem:s1+$0xD9D0] =	vst v4  }
0x6bb: {  	v1 =	vld [tilespmem:$0x1FCD0];
	[tilespmem:s1+$0xF260] =	vst v3  }
0x6bc: {  	v2 =	vld [tilespmem:$0x1FCE0];
	_ =	sdelay $0x2  }
0x6bd: {  	v0 =	vmul.f32 v21, v0  }
0x6be: {  	v1 =	vmul.f32 v30, v1  }
0x6bf: {  	[tilespmem:s1+$0x10AE0] =	vst v0;
	v2 =	vmul.f32 v30, v2  }
0x6c0: {  	[tilespmem:s1+$0xD9F0] =	vst v1  }
0x6c1: {  	[tilespmem:s1+$0xF270] =	vst v2  }
0x6c2: {  	s0 =	sld [smem:$0x7F3];
	_ =	sdelay $0x2  }
0x6c3: {  	[spmem:s0] =	stream.linear.scatter [tilespmem:s21], [sflag:$0x3], $0x380, $0x38;
	[tilespmem:$0x1DB80] =	vst v63  }
0x6c4: {  	_ =	swait.ge [sflag:s25], $0x380  }
0x6c5: {  	s11 =	sld [smem:$0x7F4]  }
0x6c6: {  	[sflag:s25] =	ssyncset.done $0x0  }
0x6c7: {  	[sflag:s25] =	ssyncadd.s32 $0xFFFFFC80  }
0x6c8: {  	[spmem:s11] =	stream.linear.scatter [tilespmem:s22], [sflag:$0x3], $0x380, $0x38;
	[tilespmem:$0x1DB80] =	vst v63  }
0x6c9: {  	_ =	swait.ge [sflag:s25], $0x380  }
0x6ca: {  	s13 =	sld [smem:$0x7F5]  }
0x6cb: {  	[sflag:s25] =	ssyncset.done $0x0  }
0x6cc: {  	[sflag:s25] =	ssyncadd.s32 $0xFFFFFC80  }
0x6cd: {  	[spmem:s13] =	stream.linear.scatter [tilespmem:s30], [sflag:$0x3], $0x380, $0x38;
	[tilespmem:$0x1DB80] =	vst v63  }
0x6ce: {  	_ =	swait.ge [sflag:s25], $0x380  }
0x6cf: {  	[sflag:s25] =	ssyncset.done $0x0  }
0x6d0: {  	[sflag:s25] =	ssyncadd.s32 $0xFFFFFC80  }
0x6d1: {  	[bflag:$0x0] =	sbarrier.arrive $0xFFFF  }
0x6d2: {  	s2 =	simm.s32 $0xB400;
	s0 =	simm.s32 $0x0;
	s17 =	rddreg [dreg:$0x15]  }
0x6d3: {  	[tilespmem:s2], [sflag:$0x3] =	stream.linear.gather [hbm4b:s17+s0], $0xC80, $0x38;
	[tilespmem:$0x1DB80] =	vst v63  }
0x6d4: {  	_ =	swait.ge [sflag:s25], $0xC80  }
0x6d5: {  	[sflag:s25] =	ssyncset.done $0x0  }
0x6d6: {  	s11 =	rddreg [dreg:$0x16];
	[sflag:s25] =	ssyncadd.s32 $0xFFFFF380  }
0x6d7: {  	[tilespmem:s16], [sflag:$0x3] =	stream.linear.gather [hbm4b:s11+s0], $0xC80, $0x38;
	[tilespmem:$0x1DB80] =	vst v63  }
0x6d8: {  	_ =	swait.ge [sflag:s25], $0xC80  }
0x6d9: {  	[sflag:s25] =	ssyncset.done $0x0  }
0x6da: {  	s11 =	simm.s32 $0xC080;
	s13 =	rddreg [dreg:$0x18];
	[sflag:s25] =	ssyncadd.s32 $0xFFFFF380  }
0x6db: {  	[tilespmem:s11], [sflag:$0x3] =	stream.linear.gather [hbm4b:s13+s0], $0xC80, $0x38;
	[tilespmem:$0x1DB80] =	vst v63  }
0x6dc: {  	_ =	swait.ge [sflag:s25], $0xC80  }
0x6dd: {  	[sflag:s25] =	ssyncset.done $0x0  }
0x6de: {  	s16 =	rddreg [dreg:$0x19];
	[sflag:s25] =	ssyncadd.s32 $0xFFFFF380  }
0x6df: {  	[tilespmem:s18], [sflag:$0x3] =	stream.linear.gather [hbm4b:s16+s0], $0xC80, $0x38;
	[tilespmem:$0x1DB80] =	vst v63  }
0x6e0: {  	_ =	swait.ge [sflag:s25], $0xC80  }
0x6e1: {  	[sflag:s25] =	ssyncset.done $0x0  }
0x6e2: {  	s13 =	simm.s32 $0xCD00;
	s17 =	rddreg [dreg:$0x1a];
	[sflag:s25] =	ssyncadd.s32 $0xFFFFF380  }
0x6e3: {  	[tilespmem:s13], [sflag:$0x3] =	stream.linear.gather [hbm4b:s17+s0], $0xC80, $0x38;
	[tilespmem:$0x1DB80] =	vst v63  }
0x6e4: {  	_ =	swait.ge [sflag:s25], $0xC80  }
0x6e5: {  	[sflag:s25] =	ssyncset.done $0x0  }
0x6e6: {  	s18 =	rddreg [dreg:$0x1b];
	[sflag:s25] =	ssyncadd.s32 $0xFFFFF380  }
0x6e7: {  	[tilespmem:s20], [sflag:$0x3] =	stream.linear.gather [hbm4b:s18+s0], $0xC80, $0x38;
	[tilespmem:$0x1DB80] =	vst v63  }
0x6e8: {  	_ =	swait.ge [sflag:s25], $0xC80  }
0x6e9: {  	[sflag:s25] =	ssyncset.done $0x0  }
0x6ea: {  	[sflag:s25] =	ssyncadd.s32 $0xFFFFF380  }
0x6eb: {  	[tilespmem:s21], [sflag:$0x1] =	stream.indirect.gather [spmem:s10], $0x1, s2, s31, $0xb8;
	[tilespmem:$0x1DB80] =	vst v63  }
0x6ec: {  	_ = 	snop  }
0x6ed: {  	[tilespmem:s22], [sflag:$0x1] =	stream.indirect.gather [spmem:s19], $0x1, s2, s31, $0xb8;
	[tilespmem:$0x1DB80] =	vst v63  }
0x6ee: {  	_ = 	snop  }
0x6ef: {  	[tilespmem:s30], [sflag:$0x1] =	stream.indirect.gather [spmem:s23], $0x1, s2, s31, $0xb8;
	[tilespmem:$0x1DB80] =	vst v63  }
0x6f0: {  	s16 =	simm.s32 $0x12300  }
0x6f1: {  	[tilespmem:s16], [sflag:$0x1] =	stream.indirect.gather [spmem:s10], $0x1, s11, s31, $0xb8;
	[tilespmem:$0x1DB80] =	vst v63  }
0x6f2: {  	s17 =	simm.s32 $0x13B80  }
0x6f3: {  	[tilespmem:s17], [sflag:$0x1] =	stream.indirect.gather [spmem:s19], $0x1, s11, s31, $0xb8;
	[tilespmem:$0x1DB80] =	vst v63  }
0x6f4: {  	s18 =	simm.s32 $0x15400  }
0x6f5: {  	[tilespmem:s18], [sflag:$0x1] =	stream.indirect.gather [spmem:s23], $0x1, s11, s31, $0xb8;
	[tilespmem:$0x1DB80] =	vst v63  }
0x6f6: {  	_ = 	snop  }
0x6f7: {  	[tilespmem:s15], [sflag:$0x1] =	stream.indirect.gather [spmem:s10], $0x1, s13, s31, $0xb8;
	[tilespmem:$0x1DB80] =	vst v63  }
0x6f8: {  	s20 =	simm.s32 $0x18500  }
0x6f9: {  	[tilespmem:s20], [sflag:$0x1] =	stream.indirect.gather [spmem:s19], $0x1, s13, s31, $0xb8;
	[tilespmem:$0x1DB80] =	vst v63  }
0x6fa: {  	s1 =	simm.s32 $0x19D80  }
0x6fb: {  	[tilespmem:s1], [sflag:$0x1] =	stream.indirect.gather [spmem:s23], $0x1, s13, s31, $0xb8;
	[tilespmem:$0x1DB80] =	vst v63  }
0x6fc: {  	s2 =	simm.s32 $0xB590;
	s11 =	simm.s32 $0xDB10  }
0x6fd: {  	[tilespmem:s11], [sflag:$0x1] =	stream.indirect.gather [spmem:s10], $0x1, s2, s31, $0xb8;
	[tilespmem:$0x1DB80] =	vst v63  }
0x6fe: {  	s13 =	simm.s32 $0xF390  }
0x6ff: {  	[tilespmem:s13], [sflag:$0x1] =	stream.indirect.gather [spmem:s19], $0x1, s2, s31, $0xb8;
	[tilespmem:$0x1DB80] =	vst v63  }
0x700: {  	s16 =	simm.s32 $0x10C10  }
0x701: {  	[tilespmem:s16], [sflag:$0x1] =	stream.indirect.gather [spmem:s23], $0x1, s2, s31, $0xb8;
	[tilespmem:$0x1DB80] =	vst v63  }
0x702: {  	s17 =	simm.s32 $0xC210;
	s18 =	simm.s32 $0x12490  }
0x703: {  	[tilespmem:s18], [sflag:$0x1] =	stream.indirect.gather [spmem:s10], $0x1, s17, s31, $0xb8;
	[tilespmem:$0x1DB80] =	vst v63  }
0x704: {  	s20 =	simm.s32 $0x13D10  }
0x705: {  	[tilespmem:s20], [sflag:$0x1] =	stream.indirect.gather [spmem:s19], $0x1, s17, s31, $0xb8;
	[tilespmem:$0x1DB80] =	vst v63  }
0x706: {  	s2 =	simm.s32 $0x15590  }
0x707: {  	[tilespmem:s2], [sflag:$0x1] =	stream.indirect.gather [spmem:s23], $0x1, s17, s31, $0xb8;
	[tilespmem:$0x1DB80] =	vst v63  }
0x708: {  	s11 =	simm.s32 $0xCE90;
	s13 =	simm.s32 $0x16E10  }
0x709: {  	[tilespmem:s13], [sflag:$0x1] =	stream.indirect.gather [spmem:s10], $0x1, s11, s31, $0xb8;
	[tilespmem:$0x1DB80] =	vst v63  }
0x70a: {  	s16 =	simm.s32 $0x18690  }
0x70b: {  	[tilespmem:s16], [sflag:$0x1] =	stream.indirect.gather [spmem:s19], $0x1, s11, s31, $0xb8;
	[tilespmem:$0x1DB80] =	vst v63  }
0x70c: {  	s17 =	simm.s32 $0x19F10  }
0x70d: {  	[tilespmem:s17], [sflag:$0x1] =	stream.indirect.gather [spmem:s23], $0x1, s11, s31, $0xb8;
	[tilespmem:$0x1DB80] =	vst v63  }
0x70e: {  	s18 =	simm.s32 $0xB720;
	s20 =	simm.s32 $0xDCA0  }
0x70f: {  	[tilespmem:s20], [sflag:$0x1] =	stream.indirect.gather [spmem:s10], $0x1, s18, s31, $0xb8;
	[tilespmem:$0x1DB80] =	vst v63  }
0x710: {  	s2 =	simm.s32 $0xF520  }
0x711: {  	[tilespmem:s2], [sflag:$0x1] =	stream.indirect.gather [spmem:s19], $0x1, s18, s31, $0xb8;
	[tilespmem:$0x1DB80] =	vst v63  }
0x712: {  	s11 =	simm.s32 $0x10DA0  }
0x713: {  	[tilespmem:s11], [sflag:$0x1] =	stream.indirect.gather [spmem:s23], $0x1, s18, s31, $0xb8;
	[tilespmem:$0x1DB80] =	vst v63  }
0x714: {  	s13 =	simm.s32 $0xC3A0;
	s16 =	simm.s32 $0x12620  }
0x715: {  	[tilespmem:s16], [sflag:$0x1] =	stream.indirect.gather [spmem:s10], $0x1, s13, s31, $0xb8;
	[tilespmem:$0x1DB80] =	vst v63  }
0x716: {  	s17 =	simm.s32 $0x13EA0  }
0x717: {  	[tilespmem:s17], [sflag:$0x1] =	stream.indirect.gather [spmem:s19], $0x1, s13, s31, $0xb8;
	[tilespmem:$0x1DB80] =	vst v63  }
0x718: {  	s18 =	simm.s32 $0x15720  }
0x719: {  	[tilespmem:s18], [sflag:$0x1] =	stream.indirect.gather [spmem:s23], $0x1, s13, s31, $0xb8;
	[tilespmem:$0x1DB80] =	vst v63  }
0x71a: {  	s20 =	simm.s32 $0xD020;
	s2 =	simm.s32 $0x16FA0  }
0x71b: {  	[tilespmem:s2], [sflag:$0x1] =	stream.indirect.gather [spmem:s10], $0x1, s20, s31, $0xb8;
	[tilespmem:$0x1DB80] =	vst v63  }
0x71c: {  	s11 =	simm.s32 $0x18820  }
0x71d: {  	[tilespmem:s11], [sflag:$0x1] =	stream.indirect.gather [spmem:s19], $0x1, s20, s31, $0xb8;
	[tilespmem:$0x1DB80] =	vst v63  }
0x71e: {  	s13 =	simm.s32 $0x1A0A0  }
0x71f: {  	[tilespmem:s13], [sflag:$0x1] =	stream.indirect.gather [spmem:s23], $0x1, s20, s31, $0xb8;
	[tilespmem:$0x1DB80] =	vst v63  }
0x720: {  	s16 =	simm.s32 $0xB8B0;
	s17 =	simm.s32 $0xDE30  }
0x721: {  	[tilespmem:s17], [sflag:$0x1] =	stream.indirect.gather [spmem:s10], $0x1, s16, s31, $0xb8;
	[tilespmem:$0x1DB80] =	vst v63  }
0x722: {  	s18 =	simm.s32 $0xF6B0  }
0x723: {  	[tilespmem:s18], [sflag:$0x1] =	stream.indirect.gather [spmem:s19], $0x1, s16, s31, $0xb8;
	[tilespmem:$0x1DB80] =	vst v63  }
0x724: {  	s20 =	simm.s32 $0x10F30  }
0x725: {  	[tilespmem:s20], [sflag:$0x1] =	stream.indirect.gather [spmem:s23], $0x1, s16, s31, $0xb8;
	[tilespmem:$0x1DB80] =	vst v63  }
0x726: {  	s2 =	simm.s32 $0xC530;
	s11 =	simm.s32 $0x127B0  }
0x727: {  	[tilespmem:s11], [sflag:$0x1] =	stream.indirect.gather [spmem:s10], $0x1, s2, s31, $0xb8;
	[tilespmem:$0x1DB80] =	vst v63  }
0x728: {  	s13 =	simm.s32 $0x14030  }
0x729: {  	[tilespmem:s13], [sflag:$0x1] =	stream.indirect.gather [spmem:s19], $0x1, s2, s31, $0xb8;
	[tilespmem:$0x1DB80] =	vst v63  }
0x72a: {  	s16 =	simm.s32 $0x158B0  }
0x72b: {  	[tilespmem:s16], [sflag:$0x1] =	stream.indirect.gather [spmem:s23], $0x1, s2, s31, $0xb8;
	[tilespmem:$0x1DB80] =	vst v63  }
0x72c: {  	s17 =	simm.s32 $0xD1B0;
	s18 =	simm.s32 $0x17130  }
0x72d: {  	[tilespmem:s18], [sflag:$0x1] =	stream.indirect.gather [spmem:s10], $0x1, s17, s31, $0xb8;
	[tilespmem:$0x1DB80] =	vst v63  }
0x72e: {  	s20 =	simm.s32 $0x189B0  }
0x72f: {  	[tilespmem:s20], [sflag:$0x1] =	stream.indirect.gather [spmem:s19], $0x1, s17, s31, $0xb8;
	[tilespmem:$0x1DB80] =	vst v63  }
0x730: {  	s2 =	simm.s32 $0x1A230  }
0x731: {  	[tilespmem:s2], [sflag:$0x1] =	stream.indirect.gather [spmem:s23], $0x1, s17, s31, $0xb8;
	[tilespmem:$0x1DB80] =	vst v63  }
0x732: {  	s11 =	simm.s32 $0xBA40;
	s13 =	simm.s32 $0xDFC0  }
0x733: {  	[tilespmem:s13], [sflag:$0x1] =	stream.indirect.gather [spmem:s10], $0x1, s11, s31, $0xb8;
	[tilespmem:$0x1DB80] =	vst v63  }
0x734: {  	s16 =	simm.s32 $0xF840  }
0x735: {  	[tilespmem:s16], [sflag:$0x1] =	stream.indirect.gather [spmem:s19], $0x1, s11, s31, $0xb8;
	[tilespmem:$0x1DB80] =	vst v63  }
0x736: {  	s17 =	simm.s32 $0x110C0  }
0x737: {  	[tilespmem:s17], [sflag:$0x1] =	stream.indirect.gather [spmem:s23], $0x1, s11, s31, $0xb8;
	[tilespmem:$0x1DB80] =	vst v63  }
0x738: {  	s18 =	simm.s32 $0xC6C0;
	s20 =	simm.s32 $0x12940  }
0x739: {  	[tilespmem:s20], [sflag:$0x1] =	stream.indirect.gather [spmem:s10], $0x1, s18, s31, $0xb8;
	[tilespmem:$0x1DB80] =	vst v63  }
0x73a: {  	s2 =	simm.s32 $0x141C0  }
0x73b: {  	[tilespmem:s2], [sflag:$0x1] =	stream.indirect.gather [spmem:s19], $0x1, s18, s31, $0xb8;
	[tilespmem:$0x1DB80] =	vst v63  }
0x73c: {  	s11 =	simm.s32 $0x15A40  }
0x73d: {  	[tilespmem:s11], [sflag:$0x1] =	stream.indirect.gather [spmem:s23], $0x1, s18, s31, $0xb8;
	[tilespmem:$0x1DB80] =	vst v63  }
0x73e: {  	s13 =	simm.s32 $0xD340;
	s16 =	simm.s32 $0x172C0  }
0x73f: {  	[tilespmem:s16], [sflag:$0x1] =	stream.indirect.gather [spmem:s10], $0x1, s13, s31, $0xb8;
	[tilespmem:$0x1DB80] =	vst v63  }
0x740: {  	s17 =	simm.s32 $0x18B40  }
0x741: {  	[tilespmem:s17], [sflag:$0x1] =	stream.indirect.gather [spmem:s19], $0x1, s13, s31, $0xb8;
	[tilespmem:$0x1DB80] =	vst v63  }
0x742: {  	s18 =	simm.s32 $0x1A3C0  }
0x743: {  	[tilespmem:s18], [sflag:$0x1] =	stream.indirect.gather [spmem:s23], $0x1, s13, s31, $0xb8;
	[tilespmem:$0x1DB80] =	vst v63  }
0x744: {  	s20 =	simm.s32 $0xBBD0;
	s2 =	simm.s32 $0xE150  }
0x745: {  	[tilespmem:s2], [sflag:$0x1] =	stream.indirect.gather [spmem:s10], $0x1, s20, s31, $0xb8;
	[tilespmem:$0x1DB80] =	vst v63  }
0x746: {  	s11 =	simm.s32 $0xF9D0  }
0x747: {  	[tilespmem:s11], [sflag:$0x1] =	stream.indirect.gather [spmem:s19], $0x1, s20, s31, $0xb8;
	[tilespmem:$0x1DB80] =	vst v63  }
0x748: {  	s13 =	simm.s32 $0x11250  }
0x749: {  	[tilespmem:s13], [sflag:$0x1] =	stream.indirect.gather [spmem:s23], $0x1, s20, s31, $0xb8;
	[tilespmem:$0x1DB80] =	vst v63  }
0x74a: {  	s16 =	simm.s32 $0xC850;
	s17 =	simm.s32 $0x12AD0  }
0x74b: {  	[tilespmem:s17], [sflag:$0x1] =	stream.indirect.gather [spmem:s10], $0x1, s16, s31, $0xb8;
	[tilespmem:$0x1DB80] =	vst v63  }
0x74c: {  	s18 =	simm.s32 $0x14350  }
0x74d: {  	[tilespmem:s18], [sflag:$0x1] =	stream.indirect.gather [spmem:s19], $0x1, s16, s31, $0xb8;
	[tilespmem:$0x1DB80] =	vst v63  }
0x74e: {  	s20 =	simm.s32 $0x15BD0  }
0x74f: {  	[tilespmem:s20], [sflag:$0x1] =	stream.indirect.gather [spmem:s23], $0x1, s16, s31, $0xb8;
	[tilespmem:$0x1DB80] =	vst v63  }
0x750: {  	s2 =	simm.s32 $0xD4D0;
	s11 =	simm.s32 $0x17450  }
0x751: {  	[tilespmem:s11], [sflag:$0x1] =	stream.indirect.gather [spmem:s10], $0x1, s2, s31, $0xb8;
	[tilespmem:$0x1DB80] =	vst v63  }
0x752: {  	s13 =	simm.s32 $0x18CD0  }
0x753: {  	[tilespmem:s13], [sflag:$0x1] =	stream.indirect.gather [spmem:s19], $0x1, s2, s31, $0xb8;
	[tilespmem:$0x1DB80] =	vst v63  }
0x754: {  	s16 =	simm.s32 $0x1A550  }
0x755: {  	[tilespmem:s16], [sflag:$0x1] =	stream.indirect.gather [spmem:s23], $0x1, s2, s31, $0xb8;
	[tilespmem:$0x1DB80] =	vst v63  }
0x756: {  	s17 =	simm.s32 $0xBD60;
	s18 =	simm.s32 $0xE2E0  }
0x757: {  	[tilespmem:s18], [sflag:$0x1] =	stream.indirect.gather [spmem:s10], $0x1, s17, s31, $0xb8;
	[tilespmem:$0x1DB80] =	vst v63  }
0x758: {  	s20 =	simm.s32 $0xFB60  }
0x759: {  	[tilespmem:s20], [sflag:$0x1] =	stream.indirect.gather [spmem:s19], $0x1, s17, s31, $0xb8;
	[tilespmem:$0x1DB80] =	vst v63  }
0x75a: {  	s2 =	simm.s32 $0x113E0  }
0x75b: {  	[tilespmem:s2], [sflag:$0x1] =	stream.indirect.gather [spmem:s23], $0x1, s17, s31, $0xb8;
	[tilespmem:$0x1DB80] =	vst v63  }
0x75c: {  	s11 =	simm.s32 $0xC9E0;
	s13 =	simm.s32 $0x12C60  }
0x75d: {  	[tilespmem:s13], [sflag:$0x1] =	stream.indirect.gather [spmem:s10], $0x1, s11, s31, $0xb8;
	[tilespmem:$0x1DB80] =	vst v63  }
0x75e: {  	s16 =	simm.s32 $0x144E0  }
0x75f: {  	[tilespmem:s16], [sflag:$0x1] =	stream.indirect.gather [spmem:s19], $0x1, s11, s31, $0xb8;
	[tilespmem:$0x1DB80] =	vst v63  }
0x760: {  	s17 =	simm.s32 $0x15D60  }
0x761: {  	[tilespmem:s17], [sflag:$0x1] =	stream.indirect.gather [spmem:s23], $0x1, s11, s31, $0xb8;
	[tilespmem:$0x1DB80] =	vst v63  }
0x762: {  	s18 =	simm.s32 $0xD660;
	s20 =	simm.s32 $0x175E0  }
0x763: {  	[tilespmem:s20], [sflag:$0x1] =	stream.indirect.gather [spmem:s10], $0x1, s18, s31, $0xb8;
	[tilespmem:$0x1DB80] =	vst v63  }
0x764: {  	s2 =	simm.s32 $0x18E60  }
0x765: {  	[tilespmem:s2], [sflag:$0x1] =	stream.indirect.gather [spmem:s19], $0x1, s18, s31, $0xb8;
	[tilespmem:$0x1DB80] =	vst v63  }
0x766: {  	s11 =	simm.s32 $0x1A6E0  }
0x767: {  	[tilespmem:s11], [sflag:$0x1] =	stream.indirect.gather [spmem:s23], $0x1, s18, s31, $0xb8;
	[tilespmem:$0x1DB80] =	vst v63  }
0x768: {  	s13 =	simm.s32 $0xBEF0;
	s16 =	simm.s32 $0xE470  }
0x769: {  	[tilespmem:s16], [sflag:$0x1] =	stream.indirect.gather [spmem:s10], $0x1, s13, s31, $0xb8;
	[tilespmem:$0x1DB80] =	vst v63  }
0x76a: {  	s17 =	simm.s32 $0xFCF0  }
0x76b: {  	[tilespmem:s17], [sflag:$0x1] =	stream.indirect.gather [spmem:s19], $0x1, s13, s31, $0xb8;
	[tilespmem:$0x1DB80] =	vst v63  }
0x76c: {  	s18 =	simm.s32 $0x11570  }
0x76d: {  	[tilespmem:s18], [sflag:$0x1] =	stream.indirect.gather [spmem:s23], $0x1, s13, s31, $0xb8;
	[tilespmem:$0x1DB80] =	vst v63  }
0x76e: {  	s20 =	simm.s32 $0xCB70;
	s2 =	simm.s32 $0x12DF0  }
0x76f: {  	[tilespmem:s2], [sflag:$0x1] =	stream.indirect.gather [spmem:s10], $0x1, s20, s31, $0xb8;
	[tilespmem:$0x1DB80] =	vst v63  }
0x770: {  	s11 =	simm.s32 $0x14670  }
0x771: {  	[tilespmem:s11], [sflag:$0x1] =	stream.indirect.gather [spmem:s19], $0x1, s20, s31, $0xb8;
	[tilespmem:$0x1DB80] =	vst v63  }
0x772: {  	s13 =	simm.s32 $0x15EF0  }
0x773: {  	[tilespmem:s13], [sflag:$0x1] =	stream.indirect.gather [spmem:s23], $0x1, s20, s31, $0xb8;
	[tilespmem:$0x1DB80] =	vst v63  }
0x774: {  	s16 =	simm.s32 $0xD7F0;
	s17 =	simm.s32 $0x17770  }
0x775: {  	[tilespmem:s17], [sflag:$0x1] =	stream.indirect.gather [spmem:s10], $0x1, s16, s31, $0xb8;
	[tilespmem:$0x1DB80] =	vst v63  }
0x776: {  	s18 =	simm.s32 $0x18FF0  }
0x777: {  	[tilespmem:s18], [sflag:$0x1] =	stream.indirect.gather [spmem:s19], $0x1, s16, s31, $0xb8;
	[tilespmem:$0x1DB80] =	vst v63  }
0x778: {  	s20 =	simm.s32 $0x1A870  }
0x779: {  	[tilespmem:s20], [sflag:$0x1] =	stream.indirect.gather [spmem:s23], $0x1, s16, s31, $0xb8;
	[tilespmem:$0x1DB80] =	vst v63  }
0x77a: {  	_ =	swait.ge [sflag:s28], $0xC80  }
0x77b: {  	[sflag:s28] =	ssyncset.done $0x0  }
0x77c: {  	[sflag:s28] =	ssyncadd.s32 $0xFFFFF380  }
0x77d: {  	_ =	swait.ge [sflag:s28], $0xC80  }
0x77e: {  	[sflag:s28] =	ssyncset.done $0x0  }
0x77f: {  	[sflag:s28] =	ssyncadd.s32 $0xFFFFF380  }
0x780: {  	_ =	swait.ge [sflag:s28], $0xC80  }
0x781: {  	[sflag:s28] =	ssyncset.done $0x0  }
0x782: {  	[sflag:s28] =	ssyncadd.s32 $0xFFFFF380  }
0x783: {  	_ =	swait.ge [sflag:s28], $0xC80  }
0x784: {  	[sflag:s28] =	ssyncset.done $0x0  }
0x785: {  	[sflag:s28] =	ssyncadd.s32 $0xFFFFF380  }
0x786: {  	_ =	swait.ge [sflag:s28], $0xC80  }
0x787: {  	[sflag:s28] =	ssyncset.done $0x0  }
0x788: {  	[sflag:s28] =	ssyncadd.s32 $0xFFFFF380  }
0x789: {  	_ =	swait.ge [sflag:s28], $0xC80  }
0x78a: {  	[sflag:s28] =	ssyncset.done $0x0  }
0x78b: {  	[sflag:s28] =	ssyncadd.s32 $0xFFFFF380  }
0x78c: {  	_ =	swait.ge [sflag:s28], $0xC80  }
0x78d: {  	[sflag:s28] =	ssyncset.done $0x0  }
0x78e: {  	[sflag:s28] =	ssyncadd.s32 $0xFFFFF380  }
0x78f: {  	_ =	swait.ge [sflag:s28], $0xC80  }
0x790: {  	[sflag:s28] =	ssyncset.done $0x0  }
0x791: {  	[sflag:s28] =	ssyncadd.s32 $0xFFFFF380  }
0x792: {  	_ =	swait.ge [sflag:s28], $0xC80  }
0x793: {  	[sflag:s28] =	ssyncset.done $0x0  }
0x794: {  	s0 =	simm.s32 $0x0;
	[sflag:s28] =	ssyncadd.s32 $0xFFFFF380  }
0x795: {  	v2 =	vld [tilespmem:s0+$0x1B670]  }
0x796: {  	v1 =	vld [tilespmem:s0+$0x1C2F0]  }
0x797: {  	v3 =	vld [tilespmem:s0+$0x10AF0]  }
0x798: {  	v4 =	vld [tilespmem:s0+$0x15470]  }
0x799: {  	v0 =	vld [tilespmem:s0+$0x1CF70]  }
0x79a: {  	v5 =	vld [tilespmem:s0+$0x19DF0]  }
0x79b: {  	v6 =	vld [tilespmem:s0+$0x1B600]  }
0x79c: {  	v7 =	vld [tilespmem:s0+$0x1C280]  }
0x79d: {  	v8 =	vld [tilespmem:s0+$0xD980]  }
0x79e: {  	v9 =	vld [tilespmem:s0+$0xF200]  }
0x79f: {  	v10 =	vld [tilespmem:s0+$0x10A80]  }
0x7a0: {  	v11 =	vld [tilespmem:s0+$0x12300]  }
0x7a1: {  	v12 =	vld [tilespmem:s0+$0x13B80]  }
0x7a2: {  	v13 =	vld [tilespmem:s0+$0x15400]  }
0x7a3: {  	v14 =	vld [tilespmem:s0+$0x1B610]  }
0x7a4: {  	v15 =	vld [tilespmem:s0+$0x1C290]  }
0x7a5: {  	v16 =	vld [tilespmem:s0+$0xD990]  }
0x7a6: {  	v17 =	vld [tilespmem:s0+$0xF210]  }
0x7a7: {  	v18 =	vld [tilespmem:s0+$0x10A90]  }
0x7a8: {  	v19 =	vld [tilespmem:s0+$0x12310]  }
0x7a9: {  	v20 =	vld [tilespmem:s0+$0x13B90]  }
0x7aa: {  	v21 =	vld [tilespmem:s0+$0x15410]  }
0x7ab: {  	v22 =	vld [tilespmem:s0+$0x1B620]  }
0x7ac: {  	v23 =	vld [tilespmem:s0+$0x1C2A0]  }
0x7ad: {  	v24 =	vld [tilespmem:s0+$0xD9A0]  }
0x7ae: {  	v25 =	vld [tilespmem:s0+$0xF220]  }
0x7af: {  	v62 =	vld [tilespmem:s0+$0x10AA0]  }
0x7b0: {  	v63 =	vld [tilespmem:s0+$0x12320]  }
0x7b1: {  	v60 =	vld [tilespmem:s0+$0x13BA0]  }
0x7b2: {  	v29 =	vld [tilespmem:s0+$0x15420]  }
0x7b3: {  	v61 =	vld [tilespmem:s0+$0x1B630]  }
0x7b4: {  	v31 =	vld [tilespmem:s0+$0x1C2B0]  }
0x7b5: {  	v32 =	vld [tilespmem:s0+$0xD9B0]  }
0x7b6: {  	v33 =	vld [tilespmem:s0+$0xF230]  }
0x7b7: {  	v34 =	vld [tilespmem:s0+$0x10AB0]  }
0x7b8: {  	v35 =	vld [tilespmem:s0+$0x12330]  }
0x7b9: {  	v36 =	vld [tilespmem:s0+$0x13BB0]  }
0x7ba: {  	v37 =	vld [tilespmem:s0+$0x15430]  }
0x7bb: {  	v38 =	vld [tilespmem:s0+$0x1B640]  }
0x7bc: {  	v39 =	vld [tilespmem:s0+$0x1C2C0]  }
0x7bd: {  	v40 =	vld [tilespmem:s0+$0xD9C0]  }
0x7be: {  	v41 =	vld [tilespmem:s0+$0xF240]  }
0x7bf: {  	v42 =	vld [tilespmem:s0+$0x10AC0]  }
0x7c0: {  	v43 =	vld [tilespmem:s0+$0x12340]  }
0x7c1: {  	v44 =	vld [tilespmem:s0+$0x13BC0]  }
0x7c2: {  	v45 =	vld [tilespmem:s0+$0x15440]  }
0x7c3: {  	v46 =	vld [tilespmem:s0+$0x1B650]  }
0x7c4: {  	v47 =	vld [tilespmem:s0+$0x1C2D0]  }
0x7c5: {  	v48 =	vld [tilespmem:s0+$0xD9D0]  }
0x7c6: {  	v49 =	vld [tilespmem:s0+$0xF250]  }
0x7c7: {  	v50 =	vld [tilespmem:s0+$0x10AD0]  }
0x7c8: {  	v51 =	vld [tilespmem:s0+$0x12350]  }
0x7c9: {  	v52 =	vld [tilespmem:s0+$0x13BD0]  }
0x7ca: {  	v53 =	vld [tilespmem:s0+$0x15450]  }
0x7cb: {  	v54 =	vld [tilespmem:s0+$0x1B660]  }
0x7cc: {  	v55 =	vld [tilespmem:s0+$0x1C2E0];
	v3 =	vmul.f32 v3, v2  }
0x7cd: {  	v56 =	vld [tilespmem:s0+$0xD9E0];
	v4 =	vmul.f32 v4, v1;
	v9 =	vmul.f32 v9, v6  }
0x7ce: {  	v57 =	vld [tilespmem:s0+$0x10AE0];
	v11 =	vmul.f32 v11, v7;
	v32 =	vmul.f32 v32, v61  }
0x7cf: {  	v58 =	vld [tilespmem:s0+$0x13BE0];
	v33 =	vmul.f32 v33, v61;
	v35 =	vmul.f32 v35, v31  }
0x7d0: {  	v26 =	vld [tilespmem:s0+$0x19D80];
	v36 =	vmul.f32 v36, v31;
	v37 =	vmul.f32 v37, v31  }
0x7d1: {  	v28 =	vld [tilespmem:s0+$0x1CF10];
	v40 =	vmul.f32 v40, v38;
	v3 =	vadd.f32 v4, v3;
	v4 =	vmul.f32 v5, v0  }
0x7d2: {  	v30 =	vld [tilespmem:s0+$0x16C90];
	v41 =	vmul.f32 v41, v38;
	v43 =	vmul.f32 v43, v39  }
0x7d3: {  	v44 =	vmul.f32 v44, v39;
	v45 =	vmul.f32 v45, v39;
	v5 =	vld [tilespmem:s0+$0xF260];
	v3 =	vadd.f32 v4, v3  }
0x7d4: {  	v48 =	vmul.f32 v48, v46;
	v4 =	vmul.f32 v8, v6;
	v8 =	vld [tilespmem:s0+$0x12360]  }
0x7d5: {  	[tilespmem:s0+$0x10AF0] =	vst v3;
	v3 =	vmul.f32 v10, v6;
	v6 =	vmul.f32 v12, v7;
	v10 =	vld [tilespmem:s0+$0x15460]  }
0x7d6: {  	v4 =	vadd.f32 v11, v4;
	v7 =	vmul.f32 v13, v7;
	v11 =	vmul.f32 v16, v14;
	v12 =	vld [tilespmem:s0+$0xD9F0]  }
0x7d7: {  	v13 =	vmul.f32 v19, v15;
	v16 =	vld [tilespmem:s0+$0xF270];
	v19 =	vmul.f32 v63, v23;
	v6 =	vadd.f32 v6, v9  }
0x7d8: {  	v63 =	vld [tilespmem:s0+$0x16C80];
	v9 =	vmul.f32 v17, v14;
	v7 =	vadd.f32 v7, v3;
	v3 =	vmul.f32 v18, v14  }
0x7d9: {  	v14 =	vmul.f32 v20, v15;
	v17 =	vld [tilespmem:s0+$0x12370];
	v11 =	vadd.f32 v13, v11;
	v13 =	vmul.f32 v21, v15  }
0x7da: {  	v59 =	vmul.f32 v49, v46;
	v15 =	vmul.f32 v24, v22;
	v20 =	vld [tilespmem:s0+$0x1CF00];
	v21 =	vadd.f32 v36, v33  }
0x7db: {  	v24 =	vld [tilespmem:s0+$0x18500];
	v8 =	vmul.f32 v8, v55;
	v9 =	vadd.f32 v14, v9;
	v13 =	vadd.f32 v13, v3  }
0x7dc: {  	v18 =	vld [tilespmem:s0+$0x13BF0];
	v3 =	vmul.f32 v62, v22;
	v15 =	vadd.f32 v19, v15;
	v19 =	vmul.f32 v29, v23  }
0x7dd: {  	v36 =	vld [tilespmem:s0+$0x1CF20];
	v14 =	vmul.f32 v25, v22;
	v62 =	vmul.f32 v60, v23;
	v23 =	vadd.f32 v35, v32  }
0x7de: {  	v32 =	vld [tilespmem:s0+$0x18510];
	v60 =	vmul.f32 v51, v47;
	v19 =	vadd.f32 v19, v3;
	v3 =	vmul.f32 v34, v61  }
0x7df: {  	v51 =	vmul.f32 v30, v28;
	v10 =	vmul.f32 v10, v55;
	v14 =	vadd.f32 v62, v14;
	v34 =	vld [tilespmem:s0+$0x19D90]  }
0x7e0: {  	v61 =	vld [tilespmem:s0+$0x16CA0];
	v24 =	vmul.f32 v24, v20;
	v25 =	vadd.f32 v37, v3;
	v3 =	vmul.f32 v42, v38  }
0x7e1: {  	v62 =	vmul.f32 v50, v46;
	v35 =	vadd.f32 v60, v48;
	v46 =	vld [tilespmem:s0+$0x19DA0];
	v48 =	vmul.f32 v53, v47  }
0x7e2: {  	v50 =	vld [tilespmem:s0+$0x1CF30];
	v6 =	vadd.f32 v24, v6;
	v31 =	vadd.f32 v45, v3;
	v3 =	vmul.f32 v63, v20  }
0x7e3: {  	v27 =	vadd.f32 v44, v41;
	v63 =	vld [tilespmem:s0+$0x18520];
	v45 =	vmul.f32 v52, v47;
	v20 =	vmul.f32 v26, v20  }
0x7e4: {  	v53 =	vld [tilespmem:s0+$0x18530];
	[tilespmem:s0+$0xF200] =	vst v6;
	v6 =	vadd.f32 v51, v11;
	v11 =	vmul.f32 v56, v54;
	v56 =	vmul.f32 v34, v28  }
0x7e5: {  	v52 =	vld [tilespmem:s0+$0x16CB0];
	v49 =	vadd.f32 v3, v4;
	v7 =	vadd.f32 v20, v7;
	v20 =	vmul.f32 v32, v28  }
0x7e6: {  	v12 =	vmul.f32 v12, v2;
	v60 =	vld [tilespmem:s0+$0x16CC0];
	v3 =	vadd.f32 v45, v59;
	v13 =	vadd.f32 v56, v13;
	[tilespmem:s0+$0xD990] =	vst v6  }
0x7e7: {  	v59 =	vld [tilespmem:s0+$0x19DB0];
	[tilespmem:s0+$0x10A80] =	vst v7;
	v7 =	vmul.f32 v5, v54;
	v5 =	vadd.f32 v20, v9;
	v9 =	vmul.f32 v61, v36  }
0x7e8: {  	v29 =	vadd.f32 v43, v40;
	v2 =	vmul.f32 v16, v2;
	[tilespmem:s0+$0xD980] =	vst v49;
	v20 =	vld [tilespmem:s0+$0x1CF40];
	v6 =	vmul.f32 v63, v36  }
0x7e9: {  	v4 =	vadd.f32 v48, v62;
	v62 =	vld [tilespmem:s0+$0x18540];
	[tilespmem:s0+$0x10A90] =	vst v13;
	v9 =	vadd.f32 v9, v15;
	v15 =	vmul.f32 v46, v36  }
0x7ea: {  	[tilespmem:s0+$0xF210] =	vst v5;
	v5 =	vadd.f32 v8, v11;
	v8 =	vmul.f32 v52, v50;
	v11 =	vld [tilespmem:s0+$0x19DC0];
	v6 =	vadd.f32 v6, v14  }
0x7eb: {  	v63 =	vld [tilespmem:s0+$0x16CD0];
	v14 =	vmul.f32 v58, v55;
	v13 =	vadd.f32 v15, v19;
	[tilespmem:s0+$0xD9A0] =	vst v9;
	v9 =	vmul.f32 v53, v50  }
0x7ec: {  	v16 =	vmul.f32 v17, v1;
	v15 =	vld [tilespmem:s0+$0x1CF50];
	v8 =	vadd.f32 v8, v23;
	v19 =	vmul.f32 v59, v50;
	[tilespmem:s0+$0xF220] =	vst v6  }
0x7ed: {  	v6 =	vadd.f32 v14, v7;
	v14 =	vld [tilespmem:s0+$0x18550];
	[tilespmem:s0+$0x10AA0] =	vst v13;
	v7 =	vadd.f32 v9, v21;
	v9 =	vmul.f32 v60, v20  }
0x7ee: {  	v17 =	vmul.f32 v18, v1;
	v13 =	vadd.f32 v19, v25;
	[tilespmem:s0+$0xD9B0] =	vst v8;
	v8 =	vmul.f32 v62, v20;
	v19 =	vld [tilespmem:s0+$0x19DD0]  }
0x7ef: {  	v1 =	vld [tilespmem:s0+$0x16CE0];
	v61 =	vmul.f32 v57, v54;
	v11 =	vmul.f32 v11, v20;
	[tilespmem:s0+$0xF230] =	vst v7;
	v9 =	vadd.f32 v9, v29  }
0x7f0: {  	v7 =	vld [tilespmem:s0+$0x1CF60];
	[tilespmem:s0+$0x10AB0] =	vst v13;
	v8 =	vadd.f32 v8, v27  }
0x7f1: {  	v13 =	vadd.f32 v10, v61;
	v10 =	vadd.f32 v11, v31;
	v11 =	vmul.f32 v63, v15;
	[tilespmem:s0+$0xD9C0] =	vst v9;
	v9 =	vld [tilespmem:s0+$0x18560]  }
0x7f2: {  	v17 =	vadd.f32 v17, v2;
	[tilespmem:s0+$0xF240] =	vst v8;
	v8 =	vld [tilespmem:s0+$0x19DE0];
	v2 =	vmul.f32 v14, v15  }
0x7f3: {  	s1 =	simm.s32 $0x0;
	s2 =	simm.s32 $0x200;
	v18 =	vadd.f32 v16, v12;
	[tilespmem:s0+$0x10AC0] =	vst v10;
	v11 =	vadd.f32 v11, v35;
	v12 =	vmul.f32 v19, v15;
	v10 =	vld [tilespmem:s0+$0x16CF0]  }
.LBB3_15:
0x7f4: {  	s11 =	sshra.s32 s2, $0x2;
	v3 =	vadd.f32 v2, v3;
	v14 =	vld [tilespmem:s0+$0x18570]  }
0x7f5: {  	v2 =	vld [tilespmem:s11+$0x1B670];
	v4 =	vadd.f32 v12, v4;
	[tilespmem:s0+$0xD9D0] =	vst v11;
	v11 =	vmul.f32 v1, v7  }
0x7f6: {  	v1 =	vld [tilespmem:s11+$0x1C2F0];
	[tilespmem:s0+$0xF250] =	vst v3;
	v3 =	vmul.f32 v9, v7  }
0x7f7: {  	s1 =	sadd.s32 $0x8, s1;
	v9 =	vld [tilespmem:s11+$0x10AF0];
	[tilespmem:s0+$0x10AD0] =	vst v4;
	v4 =	vadd.f32 v11, v5;
	v5 =	vmul.f32 v8, v7  }
0x7f8: {  	p0 =	slt.u32 s1, $0xC0;
	v7 =	vld [tilespmem:s11+$0x15470];
	v3 =	vadd.f32 v3, v6;
	v6 =	vmul.f32 v10, v0  }
0x7f9: {  	v5 =	vadd.f32 v5, v13;
	[tilespmem:s0+$0xD9E0] =	vst v4;
	v4 =	vmul.f32 v14, v0;
	v0 =	vld [tilespmem:s11+$0x1CF70]  }
0x7fa: {  	v8 =	vld [tilespmem:s11+$0x19DF0];
	[tilespmem:s0+$0xF260] =	vst v3;
	v3 =	vadd.f32 v6, v18  }
0x7fb: {  	v6 =	vld [tilespmem:s11+$0x1B600];
	[tilespmem:s0+$0x10AE0] =	vst v5;
	v4 =	vadd.f32 v4, v17  }
0x7fc: {  	v5 =	vld [tilespmem:s11+$0x1C280];
	[tilespmem:s0+$0xD9F0] =	vst v3  }
0x7fd: {  	v9 =	vmul.f32 v9, v2;
	v3 =	vld [tilespmem:s11+$0xD980];
	v7 =	vmul.f32 v7, v1;
	[tilespmem:s0+$0xF270] =	vst v4;
	s0 =	smov.u32 s11  }
0x7fe: {  	v4 =	vld [tilespmem:s0+$0xF200]  }
0x7ff: {  	v10 =	vld [tilespmem:s0+$0x10A80];
	v7 =	vadd.f32 v7, v9;
	v8 =	vmul.f32 v8, v0  }
0x800: {  	v9 =	vld [tilespmem:s0+$0x12300]  }
0x801: {  	v11 =	vld [tilespmem:s0+$0x13B80];
	v7 =	vadd.f32 v8, v7  }
0x802: {  	v8 =	vld [tilespmem:s0+$0x15400];
	v3 =	vmul.f32 v3, v6  }
0x803: {  	v4 =	vmul.f32 v4, v6;
	v12 =	vld [tilespmem:s0+$0x1B610];
	[tilespmem:s0+$0x10AF0] =	vst v7  }
0x804: {  	v6 =	vmul.f32 v10, v6;
	v13 =	vld [tilespmem:s0+$0x1C290]  }
0x805: {  	v7 =	vmul.f32 v9, v5;
	v10 =	vld [tilespmem:s0+$0xD990]  }
0x806: {  	v9 =	vmul.f32 v11, v5;
	v11 =	vld [tilespmem:s0+$0xF210]  }
0x807: {  	v7 =	vadd.f32 v7, v3;
	v3 =	vmul.f32 v8, v5;
	v5 =	vld [tilespmem:s0+$0x10A90]  }
0x808: {  	v8 =	vadd.f32 v9, v4;
	v4 =	vld [tilespmem:s0+$0x12310]  }
0x809: {  	v9 =	vadd.f32 v3, v6;
	v3 =	vld [tilespmem:s0+$0x13B90]  }
0x80a: {  	v6 =	vld [tilespmem:s0+$0x15410];
	v10 =	vmul.f32 v10, v12  }
0x80b: {  	v11 =	vmul.f32 v11, v12;
	v14 =	vld [tilespmem:s0+$0x1B620]  }
0x80c: {  	v5 =	vmul.f32 v5, v12;
	v15 =	vld [tilespmem:s0+$0x1C2A0]  }
0x80d: {  	v4 =	vmul.f32 v4, v13;
	v16 =	vld [tilespmem:s0+$0xD9A0]  }
0x80e: {  	v3 =	vmul.f32 v3, v13;
	v17 =	vld [tilespmem:s0+$0xF220]  }
0x80f: {  	v10 =	vadd.f32 v4, v10;
	v4 =	vmul.f32 v6, v13;
	v6 =	vld [tilespmem:s0+$0x10AA0]  }
0x810: {  	v11 =	vadd.f32 v3, v11;
	v3 =	vld [tilespmem:s0+$0x12320]  }
0x811: {  	v12 =	vadd.f32 v4, v5;
	v4 =	vld [tilespmem:s0+$0x13BA0]  }
0x812: {  	v5 =	vld [tilespmem:s0+$0x15420];
	v13 =	vmul.f32 v16, v14  }
0x813: {  	v16 =	vmul.f32 v17, v14;
	v17 =	vld [tilespmem:s0+$0x1B630]  }
0x814: {  	v6 =	vmul.f32 v6, v14;
	v18 =	vld [tilespmem:s0+$0x1C2B0]  }
0x815: {  	v3 =	vmul.f32 v3, v15;
	v19 =	vld [tilespmem:s0+$0xD9B0]  }
0x816: {  	v4 =	vmul.f32 v4, v15;
	v20 =	vld [tilespmem:s0+$0xF230]  }
0x817: {  	v14 =	vadd.f32 v3, v13;
	v3 =	vmul.f32 v5, v15;
	v5 =	vld [tilespmem:s0+$0x10AB0]  }
0x818: {  	v15 =	vadd.f32 v4, v16;
	v4 =	vld [tilespmem:s0+$0x12330]  }
0x819: {  	v16 =	vadd.f32 v3, v6;
	v3 =	vld [tilespmem:s0+$0x13BB0]  }
0x81a: {  	v6 =	vld [tilespmem:s0+$0x15430];
	v13 =	vmul.f32 v19, v17  }
0x81b: {  	v20 =	vmul.f32 v20, v17;
	v22 =	vld [tilespmem:s0+$0x1B640]  }
0x81c: {  	v5 =	vmul.f32 v5, v17;
	v17 =	vld [tilespmem:s0+$0x1C2C0]  }
0x81d: {  	v4 =	vmul.f32 v4, v18;
	v23 =	vld [tilespmem:s0+$0xD9C0]  }
0x81e: {  	v3 =	vmul.f32 v3, v18;
	v24 =	vld [tilespmem:s0+$0xF240]  }
0x81f: {  	v19 =	vadd.f32 v4, v13;
	v4 =	vmul.f32 v6, v18;
	v6 =	vld [tilespmem:s0+$0x10AC0]  }
0x820: {  	v20 =	vadd.f32 v3, v20;
	v3 =	vld [tilespmem:s0+$0x12340]  }
0x821: {  	v21 =	vadd.f32 v4, v5;
	v4 =	vld [tilespmem:s0+$0x13BC0]  }
0x822: {  	v5 =	vld [tilespmem:s0+$0x15440];
	v13 =	vmul.f32 v23, v22  }
0x823: {  	v18 =	vmul.f32 v24, v22;
	v25 =	vld [tilespmem:s0+$0x1B650]  }
0x824: {  	v6 =	vmul.f32 v6, v22;
	v26 =	vld [tilespmem:s0+$0x1C2D0]  }
0x825: {  	v3 =	vmul.f32 v3, v17;
	v27 =	vld [tilespmem:s0+$0xD9D0]  }
0x826: {  	v4 =	vmul.f32 v4, v17;
	v28 =	vld [tilespmem:s0+$0xF250]  }
0x827: {  	v22 =	vadd.f32 v3, v13;
	v3 =	vmul.f32 v5, v17;
	v5 =	vld [tilespmem:s0+$0x10AD0]  }
0x828: {  	v23 =	vadd.f32 v4, v18;
	v4 =	vld [tilespmem:s0+$0x12350]  }
0x829: {  	v24 =	vadd.f32 v3, v6;
	v3 =	vld [tilespmem:s0+$0x13BD0]  }
0x82a: {  	v6 =	vld [tilespmem:s0+$0x15450];
	v13 =	vmul.f32 v27, v25  }
0x82b: {  	v17 =	vmul.f32 v28, v25;
	v18 =	vld [tilespmem:s0+$0x1B660]  }
0x82c: {  	v5 =	vmul.f32 v5, v25;
	v27 =	vld [tilespmem:s0+$0x1C2E0]  }
0x82d: {  	v4 =	vmul.f32 v4, v26;
	v28 =	vld [tilespmem:s0+$0xD9E0]  }
0x82e: {  	v3 =	vmul.f32 v3, v26;
	v29 =	vld [tilespmem:s0+$0xF260]  }
0x82f: {  	v25 =	vadd.f32 v4, v13;
	v4 =	vmul.f32 v6, v26;
	v6 =	vld [tilespmem:s0+$0x10AE0]  }
0x830: {  	v3 =	vadd.f32 v3, v17;
	v13 =	vld [tilespmem:s0+$0x12360]  }
0x831: {  	v4 =	vadd.f32 v4, v5;
	v5 =	vld [tilespmem:s0+$0x13BE0]  }
0x832: {  	v17 =	vld [tilespmem:s0+$0x15460];
	v26 =	vmul.f32 v28, v18  }
0x833: {  	v28 =	vmul.f32 v29, v18;
	v29 =	vld [tilespmem:s0+$0xD9F0]  }
0x834: {  	v18 =	vmul.f32 v6, v18;
	v30 =	vld [tilespmem:s0+$0xF270]  }
0x835: {  	v6 =	vmul.f32 v13, v27;
	v31 =	vld [tilespmem:s0+$0x12370]  }
0x836: {  	v13 =	vmul.f32 v5, v27;
	v32 =	vld [tilespmem:s0+$0x13BF0]  }
0x837: {  	v33 =	vld [tilespmem:s0+$0x1CF00];
	v5 =	vadd.f32 v6, v26;
	v17 =	vmul.f32 v17, v27  }
0x838: {  	v26 =	vld [tilespmem:s0+$0x16C80];
	v6 =	vadd.f32 v13, v28;
	v27 =	vmul.f32 v29, v2  }
0x839: {  	v28 =	vld [tilespmem:s0+$0x18500];
	v13 =	vadd.f32 v17, v18;
	v2 =	vmul.f32 v30, v2  }
0x83a: {  	v29 =	vld [tilespmem:s0+$0x19D80];
	v17 =	vmul.f32 v31, v1  }
0x83b: {  	v30 =	vld [tilespmem:s0+$0x1CF10];
	v1 =	vmul.f32 v32, v1  }
0x83c: {  	v31 =	vld [tilespmem:s0+$0x16C90];
	v18 =	vadd.f32 v17, v27  }
0x83d: {  	v26 =	vmul.f32 v26, v33;
	v27 =	vld [tilespmem:s0+$0x18510];
	v17 =	vadd.f32 v1, v2  }
0x83e: {  	v1 =	vmul.f32 v28, v33;
	v2 =	vld [tilespmem:s0+$0x19D90]  }
0x83f: {  	v7 =	vadd.f32 v26, v7;
	v26 =	vmul.f32 v29, v33;
	v28 =	vld [tilespmem:s0+$0x1CF20]  }
0x840: {  	v1 =	vadd.f32 v1, v8;
	v8 =	vld [tilespmem:s0+$0x16CA0]  }
0x841: {  	v9 =	vadd.f32 v26, v9;
	[tilespmem:s0+$0xD980] =	vst v7;
	v7 =	vmul.f32 v31, v30;
	v26 =	vld [tilespmem:s0+$0x18520]  }
0x842: {  	[tilespmem:s0+$0xF200] =	vst v1;
	v1 =	vmul.f32 v27, v30;
	v27 =	vld [tilespmem:s0+$0x19DA0]  }
0x843: {  	[tilespmem:s0+$0x10A80] =	vst v9;
	v7 =	vadd.f32 v7, v10;
	v2 =	vmul.f32 v2, v30;
	v9 =	vld [tilespmem:s0+$0x1CF30]  }
0x844: {  	v1 =	vadd.f32 v1, v11;
	v10 =	vld [tilespmem:s0+$0x16CB0]  }
0x845: {  	v2 =	vadd.f32 v2, v12;
	[tilespmem:s0+$0xD990] =	vst v7;
	v7 =	vmul.f32 v8, v28;
	v8 =	vld [tilespmem:s0+$0x18530]  }
0x846: {  	[tilespmem:s0+$0xF210] =	vst v1;
	v1 =	vmul.f32 v26, v28;
	v11 =	vld [tilespmem:s0+$0x19DB0]  }
0x847: {  	[tilespmem:s0+$0x10A90] =	vst v2;
	v2 =	vadd.f32 v7, v14;
	v7 =	vmul.f32 v27, v28;
	v12 =	vld [tilespmem:s0+$0x1CF40]  }
0x848: {  	v1 =	vadd.f32 v1, v15;
	v14 =	vld [tilespmem:s0+$0x16CC0]  }
0x849: {  	v7 =	vadd.f32 v7, v16;
	[tilespmem:s0+$0xD9A0] =	vst v2;
	v2 =	vmul.f32 v10, v9;
	v10 =	vld [tilespmem:s0+$0x18540]  }
0x84a: {  	[tilespmem:s0+$0xF220] =	vst v1;
	v1 =	vmul.f32 v8, v9;
	v8 =	vld [tilespmem:s0+$0x19DC0]  }
0x84b: {  	[tilespmem:s0+$0x10AA0] =	vst v7;
	v2 =	vadd.f32 v2, v19;
	v7 =	vmul.f32 v11, v9;
	v15 =	vld [tilespmem:s0+$0x1CF50]  }
0x84c: {  	v1 =	vadd.f32 v1, v20;
	v9 =	vld [tilespmem:s0+$0x16CD0]  }
0x84d: {  	v7 =	vadd.f32 v7, v21;
	[tilespmem:s0+$0xD9B0] =	vst v2;
	v2 =	vmul.f32 v14, v12;
	v11 =	vld [tilespmem:s0+$0x18550]  }
0x84e: {  	[tilespmem:s0+$0xF230] =	vst v1;
	v1 =	vmul.f32 v10, v12;
	v10 =	vld [tilespmem:s0+$0x19DD0]  }
.Ltmp6:
0x84f: {  	[tilespmem:s0+$0x10AB0] =	vst v7;
	v2 =	vadd.f32 v2, v22;
	v8 =	vmul.f32 v8, v12;
	v7 =	vld [tilespmem:s0+$0x1CF60];
	(pc) =	sbr.rel @p0 .LBB3_15-.Ltmp6, $4  }
0x850: {  	v12 =	vadd.f32 v1, v23;
	v1 =	vld [tilespmem:s0+$0x16CE0]  }
0x851: {  	v14 =	vadd.f32 v8, v24;
	[tilespmem:s0+$0xD9C0] =	vst v2;
	v16 =	vmul.f32 v9, v15;
	v9 =	vld [tilespmem:s0+$0x18560]  }
0x852: {  	[tilespmem:s0+$0xF240] =	vst v12;
	v2 =	vmul.f32 v11, v15;
	v8 =	vld [tilespmem:s0+$0x19DE0]  }
0x853: {  	s2 =	sadd.s32 $0x200, s2;
	[tilespmem:s0+$0x10AC0] =	vst v14;
	v11 =	vadd.f32 v16, v25;
	v12 =	vmul.f32 v10, v15;
	v10 =	vld [tilespmem:s0+$0x16CF0]  }
0x854: {  	v14 =	vld [tilespmem:s0+$0x18570]  }
0x855: {  	v2 =	vadd.f32 v2, v3;
	v1 =	vmul.f32 v1, v7  }
0x856: {  	v3 =	vadd.f32 v12, v4;
	[tilespmem:s0+$0xD9D0] =	vst v11;
	v62 =	vmul.f32 v9, v7  }
0x857: {  	[tilespmem:s0+$0xF250] =	vst v2;
	v1 =	vadd.f32 v1, v5;
	v2 =	vmul.f32 v8, v7  }
0x858: {  	[tilespmem:s0+$0x10AD0] =	vst v3;
	v3 =	vadd.f32 v62, v6;
	v63 =	vmul.f32 v10, v0  }
0x859: {  	v2 =	vadd.f32 v2, v13;
	[tilespmem:s0+$0xD9E0] =	vst v1;
	v0 =	vmul.f32 v14, v0  }
0x85a: {  	[tilespmem:s0+$0xF260] =	vst v3;
	v1 =	vadd.f32 v63, v18  }
0x85b: {  	[tilespmem:s0+$0x10AE0] =	vst v2;
	v0 =	vadd.f32 v0, v17  }
0x85c: {  	s1 =	rddreg [dreg:$0x6];
	[tilespmem:s0+$0xD9F0] =	vst v1  }
0x85d: {  	s2 =	simm.s32 $0x0;
	s20 =	sadd.s32 s1, s14;
	[tilespmem:s0+$0xF270] =	vst v0  }
0x85e: {  	[hbm4b:s20+s2] =	stream.linear.scatter [tilespmem:s21], [sflag:$0x3], $0xC80, $0x38;
	[tilespmem:$0x1DB80] =	vst v63  }
0x85f: {  	_ =	swait.ge [sflag:s25], $0xC80  }
0x860: {  	s21 =	sld [smem:$0x7F0];
	_ =	sdelay $0x1  }
0x861: {  	[sflag:s25] =	ssyncset.done $0x0  }
0x862: {  	[sflag:s25] =	ssyncadd.s32 $0xFFFFF380;
	s0 =	sadd.s32 s1, s21  }
0x863: {  	[hbm4b:s0+s2] =	stream.linear.scatter [tilespmem:s22], [sflag:$0x3], $0xC80, $0x38;
	[tilespmem:$0x1DB80] =	vst v63  }
0x864: {  	_ =	swait.ge [sflag:s25], $0xC80  }
0x865: {  	s22 =	sld [smem:$0x7F1];
	_ =	sdelay $0x1  }
0x866: {  	s24 =	sadd.s32 $0x1, s24;
	[sflag:s25] =	ssyncset.done $0x0  }
0x867: {  	p0 =	sne.s32 s24, $0x4;
	[sflag:s25] =	ssyncadd.s32 $0xFFFFF380;
	s0 =	sadd.s32 s1, s22  }
0x868: {  	[hbm4b:s0+s2] =	stream.linear.scatter [tilespmem:s30], [sflag:$0x3], $0xC80, $0x38;
	[tilespmem:$0x1DB80] =	vst v63  }
.Ltmp7:
0x869: {  	_ =	swait.ge [sflag:s25], $0xC80;
	(pc) =	sbr.rel @p0 .LBB3_2-.Ltmp7, $4  }
0x86a: {  	[sflag:s25] =	ssyncset.done $0x0  }
0x86b: {  	[sflag:s25] =	ssyncadd.s32 $0xFFFFF380  }
0x86c: {  	[bflag:$0x0] =	sbarrier.arrive $0xFFFF  }
0x86d: {  	v0 =	vimm.f32 $0.0e+00  }
0x86e: {  	s1 =	sld [smem:$0x7F2]  }
0x86f: {  	s0 =	sld [smem:$0x7F6];
	_ =	sdelay $0x1  }
0x870: {  	s1 =	sadd.s32 $0x1, s1  }
0x871: {  	p0 =	sne.s32 s1, s0  }
.Ltmp8:
0x872: {  	_ = 	snop;
	(pc) =	sbr.rel @p0 .LBB3_1-.Ltmp8, $1  }
0x873: {  	_ =	sdelay $0x3  }
0x874: {  	_ =	sfence.sel $0x180000  }
0x875: {  	[bflag:$0x0] =	sbarrier.arrive $0xFFFF  }
0x876: {  	_ =	strace $0x90000047  }
0x877: {  	s0 =	stileid.u32;
	[bflag:$0x2] =	sbarrier.arrive $0xFFFF  }
0x878: {  	p0 =	sne.s32 s0, $0x0;
	s0 =	rddreg [dreg:$0x17]  }
0x879: {  	s0 =	sadd.s32 @!p0 $0x100000, s0  }
0x87a: {  	[sflag:s0] =	ssyncadd.tile.s32 @!p0 $0x1;
	_ =	shalt  }
.Lfunc_end3:
_tile_overlayer_lowered:
.L_overlay_start_3:
0x87b: {  	(tag) =	ssettag $0x3  }
0x87c: {  	s0 =	rddreg [dreg:$0x0];
	s2 =	stileid.u32  }
0x87d: {  	s1 =	rddreg [dreg:$0x1];
	p0 =	sne.s32 s2, $0x0  }
0x87e: {  	s3 =	rddreg [dreg:$0x2];
	[bflag:$0x3] =	sbarrier.arrive $0xFFFF;
	s2 =	simm.s32 @!p0 $0x1C03  }
0x87f: {  	[timem:s3], [sflag:s2] =	dma.local @!p0 [hbm:s0], s1  }
0x880: {  	s0 =	simm.s32 @!p0 $0x3  }
0x881: {  	_ =	swait.ge @!p0 [sflag:s0], s1  }
0x882: {  	s1 =	ssub.s32 @!p0 $0x0, s1;
	[sflag:s0] =	ssyncset.done @!p0 $0x0  }
0x883: {  	[sflag:s0] =	ssyncadd.s32 @!p0 s1  }
0x884: {  	[bflag:$0x3] =	sbarrier.arrive $0xFFFF  }
0x885: {  	_ =	shalt  }

</sc_bundles>
